<compile_context>
chip_gen: v7x
topology: tpu7x:2x2x1
jax: 0.10.2.dev20260603
libtpu: 0.0.44.dev20260713+nightly
codegen_flags: <defaults>
</compile_context>

<pallas_src>
import functools

import jax
import jax.numpy as jnp
from jax import lax
from jax.experimental import pallas as pl
from jax.experimental.pallas import tpu as pltpu
from jax.experimental.pallas import tpu_sc as plsc

SEQ = 8192
D = 2048
N_SLICES = 32
F = 64

NC = 2
NS = 16
NW = NC * NS
BLOCK = SEQ // NW
CH = 16
NBUF = 2
IC = 8
NWAVE = F // IC
NSLOT = 3


def _body(ids_hbm, bounds_hbm, table_hbm, img_hbm, out_hbm,
          idx_v, bounds_v, buf0, buf1, sp,
          gsem0, gsem1, wsem0, wsem1,
          isem0, isem1, isem2, osem0, osem1, osem2):
    cid = lax.axis_index("c")
    sid = lax.axis_index("s")
    wid = sid * NC + cid
    base = pl.multiple_of(wid * BLOCK, BLOCK)

    bufs = (buf0, buf1)
    gsems = (gsem0, gsem1)
    wsems = (wsem0, wsem1)
    isems = (isem0, isem1, isem2)
    osems = (osem0, osem1, osem2)

    def sp_rows(k):
        return pl.ds(sid * (NSLOT * IC) + (k % NSLOT) * IC, IC)

    def img_in(k):
        d = pltpu.make_async_copy(img_hbm.at[pl.ds(wid * F + k * IC, IC)],
                                  sp.at[sp_rows(k)], isems[k % NSLOT])
        d.start()
        return d

    def img_out(k, dst_row):
        d = pltpu.make_async_copy(sp.at[sp_rows(k)],
                                  out_hbm.at[pl.ds(dst_row + k * IC, IC)],
                                  osems[k % NSLOT])
        d.start()
        return d

    img_ds = [None] * NWAVE
    for _k in range(NSLOT):
        img_ds[_k] = img_in(_k)

    pltpu.sync_copy(ids_hbm.at[pl.ds(base, BLOCK)], idx_v)
    pltpu.sync_copy(bounds_hbm, bounds_v.at[pl.ds(0, 2 * N_SLICES)])

    sv = bounds_v[pl.ds(2 * wid, 16)]
    s_start = pl.multiple_of(sv[0], 8)

    def run_gather(pos_off, ch, nch, hook=None):
        def g_start(c):
            b = c % NBUF
            idx_ref = idx_v.at[pl.ds(pos_off + c * ch, ch)]
            d = pltpu.make_async_copy(table_hbm.at[idx_ref],
                                      bufs[b].at[pl.ds(0, ch)], gsems[b])
            d.start()
            return d

        def w_start(c):
            b = c % NBUF
            row0 = base + pos_off + c * ch
            d = pltpu.make_async_copy(bufs[b].at[pl.ds(0, ch)],
                                      out_hbm.at[pl.ds(row0, ch)], wsems[b])
            d.start()
            return d

        gds = [None] * nch
        wds = [None] * nch
        for c in range(min(NBUF - 1, nch)):
            gds[c] = g_start(c)
        for c in range(nch):
            nxt = c + NBUF - 1
            if nxt < nch:
                if nxt - NBUF >= 0:
                    wds[nxt - NBUF].wait()
                gds[nxt] = g_start(nxt)
            gds[c].wait()
            wds[c] = w_start(c)
            if hook is not None:
                hook(c)
        for c in range(max(0, nch - NBUF), nch):
            wds[c].wait()

    fast = s_start == base

    @pl.when(fast)
    def _():
        out_ds = [None] * NWAVE

        def hook(c):
            if c == 1:
                img_ds[0].wait(); out_ds[0] = img_out(0, base)
            elif c == 2:
                img_ds[1].wait(); out_ds[1] = img_out(1, base)
            elif c == 3:
                img_ds[2].wait(); out_ds[2] = img_out(2, base)
            elif c == 4:
                out_ds[0].wait(); img_ds[3] = img_in(3)
            elif c == 5:
                out_ds[1].wait(); img_ds[4] = img_in(4)
            elif c == 6:
                out_ds[2].wait(); img_ds[5] = img_in(5)
            elif c == 7:
                img_ds[3].wait(); out_ds[3] = img_out(3, base)
            elif c == 8:
                img_ds[4].wait(); out_ds[4] = img_out(4, base)
            elif c == 9:
                img_ds[5].wait(); out_ds[5] = img_out(5, base)
            elif c == 10:
                out_ds[3].wait(); img_ds[6] = img_in(6)
                out_ds[4].wait(); img_ds[7] = img_in(7)
            elif c == 11:
                img_ds[6].wait(); out_ds[6] = img_out(6, base)
                img_ds[7].wait(); out_ds[7] = img_out(7, base)

        run_gather(F, CH, (BLOCK - F) // CH, hook)
        out_ds[5].wait()
        out_ds[6].wait()
        out_ds[7].wait()

    @pl.when(jnp.logical_not(fast))
    def _():
        run_gather(0, CH, BLOCK // CH)
        for k in range(NSLOT):
            img_ds[k].wait()
        prev_out = None
        for k in range(NWAVE):
            if k >= NSLOT:
                d = img_in(k)
                d.wait()
            o = img_out(k, s_start)
            if prev_out is not None:
                prev_out.wait()
            prev_out = o
        prev_out.wait()


@jax.jit
def _run(ids, bounds_flat, table, img_flat):
    mesh = plsc.VectorSubcoreMesh(core_axis_name="c", subcore_axis_name="s")
    k = functools.partial(
        pl.kernel,
        mesh=mesh,
        out_type=jax.ShapeDtypeStruct((SEQ, D), jnp.float32),
        scratch_types=[
            pltpu.VMEM((BLOCK,), jnp.int32),
            pltpu.VMEM((2 * N_SLICES + 16,), jnp.int32),
            pltpu.VMEM((CH, D), jnp.float32),
            pltpu.VMEM((CH, D), jnp.float32),
            pltpu.VMEM_SHARED((NS * NSLOT * IC, D), jnp.float32),
            pltpu.SemaphoreType.DMA,
            pltpu.SemaphoreType.DMA,
            pltpu.SemaphoreType.DMA,
            pltpu.SemaphoreType.DMA,
            pltpu.SemaphoreType.DMA,
            pltpu.SemaphoreType.DMA,
            pltpu.SemaphoreType.DMA,
            pltpu.SemaphoreType.DMA,
            pltpu.SemaphoreType.DMA,
            pltpu.SemaphoreType.DMA,
        ],
    )(_body)
    return k(ids, bounds_flat, table, img_flat)


def kernel(input_ids, image_bounds, embedding_table, image_embeds):
    ids = input_ids.astype(jnp.int32)
    bounds_flat = image_bounds.reshape(-1).astype(jnp.int32)
    img_flat = image_embeds.reshape(-1, image_embeds.shape[-1])
    return _run(ids, bounds_flat, embedding_table, img_flat)

# --- scband reference (transcript-rebuilt; emitter-appended) ---
"""Pipeline reference for scband-mini-cpmvbase-model-27625229647911 (READ-ONLY COPY).

The authoritative reference and input builder live on the scoring server;
editing this copy changes nothing except your own understanding.
"""

import jax, jax.numpy as jnp
import numpy as np

SEQ_LEN = 8192
D_MODEL = 2048
VOCAB = 100000
QUERY_NUM = 64
NUM_SLICES = 32

def setup_inputs(seed: int = 0) -> dict:
    key = jax.random.key(seed)
    k1, k2, k3 = jax.random.split(key, 3)
    input_ids = jax.random.randint(k1, (SEQ_LEN,), 0, VOCAB, dtype=jnp.int64) if jax.config.jax_enable_x64 else jax.random.randint(k1, (SEQ_LEN,), 0, VOCAB, dtype=jnp.int32)
    # Non-overlapping image slice regions: each slice occupies QUERY_NUM tokens,
    # spaced 256 tokens apart (start, stop) pairs, mirroring _get_image_bounds output.
    starts = jnp.arange(NUM_SLICES, dtype=input_ids.dtype) * 256
    stops = starts + QUERY_NUM
    image_bounds = jnp.stack([starts, stops], axis=1)
    embedding_table = jax.random.normal(k2, (VOCAB, D_MODEL), dtype=jnp.float32) * 0.02
    image_embeds = jax.random.normal(k3, (NUM_SLICES, QUERY_NUM, D_MODEL), dtype=jnp.float32)
    return {
        "input_ids": input_ids,
        "image_bounds": image_bounds,
        "embedding_table": embedding_table,
        "image_embeds": image_embeds,
    }

def reference(input_ids, image_bounds, embedding_table, image_embeds):
    # vlm_embedding = self.llm.get_input_embeddings(input_ids)
    vlm_embedding = jnp.take(embedding_table, input_ids, axis=0)  # [S, D]
    # image_indices = stack([arange(start, end) for start, end in image_bounds])
    feature_size = image_embeds.shape[1]
    image_indices = image_bounds[:, 0][:, None] + jnp.arange(feature_size)[None, :]  # [N, F]
    flat_indices = image_indices.reshape(-1)  # [N*F]
    vision_flat = image_embeds.reshape(-1, image_embeds.shape[-1])  # [N*F, D]
    # vlm_embedding.scatter_(0, idx.view(-1,1).repeat(1, D), vision_flat)
    vlm_embedding = vlm_embedding.at[flat_indices].set(vision_flat)
    return vlm_embedding

if __name__ == "__main__":
    import jax
    _d = setup_inputs()
    print(jax.jit(kernel)(*tuple(_d.values())))

</pallas_src>

<mosaic_0001>
#map = affine_map<(d0, d1) -> (0)>
#map1 = affine_map<(d0, d1) -> (0, 0)>
module attributes {stable_mosaic.version = 14 : i64} {
  func.func @_body(%arg0: i32, %arg1: i32, %arg2: memref<8192xi32, #tpu.memory_space<hbm>>, %arg3: memref<64xi32, #tpu.memory_space<hbm>>, %arg4: memref<100000x2048xf32, #tpu.memory_space<hbm>>, %arg5: memref<2048x2048xf32, #tpu.memory_space<hbm>>, %arg6: memref<8192x2048xf32, #tpu.memory_space<hbm>>, %arg7: memref<256xi32, #tpu.memory_space<vmem>>, %arg8: memref<80xi32, #tpu.memory_space<vmem>>, %arg9: memref<16x2048xf32, #tpu.memory_space<vmem>>, %arg10: memref<16x2048xf32, #tpu.memory_space<vmem>>, %arg11: memref<384x2048xf32, #tpu.memory_space<vmem_shared>>, %arg12: memref<!tpu.dma_semaphore, #tpu.memory_space<semaphore_mem>>, %arg13: memref<!tpu.dma_semaphore, #tpu.memory_space<semaphore_mem>>, %arg14: memref<!tpu.dma_semaphore, #tpu.memory_space<semaphore_mem>>, %arg15: memref<!tpu.dma_semaphore, #tpu.memory_space<semaphore_mem>>, %arg16: memref<!tpu.dma_semaphore, #tpu.memory_space<semaphore_mem>>, %arg17: memref<!tpu.dma_semaphore, #tpu.memory_space<semaphore_mem>>, %arg18: memref<!tpu.dma_semaphore, #tpu.memory_space<semaphore_mem>>, %arg19: memref<!tpu.dma_semaphore, #tpu.memory_space<semaphore_mem>>, %arg20: memref<!tpu.dma_semaphore, #tpu.memory_space<semaphore_mem>>, %arg21: memref<!tpu.dma_semaphore, #tpu.memory_space<semaphore_mem>>) attributes {dimension_semantics = [#tpu.dimension_semantics<core_parallel>, #tpu.dimension_semantics<subcore_parallel>], iteration_bounds = array<i64: 2, 16>, scalar_prefetch = 0 : i64, scratch_operands = 15 : i64, tpu.core_type = #tpu.core_type<sc_vector_subcore>, window_params = [{transform_indices = #map}, {transform_indices = #map}, {transform_indices = #map1}, {transform_indices = #map1}, {transform_indices = #map1}]} {
    %mul3A = arith.constant 2 : i32
    %mul3A_0 = arith.muli %arg1, %mul3A : i32
    %add3A = arith.addi %mul3A_0, %arg0 : i32
    %mul3A_1 = arith.constant 256 : i32
    %mul3A_2 = arith.muli %add3A, %mul3A_1 : i32
    %multiple_of3A = tpu.assume_multiple %mul3A_2, 256 : i32
    %mul3A_3 = arith.constant 64 : i32
    %mul3A_4 = arith.muli %add3A, %mul3A_3 : i32
    %add3A_5 = arith.constant 0 : i32
    %add3A_6 = arith.addi %mul3A_4, %add3A_5 : i32
    %mul3A_7 = arith.constant 24 : i32
    %mul3A_8 = arith.muli %arg1, %mul3A_7 : i32
    %add3A_9 = arith.constant 0 : i32
    %add3A_10 = arith.addi %mul3A_8, %add3A_9 : i32
    %dma_start3A = arith.constant 0 : i32
    %dma_start3A_11 = tpu.memref_slice %arg11[%add3A_10, %dma_start3A] : memref<384x2048xf32, #tpu.memory_space<vmem_shared>> -> memref<8x2048xf32, #tpu.memory_space<vmem_shared>>
    %dma_start3A_12 = arith.constant 0 : i32
    %dma_start3A_13 = tpu.memref_slice %arg5[%add3A_6, %dma_start3A_12] : memref<2048x2048xf32, #tpu.memory_space<hbm>> -> memref<8x2048xf32, #tpu.memory_space<hbm>>
    tpu.enqueue_dma source(%dma_start3A_13 : memref<8x2048xf32, #tpu.memory_space<hbm>>) target(%dma_start3A_11 : memref<8x2048xf32, #tpu.memory_space<vmem_shared>>) target_semaphore(%arg16 : memref<!tpu.dma_semaphore, #tpu.memory_space<semaphore_mem>>)
    %mul3A_14 = arith.constant 64 : i32
    %mul3A_15 = arith.muli %add3A, %mul3A_14 : i32
    %add3A_16 = arith.constant 8 : i32
    %add3A_17 = arith.addi %mul3A_15, %add3A_16 : i32
    %mul3A_18 = arith.constant 24 : i32
    %mul3A_19 = arith.muli %arg1, %mul3A_18 : i32
    %add3A_20 = arith.constant 8 : i32
    %add3A_21 = arith.addi %mul3A_19, %add3A_20 : i32
    %dma_start3A_22 = arith.constant 0 : i32
    %dma_start3A_23 = tpu.memref_slice %arg11[%add3A_21, %dma_start3A_22] : memref<384x2048xf32, #tpu.memory_space<vmem_shared>> -> memref<8x2048xf32, #tpu.memory_space<vmem_shared>>
    %dma_start3A_24 = arith.constant 0 : i32
    %dma_start3A_25 = tpu.memref_slice %arg5[%add3A_17, %dma_start3A_24] : memref<2048x2048xf32, #tpu.memory_space<hbm>> -> memref<8x2048xf32, #tpu.memory_space<hbm>>
    tpu.enqueue_dma source(%dma_start3A_25 : memref<8x2048xf32, #tpu.memory_space<hbm>>) target(%dma_start3A_23 : memref<8x2048xf32, #tpu.memory_space<vmem_shared>>) target_semaphore(%arg17 : memref<!tpu.dma_semaphore, #tpu.memory_space<semaphore_mem>>)
    %mul3A_26 = arith.constant 64 : i32
    %mul3A_27 = arith.muli %add3A, %mul3A_26 : i32
    %add3A_28 = arith.constant 16 : i32
    %add3A_29 = arith.addi %mul3A_27, %add3A_28 : i32
    %mul3A_30 = arith.constant 24 : i32
    %mul3A_31 = arith.muli %arg1, %mul3A_30 : i32
    %add3A_32 = arith.constant 16 : i32
    %add3A_33 = arith.addi %mul3A_31, %add3A_32 : i32
    %dma_start3A_34 = arith.constant 0 : i32
    %dma_start3A_35 = tpu.memref_slice %arg11[%add3A_33, %dma_start3A_34] : memref<384x2048xf32, #tpu.memory_space<vmem_shared>> -> memref<8x2048xf32, #tpu.memory_space<vmem_shared>>
    %dma_start3A_36 = arith.constant 0 : i32
    %dma_start3A_37 = tpu.memref_slice %arg5[%add3A_29, %dma_start3A_36] : memref<2048x2048xf32, #tpu.memory_space<hbm>> -> memref<8x2048xf32, #tpu.memory_space<hbm>>
    tpu.enqueue_dma source(%dma_start3A_37 : memref<8x2048xf32, #tpu.memory_space<hbm>>) target(%dma_start3A_35 : memref<8x2048xf32, #tpu.memory_space<vmem_shared>>) target_semaphore(%arg18 : memref<!tpu.dma_semaphore, #tpu.memory_space<semaphore_mem>>)
    "tpu.region"() ({
      %run_scoped3A = tpu.sem_alloc : memref<!tpu.dma_semaphore, #tpu.memory_space<semaphore_mem>>
      %dma_start3A_48 = tpu.memref_slice %arg2[%multiple_of3A] : memref<8192xi32, #tpu.memory_space<hbm>> -> memref<256xi32, #tpu.memory_space<hbm>>
      %dma_start3A_49 = tpu.memref_slice %arg2[%multiple_of3A] : memref<8192xi32, #tpu.memory_space<hbm>> -> memref<256xi32, #tpu.memory_space<hbm>>
      tpu.enqueue_dma source(%dma_start3A_49 : memref<256xi32, #tpu.memory_space<hbm>>) target(%arg7 : memref<256xi32, #tpu.memory_space<vmem>>) target_semaphore(%run_scoped3A : memref<!tpu.dma_semaphore, #tpu.memory_space<semaphore_mem>>)
      %dma_wait3A = tpu.memref_slice %arg2[%multiple_of3A] : memref<8192xi32, #tpu.memory_space<hbm>> -> memref<256xi32, #tpu.memory_space<hbm>>
      %dma_wait3A_50 = tpu.memref_slice %arg2[%multiple_of3A] : memref<8192xi32, #tpu.memory_space<hbm>> -> memref<256xi32, #tpu.memory_space<hbm>>
      tpu.wait_dma2 semaphore(%run_scoped3A : memref<!tpu.dma_semaphore, #tpu.memory_space<semaphore_mem>>) src(%dma_wait3A_50 : memref<256xi32, #tpu.memory_space<hbm>>) dst(%arg7 : memref<256xi32, #tpu.memory_space<vmem>>)
      tpu.yield
    }) : () -> ()
    "tpu.region"() ({
      %run_scoped3A = tpu.sem_alloc : memref<!tpu.dma_semaphore, #tpu.memory_space<semaphore_mem>>
      %dma_start3A_48 = arith.constant 0 : i32
      %dma_start3A_49 = tpu.memref_slice %arg8[%dma_start3A_48] : memref<80xi32, #tpu.memory_space<vmem>> -> memref<64xi32, #tpu.memory_space<vmem>>
      %dma_start3A_50 = arith.constant 0 : i32
      %dma_start3A_51 = tpu.memref_slice %arg8[%dma_start3A_50] : memref<80xi32, #tpu.memory_space<vmem>> -> memref<64xi32, #tpu.memory_space<vmem>>
      tpu.enqueue_dma source(%arg3 : memref<64xi32, #tpu.memory_space<hbm>>) target(%dma_start3A_51 : memref<64xi32, #tpu.memory_space<vmem>>) target_semaphore(%run_scoped3A : memref<!tpu.dma_semaphore, #tpu.memory_space<semaphore_mem>>)
      %dma_wait3A = arith.constant 0 : i32
      %dma_wait3A_52 = tpu.memref_slice %arg8[%dma_wait3A] : memref<80xi32, #tpu.memory_space<vmem>> -> memref<64xi32, #tpu.memory_space<vmem>>
      %dma_wait3A_53 = arith.constant 0 : i32
      %dma_wait3A_54 = tpu.memref_slice %arg8[%dma_wait3A_53] : memref<80xi32, #tpu.memory_space<vmem>> -> memref<64xi32, #tpu.memory_space<vmem>>
      tpu.wait_dma2 semaphore(%run_scoped3A : memref<!tpu.dma_semaphore, #tpu.memory_space<semaphore_mem>>) src(%arg3 : memref<64xi32, #tpu.memory_space<hbm>>) dst(%dma_wait3A_54 : memref<64xi32, #tpu.memory_space<vmem>>)
      tpu.yield
    }) : () -> ()
    %mul3A_38 = arith.constant 2 : i32
    %mul3A_39 = arith.muli %mul3A_38, %add3A : i32
    %get3A = arith.index_cast %mul3A_39 : i32 to index
    %get3A_40 = tpu.vector_load %arg8[%get3A] {strides = array<i32>} : memref<80xi32, #tpu.memory_space<vmem>>, vector<16xi32>,
    %get3A_41 = vector.shape_cast %get3A_40 : vector<16xi32> to vector<16xi32>
    %slice3A = vector.extract_strided_slice %get3A_41 {offsets = [0], sizes = [1], strides = [1]} : vector<16xi32> to vector<1xi32>
    %squeeze3A = vector.extract %slice3A[0] : i32 from vector<1xi32>
    %multiple_of3A_42 = tpu.assume_multiple %squeeze3A, 8 : i32
    %eq3A = arith.cmpi eq, %multiple_of3A_42, %multiple_of3A : i32
    %convert_element_type3A = arith.extui %eq3A : i1 to i32
    %cond3A = arith.constant 0 : i32
    %cond3A_43 = arith.cmpi ne, %convert_element_type3A, %cond3A : i32
    scf.if %cond3A_43 {
      %dma_start3A_48 = arith.constant 0 : i32
      %dma_start3A_49 = arith.constant 0 : i32
      %dma_start3A_50 = tpu.memref_slice %arg9[%dma_start3A_48, %dma_start3A_49] : memref<16x2048xf32, #tpu.memory_space<vmem>> -> memref<16x2048xf32, #tpu.memory_space<vmem>>
      %dma_start3A_51 = arith.constant 64 : i32
      %dma_start3A_52 = tpu.memref_slice %arg7[%dma_start3A_51] : memref<256xi32, #tpu.memory_space<vmem>> -> memref<16xi32, #tpu.memory_space<vmem>>
      %dma_start3A_53 = arith.constant 0 : i32
      %dma_start3A_54 = arith.constant 0 : i32
      %dma_start3A_55 = tpu.memref_slice %arg4[%dma_start3A_53, %dma_start3A_54] : memref<100000x2048xf32, #tpu.memory_space<hbm>> -> memref<100000x2048xf32, #tpu.memory_space<hbm>>
      tpu.enqueue_indirect_dma source(%dma_start3A_55 : memref<100000x2048xf32, #tpu.memory_space<hbm>>) target(%dma_start3A_50 : memref<16x2048xf32, #tpu.memory_space<vmem>>) offsets(%dma_start3A_52 : memref<16xi32, #tpu.memory_space<vmem>>) semaphore(%arg12 : memref<!tpu.dma_semaphore, #tpu.memory_space<semaphore_mem>>)
      %dma_start3A_56 = arith.constant 0 : i32
      %dma_start3A_57 = arith.constant 0 : i32
      %dma_start3A_58 = tpu.memref_slice %arg10[%dma_start3A_56, %dma_start3A_57] : memref<16x2048xf32, #tpu.memory_space<vmem>> -> memref<16x2048xf32, #tpu.memory_space<vmem>>
      %dma_start3A_59 = arith.constant 80 : i32
      %dma_start3A_60 = tpu.memref_slice %arg7[%dma_start3A_59] : memref<256xi32, #tpu.memory_space<vmem>> -> memref<16xi32, #tpu.memory_space<vmem>>
      %dma_start3A_61 = arith.constant 0 : i32
      %dma_start3A_62 = arith.constant 0 : i32
      %dma_start3A_63 = tpu.memref_slice %arg4[%dma_start3A_61, %dma_start3A_62] : memref<100000x2048xf32, #tpu.memory_space<hbm>> -> memref<100000x2048xf32, #tpu.memory_space<hbm>>
      tpu.enqueue_indirect_dma source(%dma_start3A_63 : memref<100000x2048xf32, #tpu.memory_space<hbm>>) target(%dma_start3A_58 : memref<16x2048xf32, #tpu.memory_space<vmem>>) offsets(%dma_start3A_60 : memref<16xi32, #tpu.memory_space<vmem>>) semaphore(%arg13 : memref<!tpu.dma_semaphore, #tpu.memory_space<semaphore_mem>>)
      %dma_wait3A = arith.constant 0 : i32
      %dma_wait3A_64 = arith.constant 0 : i32
      %dma_wait3A_65 = tpu.memref_slice %arg9[%dma_wait3A, %dma_wait3A_64] : memref<16x2048xf32, #tpu.memory_space<vmem>> -> memref<16x2048xf32, #tpu.memory_space<vmem>>
      %dma_wait3A_66 = arith.constant 64 : i32
      %dma_wait3A_67 = tpu.memref_slice %arg7[%dma_wait3A_66] : memref<256xi32, #tpu.memory_space<vmem>> -> memref<16xi32, #tpu.memory_space<vmem>>
      %dma_wait3A_68 = arith.constant 0 : i32
      %dma_wait3A_69 = arith.constant 0 : i32
      %dma_wait3A_70 = tpu.memref_slice %arg4[%dma_wait3A_68, %dma_wait3A_69] : memref<100000x2048xf32, #tpu.memory_space<hbm>> -> memref<100000x2048xf32, #tpu.memory_space<hbm>>
      tpu.wait_indirect_dma semaphore(%arg12 : memref<!tpu.dma_semaphore, #tpu.memory_space<semaphore_mem>>) src(%dma_wait3A_70 : memref<100000x2048xf32, #tpu.memory_space<hbm>>) dst(%dma_wait3A_65 : memref<16x2048xf32, #tpu.memory_space<vmem>>)
      %add3A_71 = arith.constant 64 : i32
      %add3A_72 = arith.addi %multiple_of3A, %add3A_71 : i32
      %add3A_73 = arith.constant 0 : i32
      %add3A_74 = arith.addi %add3A_72, %add3A_73 : i32
      %dma_start3A_75 = arith.constant 0 : i32
      %dma_start3A_76 = arith.constant 0 : i32
      %dma_start3A_77 = tpu.memref_slice %arg9[%dma_start3A_75, %dma_start3A_76] : memref<16x2048xf32, #tpu.memory_space<vmem>> -> memref<16x2048xf32, #tpu.memory_space<vmem>>
      %dma_start3A_78 = arith.constant 0 : i32
      %dma_start3A_79 = tpu.memref_slice %arg6[%add3A_74, %dma_start3A_78] : memref<8192x2048xf32, #tpu.memory_space<hbm>> -> memref<16x2048xf32, #tpu.memory_space<hbm>>
      %dma_start3A_80 = arith.constant 0 : i32
      %dma_start3A_81 = tpu.memref_slice %arg6[%add3A_74, %dma_start3A_80] : memref<8192x2048xf32, #tpu.memory_space<hbm>> -> memref<16x2048xf32, #tpu.memory_space<hbm>>
      %dma_start3A_82 = arith.constant 0 : i32
      %dma_start3A_83 = arith.constant 0 : i32
      %dma_start3A_84 = tpu.memref_slice %arg9[%dma_start3A_82, %dma_start3A_83] : memref<16x2048xf32, #tpu.memory_space<vmem>> -> memref<16x2048xf32, #tpu.memory_space<vmem>>
      tpu.enqueue_dma source(%dma_start3A_84 : memref<16x2048xf32, #tpu.memory_space<vmem>>) target(%dma_start3A_81 : memref<16x2048xf32, #tpu.memory_space<hbm>>) target_semaphore(%arg14 : memref<!tpu.dma_semaphore, #tpu.memory_space<semaphore_mem>>)
      %dma_wait3A_85 = arith.constant 0 : i32
      %dma_wait3A_86 = arith.constant 0 : i32
      %dma_wait3A_87 = tpu.memref_slice %arg9[%dma_wait3A_85, %dma_wait3A_86] : memref<16x2048xf32, #tpu.memory_space<vmem>> -> memref<16x2048xf32, #tpu.memory_space<vmem>>
      %dma_wait3A_88 = arith.constant 0 : i32
      %dma_wait3A_89 = tpu.memref_slice %arg6[%add3A_74, %dma_wait3A_88] : memref<8192x2048xf32, #tpu.memory_space<hbm>> -> memref<16x2048xf32, #tpu.memory_space<hbm>>
      %dma_wait3A_90 = arith.constant 0 : i32
      %dma_wait3A_91 = tpu.memref_slice %arg6[%add3A_74, %dma_wait3A_90] : memref<8192x2048xf32, #tpu.memory_space<hbm>> -> memref<16x2048xf32, #tpu.memory_space<hbm>>
      %dma_wait3A_92 = arith.constant 0 : i32
      %dma_wait3A_93 = arith.constant 0 : i32
      %dma_wait3A_94 = tpu.memref_slice %arg9[%dma_wait3A_92, %dma_wait3A_93] : memref<16x2048xf32, #tpu.memory_space<vmem>> -> memref<16x2048xf32, #tpu.memory_space<vmem>>
      tpu.wait_dma2 semaphore(%arg14 : memref<!tpu.dma_semaphore, #tpu.memory_space<semaphore_mem>>) src(%dma_wait3A_94 : memref<16x2048xf32, #tpu.memory_space<vmem>>) dst(%dma_wait3A_91 : memref<16x2048xf32, #tpu.memory_space<hbm>>)
      %dma_start3A_95 = arith.constant 0 : i32
      %dma_start3A_96 = arith.constant 0 : i32
      %dma_start3A_97 = tpu.memref_slice %arg9[%dma_start3A_95, %dma_start3A_96] : memref<16x2048xf32, #tpu.memory_space<vmem>> -> memref<16x2048xf32, #tpu.memory_space<vmem>>
      %dma_start3A_98 = arith.constant 96 : i32
      %dma_start3A_99 = tpu.memref_slice %arg7[%dma_start3A_98] : memref<256xi32, #tpu.memory_space<vmem>> -> memref<16xi32, #tpu.memory_space<vmem>>
      %dma_start3A_100 = arith.constant 0 : i32
      %dma_start3A_101 = arith.constant 0 : i32
      %dma_start3A_102 = tpu.memref_slice %arg4[%dma_start3A_100, %dma_start3A_101] : memref<100000x2048xf32, #tpu.memory_space<hbm>> -> memref<100000x2048xf32, #tpu.memory_space<hbm>>
      tpu.enqueue_indirect_dma source(%dma_start3A_102 : memref<100000x2048xf32, #tpu.memory_space<hbm>>) target(%dma_start3A_97 : memref<16x2048xf32, #tpu.memory_space<vmem>>) offsets(%dma_start3A_99 : memref<16xi32, #tpu.memory_space<vmem>>) semaphore(%arg12 : memref<!tpu.dma_semaphore, #tpu.memory_space<semaphore_mem>>)
      %dma_wait3A_103 = arith.constant 0 : i32
      %dma_wait3A_104 = arith.constant 0 : i32
      %dma_wait3A_105 = tpu.memref_slice %arg10[%dma_wait3A_103, %dma_wait3A_104] : memref<16x2048xf32, #tpu.memory_space<vmem>> -> memref<16x2048xf32, #tpu.memory_space<vmem>>
      %dma_wait3A_106 = arith.constant 80 : i32
      %dma_wait3A_107 = tpu.memref_slice %arg7[%dma_wait3A_106] : memref<256xi32, #tpu.memory_space<vmem>> -> memref<16xi32, #tpu.memory_space<vmem>>
      %dma_wait3A_108 = arith.constant 0 : i32
      %dma_wait3A_109 = arith.constant 0 : i32
      %dma_wait3A_110 = tpu.memref_slice %arg4[%dma_wait3A_108, %dma_wait3A_109] : memref<100000x2048xf32, #tpu.memory_space<hbm>> -> memref<100000x2048xf32, #tpu.memory_space<hbm>>
      tpu.wait_indirect_dma semaphore(%arg13 : memref<!tpu.dma_semaphore, #tpu.memory_space<semaphore_mem>>) src(%dma_wait3A_110 : memref<100000x2048xf32, #tpu.memory_space<hbm>>) dst(%dma_wait3A_105 : memref<16x2048xf32, #tpu.memory_space<vmem>>)
      %add3A_111 = arith.constant 64 : i32
      %add3A_112 = arith.addi %multiple_of3A, %add3A_111 : i32
      %add3A_113 = arith.constant 16 : i32
      %add3A_114 = arith.addi %add3A_112, %add3A_113 : i32
      %dma_start3A_115 = arith.constant 0 : i32
      %dma_start3A_116 = arith.constant 0 : i32
      %dma_start3A_117 = tpu.memref_slice %arg10[%dma_start3A_115, %dma_start3A_116] : memref<16x2048xf32, #tpu.memory_space<vmem>> -> memref<16x2048xf32, #tpu.memory_space<vmem>>
      %dma_start3A_118 = arith.constant 0 : i32
      %dma_start3A_119 = tpu.memref_slice %arg6[%add3A_114, %dma_start3A_118] : memref<8192x2048xf32, #tpu.memory_space<hbm>> -> memref<16x2048xf32, #tpu.memory_space<hbm>>
      %dma_start3A_120 = arith.constant 0 : i32
      %dma_start3A_121 = tpu.memref_slice %arg6[%add3A_114, %dma_start3A_120] : memref<8192x2048xf32, #tpu.memory_space<hbm>> -> memref<16x2048xf32, #tpu.memory_space<hbm>>
      %dma_start3A_122 = arith.constant 0 : i32
      %dma_start3A_123 = arith.constant 0 : i32
      %dma_start3A_124 = tpu.memref_slice %arg10[%dma_start3A_122, %dma_start3A_123] : memref<16x2048xf32, #tpu.memory_space<vmem>> -> memref<16x2048xf32, #tpu.memory_space<vmem>>
      tpu.enqueue_dma source(%dma_start3A_124 : memref<16x2048xf32, #tpu.memory_space<vmem>>) target(%dma_start3A_121 : memref<16x2048xf32, #tpu.memory_space<hbm>>) target_semaphore(%arg15 : memref<!tpu.dma_semaphore, #tpu.memory_space<semaphore_mem>>)
      %dma_wait3A_125 = arith.constant 0 : i32
      %dma_wait3A_126 = tpu.memref_slice %arg11[%add3A_10, %dma_wait3A_125] : memref<384x2048xf32, #tpu.memory_space<vmem_shared>> -> memref<8x2048xf32, #tpu.memory_space<vmem_shared>>
      %dma_wait3A_127 = arith.constant 0 : i32
      %dma_wait3A_128 = tpu.memref_slice %arg5[%add3A_6, %dma_wait3A_127] : memref<2048x2048xf32, #tpu.memory_space<hbm>> -> memref<8x2048xf32, #tpu.memory_space<hbm>>
      tpu.wait_dma2 semaphore(%arg16 : memref<!tpu.dma_semaphore, #tpu.memory_space<semaphore_mem>>) src(%dma_wait3A_128 : memref<8x2048xf32, #tpu.memory_space<hbm>>) dst(%dma_wait3A_126 : memref<8x2048xf32, #tpu.memory_space<vmem_shared>>)
      %mul3A_129 = arith.constant 24 : i32
      %mul3A_130 = arith.muli %arg1, %mul3A_129 : i32
      %add3A_131 = arith.constant 0 : i32
      %add3A_132 = arith.addi %mul3A_130, %add3A_131 : i32
      %add3A_133 = arith.constant 0 : i32
      %add3A_134 = arith.addi %multiple_of3A, %add3A_133 : i32
      %dma_start3A_135 = arith.constant 0 : i32
      %dma_start3A_136 = tpu.memref_slice %arg6[%add3A_134, %dma_start3A_135] : memref<8192x2048xf32, #tpu.memory_space<hbm>> -> memref<8x2048xf32, #tpu.memory_space<hbm>>
      %dma_start3A_137 = arith.constant 0 : i32
      %dma_start3A_138 = tpu.memref_slice %arg11[%add3A_132, %dma_start3A_137] : memref<384x2048xf32, #tpu.memory_space<vmem_shared>> -> memref<8x2048xf32, #tpu.memory_space<vmem_shared>>
      tpu.enqueue_dma source(%dma_start3A_138 : memref<8x2048xf32, #tpu.memory_space<vmem_shared>>) target(%dma_start3A_136 : memref<8x2048xf32, #tpu.memory_space<hbm>>) target_semaphore(%arg19 : memref<!tpu.dma_semaphore, #tpu.memory_space<semaphore_mem>>)
      %dma_wait3A_139 = arith.constant 0 : i32
      %dma_wait3A_140 = arith.constant 0 : i32
      %dma_wait3A_141 = tpu.memref_slice %arg10[%dma_wait3A_139, %dma_wait3A_140] : memref<16x2048xf32, #tpu.memory_space<vmem>> -> memref<16x2048xf32, #tpu.memory_space<vmem>>
      %dma_wait3A_142 = arith.constant 0 : i32
      %dma_wait3A_143 = tpu.memref_slice %arg6[%add3A_114, %dma_wait3A_142] : memref<8192x2048xf32, #tpu.memory_space<hbm>> -> memref<16x2048xf32, #tpu.memory_space<hbm>>
      %dma_wait3A_144 = arith.constant 0 : i32
      %dma_wait3A_145 = tpu.memref_slice %arg6[%add3A_114, %dma_wait3A_144] : memref<8192x2048xf32, #tpu.memory_space<hbm>> -> memref<16x2048xf32, #tpu.memory_space<hbm>>
      %dma_wait3A_146 = arith.constant 0 : i32
      %dma_wait3A_147 = arith.constant 0 : i32
      %dma_wait3A_148 = tpu.memref_slice %arg10[%dma_wait3A_146, %dma_wait3A_147] : memref<16x2048xf32, #tpu.memory_space<vmem>> -> memref<16x2048xf32, #tpu.memory_space<vmem>>
      tpu.wait_dma2 semaphore(%arg15 : memref<!tpu.dma_semaphore, #tpu.memory_space<semaphore_mem>>) src(%dma_wait3A_148 : memref<16x2048xf32, #tpu.memory_space<vmem>>) dst(%dma_wait3A_145 : memref<16x2048xf32, #tpu.memory_space<hbm>>)
      %dma_start3A_149 = arith.constant 0 : i32
      %dma_start3A_150 = arith.constant 0 : i32
      %dma_start3A_151 = tpu.memref_slice %arg10[%dma_start3A_149, %dma_start3A_150] : memref<16x2048xf32, #tpu.memory_space<vmem>> -> memref<16x2048xf32, #tpu.memory_space<vmem>>
      %dma_start3A_152 = arith.constant 112 : i32
      %dma_start3A_153 = tpu.memref_slice %arg7[%dma_start3A_152] : memref<256xi32, #tpu.memory_space<vmem>> -> memref<16xi32, #tpu.memory_space<vmem>>
      %dma_start3A_154 = arith.constant 0 : i32
      %dma_start3A_155 = arith.constant 0 : i32
      %dma_start3A_156 = tpu.memref_slice %arg4[%dma_start3A_154, %dma_start3A_155] : memref<100000x2048xf32, #tpu.memory_space<hbm>> -> memref<100000x2048xf32, #tpu.memory_space<hbm>>
      tpu.enqueue_indirect_dma source(%dma_start3A_156 : memref<100000x2048xf32, #tpu.memory_space<hbm>>) target(%dma_start3A_151 : memref<16x2048xf32, #tpu.memory_space<vmem>>) offsets(%dma_start3A_153 : memref<16xi32, #tpu.memory_space<vmem>>) semaphore(%arg13 : memref<!tpu.dma_semaphore, #tpu.memory_space<semaphore_mem>>)
      %dma_wait3A_157 = arith.constant 0 : i32
      %dma_wait3A_158 = arith.constant 0 : i32
      %dma_wait3A_159 = tpu.memref_slice %arg9[%dma_wait3A_157, %dma_wait3A_158] : memref<16x2048xf32, #tpu.memory_space<vmem>> -> memref<16x2048xf32, #tpu.memory_space<vmem>>
      %dma_wait3A_160 = arith.constant 96 : i32
      %dma_wait3A_161 = tpu.memref_slice %arg7[%dma_wait3A_160] : memref<256xi32, #tpu.memory_space<vmem>> -> memref<16xi32, #tpu.memory_space<vmem>>
      %dma_wait3A_162 = arith.constant 0 : i32
      %dma_wait3A_163 = arith.constant 0 : i32
      %dma_wait3A_164 = tpu.memref_slice %arg4[%dma_wait3A_162, %dma_wait3A_163] : memref<100000x2048xf32, #tpu.memory_space<hbm>> -> memref<100000x2048xf32, #tpu.memory_space<hbm>>
      tpu.wait_indirect_dma semaphore(%arg12 : memref<!tpu.dma_semaphore, #tpu.memory_space<semaphore_mem>>) src(%dma_wait3A_164 : memref<100000x2048xf32, #tpu.memory_space<hbm>>) dst(%dma_wait3A_159 : memref<16x2048xf32, #tpu.memory_space<vmem>>)
      %add3A_165 = arith.constant 64 : i32
      %add3A_166 = arith.addi %multiple_of3A, %add3A_165 : i32
      %add3A_167 = arith.constant 32 : i32
      %add3A_168 = arith.addi %add3A_166, %add3A_167 : i32
      %dma_start3A_169 = arith.constant 0 : i32
      %dma_start3A_170 = arith.constant 0 : i32
      %dma_start3A_171 = tpu.memref_slice %arg9[%dma_start3A_169, %dma_start3A_170] : memref<16x2048xf32, #tpu.memory_space<vmem>> -> memref<16x2048xf32, #tpu.memory_space<vmem>>
      %dma_start3A_172 = arith.constant 0 : i32
      %dma_start3A_173 = tpu.memref_slice %arg6[%add3A_168, %dma_start3A_172] : memref<8192x2048xf32, #tpu.memory_space<hbm>> -> memref<16x2048xf32, #tpu.memory_space<hbm>>
      %dma_start3A_174 = arith.constant 0 : i32
      %dma_start3A_175 = tpu.memref_slice %arg6[%add3A_168, %dma_start3A_174] : memref<8192x2048xf32, #tpu.memory_space<hbm>> -> memref<16x2048xf32, #tpu.memory_space<hbm>>
      %dma_start3A_176 = arith.constant 0 : i32
      %dma_start3A_177 = arith.constant 0 : i32
      %dma_start3A_178 = tpu.memref_slice %arg9[%dma_start3A_176, %dma_start3A_177] : memref<16x2048xf32, #tpu.memory_space<vmem>> -> memref<16x2048xf32, #tpu.memory_space<vmem>>
      tpu.enqueue_dma source(%dma_start3A_178 : memref<16x2048xf32, #tpu.memory_space<vmem>>) target(%dma_start3A_175 : memref<16x2048xf32, #tpu.memory_space<hbm>>) target_semaphore(%arg14 : memref<!tpu.dma_semaphore, #tpu.memory_space<semaphore_mem>>)
      %dma_wait3A_179 = arith.constant 0 : i32
      %dma_wait3A_180 = tpu.memref_slice %arg11[%add3A_21, %dma_wait3A_179] : memref<384x2048xf32, #tpu.memory_space<vmem_shared>> -> memref<8x2048xf32, #tpu.memory_space<vmem_shared>>
      %dma_wait3A_181 = arith.constant 0 : i32
      %dma_wait3A_182 = tpu.memref_slice %arg5[%add3A_17, %dma_wait3A_181] : memref<2048x2048xf32, #tpu.memory_space<hbm>> -> memref<8x2048xf32, #tpu.memory_space<hbm>>
      tpu.wait_dma2 semaphore(%arg17 : memref<!tpu.dma_semaphore, #tpu.memory_space<semaphore_mem>>) src(%dma_wait3A_182 : memref<8x2048xf32, #tpu.memory_space<hbm>>) dst(%dma_wait3A_180 : memref<8x2048xf32, #tpu.memory_space<vmem_shared>>)
      %mul3A_183 = arith.constant 24 : i32
      %mul3A_184 = arith.muli %arg1, %mul3A_183 : i32
      %add3A_185 = arith.constant 8 : i32
      %add3A_186 = arith.addi %mul3A_184, %add3A_185 : i32
      %add3A_187 = arith.constant 8 : i32
      %add3A_188 = arith.addi %multiple_of3A, %add3A_187 : i32
      %dma_start3A_189 = arith.constant 0 : i32
      %dma_start3A_190 = tpu.memref_slice %arg6[%add3A_188, %dma_start3A_189] : memref<8192x2048xf32, #tpu.memory_space<hbm>> -> memref<8x2048xf32, #tpu.memory_space<hbm>>
      %dma_start3A_191 = arith.constant 0 : i32
      %dma_start3A_192 = tpu.memref_slice %arg11[%add3A_186, %dma_start3A_191] : memref<384x2048xf32, #tpu.memory_space<vmem_shared>> -> memref<8x2048xf32, #tpu.memory_space<vmem_shared>>
      tpu.enqueue_dma source(%dma_start3A_192 : memref<8x2048xf32, #tpu.memory_space<vmem_shared>>) target(%dma_start3A_190 : memref<8x2048xf32, #tpu.memory_space<hbm>>) target_semaphore(%arg20 : memref<!tpu.dma_semaphore, #tpu.memory_space<semaphore_mem>>)
      %dma_wait3A_193 = arith.constant 0 : i32
      %dma_wait3A_194 = arith.constant 0 : i32
      %dma_wait3A_195 = tpu.memref_slice %arg9[%dma_wait3A_193, %dma_wait3A_194] : memref<16x2048xf32, #tpu.memory_space<vmem>> -> memref<16x2048xf32, #tpu.memory_space<vmem>>
      %dma_wait3A_196 = arith.constant 0 : i32
      %dma_wait3A_197 = tpu.memref_slice %arg6[%add3A_168, %dma_wait3A_196] : memref<8192x2048xf32, #tpu.memory_space<hbm>> -> memref<16x2048xf32, #tpu.memory_space<hbm>>
      %dma_wait3A_198 = arith.constant 0 : i32
      %dma_wait3A_199 = tpu.memref_slice %arg6[%add3A_168, %dma_wait3A_198] : memref<8192x2048xf32, #tpu.memory_space<hbm>> -> memref<16x2048xf32, #tpu.memory_space<hbm>>
      %dma_wait3A_200 = arith.constant 0 : i32
      %dma_wait3A_201 = arith.constant 0 : i32
      %dma_wait3A_202 = tpu.memref_slice %arg9[%dma_wait3A_200, %dma_wait3A_201] : memref<16x2048xf32, #tpu.memory_space<vmem>> -> memref<16x2048xf32, #tpu.memory_space<vmem>>
      tpu.wait_dma2 semaphore(%arg14 : memref<!tpu.dma_semaphore, #tpu.memory_space<semaphore_mem>>) src(%dma_wait3A_202 : memref<16x2048xf32, #tpu.memory_space<vmem>>) dst(%dma_wait3A_199 : memref<16x2048xf32, #tpu.memory_space<hbm>>)
      %dma_start3A_203 = arith.constant 0 : i32
      %dma_start3A_204 = arith.constant 0 : i32
      %dma_start3A_205 = tpu.memref_slice %arg9[%dma_start3A_203, %dma_start3A_204] : memref<16x2048xf32, #tpu.memory_space<vmem>> -> memref<16x2048xf32, #tpu.memory_space<vmem>>
      %dma_start3A_206 = arith.constant 128 : i32
      %dma_start3A_207 = tpu.memref_slice %arg7[%dma_start3A_206] : memref<256xi32, #tpu.memory_space<vmem>> -> memref<16xi32, #tpu.memory_space<vmem>>
      %dma_start3A_208 = arith.constant 0 : i32
      %dma_start3A_209 = arith.constant 0 : i32
      %dma_start3A_210 = tpu.memref_slice %arg4[%dma_start3A_208, %dma_start3A_209] : memref<100000x2048xf32, #tpu.memory_space<hbm>> -> memref<100000x2048xf32, #tpu.memory_space<hbm>>
      tpu.enqueue_indirect_dma source(%dma_start3A_210 : memref<100000x2048xf32, #tpu.memory_space<hbm>>) target(%dma_start3A_205 : memref<16x2048xf32, #tpu.memory_space<vmem>>) offsets(%dma_start3A_207 : memref<16xi32, #tpu.memory_space<vmem>>) semaphore(%arg12 : memref<!tpu.dma_semaphore, #tpu.memory_space<semaphore_mem>>)
      %dma_wait3A_211 = arith.constant 0 : i32
      %dma_wait3A_212 = arith.constant 0 : i32
      %dma_wait3A_213 = tpu.memref_slice %arg10[%dma_wait3A_211, %dma_wait3A_212] : memref<16x2048xf32, #tpu.memory_space<vmem>> -> memref<16x2048xf32, #tpu.memory_space<vmem>>
      %dma_wait3A_214 = arith.constant 112 : i32
      %dma_wait3A_215 = tpu.memref_slice %arg7[%dma_wait3A_214] : memref<256xi32, #tpu.memory_space<vmem>> -> memref<16xi32, #tpu.memory_space<vmem>>
      %dma_wait3A_216 = arith.constant 0 : i32
      %dma_wait3A_217 = arith.constant 0 : i32
      %dma_wait3A_218 = tpu.memref_slice %arg4[%dma_wait3A_216, %dma_wait3A_217] : memref<100000x2048xf32, #tpu.memory_space<hbm>> -> memref<100000x2048xf32, #tpu.memory_space<hbm>>
      tpu.wait_indirect_dma semaphore(%arg13 : memref<!tpu.dma_semaphore, #tpu.memory_space<semaphore_mem>>) src(%dma_wait3A_218 : memref<100000x2048xf32, #tpu.memory_space<hbm>>) dst(%dma_wait3A_213 : memref<16x2048xf32, #tpu.memory_space<vmem>>)
      %add3A_219 = arith.constant 64 : i32
      %add3A_220 = arith.addi %multiple_of3A, %add3A_219 : i32
      %add3A_221 = arith.constant 48 : i32
      %add3A_222 = arith.addi %add3A_220, %add3A_221 : i32
      %dma_start3A_223 = arith.constant 0 : i32
      %dma_start3A_224 = arith.constant 0 : i32
      %dma_start3A_225 = tpu.memref_slice %arg10[%dma_start3A_223, %dma_start3A_224] : memref<16x2048xf32, #tpu.memory_space<vmem>> -> memref<16x2048xf32, #tpu.memory_space<vmem>>
      %dma_start3A_226 = arith.constant 0 : i32
      %dma_start3A_227 = tpu.memref_slice %arg6[%add3A_222, %dma_start3A_226] : memref<8192x2048xf32, #tpu.memory_space<hbm>> -> memref<16x2048xf32, #tpu.memory_space<hbm>>
      %dma_start3A_228 = arith.constant 0 : i32
      %dma_start3A_229 = tpu.memref_slice %arg6[%add3A_222, %dma_start3A_228] : memref<8192x2048xf32, #tpu.memory_space<hbm>> -> memref<16x2048xf32, #tpu.memory_space<hbm>>
      %dma_start3A_230 = arith.constant 0 : i32
      %dma_start3A_231 = arith.constant 0 : i32
      %dma_start3A_232 = tpu.memref_slice %arg10[%dma_start3A_230, %dma_start3A_231] : memref<16x2048xf32, #tpu.memory_space<vmem>> -> memref<16x2048xf32, #tpu.memory_space<vmem>>
      tpu.enqueue_dma source(%dma_start3A_232 : memref<16x2048xf32, #tpu.memory_space<vmem>>) target(%dma_start3A_229 : memref<16x2048xf32, #tpu.memory_space<hbm>>) target_semaphore(%arg15 : memref<!tpu.dma_semaphore, #tpu.memory_space<semaphore_mem>>)
      %dma_wait3A_233 = arith.constant 0 : i32
      %dma_wait3A_234 = tpu.memref_slice %arg11[%add3A_33, %dma_wait3A_233] : memref<384x2048xf32, #tpu.memory_space<vmem_shared>> -> memref<8x2048xf32, #tpu.memory_space<vmem_shared>>
      %dma_wait3A_235 = arith.constant 0 : i32
      %dma_wait3A_236 = tpu.memref_slice %arg5[%add3A_29, %dma_wait3A_235] : memref<2048x2048xf32, #tpu.memory_space<hbm>> -> memref<8x2048xf32, #tpu.memory_space<hbm>>
      tpu.wait_dma2 semaphore(%arg18 : memref<!tpu.dma_semaphore, #tpu.memory_space<semaphore_mem>>) src(%dma_wait3A_236 : memref<8x2048xf32, #tpu.memory_space<hbm>>) dst(%dma_wait3A_234 : memref<8x2048xf32, #tpu.memory_space<vmem_shared>>)
      %mul3A_237 = arith.constant 24 : i32
      %mul3A_238 = arith.muli %arg1, %mul3A_237 : i32
      %add3A_239 = arith.constant 16 : i32
      %add3A_240 = arith.addi %mul3A_238, %add3A_239 : i32
      %add3A_241 = arith.constant 16 : i32
      %add3A_242 = arith.addi %multiple_of3A, %add3A_241 : i32
      %dma_start3A_243 = arith.constant 0 : i32
      %dma_start3A_244 = tpu.memref_slice %arg6[%add3A_242, %dma_start3A_243] : memref<8192x2048xf32, #tpu.memory_space<hbm>> -> memref<8x2048xf32, #tpu.memory_space<hbm>>
      %dma_start3A_245 = arith.constant 0 : i32
      %dma_start3A_246 = tpu.memref_slice %arg11[%add3A_240, %dma_start3A_245] : memref<384x2048xf32, #tpu.memory_space<vmem_shared>> -> memref<8x2048xf32, #tpu.memory_space<vmem_shared>>
      tpu.enqueue_dma source(%dma_start3A_246 : memref<8x2048xf32, #tpu.memory_space<vmem_shared>>) target(%dma_start3A_244 : memref<8x2048xf32, #tpu.memory_space<hbm>>) target_semaphore(%arg21 : memref<!tpu.dma_semaphore, #tpu.memory_space<semaphore_mem>>)
      %dma_wait3A_247 = arith.constant 0 : i32
      %dma_wait3A_248 = arith.constant 0 : i32
      %dma_wait3A_249 = tpu.memref_slice %arg10[%dma_wait3A_247, %dma_wait3A_248] : memref<16x2048xf32, #tpu.memory_space<vmem>> -> memref<16x2048xf32, #tpu.memory_space<vmem>>
      %dma_wait3A_250 = arith.constant 0 : i32
      %dma_wait3A_251 = tpu.memref_slice %arg6[%add3A_222, %dma_wait3A_250] : memref<8192x2048xf32, #tpu.memory_space<hbm>> -> memref<16x2048xf32, #tpu.memory_space<hbm>>
      %dma_wait3A_252 = arith.constant 0 : i32
      %dma_wait3A_253 = tpu.memref_slice %arg6[%add3A_222, %dma_wait3A_252] : memref<8192x2048xf32, #tpu.memory_space<hbm>> -> memref<16x2048xf32, #tpu.memory_space<hbm>>
      %dma_wait3A_254 = arith.constant 0 : i32
      %dma_wait3A_255 = arith.constant 0 : i32
      %dma_wait3A_256 = tpu.memref_slice %arg10[%dma_wait3A_254, %dma_wait3A_255] : memref<16x2048xf32, #tpu.memory_space<vmem>> -> memref<16x2048xf32, #tpu.memory_space<vmem>>
      tpu.wait_dma2 semaphore(%arg15 : memref<!tpu.dma_semaphore, #tpu.memory_space<semaphore_mem>>) src(%dma_wait3A_256 : memref<16x2048xf32, #tpu.memory_space<vmem>>) dst(%dma_wait3A_253 : memref<16x2048xf32, #tpu.memory_space<hbm>>)
      %dma_start3A_257 = arith.constant 0 : i32
      %dma_start3A_258 = arith.constant 0 : i32
      %dma_start3A_259 = tpu.memref_slice %arg10[%dma_start3A_257, %dma_start3A_258] : memref<16x2048xf32, #tpu.memory_space<vmem>> -> memref<16x2048xf32, #tpu.memory_space<vmem>>
      %dma_start3A_260 = arith.constant 144 : i32
      %dma_start3A_261 = tpu.memref_slice %arg7[%dma_start3A_260] : memref<256xi32, #tpu.memory_space<vmem>> -> memref<16xi32, #tpu.memory_space<vmem>>
      %dma_start3A_262 = arith.constant 0 : i32
      %dma_start3A_263 = arith.constant 0 : i32
      %dma_start3A_264 = tpu.memref_slice %arg4[%dma_start3A_262, %dma_start3A_263] : memref<100000x2048xf32, #tpu.memory_space<hbm>> -> memref<100000x2048xf32, #tpu.memory_space<hbm>>
      tpu.enqueue_indirect_dma source(%dma_start3A_264 : memref<100000x2048xf32, #tpu.memory_space<hbm>>) target(%dma_start3A_259 : memref<16x2048xf32, #tpu.memory_space<vmem>>) offsets(%dma_start3A_261 : memref<16xi32, #tpu.memory_space<vmem>>) semaphore(%arg13 : memref<!tpu.dma_semaphore, #tpu.memory_space<semaphore_mem>>)
      %dma_wait3A_265 = arith.constant 0 : i32
      %dma_wait3A_266 = arith.constant 0 : i32
      %dma_wait3A_267 = tpu.memref_slice %arg9[%dma_wait3A_265, %dma_wait3A_266] : memref<16x2048xf32, #tpu.memory_space<vmem>> -> memref<16x2048xf32, #tpu.memory_space<vmem>>
      %dma_wait3A_268 = arith.constant 128 : i32
      %dma_wait3A_269 = tpu.memref_slice %arg7[%dma_wait3A_268] : memref<256xi32, #tpu.memory_space<vmem>> -> memref<16xi32, #tpu.memory_space<vmem>>
      %dma_wait3A_270 = arith.constant 0 : i32
      %dma_wait3A_271 = arith.constant 0 : i32
      %dma_wait3A_272 = tpu.memref_slice %arg4[%dma_wait3A_270, %dma_wait3A_271] : memref<100000x2048xf32, #tpu.memory_space<hbm>> -> memref<100000x2048xf32, #tpu.memory_space<hbm>>
      tpu.wait_indirect_dma semaphore(%arg12 : memref<!tpu.dma_semaphore, #tpu.memory_space<semaphore_mem>>) src(%dma_wait3A_272 : memref<100000x2048xf32, #tpu.memory_space<hbm>>) dst(%dma_wait3A_267 : memref<16x2048xf32, #tpu.memory_space<vmem>>)
      %add3A_273 = arith.constant 64 : i32
      %add3A_274 = arith.addi %multiple_of3A, %add3A_273 : i32
      %add3A_275 = arith.constant 64 : i32
      %add3A_276 = arith.addi %add3A_274, %add3A_275 : i32
      %dma_start3A_277 = arith.constant 0 : i32
      %dma_start3A_278 = arith.constant 0 : i32
      %dma_start3A_279 = tpu.memref_slice %arg9[%dma_start3A_277, %dma_start3A_278] : memref<16x2048xf32, #tpu.memory_space<vmem>> -> memref<16x2048xf32, #tpu.memory_space<vmem>>
      %dma_start3A_280 = arith.constant 0 : i32
      %dma_start3A_281 = tpu.memref_slice %arg6[%add3A_276, %dma_start3A_280] : memref<8192x2048xf32, #tpu.memory_space<hbm>> -> memref<16x2048xf32, #tpu.memory_space<hbm>>
      %dma_start3A_282 = arith.constant 0 : i32
      %dma_start3A_283 = tpu.memref_slice %arg6[%add3A_276, %dma_start3A_282] : memref<8192x2048xf32, #tpu.memory_space<hbm>> -> memref<16x2048xf32, #tpu.memory_space<hbm>>
      %dma_start3A_284 = arith.constant 0 : i32
      %dma_start3A_285 = arith.constant 0 : i32
      %dma_start3A_286 = tpu.memref_slice %arg9[%dma_start3A_284, %dma_start3A_285] : memref<16x2048xf32, #tpu.memory_space<vmem>> -> memref<16x2048xf32, #tpu.memory_space<vmem>>
      tpu.enqueue_dma source(%dma_start3A_286 : memref<16x2048xf32, #tpu.memory_space<vmem>>) target(%dma_start3A_283 : memref<16x2048xf32, #tpu.memory_space<hbm>>) target_semaphore(%arg14 : memref<!tpu.dma_semaphore, #tpu.memory_space<semaphore_mem>>)
      %dma_wait3A_287 = arith.constant 0 : i32
      %dma_wait3A_288 = tpu.memref_slice %arg6[%add3A_134, %dma_wait3A_287] : memref<8192x2048xf32, #tpu.memory_space<hbm>> -> memref<8x2048xf32, #tpu.memory_space<hbm>>
      %dma_wait3A_289 = arith.constant 0 : i32
      %dma_wait3A_290 = tpu.memref_slice %arg11[%add3A_132, %dma_wait3A_289] : memref<384x2048xf32, #tpu.memory_space<vmem_shared>> -> memref<8x2048xf32, #tpu.memory_space<vmem_shared>>
      tpu.wait_dma2 semaphore(%arg19 : memref<!tpu.dma_semaphore, #tpu.memory_space<semaphore_mem>>) src(%dma_wait3A_290 : memref<8x2048xf32, #tpu.memory_space<vmem_shared>>) dst(%dma_wait3A_288 : memref<8x2048xf32, #tpu.memory_space<hbm>>)
      %mul3A_291 = arith.constant 64 : i32
      %mul3A_292 = arith.muli %add3A, %mul3A_291 : i32
      %add3A_293 = arith.constant 24 : i32
      %add3A_294 = arith.addi %mul3A_292, %add3A_293 : i32
      %mul3A_295 = arith.constant 24 : i32
      %mul3A_296 = arith.muli %arg1, %mul3A_295 : i32
      %add3A_297 = arith.constant 0 : i32
      %add3A_298 = arith.addi %mul3A_296, %add3A_297 : i32
      %dma_start3A_299 = arith.constant 0 : i32
      %dma_start3A_300 = tpu.memref_slice %arg11[%add3A_298, %dma_start3A_299] : memref<384x2048xf32, #tpu.memory_space<vmem_shared>> -> memref<8x2048xf32, #tpu.memory_space<vmem_shared>>
      %dma_start3A_301 = arith.constant 0 : i32
      %dma_start3A_302 = tpu.memref_slice %arg5[%add3A_294, %dma_start3A_301] : memref<2048x2048xf32, #tpu.memory_space<hbm>> -> memref<8x2048xf32, #tpu.memory_space<hbm>>
      tpu.enqueue_dma source(%dma_start3A_302 : memref<8x2048xf32, #tpu.memory_space<hbm>>) target(%dma_start3A_300 : memref<8x2048xf32, #tpu.memory_space<vmem_shared>>) target_semaphore(%arg16 : memref<!tpu.dma_semaphore, #tpu.memory_space<semaphore_mem>>)
      %dma_wait3A_303 = arith.constant 0 : i32
      %dma_wait3A_304 = arith.constant 0 : i32
      %dma_wait3A_305 = tpu.memref_slice %arg9[%dma_wait3A_303, %dma_wait3A_304] : memref<16x2048xf32, #tpu.memory_space<vmem>> -> memref<16x2048xf32, #tpu.memory_space<vmem>>
      %dma_wait3A_306 = arith.constant 0 : i32
      %dma_wait3A_307 = tpu.memref_slice %arg6[%add3A_276, %dma_wait3A_306] : memref<8192x2048xf32, #tpu.memory_space<hbm>> -> memref<16x2048xf32, #tpu.memory_space<hbm>>
      %dma_wait3A_308 = arith.constant 0 : i32
      %dma_wait3A_309 = tpu.memref_slice %arg6[%add3A_276, %dma_wait3A_308] : memref<8192x2048xf32, #tpu.memory_space<hbm>> -> memref<16x2048xf32, #tpu.memory_space<hbm>>
      %dma_wait3A_310 = arith.constant 0 : i32
      %dma_wait3A_311 = arith.constant 0 : i32
      %dma_wait3A_312 = tpu.memref_slice %arg9[%dma_wait3A_310, %dma_wait3A_311] : memref<16x2048xf32, #tpu.memory_space<vmem>> -> memref<16x2048xf32, #tpu.memory_space<vmem>>
      tpu.wait_dma2 semaphore(%arg14 : memref<!tpu.dma_semaphore, #tpu.memory_space<semaphore_mem>>) src(%dma_wait3A_312 : memref<16x2048xf32, #tpu.memory_space<vmem>>) dst(%dma_wait3A_309 : memref<16x2048xf32, #tpu.memory_space<hbm>>)
      %dma_start3A_313 = arith.constant 0 : i32
      %dma_start3A_314 = arith.constant 0 : i32
      %dma_start3A_315 = tpu.memref_slice %arg9[%dma_start3A_313, %dma_start3A_314] : memref<16x2048xf32, #tpu.memory_space<vmem>> -> memref<16x2048xf32, #tpu.memory_space<vmem>>
      %dma_start3A_316 = arith.constant 160 : i32
      %dma_start3A_317 = tpu.memref_slice %arg7[%dma_start3A_316] : memref<256xi32, #tpu.memory_space<vmem>> -> memref<16xi32, #tpu.memory_space<vmem>>
      %dma_start3A_318 = arith.constant 0 : i32
      %dma_start3A_319 = arith.constant 0 : i32
      %dma_start3A_320 = tpu.memref_slice %arg4[%dma_start3A_318, %dma_start3A_319] : memref<100000x2048xf32, #tpu.memory_space<hbm>> -> memref<100000x2048xf32, #tpu.memory_space<hbm>>
      tpu.enqueue_indirect_dma source(%dma_start3A_320 : memref<100000x2048xf32, #tpu.memory_space<hbm>>) target(%dma_start3A_315 : memref<16x2048xf32, #tpu.memory_space<vmem>>) offsets(%dma_start3A_317 : memref<16xi32, #tpu.memory_space<vmem>>) semaphore(%arg12 : memref<!tpu.dma_semaphore, #tpu.memory_space<semaphore_mem>>)
      %dma_wait3A_321 = arith.constant 0 : i32
      %dma_wait3A_322 = arith.constant 0 : i32
      %dma_wait3A_323 = tpu.memref_slice %arg10[%dma_wait3A_321, %dma_wait3A_322] : memref<16x2048xf32, #tpu.memory_space<vmem>> -> memref<16x2048xf32, #tpu.memory_space<vmem>>
      %dma_wait3A_324 = arith.constant 144 : i32
      %dma_wait3A_325 = tpu.memref_slice %arg7[%dma_wait3A_324] : memref<256xi32, #tpu.memory_space<vmem>> -> memref<16xi32, #tpu.memory_space<vmem>>
      %dma_wait3A_326 = arith.constant 0 : i32
      %dma_wait3A_327 = arith.constant 0 : i32
      %dma_wait3A_328 = tpu.memref_slice %arg4[%dma_wait3A_326, %dma_wait3A_327] : memref<100000x2048xf32, #tpu.memory_space<hbm>> -> memref<100000x2048xf32, #tpu.memory_space<hbm>>
      tpu.wait_indirect_dma semaphore(%arg13 : memref<!tpu.dma_semaphore, #tpu.memory_space<semaphore_mem>>) src(%dma_wait3A_328 : memref<100000x2048xf32, #tpu.memory_space<hbm>>) dst(%dma_wait3A_323 : memref<16x2048xf32, #tpu.memory_space<vmem>>)
      %add3A_329 = arith.constant 64 : i32
      %add3A_330 = arith.addi %multiple_of3A, %add3A_329 : i32
      %add3A_331 = arith.constant 80 : i32
      %add3A_332 = arith.addi %add3A_330, %add3A_331 : i32
      %dma_start3A_333 = arith.constant 0 : i32
      %dma_start3A_334 = arith.constant 0 : i32
      %dma_start3A_335 = tpu.memref_slice %arg10[%dma_start3A_333, %dma_start3A_334] : memref<16x2048xf32, #tpu.memory_space<vmem>> -> memref<16x2048xf32, #tpu.memory_space<vmem>>
      %dma_start3A_336 = arith.constant 0 : i32
      %dma_start3A_337 = tpu.memref_slice %arg6[%add3A_332, %dma_start3A_336] : memref<8192x2048xf32, #tpu.memory_space<hbm>> -> memref<16x2048xf32, #tpu.memory_space<hbm>>
      %dma_start3A_338 = arith.constant 0 : i32
      %dma_start3A_339 = tpu.memref_slice %arg6[%add3A_332, %dma_start3A_338] : memref<8192x2048xf32, #tpu.memory_space<hbm>> -> memref<16x2048xf32, #tpu.memory_space<hbm>>
      %dma_start3A_340 = arith.constant 0 : i32
      %dma_start3A_341 = arith.constant 0 : i32
      %dma_start3A_342 = tpu.memref_slice %arg10[%dma_start3A_340, %dma_start3A_341] : memref<16x2048xf32, #tpu.memory_space<vmem>> -> memref<16x2048xf32, #tpu.memory_space<vmem>>
      tpu.enqueue_dma source(%dma_start3A_342 : memref<16x2048xf32, #tpu.memory_space<vmem>>) target(%dma_start3A_339 : memref<16x2048xf32, #tpu.memory_space<hbm>>) target_semaphore(%arg15 : memref<!tpu.dma_semaphore, #tpu.memory_space<semaphore_mem>>)
      %dma_wait3A_343 = arith.constant 0 : i32
      %dma_wait3A_344 = tpu.memref_slice %arg6[%add3A_188, %dma_wait3A_343] : memref<8192x2048xf32, #tpu.memory_space<hbm>> -> memref<8x2048xf32, #tpu.memory_space<hbm>>
      %dma_wait3A_345 = arith.constant 0 : i32
      %dma_wait3A_346 = tpu.memref_slice %arg11[%add3A_186, %dma_wait3A_345] : memref<384x2048xf32, #tpu.memory_space<vmem_shared>> -> memref<8x2048xf32, #tpu.memory_space<vmem_shared>>
      tpu.wait_dma2 semaphore(%arg20 : memref<!tpu.dma_semaphore, #tpu.memory_space<semaphore_mem>>) src(%dma_wait3A_346 : memref<8x2048xf32, #tpu.memory_space<vmem_shared>>) dst(%dma_wait3A_344 : memref<8x2048xf32, #tpu.memory_space<hbm>>)
      %mul3A_347 = arith.constant 64 : i32
      %mul3A_348 = arith.muli %add3A, %mul3A_347 : i32
      %add3A_349 = arith.constant 32 : i32
      %add3A_350 = arith.addi %mul3A_348, %add3A_349 : i32
      %mul3A_351 = arith.constant 24 : i32
      %mul3A_352 = arith.muli %arg1, %mul3A_351 : i32
      %add3A_353 = arith.constant 8 : i32
      %add3A_354 = arith.addi %mul3A_352, %add3A_353 : i32
      %dma_start3A_355 = arith.constant 0 : i32
      %dma_start3A_356 = tpu.memref_slice %arg11[%add3A_354, %dma_start3A_355] : memref<384x2048xf32, #tpu.memory_space<vmem_shared>> -> memref<8x2048xf32, #tpu.memory_space<vmem_shared>>
      %dma_start3A_357 = arith.constant 0 : i32
      %dma_start3A_358 = tpu.memref_slice %arg5[%add3A_350, %dma_start3A_357] : memref<2048x2048xf32, #tpu.memory_space<hbm>> -> memref<8x2048xf32, #tpu.memory_space<hbm>>
      tpu.enqueue_dma source(%dma_start3A_358 : memref<8x2048xf32, #tpu.memory_space<hbm>>) target(%dma_start3A_356 : memref<8x2048xf32, #tpu.memory_space<vmem_shared>>) target_semaphore(%arg17 : memref<!tpu.dma_semaphore, #tpu.memory_space<semaphore_mem>>)
      %dma_wait3A_359 = arith.constant 0 : i32
      %dma_wait3A_360 = arith.constant 0 : i32
      %dma_wait3A_361 = tpu.memref_slice %arg10[%dma_wait3A_359, %dma_wait3A_360] : memref<16x2048xf32, #tpu.memory_space<vmem>> -> memref<16x2048xf32, #tpu.memory_space<vmem>>
      %dma_wait3A_362 = arith.constant 0 : i32
      %dma_wait3A_363 = tpu.memref_slice %arg6[%add3A_332, %dma_wait3A_362] : memref<8192x2048xf32, #tpu.memory_space<hbm>> -> memref<16x2048xf32, #tpu.memory_space<hbm>>
      %dma_wait3A_364 = arith.constant 0 : i32
      %dma_wait3A_365 = tpu.memref_slice %arg6[%add3A_332, %dma_wait3A_364] : memref<8192x2048xf32, #tpu.memory_space<hbm>> -> memref<16x2048xf32, #tpu.memory_space<hbm>>
      %dma_wait3A_366 = arith.constant 0 : i32
      %dma_wait3A_367 = arith.constant 0 : i32
      %dma_wait3A_368 = tpu.memref_slice %arg10[%dma_wait3A_366, %dma_wait3A_367] : memref<16x2048xf32, #tpu.memory_space<vmem>> -> memref<16x2048xf32, #tpu.memory_space<vmem>>
      tpu.wait_dma2 semaphore(%arg15 : memref<!tpu.dma_semaphore, #tpu.memory_space<semaphore_mem>>) src(%dma_wait3A_368 : memref<16x2048xf32, #tpu.memory_space<vmem>>) dst(%dma_wait3A_365 : memref<16x2048xf32, #tpu.memory_space<hbm>>)
      %dma_start3A_369 = arith.constant 0 : i32
      %dma_start3A_370 = arith.constant 0 : i32
      %dma_start3A_371 = tpu.memref_slice %arg10[%dma_start3A_369, %dma_start3A_370] : memref<16x2048xf32, #tpu.memory_space<vmem>> -> memref<16x2048xf32, #tpu.memory_space<vmem>>
      %dma_start3A_372 = arith.constant 176 : i32
      %dma_start3A_373 = tpu.memref_slice %arg7[%dma_start3A_372] : memref<256xi32, #tpu.memory_space<vmem>> -> memref<16xi32, #tpu.memory_space<vmem>>
      %dma_start3A_374 = arith.constant 0 : i32
      %dma_start3A_375 = arith.constant 0 : i32
      %dma_start3A_376 = tpu.memref_slice %arg4[%dma_start3A_374, %dma_start3A_375] : memref<100000x2048xf32, #tpu.memory_space<hbm>> -> memref<100000x2048xf32, #tpu.memory_space<hbm>>
      tpu.enqueue_indirect_dma source(%dma_start3A_376 : memref<100000x2048xf32, #tpu.memory_space<hbm>>) target(%dma_start3A_371 : memref<16x2048xf32, #tpu.memory_space<vmem>>) offsets(%dma_start3A_373 : memref<16xi32, #tpu.memory_space<vmem>>) semaphore(%arg13 : memref<!tpu.dma_semaphore, #tpu.memory_space<semaphore_mem>>)
      %dma_wait3A_377 = arith.constant 0 : i32
      %dma_wait3A_378 = arith.constant 0 : i32
      %dma_wait3A_379 = tpu.memref_slice %arg9[%dma_wait3A_377, %dma_wait3A_378] : memref<16x2048xf32, #tpu.memory_space<vmem>> -> memref<16x2048xf32, #tpu.memory_space<vmem>>
      %dma_wait3A_380 = arith.constant 160 : i32
      %dma_wait3A_381 = tpu.memref_slice %arg7[%dma_wait3A_380] : memref<256xi32, #tpu.memory_space<vmem>> -> memref<16xi32, #tpu.memory_space<vmem>>
      %dma_wait3A_382 = arith.constant 0 : i32
      %dma_wait3A_383 = arith.constant 0 : i32
      %dma_wait3A_384 = tpu.memref_slice %arg4[%dma_wait3A_382, %dma_wait3A_383] : memref<100000x2048xf32, #tpu.memory_space<hbm>> -> memref<100000x2048xf32, #tpu.memory_space<hbm>>
      tpu.wait_indirect_dma semaphore(%arg12 : memref<!tpu.dma_semaphore, #tpu.memory_space<semaphore_mem>>) src(%dma_wait3A_384 : memref<100000x2048xf32, #tpu.memory_space<hbm>>) dst(%dma_wait3A_379 : memref<16x2048xf32, #tpu.memory_space<vmem>>)
      %add3A_385 = arith.constant 64 : i32
      %add3A_386 = arith.addi %multiple_of3A, %add3A_385 : i32
      %add3A_387 = arith.constant 96 : i32
      %add3A_388 = arith.addi %add3A_386, %add3A_387 : i32
      %dma_start3A_389 = arith.constant 0 : i32
      %dma_start3A_390 = arith.constant 0 : i32
      %dma_start3A_391 = tpu.memref_slice %arg9[%dma_start3A_389, %dma_start3A_390] : memref<16x2048xf32, #tpu.memory_space<vmem>> -> memref<16x2048xf32, #tpu.memory_space<vmem>>
      %dma_start3A_392 = arith.constant 0 : i32
      %dma_start3A_393 = tpu.memref_slice %arg6[%add3A_388, %dma_start3A_392] : memref<8192x2048xf32, #tpu.memory_space<hbm>> -> memref<16x2048xf32, #tpu.memory_space<hbm>>
      %dma_start3A_394 = arith.constant 0 : i32
      %dma_start3A_395 = tpu.memref_slice %arg6[%add3A_388, %dma_start3A_394] : memref<8192x2048xf32, #tpu.memory_space<hbm>> -> memref<16x2048xf32, #tpu.memory_space<hbm>>
      %dma_start3A_396 = arith.constant 0 : i32
      %dma_start3A_397 = arith.constant 0 : i32
      %dma_start3A_398 = tpu.memref_slice %arg9[%dma_start3A_396, %dma_start3A_397] : memref<16x2048xf32, #tpu.memory_space<vmem>> -> memref<16x2048xf32, #tpu.memory_space<vmem>>
      tpu.enqueue_dma source(%dma_start3A_398 : memref<16x2048xf32, #tpu.memory_space<vmem>>) target(%dma_start3A_395 : memref<16x2048xf32, #tpu.memory_space<hbm>>) target_semaphore(%arg14 : memref<!tpu.dma_semaphore, #tpu.memory_space<semaphore_mem>>)
      %dma_wait3A_399 = arith.constant 0 : i32
      %dma_wait3A_400 = tpu.memref_slice %arg6[%add3A_242, %dma_wait3A_399] : memref<8192x2048xf32, #tpu.memory_space<hbm>> -> memref<8x2048xf32, #tpu.memory_space<hbm>>
      %dma_wait3A_401 = arith.constant 0 : i32
      %dma_wait3A_402 = tpu.memref_slice %arg11[%add3A_240, %dma_wait3A_401] : memref<384x2048xf32, #tpu.memory_space<vmem_shared>> -> memref<8x2048xf32, #tpu.memory_space<vmem_shared>>
      tpu.wait_dma2 semaphore(%arg21 : memref<!tpu.dma_semaphore, #tpu.memory_space<semaphore_mem>>) src(%dma_wait3A_402 : memref<8x2048xf32, #tpu.memory_space<vmem_shared>>) dst(%dma_wait3A_400 : memref<8x2048xf32, #tpu.memory_space<hbm>>)
      %mul3A_403 = arith.constant 64 : i32
      %mul3A_404 = arith.muli %add3A, %mul3A_403 : i32
      %add3A_405 = arith.constant 40 : i32
      %add3A_406 = arith.addi %mul3A_404, %add3A_405 : i32
      %mul3A_407 = arith.constant 24 : i32
      %mul3A_408 = arith.muli %arg1, %mul3A_407 : i32
      %add3A_409 = arith.constant 16 : i32
      %add3A_410 = arith.addi %mul3A_408, %add3A_409 : i32
      %dma_start3A_411 = arith.constant 0 : i32
      %dma_start3A_412 = tpu.memref_slice %arg11[%add3A_410, %dma_start3A_411] : memref<384x2048xf32, #tpu.memory_space<vmem_shared>> -> memref<8x2048xf32, #tpu.memory_space<vmem_shared>>
      %dma_start3A_413 = arith.constant 0 : i32
      %dma_start3A_414 = tpu.memref_slice %arg5[%add3A_406, %dma_start3A_413] : memref<2048x2048xf32, #tpu.memory_space<hbm>> -> memref<8x2048xf32, #tpu.memory_space<hbm>>
      tpu.enqueue_dma source(%dma_start3A_414 : memref<8x2048xf32, #tpu.memory_space<hbm>>) target(%dma_start3A_412 : memref<8x2048xf32, #tpu.memory_space<vmem_shared>>) target_semaphore(%arg18 : memref<!tpu.dma_semaphore, #tpu.memory_space<semaphore_mem>>)
      %dma_wait3A_415 = arith.constant 0 : i32
      %dma_wait3A_416 = arith.constant 0 : i32
      %dma_wait3A_417 = tpu.memref_slice %arg9[%dma_wait3A_415, %dma_wait3A_416] : memref<16x2048xf32, #tpu.memory_space<vmem>> -> memref<16x2048xf32, #tpu.memory_space<vmem>>
      %dma_wait3A_418 = arith.constant 0 : i32
      %dma_wait3A_419 = tpu.memref_slice %arg6[%add3A_388, %dma_wait3A_418] : memref<8192x2048xf32, #tpu.memory_space<hbm>> -> memref<16x2048xf32, #tpu.memory_space<hbm>>
      %dma_wait3A_420 = arith.constant 0 : i32
      %dma_wait3A_421 = tpu.memref_slice %arg6[%add3A_388, %dma_wait3A_420] : memref<8192x2048xf32, #tpu.memory_space<hbm>> -> memref<16x2048xf32, #tpu.memory_space<hbm>>
      %dma_wait3A_422 = arith.constant 0 : i32
      %dma_wait3A_423 = arith.constant 0 : i32
      %dma_wait3A_424 = tpu.memref_slice %arg9[%dma_wait3A_422, %dma_wait3A_423] : memref<16x2048xf32, #tpu.memory_space<vmem>> -> memref<16x2048xf32, #tpu.memory_space<vmem>>
      tpu.wait_dma2 semaphore(%arg14 : memref<!tpu.dma_semaphore, #tpu.memory_space<semaphore_mem>>) src(%dma_wait3A_424 : memref<16x2048xf32, #tpu.memory_space<vmem>>) dst(%dma_wait3A_421 : memref<16x2048xf32, #tpu.memory_space<hbm>>)
      %dma_start3A_425 = arith.constant 0 : i32
      %dma_start3A_426 = arith.constant 0 : i32
      %dma_start3A_427 = tpu.memref_slice %arg9[%dma_start3A_425, %dma_start3A_426] : memref<16x2048xf32, #tpu.memory_space<vmem>> -> memref<16x2048xf32, #tpu.memory_space<vmem>>
      %dma_start3A_428 = arith.constant 192 : i32
      %dma_start3A_429 = tpu.memref_slice %arg7[%dma_start3A_428] : memref<256xi32, #tpu.memory_space<vmem>> -> memref<16xi32, #tpu.memory_space<vmem>>
      %dma_start3A_430 = arith.constant 0 : i32
      %dma_start3A_431 = arith.constant 0 : i32
      %dma_start3A_432 = tpu.memref_slice %arg4[%dma_start3A_430, %dma_start3A_431] : memref<100000x2048xf32, #tpu.memory_space<hbm>> -> memref<100000x2048xf32, #tpu.memory_space<hbm>>
      tpu.enqueue_indirect_dma source(%dma_start3A_432 : memref<100000x2048xf32, #tpu.memory_space<hbm>>) target(%dma_start3A_427 : memref<16x2048xf32, #tpu.memory_space<vmem>>) offsets(%dma_start3A_429 : memref<16xi32, #tpu.memory_space<vmem>>) semaphore(%arg12 : memref<!tpu.dma_semaphore, #tpu.memory_space<semaphore_mem>>)
      %dma_wait3A_433 = arith.constant 0 : i32
      %dma_wait3A_434 = arith.constant 0 : i32
      %dma_wait3A_435 = tpu.memref_slice %arg10[%dma_wait3A_433, %dma_wait3A_434] : memref<16x2048xf32, #tpu.memory_space<vmem>> -> memref<16x2048xf32, #tpu.memory_space<vmem>>
      %dma_wait3A_436 = arith.constant 176 : i32
      %dma_wait3A_437 = tpu.memref_slice %arg7[%dma_wait3A_436] : memref<256xi32, #tpu.memory_space<vmem>> -> memref<16xi32, #tpu.memory_space<vmem>>
      %dma_wait3A_438 = arith.constant 0 : i32
      %dma_wait3A_439 = arith.constant 0 : i32
      %dma_wait3A_440 = tpu.memref_slice %arg4[%dma_wait3A_438, %dma_wait3A_439] : memref<100000x2048xf32, #tpu.memory_space<hbm>> -> memref<100000x2048xf32, #tpu.memory_space<hbm>>
      tpu.wait_indirect_dma semaphore(%arg13 : memref<!tpu.dma_semaphore, #tpu.memory_space<semaphore_mem>>) src(%dma_wait3A_440 : memref<100000x2048xf32, #tpu.memory_space<hbm>>) dst(%dma_wait3A_435 : memref<16x2048xf32, #tpu.memory_space<vmem>>)
      %add3A_441 = arith.constant 64 : i32
      %add3A_442 = arith.addi %multiple_of3A, %add3A_441 : i32
      %add3A_443 = arith.constant 112 : i32
      %add3A_444 = arith.addi %add3A_442, %add3A_443 : i32
      %dma_start3A_445 = arith.constant 0 : i32
      %dma_start3A_446 = arith.constant 0 : i32
      %dma_start3A_447 = tpu.memref_slice %arg10[%dma_start3A_445, %dma_start3A_446] : memref<16x2048xf32, #tpu.memory_space<vmem>> -> memref<16x2048xf32, #tpu.memory_space<vmem>>
      %dma_start3A_448 = arith.constant 0 : i32
      %dma_start3A_449 = tpu.memref_slice %arg6[%add3A_444, %dma_start3A_448] : memref<8192x2048xf32, #tpu.memory_space<hbm>> -> memref<16x2048xf32, #tpu.memory_space<hbm>>
      %dma_start3A_450 = arith.constant 0 : i32
      %dma_start3A_451 = tpu.memref_slice %arg6[%add3A_444, %dma_start3A_450] : memref<8192x2048xf32, #tpu.memory_space<hbm>> -> memref<16x2048xf32, #tpu.memory_space<hbm>>
      %dma_start3A_452 = arith.constant 0 : i32
      %dma_start3A_453 = arith.constant 0 : i32
      %dma_start3A_454 = tpu.memref_slice %arg10[%dma_start3A_452, %dma_start3A_453] : memref<16x2048xf32, #tpu.memory_space<vmem>> -> memref<16x2048xf32, #tpu.memory_space<vmem>>
      tpu.enqueue_dma source(%dma_start3A_454 : memref<16x2048xf32, #tpu.memory_space<vmem>>) target(%dma_start3A_451 : memref<16x2048xf32, #tpu.memory_space<hbm>>) target_semaphore(%arg15 : memref<!tpu.dma_semaphore, #tpu.memory_space<semaphore_mem>>)
      %dma_wait3A_455 = arith.constant 0 : i32
      %dma_wait3A_456 = tpu.memref_slice %arg11[%add3A_298, %dma_wait3A_455] : memref<384x2048xf32, #tpu.memory_space<vmem_shared>> -> memref<8x2048xf32, #tpu.memory_space<vmem_shared>>
      %dma_wait3A_457 = arith.constant 0 : i32
      %dma_wait3A_458 = tpu.memref_slice %arg5[%add3A_294, %dma_wait3A_457] : memref<2048x2048xf32, #tpu.memory_space<hbm>> -> memref<8x2048xf32, #tpu.memory_space<hbm>>
      tpu.wait_dma2 semaphore(%arg16 : memref<!tpu.dma_semaphore, #tpu.memory_space<semaphore_mem>>) src(%dma_wait3A_458 : memref<8x2048xf32, #tpu.memory_space<hbm>>) dst(%dma_wait3A_456 : memref<8x2048xf32, #tpu.memory_space<vmem_shared>>)
      %mul3A_459 = arith.constant 24 : i32
      %mul3A_460 = arith.muli %arg1, %mul3A_459 : i32
      %add3A_461 = arith.constant 0 : i32
      %add3A_462 = arith.addi %mul3A_460, %add3A_461 : i32
      %add3A_463 = arith.constant 24 : i32
      %add3A_464 = arith.addi %multiple_of3A, %add3A_463 : i32
      %dma_start3A_465 = arith.constant 0 : i32
      %dma_start3A_466 = tpu.memref_slice %arg6[%add3A_464, %dma_start3A_465] : memref<8192x2048xf32, #tpu.memory_space<hbm>> -> memref<8x2048xf32, #tpu.memory_space<hbm>>
      %dma_start3A_467 = arith.constant 0 : i32
      %dma_start3A_468 = tpu.memref_slice %arg11[%add3A_462, %dma_start3A_467] : memref<384x2048xf32, #tpu.memory_space<vmem_shared>> -> memref<8x2048xf32, #tpu.memory_space<vmem_shared>>
      tpu.enqueue_dma source(%dma_start3A_468 : memref<8x2048xf32, #tpu.memory_space<vmem_shared>>) target(%dma_start3A_466 : memref<8x2048xf32, #tpu.memory_space<hbm>>) target_semaphore(%arg19 : memref<!tpu.dma_semaphore, #tpu.memory_space<semaphore_mem>>)
      %dma_wait3A_469 = arith.constant 0 : i32
      %dma_wait3A_470 = arith.constant 0 : i32
      %dma_wait3A_471 = tpu.memref_slice %arg10[%dma_wait3A_469, %dma_wait3A_470] : memref<16x2048xf32, #tpu.memory_space<vmem>> -> memref<16x2048xf32, #tpu.memory_space<vmem>>
      %dma_wait3A_472 = arith.constant 0 : i32
      %dma_wait3A_473 = tpu.memref_slice %arg6[%add3A_444, %dma_wait3A_472] : memref<8192x2048xf32, #tpu.memory_space<hbm>> -> memref<16x2048xf32, #tpu.memory_space<hbm>>
      %dma_wait3A_474 = arith.constant 0 : i32
      %dma_wait3A_475 = tpu.memref_slice %arg6[%add3A_444, %dma_wait3A_474] : memref<8192x2048xf32, #tpu.memory_space<hbm>> -> memref<16x2048xf32, #tpu.memory_space<hbm>>
      %dma_wait3A_476 = arith.constant 0 : i32
      %dma_wait3A_477 = arith.constant 0 : i32
      %dma_wait3A_478 = tpu.memref_slice %arg10[%dma_wait3A_476, %dma_wait3A_477] : memref<16x2048xf32, #tpu.memory_space<vmem>> -> memref<16x2048xf32, #tpu.memory_space<vmem>>
      tpu.wait_dma2 semaphore(%arg15 : memref<!tpu.dma_semaphore, #tpu.memory_space<semaphore_mem>>) src(%dma_wait3A_478 : memref<16x2048xf32, #tpu.memory_space<vmem>>) dst(%dma_wait3A_475 : memref<16x2048xf32, #tpu.memory_space<hbm>>)
      %dma_start3A_479 = arith.constant 0 : i32
      %dma_start3A_480 = arith.constant 0 : i32
      %dma_start3A_481 = tpu.memref_slice %arg10[%dma_start3A_479, %dma_start3A_480] : memref<16x2048xf32, #tpu.memory_space<vmem>> -> memref<16x2048xf32, #tpu.memory_space<vmem>>
      %dma_start3A_482 = arith.constant 208 : i32
      %dma_start3A_483 = tpu.memref_slice %arg7[%dma_start3A_482] : memref<256xi32, #tpu.memory_space<vmem>> -> memref<16xi32, #tpu.memory_space<vmem>>
      %dma_start3A_484 = arith.constant 0 : i32
      %dma_start3A_485 = arith.constant 0 : i32
      %dma_start3A_486 = tpu.memref_slice %arg4[%dma_start3A_484, %dma_start3A_485] : memref<100000x2048xf32, #tpu.memory_space<hbm>> -> memref<100000x2048xf32, #tpu.memory_space<hbm>>
      tpu.enqueue_indirect_dma source(%dma_start3A_486 : memref<100000x2048xf32, #tpu.memory_space<hbm>>) target(%dma_start3A_481 : memref<16x2048xf32, #tpu.memory_space<vmem>>) offsets(%dma_start3A_483 : memref<16xi32, #tpu.memory_space<vmem>>) semaphore(%arg13 : memref<!tpu.dma_semaphore, #tpu.memory_space<semaphore_mem>>)
      %dma_wait3A_487 = arith.constant 0 : i32
      %dma_wait3A_488 = arith.constant 0 : i32
      %dma_wait3A_489 = tpu.memref_slice %arg9[%dma_wait3A_487, %dma_wait3A_488] : memref<16x2048xf32, #tpu.memory_space<vmem>> -> memref<16x2048xf32, #tpu.memory_space<vmem>>
      %dma_wait3A_490 = arith.constant 192 : i32
      %dma_wait3A_491 = tpu.memref_slice %arg7[%dma_wait3A_490] : memref<256xi32, #tpu.memory_space<vmem>> -> memref<16xi32, #tpu.memory_space<vmem>>
      %dma_wait3A_492 = arith.constant 0 : i32
      %dma_wait3A_493 = arith.constant 0 : i32
      %dma_wait3A_494 = tpu.memref_slice %arg4[%dma_wait3A_492, %dma_wait3A_493] : memref<100000x2048xf32, #tpu.memory_space<hbm>> -> memref<100000x2048xf32, #tpu.memory_space<hbm>>
      tpu.wait_indirect_dma semaphore(%arg12 : memref<!tpu.dma_semaphore, #tpu.memory_space<semaphore_mem>>) src(%dma_wait3A_494 : memref<100000x2048xf32, #tpu.memory_space<hbm>>) dst(%dma_wait3A_489 : memref<16x2048xf32, #tpu.memory_space<vmem>>)
      %add3A_495 = arith.constant 64 : i32
      %add3A_496 = arith.addi %multiple_of3A, %add3A_495 : i32
      %add3A_497 = arith.constant 128 : i32
      %add3A_498 = arith.addi %add3A_496, %add3A_497 : i32
      %dma_start3A_499 = arith.constant 0 : i32
      %dma_start3A_500 = arith.constant 0 : i32
      %dma_start3A_501 = tpu.memref_slice %arg9[%dma_start3A_499, %dma_start3A_500] : memref<16x2048xf32, #tpu.memory_space<vmem>> -> memref<16x2048xf32, #tpu.memory_space<vmem>>
      %dma_start3A_502 = arith.constant 0 : i32
      %dma_start3A_503 = tpu.memref_slice %arg6[%add3A_498, %dma_start3A_502] : memref<8192x2048xf32, #tpu.memory_space<hbm>> -> memref<16x2048xf32, #tpu.memory_space<hbm>>
      %dma_start3A_504 = arith.constant 0 : i32
      %dma_start3A_505 = tpu.memref_slice %arg6[%add3A_498, %dma_start3A_504] : memref<8192x2048xf32, #tpu.memory_space<hbm>> -> memref<16x2048xf32, #tpu.memory_space<hbm>>
      %dma_start3A_506 = arith.constant 0 : i32
      %dma_start3A_507 = arith.constant 0 : i32
      %dma_start3A_508 = tpu.memref_slice %arg9[%dma_start3A_506, %dma_start3A_507] : memref<16x2048xf32, #tpu.memory_space<vmem>> -> memref<16x2048xf32, #tpu.memory_space<vmem>>
      tpu.enqueue_dma source(%dma_start3A_508 : memref<16x2048xf32, #tpu.memory_space<vmem>>) target(%dma_start3A_505 : memref<16x2048xf32, #tpu.memory_space<hbm>>) target_semaphore(%arg14 : memref<!tpu.dma_semaphore, #tpu.memory_space<semaphore_mem>>)
      %dma_wait3A_509 = arith.constant 0 : i32
      %dma_wait3A_510 = tpu.memref_slice %arg11[%add3A_354, %dma_wait3A_509] : memref<384x2048xf32, #tpu.memory_space<vmem_shared>> -> memref<8x2048xf32, #tpu.memory_space<vmem_shared>>
      %dma_wait3A_511 = arith.constant 0 : i32
      %dma_wait3A_512 = tpu.memref_slice %arg5[%add3A_350, %dma_wait3A_511] : memref<2048x2048xf32, #tpu.memory_space<hbm>> -> memref<8x2048xf32, #tpu.memory_space<hbm>>
      tpu.wait_dma2 semaphore(%arg17 : memref<!tpu.dma_semaphore, #tpu.memory_space<semaphore_mem>>) src(%dma_wait3A_512 : memref<8x2048xf32, #tpu.memory_space<hbm>>) dst(%dma_wait3A_510 : memref<8x2048xf32, #tpu.memory_space<vmem_shared>>)
      %mul3A_513 = arith.constant 24 : i32
      %mul3A_514 = arith.muli %arg1, %mul3A_513 : i32
      %add3A_515 = arith.constant 8 : i32
      %add3A_516 = arith.addi %mul3A_514, %add3A_515 : i32
      %add3A_517 = arith.constant 32 : i32
      %add3A_518 = arith.addi %multiple_of3A, %add3A_517 : i32
      %dma_start3A_519 = arith.constant 0 : i32
      %dma_start3A_520 = tpu.memref_slice %arg6[%add3A_518, %dma_start3A_519] : memref<8192x2048xf32, #tpu.memory_space<hbm>> -> memref<8x2048xf32, #tpu.memory_space<hbm>>
      %dma_start3A_521 = arith.constant 0 : i32
      %dma_start3A_522 = tpu.memref_slice %arg11[%add3A_516, %dma_start3A_521] : memref<384x2048xf32, #tpu.memory_space<vmem_shared>> -> memref<8x2048xf32, #tpu.memory_space<vmem_shared>>
      tpu.enqueue_dma source(%dma_start3A_522 : memref<8x2048xf32, #tpu.memory_space<vmem_shared>>) target(%dma_start3A_520 : memref<8x2048xf32, #tpu.memory_space<hbm>>) target_semaphore(%arg20 : memref<!tpu.dma_semaphore, #tpu.memory_space<semaphore_mem>>)
      %dma_wait3A_523 = arith.constant 0 : i32
      %dma_wait3A_524 = arith.constant 0 : i32
      %dma_wait3A_525 = tpu.memref_slice %arg9[%dma_wait3A_523, %dma_wait3A_524] : memref<16x2048xf32, #tpu.memory_space<vmem>> -> memref<16x2048xf32, #tpu.memory_space<vmem>>
      %dma_wait3A_526 = arith.constant 0 : i32
      %dma_wait3A_527 = tpu.memref_slice %arg6[%add3A_498, %dma_wait3A_526] : memref<8192x2048xf32, #tpu.memory_space<hbm>> -> memref<16x2048xf32, #tpu.memory_space<hbm>>
      %dma_wait3A_528 = arith.constant 0 : i32
      %dma_wait3A_529 = tpu.memref_slice %arg6[%add3A_498, %dma_wait3A_528] : memref<8192x2048xf32, #tpu.memory_space<hbm>> -> memref<16x2048xf32, #tpu.memory_space<hbm>>
      %dma_wait3A_530 = arith.constant 0 : i32
      %dma_wait3A_531 = arith.constant 0 : i32
      %dma_wait3A_532 = tpu.memref_slice %arg9[%dma_wait3A_530, %dma_wait3A_531] : memref<16x2048xf32, #tpu.memory_space<vmem>> -> memref<16x2048xf32, #tpu.memory_space<vmem>>
      tpu.wait_dma2 semaphore(%arg14 : memref<!tpu.dma_semaphore, #tpu.memory_space<semaphore_mem>>) src(%dma_wait3A_532 : memref<16x2048xf32, #tpu.memory_space<vmem>>) dst(%dma_wait3A_529 : memref<16x2048xf32, #tpu.memory_space<hbm>>)
      %dma_start3A_533 = arith.constant 0 : i32
      %dma_start3A_534 = arith.constant 0 : i32
      %dma_start3A_535 = tpu.memref_slice %arg9[%dma_start3A_533, %dma_start3A_534] : memref<16x2048xf32, #tpu.memory_space<vmem>> -> memref<16x2048xf32, #tpu.memory_space<vmem>>
      %dma_start3A_536 = arith.constant 224 : i32
      %dma_start3A_537 = tpu.memref_slice %arg7[%dma_start3A_536] : memref<256xi32, #tpu.memory_space<vmem>> -> memref<16xi32, #tpu.memory_space<vmem>>
      %dma_start3A_538 = arith.constant 0 : i32
      %dma_start3A_539 = arith.constant 0 : i32
      %dma_start3A_540 = tpu.memref_slice %arg4[%dma_start3A_538, %dma_start3A_539] : memref<100000x2048xf32, #tpu.memory_space<hbm>> -> memref<100000x2048xf32, #tpu.memory_space<hbm>>
      tpu.enqueue_indirect_dma source(%dma_start3A_540 : memref<100000x2048xf32, #tpu.memory_space<hbm>>) target(%dma_start3A_535 : memref<16x2048xf32, #tpu.memory_space<vmem>>) offsets(%dma_start3A_537 : memref<16xi32, #tpu.memory_space<vmem>>) semaphore(%arg12 : memref<!tpu.dma_semaphore, #tpu.memory_space<semaphore_mem>>)
      %dma_wait3A_541 = arith.constant 0 : i32
      %dma_wait3A_542 = arith.constant 0 : i32
      %dma_wait3A_543 = tpu.memref_slice %arg10[%dma_wait3A_541, %dma_wait3A_542] : memref<16x2048xf32, #tpu.memory_space<vmem>> -> memref<16x2048xf32, #tpu.memory_space<vmem>>
      %dma_wait3A_544 = arith.constant 208 : i32
      %dma_wait3A_545 = tpu.memref_slice %arg7[%dma_wait3A_544] : memref<256xi32, #tpu.memory_space<vmem>> -> memref<16xi32, #tpu.memory_space<vmem>>
      %dma_wait3A_546 = arith.constant 0 : i32
      %dma_wait3A_547 = arith.constant 0 : i32
      %dma_wait3A_548 = tpu.memref_slice %arg4[%dma_wait3A_546, %dma_wait3A_547] : memref<100000x2048xf32, #tpu.memory_space<hbm>> -> memref<100000x2048xf32, #tpu.memory_space<hbm>>
      tpu.wait_indirect_dma semaphore(%arg13 : memref<!tpu.dma_semaphore, #tpu.memory_space<semaphore_mem>>) src(%dma_wait3A_548 : memref<100000x2048xf32, #tpu.memory_space<hbm>>) dst(%dma_wait3A_543 : memref<16x2048xf32, #tpu.memory_space<vmem>>)
      %add3A_549 = arith.constant 64 : i32
      %add3A_550 = arith.addi %multiple_of3A, %add3A_549 : i32
      %add3A_551 = arith.constant 144 : i32
      %add3A_552 = arith.addi %add3A_550, %add3A_551 : i32
      %dma_start3A_553 = arith.constant 0 : i32
      %dma_start3A_554 = arith.constant 0 : i32
      %dma_start3A_555 = tpu.memref_slice %arg10[%dma_start3A_553, %dma_start3A_554] : memref<16x2048xf32, #tpu.memory_space<vmem>> -> memref<16x2048xf32, #tpu.memory_space<vmem>>
      %dma_start3A_556 = arith.constant 0 : i32
      %dma_start3A_557 = tpu.memref_slice %arg6[%add3A_552, %dma_start3A_556] : memref<8192x2048xf32, #tpu.memory_space<hbm>> -> memref<16x2048xf32, #tpu.memory_space<hbm>>
      %dma_start3A_558 = arith.constant 0 : i32
      %dma_start3A_559 = tpu.memref_slice %arg6[%add3A_552, %dma_start3A_558] : memref<8192x2048xf32, #tpu.memory_space<hbm>> -> memref<16x2048xf32, #tpu.memory_space<hbm>>
      %dma_start3A_560 = arith.constant 0 : i32
      %dma_start3A_561 = arith.constant 0 : i32
      %dma_start3A_562 = tpu.memref_slice %arg10[%dma_start3A_560, %dma_start3A_561] : memref<16x2048xf32, #tpu.memory_space<vmem>> -> memref<16x2048xf32, #tpu.memory_space<vmem>>
      tpu.enqueue_dma source(%dma_start3A_562 : memref<16x2048xf32, #tpu.memory_space<vmem>>) target(%dma_start3A_559 : memref<16x2048xf32, #tpu.memory_space<hbm>>) target_semaphore(%arg15 : memref<!tpu.dma_semaphore, #tpu.memory_space<semaphore_mem>>)
      %dma_wait3A_563 = arith.constant 0 : i32
      %dma_wait3A_564 = tpu.memref_slice %arg11[%add3A_410, %dma_wait3A_563] : memref<384x2048xf32, #tpu.memory_space<vmem_shared>> -> memref<8x2048xf32, #tpu.memory_space<vmem_shared>>
      %dma_wait3A_565 = arith.constant 0 : i32
      %dma_wait3A_566 = tpu.memref_slice %arg5[%add3A_406, %dma_wait3A_565] : memref<2048x2048xf32, #tpu.memory_space<hbm>> -> memref<8x2048xf32, #tpu.memory_space<hbm>>
      tpu.wait_dma2 semaphore(%arg18 : memref<!tpu.dma_semaphore, #tpu.memory_space<semaphore_mem>>) src(%dma_wait3A_566 : memref<8x2048xf32, #tpu.memory_space<hbm>>) dst(%dma_wait3A_564 : memref<8x2048xf32, #tpu.memory_space<vmem_shared>>)
      %mul3A_567 = arith.constant 24 : i32
      %mul3A_568 = arith.muli %arg1, %mul3A_567 : i32
      %add3A_569 = arith.constant 16 : i32
      %add3A_570 = arith.addi %mul3A_568, %add3A_569 : i32
      %add3A_571 = arith.constant 40 : i32
      %add3A_572 = arith.addi %multiple_of3A, %add3A_571 : i32
      %dma_start3A_573 = arith.constant 0 : i32
      %dma_start3A_574 = tpu.memref_slice %arg6[%add3A_572, %dma_start3A_573] : memref<8192x2048xf32, #tpu.memory_space<hbm>> -> memref<8x2048xf32, #tpu.memory_space<hbm>>
      %dma_start3A_575 = arith.constant 0 : i32
      %dma_start3A_576 = tpu.memref_slice %arg11[%add3A_570, %dma_start3A_575] : memref<384x2048xf32, #tpu.memory_space<vmem_shared>> -> memref<8x2048xf32, #tpu.memory_space<vmem_shared>>
      tpu.enqueue_dma source(%dma_start3A_576 : memref<8x2048xf32, #tpu.memory_space<vmem_shared>>) target(%dma_start3A_574 : memref<8x2048xf32, #tpu.memory_space<hbm>>) target_semaphore(%arg21 : memref<!tpu.dma_semaphore, #tpu.memory_space<semaphore_mem>>)
      %dma_wait3A_577 = arith.constant 0 : i32
      %dma_wait3A_578 = arith.constant 0 : i32
      %dma_wait3A_579 = tpu.memref_slice %arg10[%dma_wait3A_577, %dma_wait3A_578] : memref<16x2048xf32, #tpu.memory_space<vmem>> -> memref<16x2048xf32, #tpu.memory_space<vmem>>
      %dma_wait3A_580 = arith.constant 0 : i32
      %dma_wait3A_581 = tpu.memref_slice %arg6[%add3A_552, %dma_wait3A_580] : memref<8192x2048xf32, #tpu.memory_space<hbm>> -> memref<16x2048xf32, #tpu.memory_space<hbm>>
      %dma_wait3A_582 = arith.constant 0 : i32
      %dma_wait3A_583 = tpu.memref_slice %arg6[%add3A_552, %dma_wait3A_582] : memref<8192x2048xf32, #tpu.memory_space<hbm>> -> memref<16x2048xf32, #tpu.memory_space<hbm>>
      %dma_wait3A_584 = arith.constant 0 : i32
      %dma_wait3A_585 = arith.constant 0 : i32
      %dma_wait3A_586 = tpu.memref_slice %arg10[%dma_wait3A_584, %dma_wait3A_585] : memref<16x2048xf32, #tpu.memory_space<vmem>> -> memref<16x2048xf32, #tpu.memory_space<vmem>>
      tpu.wait_dma2 semaphore(%arg15 : memref<!tpu.dma_semaphore, #tpu.memory_space<semaphore_mem>>) src(%dma_wait3A_586 : memref<16x2048xf32, #tpu.memory_space<vmem>>) dst(%dma_wait3A_583 : memref<16x2048xf32, #tpu.memory_space<hbm>>)
      %dma_start3A_587 = arith.constant 0 : i32
      %dma_start3A_588 = arith.constant 0 : i32
      %dma_start3A_589 = tpu.memref_slice %arg10[%dma_start3A_587, %dma_start3A_588] : memref<16x2048xf32, #tpu.memory_space<vmem>> -> memref<16x2048xf32, #tpu.memory_space<vmem>>
      %dma_start3A_590 = arith.constant 240 : i32
      %dma_start3A_591 = tpu.memref_slice %arg7[%dma_start3A_590] : memref<256xi32, #tpu.memory_space<vmem>> -> memref<16xi32, #tpu.memory_space<vmem>>
      %dma_start3A_592 = arith.constant 0 : i32
      %dma_start3A_593 = arith.constant 0 : i32
      %dma_start3A_594 = tpu.memref_slice %arg4[%dma_start3A_592, %dma_start3A_593] : memref<100000x2048xf32, #tpu.memory_space<hbm>> -> memref<100000x2048xf32, #tpu.memory_space<hbm>>
      tpu.enqueue_indirect_dma source(%dma_start3A_594 : memref<100000x2048xf32, #tpu.memory_space<hbm>>) target(%dma_start3A_589 : memref<16x2048xf32, #tpu.memory_space<vmem>>) offsets(%dma_start3A_591 : memref<16xi32, #tpu.memory_space<vmem>>) semaphore(%arg13 : memref<!tpu.dma_semaphore, #tpu.memory_space<semaphore_mem>>)
      %dma_wait3A_595 = arith.constant 0 : i32
      %dma_wait3A_596 = arith.constant 0 : i32
      %dma_wait3A_597 = tpu.memref_slice %arg9[%dma_wait3A_595, %dma_wait3A_596] : memref<16x2048xf32, #tpu.memory_space<vmem>> -> memref<16x2048xf32, #tpu.memory_space<vmem>>
      %dma_wait3A_598 = arith.constant 224 : i32
      %dma_wait3A_599 = tpu.memref_slice %arg7[%dma_wait3A_598] : memref<256xi32, #tpu.memory_space<vmem>> -> memref<16xi32, #tpu.memory_space<vmem>>
      %dma_wait3A_600 = arith.constant 0 : i32
      %dma_wait3A_601 = arith.constant 0 : i32
      %dma_wait3A_602 = tpu.memref_slice %arg4[%dma_wait3A_600, %dma_wait3A_601] : memref<100000x2048xf32, #tpu.memory_space<hbm>> -> memref<100000x2048xf32, #tpu.memory_space<hbm>>
      tpu.wait_indirect_dma semaphore(%arg12 : memref<!tpu.dma_semaphore, #tpu.memory_space<semaphore_mem>>) src(%dma_wait3A_602 : memref<100000x2048xf32, #tpu.memory_space<hbm>>) dst(%dma_wait3A_597 : memref<16x2048xf32, #tpu.memory_space<vmem>>)
      %add3A_603 = arith.constant 64 : i32
      %add3A_604 = arith.addi %multiple_of3A, %add3A_603 : i32
      %add3A_605 = arith.constant 160 : i32
      %add3A_606 = arith.addi %add3A_604, %add3A_605 : i32
      %dma_start3A_607 = arith.constant 0 : i32
      %dma_start3A_608 = arith.constant 0 : i32
      %dma_start3A_609 = tpu.memref_slice %arg9[%dma_start3A_607, %dma_start3A_608] : memref<16x2048xf32, #tpu.memory_space<vmem>> -> memref<16x2048xf32, #tpu.memory_space<vmem>>
      %dma_start3A_610 = arith.constant 0 : i32
      %dma_start3A_611 = tpu.memref_slice %arg6[%add3A_606, %dma_start3A_610] : memref<8192x2048xf32, #tpu.memory_space<hbm>> -> memref<16x2048xf32, #tpu.memory_space<hbm>>
      %dma_start3A_612 = arith.constant 0 : i32
      %dma_start3A_613 = tpu.memref_slice %arg6[%add3A_606, %dma_start3A_612] : memref<8192x2048xf32, #tpu.memory_space<hbm>> -> memref<16x2048xf32, #tpu.memory_space<hbm>>
      %dma_start3A_614 = arith.constant 0 : i32
      %dma_start3A_615 = arith.constant 0 : i32
      %dma_start3A_616 = tpu.memref_slice %arg9[%dma_start3A_614, %dma_start3A_615] : memref<16x2048xf32, #tpu.memory_space<vmem>> -> memref<16x2048xf32, #tpu.memory_space<vmem>>
      tpu.enqueue_dma source(%dma_start3A_616 : memref<16x2048xf32, #tpu.memory_space<vmem>>) target(%dma_start3A_613 : memref<16x2048xf32, #tpu.memory_space<hbm>>) target_semaphore(%arg14 : memref<!tpu.dma_semaphore, #tpu.memory_space<semaphore_mem>>)
      %dma_wait3A_617 = arith.constant 0 : i32
      %dma_wait3A_618 = tpu.memref_slice %arg6[%add3A_464, %dma_wait3A_617] : memref<8192x2048xf32, #tpu.memory_space<hbm>> -> memref<8x2048xf32, #tpu.memory_space<hbm>>
      %dma_wait3A_619 = arith.constant 0 : i32
      %dma_wait3A_620 = tpu.memref_slice %arg11[%add3A_462, %dma_wait3A_619] : memref<384x2048xf32, #tpu.memory_space<vmem_shared>> -> memref<8x2048xf32, #tpu.memory_space<vmem_shared>>
      tpu.wait_dma2 semaphore(%arg19 : memref<!tpu.dma_semaphore, #tpu.memory_space<semaphore_mem>>) src(%dma_wait3A_620 : memref<8x2048xf32, #tpu.memory_space<vmem_shared>>) dst(%dma_wait3A_618 : memref<8x2048xf32, #tpu.memory_space<hbm>>)
      %mul3A_621 = arith.constant 64 : i32
      %mul3A_622 = arith.muli %add3A, %mul3A_621 : i32
      %add3A_623 = arith.constant 48 : i32
      %add3A_624 = arith.addi %mul3A_622, %add3A_623 : i32
      %mul3A_625 = arith.constant 24 : i32
      %mul3A_626 = arith.muli %arg1, %mul3A_625 : i32
      %add3A_627 = arith.constant 0 : i32
      %add3A_628 = arith.addi %mul3A_626, %add3A_627 : i32
      %dma_start3A_629 = arith.constant 0 : i32
      %dma_start3A_630 = tpu.memref_slice %arg11[%add3A_628, %dma_start3A_629] : memref<384x2048xf32, #tpu.memory_space<vmem_shared>> -> memref<8x2048xf32, #tpu.memory_space<vmem_shared>>
      %dma_start3A_631 = arith.constant 0 : i32
      %dma_start3A_632 = tpu.memref_slice %arg5[%add3A_624, %dma_start3A_631] : memref<2048x2048xf32, #tpu.memory_space<hbm>> -> memref<8x2048xf32, #tpu.memory_space<hbm>>
      tpu.enqueue_dma source(%dma_start3A_632 : memref<8x2048xf32, #tpu.memory_space<hbm>>) target(%dma_start3A_630 : memref<8x2048xf32, #tpu.memory_space<vmem_shared>>) target_semaphore(%arg16 : memref<!tpu.dma_semaphore, #tpu.memory_space<semaphore_mem>>)
      %dma_wait3A_633 = arith.constant 0 : i32
      %dma_wait3A_634 = tpu.memref_slice %arg6[%add3A_518, %dma_wait3A_633] : memref<8192x2048xf32, #tpu.memory_space<hbm>> -> memref<8x2048xf32, #tpu.memory_space<hbm>>
      %dma_wait3A_635 = arith.constant 0 : i32
      %dma_wait3A_636 = tpu.memref_slice %arg11[%add3A_516, %dma_wait3A_635] : memref<384x2048xf32, #tpu.memory_space<vmem_shared>> -> memref<8x2048xf32, #tpu.memory_space<vmem_shared>>
      tpu.wait_dma2 semaphore(%arg20 : memref<!tpu.dma_semaphore, #tpu.memory_space<semaphore_mem>>) src(%dma_wait3A_636 : memref<8x2048xf32, #tpu.memory_space<vmem_shared>>) dst(%dma_wait3A_634 : memref<8x2048xf32, #tpu.memory_space<hbm>>)
      %mul3A_637 = arith.constant 64 : i32
      %mul3A_638 = arith.muli %add3A, %mul3A_637 : i32
      %add3A_639 = arith.constant 56 : i32
      %add3A_640 = arith.addi %mul3A_638, %add3A_639 : i32
      %mul3A_641 = arith.constant 24 : i32
      %mul3A_642 = arith.muli %arg1, %mul3A_641 : i32
      %add3A_643 = arith.constant 8 : i32
      %add3A_644 = arith.addi %mul3A_642, %add3A_643 : i32
      %dma_start3A_645 = arith.constant 0 : i32
      %dma_start3A_646 = tpu.memref_slice %arg11[%add3A_644, %dma_start3A_645] : memref<384x2048xf32, #tpu.memory_space<vmem_shared>> -> memref<8x2048xf32, #tpu.memory_space<vmem_shared>>
      %dma_start3A_647 = arith.constant 0 : i32
      %dma_start3A_648 = tpu.memref_slice %arg5[%add3A_640, %dma_start3A_647] : memref<2048x2048xf32, #tpu.memory_space<hbm>> -> memref<8x2048xf32, #tpu.memory_space<hbm>>
      tpu.enqueue_dma source(%dma_start3A_648 : memref<8x2048xf32, #tpu.memory_space<hbm>>) target(%dma_start3A_646 : memref<8x2048xf32, #tpu.memory_space<vmem_shared>>) target_semaphore(%arg17 : memref<!tpu.dma_semaphore, #tpu.memory_space<semaphore_mem>>)
      %dma_wait3A_649 = arith.constant 0 : i32
      %dma_wait3A_650 = arith.constant 0 : i32
      %dma_wait3A_651 = tpu.memref_slice %arg10[%dma_wait3A_649, %dma_wait3A_650] : memref<16x2048xf32, #tpu.memory_space<vmem>> -> memref<16x2048xf32, #tpu.memory_space<vmem>>
      %dma_wait3A_652 = arith.constant 240 : i32
      %dma_wait3A_653 = tpu.memref_slice %arg7[%dma_wait3A_652] : memref<256xi32, #tpu.memory_space<vmem>> -> memref<16xi32, #tpu.memory_space<vmem>>
      %dma_wait3A_654 = arith.constant 0 : i32
      %dma_wait3A_655 = arith.constant 0 : i32
      %dma_wait3A_656 = tpu.memref_slice %arg4[%dma_wait3A_654, %dma_wait3A_655] : memref<100000x2048xf32, #tpu.memory_space<hbm>> -> memref<100000x2048xf32, #tpu.memory_space<hbm>>
      tpu.wait_indirect_dma semaphore(%arg13 : memref<!tpu.dma_semaphore, #tpu.memory_space<semaphore_mem>>) src(%dma_wait3A_656 : memref<100000x2048xf32, #tpu.memory_space<hbm>>) dst(%dma_wait3A_651 : memref<16x2048xf32, #tpu.memory_space<vmem>>)
      %add3A_657 = arith.constant 64 : i32
      %add3A_658 = arith.addi %multiple_of3A, %add3A_657 : i32
      %add3A_659 = arith.constant 176 : i32
      %add3A_660 = arith.addi %add3A_658, %add3A_659 : i32
      %dma_start3A_661 = arith.constant 0 : i32
      %dma_start3A_662 = arith.constant 0 : i32
      %dma_start3A_663 = tpu.memref_slice %arg10[%dma_start3A_661, %dma_start3A_662] : memref<16x2048xf32, #tpu.memory_space<vmem>> -> memref<16x2048xf32, #tpu.memory_space<vmem>>
      %dma_start3A_664 = arith.constant 0 : i32
      %dma_start3A_665 = tpu.memref_slice %arg6[%add3A_660, %dma_start3A_664] : memref<8192x2048xf32, #tpu.memory_space<hbm>> -> memref<16x2048xf32, #tpu.memory_space<hbm>>
      %dma_start3A_666 = arith.constant 0 : i32
      %dma_start3A_667 = tpu.memref_slice %arg6[%add3A_660, %dma_start3A_666] : memref<8192x2048xf32, #tpu.memory_space<hbm>> -> memref<16x2048xf32, #tpu.memory_space<hbm>>
      %dma_start3A_668 = arith.constant 0 : i32
      %dma_start3A_669 = arith.constant 0 : i32
      %dma_start3A_670 = tpu.memref_slice %arg10[%dma_start3A_668, %dma_start3A_669] : memref<16x2048xf32, #tpu.memory_space<vmem>> -> memref<16x2048xf32, #tpu.memory_space<vmem>>
      tpu.enqueue_dma source(%dma_start3A_670 : memref<16x2048xf32, #tpu.memory_space<vmem>>) target(%dma_start3A_667 : memref<16x2048xf32, #tpu.memory_space<hbm>>) target_semaphore(%arg15 : memref<!tpu.dma_semaphore, #tpu.memory_space<semaphore_mem>>)
      %dma_wait3A_671 = arith.constant 0 : i32
      %dma_wait3A_672 = tpu.memref_slice %arg11[%add3A_628, %dma_wait3A_671] : memref<384x2048xf32, #tpu.memory_space<vmem_shared>> -> memref<8x2048xf32, #tpu.memory_space<vmem_shared>>
      %dma_wait3A_673 = arith.constant 0 : i32
      %dma_wait3A_674 = tpu.memref_slice %arg5[%add3A_624, %dma_wait3A_673] : memref<2048x2048xf32, #tpu.memory_space<hbm>> -> memref<8x2048xf32, #tpu.memory_space<hbm>>
      tpu.wait_dma2 semaphore(%arg16 : memref<!tpu.dma_semaphore, #tpu.memory_space<semaphore_mem>>) src(%dma_wait3A_674 : memref<8x2048xf32, #tpu.memory_space<hbm>>) dst(%dma_wait3A_672 : memref<8x2048xf32, #tpu.memory_space<vmem_shared>>)
      %mul3A_675 = arith.constant 24 : i32
      %mul3A_676 = arith.muli %arg1, %mul3A_675 : i32
      %add3A_677 = arith.constant 0 : i32
      %add3A_678 = arith.addi %mul3A_676, %add3A_677 : i32
      %add3A_679 = arith.constant 48 : i32
      %add3A_680 = arith.addi %multiple_of3A, %add3A_679 : i32
      %dma_start3A_681 = arith.constant 0 : i32
      %dma_start3A_682 = tpu.memref_slice %arg6[%add3A_680, %dma_start3A_681] : memref<8192x2048xf32, #tpu.memory_space<hbm>> -> memref<8x2048xf32, #tpu.memory_space<hbm>>
      %dma_start3A_683 = arith.constant 0 : i32
      %dma_start3A_684 = tpu.memref_slice %arg11[%add3A_678, %dma_start3A_683] : memref<384x2048xf32, #tpu.memory_space<vmem_shared>> -> memref<8x2048xf32, #tpu.memory_space<vmem_shared>>
      tpu.enqueue_dma source(%dma_start3A_684 : memref<8x2048xf32, #tpu.memory_space<vmem_shared>>) target(%dma_start3A_682 : memref<8x2048xf32, #tpu.memory_space<hbm>>) target_semaphore(%arg19 : memref<!tpu.dma_semaphore, #tpu.memory_space<semaphore_mem>>)
      %dma_wait3A_685 = arith.constant 0 : i32
      %dma_wait3A_686 = tpu.memref_slice %arg11[%add3A_644, %dma_wait3A_685] : memref<384x2048xf32, #tpu.memory_space<vmem_shared>> -> memref<8x2048xf32, #tpu.memory_space<vmem_shared>>
      %dma_wait3A_687 = arith.constant 0 : i32
      %dma_wait3A_688 = tpu.memref_slice %arg5[%add3A_640, %dma_wait3A_687] : memref<2048x2048xf32, #tpu.memory_space<hbm>> -> memref<8x2048xf32, #tpu.memory_space<hbm>>
      tpu.wait_dma2 semaphore(%arg17 : memref<!tpu.dma_semaphore, #tpu.memory_space<semaphore_mem>>) src(%dma_wait3A_688 : memref<8x2048xf32, #tpu.memory_space<hbm>>) dst(%dma_wait3A_686 : memref<8x2048xf32, #tpu.memory_space<vmem_shared>>)
      %mul3A_689 = arith.constant 24 : i32
      %mul3A_690 = arith.muli %arg1, %mul3A_689 : i32
      %add3A_691 = arith.constant 8 : i32
      %add3A_692 = arith.addi %mul3A_690, %add3A_691 : i32
      %add3A_693 = arith.constant 56 : i32
      %add3A_694 = arith.addi %multiple_of3A, %add3A_693 : i32
      %dma_start3A_695 = arith.constant 0 : i32
      %dma_start3A_696 = tpu.memref_slice %arg6[%add3A_694, %dma_start3A_695] : memref<8192x2048xf32, #tpu.memory_space<hbm>> -> memref<8x2048xf32, #tpu.memory_space<hbm>>
      %dma_start3A_697 = arith.constant 0 : i32
      %dma_start3A_698 = tpu.memref_slice %arg11[%add3A_692, %dma_start3A_697] : memref<384x2048xf32, #tpu.memory_space<vmem_shared>> -> memref<8x2048xf32, #tpu.memory_space<vmem_shared>>
      tpu.enqueue_dma source(%dma_start3A_698 : memref<8x2048xf32, #tpu.memory_space<vmem_shared>>) target(%dma_start3A_696 : memref<8x2048xf32, #tpu.memory_space<hbm>>) target_semaphore(%arg20 : memref<!tpu.dma_semaphore, #tpu.memory_space<semaphore_mem>>)
      %dma_wait3A_699 = arith.constant 0 : i32
      %dma_wait3A_700 = arith.constant 0 : i32
      %dma_wait3A_701 = tpu.memref_slice %arg9[%dma_wait3A_699, %dma_wait3A_700] : memref<16x2048xf32, #tpu.memory_space<vmem>> -> memref<16x2048xf32, #tpu.memory_space<vmem>>
      %dma_wait3A_702 = arith.constant 0 : i32
      %dma_wait3A_703 = tpu.memref_slice %arg6[%add3A_606, %dma_wait3A_702] : memref<8192x2048xf32, #tpu.memory_space<hbm>> -> memref<16x2048xf32, #tpu.memory_space<hbm>>
      %dma_wait3A_704 = arith.constant 0 : i32
      %dma_wait3A_705 = tpu.memref_slice %arg6[%add3A_606, %dma_wait3A_704] : memref<8192x2048xf32, #tpu.memory_space<hbm>> -> memref<16x2048xf32, #tpu.memory_space<hbm>>
      %dma_wait3A_706 = arith.constant 0 : i32
      %dma_wait3A_707 = arith.constant 0 : i32
      %dma_wait3A_708 = tpu.memref_slice %arg9[%dma_wait3A_706, %dma_wait3A_707] : memref<16x2048xf32, #tpu.memory_space<vmem>> -> memref<16x2048xf32, #tpu.memory_space<vmem>>
      tpu.wait_dma2 semaphore(%arg14 : memref<!tpu.dma_semaphore, #tpu.memory_space<semaphore_mem>>) src(%dma_wait3A_708 : memref<16x2048xf32, #tpu.memory_space<vmem>>) dst(%dma_wait3A_705 : memref<16x2048xf32, #tpu.memory_space<hbm>>)
      %dma_wait3A_709 = arith.constant 0 : i32
      %dma_wait3A_710 = arith.constant 0 : i32
      %dma_wait3A_711 = tpu.memref_slice %arg10[%dma_wait3A_709, %dma_wait3A_710] : memref<16x2048xf32, #tpu.memory_space<vmem>> -> memref<16x2048xf32, #tpu.memory_space<vmem>>
      %dma_wait3A_712 = arith.constant 0 : i32
      %dma_wait3A_713 = tpu.memref_slice %arg6[%add3A_660, %dma_wait3A_712] : memref<8192x2048xf32, #tpu.memory_space<hbm>> -> memref<16x2048xf32, #tpu.memory_space<hbm>>
      %dma_wait3A_714 = arith.constant 0 : i32
      %dma_wait3A_715 = tpu.memref_slice %arg6[%add3A_660, %dma_wait3A_714] : memref<8192x2048xf32, #tpu.memory_space<hbm>> -> memref<16x2048xf32, #tpu.memory_space<hbm>>
      %dma_wait3A_716 = arith.constant 0 : i32
      %dma_wait3A_717 = arith.constant 0 : i32
      %dma_wait3A_718 = tpu.memref_slice %arg10[%dma_wait3A_716, %dma_wait3A_717] : memref<16x2048xf32, #tpu.memory_space<vmem>> -> memref<16x2048xf32, #tpu.memory_space<vmem>>
      tpu.wait_dma2 semaphore(%arg15 : memref<!tpu.dma_semaphore, #tpu.memory_space<semaphore_mem>>) src(%dma_wait3A_718 : memref<16x2048xf32, #tpu.memory_space<vmem>>) dst(%dma_wait3A_715 : memref<16x2048xf32, #tpu.memory_space<hbm>>)
      %dma_wait3A_719 = arith.constant 0 : i32
      %dma_wait3A_720 = tpu.memref_slice %arg6[%add3A_572, %dma_wait3A_719] : memref<8192x2048xf32, #tpu.memory_space<hbm>> -> memref<8x2048xf32, #tpu.memory_space<hbm>>
      %dma_wait3A_721 = arith.constant 0 : i32
      %dma_wait3A_722 = tpu.memref_slice %arg11[%add3A_570, %dma_wait3A_721] : memref<384x2048xf32, #tpu.memory_space<vmem_shared>> -> memref<8x2048xf32, #tpu.memory_space<vmem_shared>>
      tpu.wait_dma2 semaphore(%arg21 : memref<!tpu.dma_semaphore, #tpu.memory_space<semaphore_mem>>) src(%dma_wait3A_722 : memref<8x2048xf32, #tpu.memory_space<vmem_shared>>) dst(%dma_wait3A_720 : memref<8x2048xf32, #tpu.memory_space<hbm>>)
      %dma_wait3A_723 = arith.constant 0 : i32
      %dma_wait3A_724 = tpu.memref_slice %arg6[%add3A_680, %dma_wait3A_723] : memref<8192x2048xf32, #tpu.memory_space<hbm>> -> memref<8x2048xf32, #tpu.memory_space<hbm>>
      %dma_wait3A_725 = arith.constant 0 : i32
      %dma_wait3A_726 = tpu.memref_slice %arg11[%add3A_678, %dma_wait3A_725] : memref<384x2048xf32, #tpu.memory_space<vmem_shared>> -> memref<8x2048xf32, #tpu.memory_space<vmem_shared>>
      tpu.wait_dma2 semaphore(%arg19 : memref<!tpu.dma_semaphore, #tpu.memory_space<semaphore_mem>>) src(%dma_wait3A_726 : memref<8x2048xf32, #tpu.memory_space<vmem_shared>>) dst(%dma_wait3A_724 : memref<8x2048xf32, #tpu.memory_space<hbm>>)
      %dma_wait3A_727 = arith.constant 0 : i32
      %dma_wait3A_728 = tpu.memref_slice %arg6[%add3A_694, %dma_wait3A_727] : memref<8192x2048xf32, #tpu.memory_space<hbm>> -> memref<8x2048xf32, #tpu.memory_space<hbm>>
      %dma_wait3A_729 = arith.constant 0 : i32
      %dma_wait3A_730 = tpu.memref_slice %arg11[%add3A_692, %dma_wait3A_729] : memref<384x2048xf32, #tpu.memory_space<vmem_shared>> -> memref<8x2048xf32, #tpu.memory_space<vmem_shared>>
      tpu.wait_dma2 semaphore(%arg20 : memref<!tpu.dma_semaphore, #tpu.memory_space<semaphore_mem>>) src(%dma_wait3A_730 : memref<8x2048xf32, #tpu.memory_space<vmem_shared>>) dst(%dma_wait3A_728 : memref<8x2048xf32, #tpu.memory_space<hbm>>)
    } else {
    }
    %not3A = arith.constant true
    %not3A_44 = arith.xori %eq3A, %not3A : i1
    %convert_element_type3A_45 = arith.extui %not3A_44 : i1 to i32
    %cond3A_46 = arith.constant 0 : i32
    %cond3A_47 = arith.cmpi ne, %convert_element_type3A_45, %cond3A_46 : i32
    scf.if %cond3A_47 {
      %dma_start3A_48 = arith.constant 0 : i32
      %dma_start3A_49 = arith.constant 0 : i32
      %dma_start3A_50 = tpu.memref_slice %arg9[%dma_start3A_48, %dma_start3A_49] : memref<16x2048xf32, #tpu.memory_space<vmem>> -> memref<16x2048xf32, #tpu.memory_space<vmem>>
      %dma_start3A_51 = arith.constant 0 : i32
      %dma_start3A_52 = tpu.memref_slice %arg7[%dma_start3A_51] : memref<256xi32, #tpu.memory_space<vmem>> -> memref<16xi32, #tpu.memory_space<vmem>>
      %dma_start3A_53 = arith.constant 0 : i32
      %dma_start3A_54 = arith.constant 0 : i32
      %dma_start3A_55 = tpu.memref_slice %arg4[%dma_start3A_53, %dma_start3A_54] : memref<100000x2048xf32, #tpu.memory_space<hbm>> -> memref<100000x2048xf32, #tpu.memory_space<hbm>>
      tpu.enqueue_indirect_dma source(%dma_start3A_55 : memref<100000x2048xf32, #tpu.memory_space<hbm>>) target(%dma_start3A_50 : memref<16x2048xf32, #tpu.memory_space<vmem>>) offsets(%dma_start3A_52 : memref<16xi32, #tpu.memory_space<vmem>>) semaphore(%arg12 : memref<!tpu.dma_semaphore, #tpu.memory_space<semaphore_mem>>)
      %dma_start3A_56 = arith.constant 0 : i32
      %dma_start3A_57 = arith.constant 0 : i32
      %dma_start3A_58 = tpu.memref_slice %arg10[%dma_start3A_56, %dma_start3A_57] : memref<16x2048xf32, #tpu.memory_space<vmem>> -> memref<16x2048xf32, #tpu.memory_space<vmem>>
      %dma_start3A_59 = arith.constant 16 : i32
      %dma_start3A_60 = tpu.memref_slice %arg7[%dma_start3A_59] : memref<256xi32, #tpu.memory_space<vmem>> -> memref<16xi32, #tpu.memory_space<vmem>>
      %dma_start3A_61 = arith.constant 0 : i32
      %dma_start3A_62 = arith.constant 0 : i32
      %dma_start3A_63 = tpu.memref_slice %arg4[%dma_start3A_61, %dma_start3A_62] : memref<100000x2048xf32, #tpu.memory_space<hbm>> -> memref<100000x2048xf32, #tpu.memory_space<hbm>>
      tpu.enqueue_indirect_dma source(%dma_start3A_63 : memref<100000x2048xf32, #tpu.memory_space<hbm>>) target(%dma_start3A_58 : memref<16x2048xf32, #tpu.memory_space<vmem>>) offsets(%dma_start3A_60 : memref<16xi32, #tpu.memory_space<vmem>>) semaphore(%arg13 : memref<!tpu.dma_semaphore, #tpu.memory_space<semaphore_mem>>)
      %dma_wait3A = arith.constant 0 : i32
      %dma_wait3A_64 = arith.constant 0 : i32
      %dma_wait3A_65 = tpu.memref_slice %arg9[%dma_wait3A, %dma_wait3A_64] : memref<16x2048xf32, #tpu.memory_space<vmem>> -> memref<16x2048xf32, #tpu.memory_space<vmem>>
      %dma_wait3A_66 = arith.constant 0 : i32
      %dma_wait3A_67 = tpu.memref_slice %arg7[%dma_wait3A_66] : memref<256xi32, #tpu.memory_space<vmem>> -> memref<16xi32, #tpu.memory_space<vmem>>
      %dma_wait3A_68 = arith.constant 0 : i32
      %dma_wait3A_69 = arith.constant 0 : i32
      %dma_wait3A_70 = tpu.memref_slice %arg4[%dma_wait3A_68, %dma_wait3A_69] : memref<100000x2048xf32, #tpu.memory_space<hbm>> -> memref<100000x2048xf32, #tpu.memory_space<hbm>>
      tpu.wait_indirect_dma semaphore(%arg12 : memref<!tpu.dma_semaphore, #tpu.memory_space<semaphore_mem>>) src(%dma_wait3A_70 : memref<100000x2048xf32, #tpu.memory_space<hbm>>) dst(%dma_wait3A_65 : memref<16x2048xf32, #tpu.memory_space<vmem>>)
      %add3A_71 = arith.constant 0 : i32
      %add3A_72 = arith.addi %multiple_of3A, %add3A_71 : i32
      %add3A_73 = arith.constant 0 : i32
      %add3A_74 = arith.addi %add3A_72, %add3A_73 : i32
      %dma_start3A_75 = arith.constant 0 : i32
      %dma_start3A_76 = arith.constant 0 : i32
      %dma_start3A_77 = tpu.memref_slice %arg9[%dma_start3A_75, %dma_start3A_76] : memref<16x2048xf32, #tpu.memory_space<vmem>> -> memref<16x2048xf32, #tpu.memory_space<vmem>>
      %dma_start3A_78 = arith.constant 0 : i32
      %dma_start3A_79 = tpu.memref_slice %arg6[%add3A_74, %dma_start3A_78] : memref<8192x2048xf32, #tpu.memory_space<hbm>> -> memref<16x2048xf32, #tpu.memory_space<hbm>>
      %dma_start3A_80 = arith.constant 0 : i32
      %dma_start3A_81 = tpu.memref_slice %arg6[%add3A_74, %dma_start3A_80] : memref<8192x2048xf32, #tpu.memory_space<hbm>> -> memref<16x2048xf32, #tpu.memory_space<hbm>>
      %dma_start3A_82 = arith.constant 0 : i32
      %dma_start3A_83 = arith.constant 0 : i32
      %dma_start3A_84 = tpu.memref_slice %arg9[%dma_start3A_82, %dma_start3A_83] : memref<16x2048xf32, #tpu.memory_space<vmem>> -> memref<16x2048xf32, #tpu.memory_space<vmem>>
      tpu.enqueue_dma source(%dma_start3A_84 : memref<16x2048xf32, #tpu.memory_space<vmem>>) target(%dma_start3A_81 : memref<16x2048xf32, #tpu.memory_space<hbm>>) target_semaphore(%arg14 : memref<!tpu.dma_semaphore, #tpu.memory_space<semaphore_mem>>)
      %dma_wait3A_85 = arith.constant 0 : i32
      %dma_wait3A_86 = arith.constant 0 : i32
      %dma_wait3A_87 = tpu.memref_slice %arg9[%dma_wait3A_85, %dma_wait3A_86] : memref<16x2048xf32, #tpu.memory_space<vmem>> -> memref<16x2048xf32, #tpu.memory_space<vmem>>
      %dma_wait3A_88 = arith.constant 0 : i32
      %dma_wait3A_89 = tpu.memref_slice %arg6[%add3A_74, %dma_wait3A_88] : memref<8192x2048xf32, #tpu.memory_space<hbm>> -> memref<16x2048xf32, #tpu.memory_space<hbm>>
      %dma_wait3A_90 = arith.constant 0 : i32
      %dma_wait3A_91 = tpu.memref_slice %arg6[%add3A_74, %dma_wait3A_90] : memref<8192x2048xf32, #tpu.memory_space<hbm>> -> memref<16x2048xf32, #tpu.memory_space<hbm>>
      %dma_wait3A_92 = arith.constant 0 : i32
      %dma_wait3A_93 = arith.constant 0 : i32
      %dma_wait3A_94 = tpu.memref_slice %arg9[%dma_wait3A_92, %dma_wait3A_93] : memref<16x2048xf32, #tpu.memory_space<vmem>> -> memref<16x2048xf32, #tpu.memory_space<vmem>>
      tpu.wait_dma2 semaphore(%arg14 : memref<!tpu.dma_semaphore, #tpu.memory_space<semaphore_mem>>) src(%dma_wait3A_94 : memref<16x2048xf32, #tpu.memory_space<vmem>>) dst(%dma_wait3A_91 : memref<16x2048xf32, #tpu.memory_space<hbm>>)
      %dma_start3A_95 = arith.constant 0 : i32
      %dma_start3A_96 = arith.constant 0 : i32
      %dma_start3A_97 = tpu.memref_slice %arg9[%dma_start3A_95, %dma_start3A_96] : memref<16x2048xf32, #tpu.memory_space<vmem>> -> memref<16x2048xf32, #tpu.memory_space<vmem>>
      %dma_start3A_98 = arith.constant 32 : i32
      %dma_start3A_99 = tpu.memref_slice %arg7[%dma_start3A_98] : memref<256xi32, #tpu.memory_space<vmem>> -> memref<16xi32, #tpu.memory_space<vmem>>
      %dma_start3A_100 = arith.constant 0 : i32
      %dma_start3A_101 = arith.constant 0 : i32
      %dma_start3A_102 = tpu.memref_slice %arg4[%dma_start3A_100, %dma_start3A_101] : memref<100000x2048xf32, #tpu.memory_space<hbm>> -> memref<100000x2048xf32, #tpu.memory_space<hbm>>
      tpu.enqueue_indirect_dma source(%dma_start3A_102 : memref<100000x2048xf32, #tpu.memory_space<hbm>>) target(%dma_start3A_97 : memref<16x2048xf32, #tpu.memory_space<vmem>>) offsets(%dma_start3A_99 : memref<16xi32, #tpu.memory_space<vmem>>) semaphore(%arg12 : memref<!tpu.dma_semaphore, #tpu.memory_space<semaphore_mem>>)
      %dma_wait3A_103 = arith.constant 0 : i32
      %dma_wait3A_104 = arith.constant 0 : i32
      %dma_wait3A_105 = tpu.memref_slice %arg10[%dma_wait3A_103, %dma_wait3A_104] : memref<16x2048xf32, #tpu.memory_space<vmem>> -> memref<16x2048xf32, #tpu.memory_space<vmem>>
      %dma_wait3A_106 = arith.constant 16 : i32
      %dma_wait3A_107 = tpu.memref_slice %arg7[%dma_wait3A_106] : memref<256xi32, #tpu.memory_space<vmem>> -> memref<16xi32, #tpu.memory_space<vmem>>
      %dma_wait3A_108 = arith.constant 0 : i32
      %dma_wait3A_109 = arith.constant 0 : i32
      %dma_wait3A_110 = tpu.memref_slice %arg4[%dma_wait3A_108, %dma_wait3A_109] : memref<100000x2048xf32, #tpu.memory_space<hbm>> -> memref<100000x2048xf32, #tpu.memory_space<hbm>>
      tpu.wait_indirect_dma semaphore(%arg13 : memref<!tpu.dma_semaphore, #tpu.memory_space<semaphore_mem>>) src(%dma_wait3A_110 : memref<100000x2048xf32, #tpu.memory_space<hbm>>) dst(%dma_wait3A_105 : memref<16x2048xf32, #tpu.memory_space<vmem>>)
      %add3A_111 = arith.constant 0 : i32
      %add3A_112 = arith.addi %multiple_of3A, %add3A_111 : i32
      %add3A_113 = arith.constant 16 : i32
      %add3A_114 = arith.addi %add3A_112, %add3A_113 : i32
      %dma_start3A_115 = arith.constant 0 : i32
      %dma_start3A_116 = arith.constant 0 : i32
      %dma_start3A_117 = tpu.memref_slice %arg10[%dma_start3A_115, %dma_start3A_116] : memref<16x2048xf32, #tpu.memory_space<vmem>> -> memref<16x2048xf32, #tpu.memory_space<vmem>>
      %dma_start3A_118 = arith.constant 0 : i32
      %dma_start3A_119 = tpu.memref_slice %arg6[%add3A_114, %dma_start3A_118] : memref<8192x2048xf32, #tpu.memory_space<hbm>> -> memref<16x2048xf32, #tpu.memory_space<hbm>>
      %dma_start3A_120 = arith.constant 0 : i32
      %dma_start3A_121 = tpu.memref_slice %arg6[%add3A_114, %dma_start3A_120] : memref<8192x2048xf32, #tpu.memory_space<hbm>> -> memref<16x2048xf32, #tpu.memory_space<hbm>>
      %dma_start3A_122 = arith.constant 0 : i32
      %dma_start3A_123 = arith.constant 0 : i32
      %dma_start3A_124 = tpu.memref_slice %arg10[%dma_start3A_122, %dma_start3A_123] : memref<16x2048xf32, #tpu.memory_space<vmem>> -> memref<16x2048xf32, #tpu.memory_space<vmem>>
      tpu.enqueue_dma source(%dma_start3A_124 : memref<16x2048xf32, #tpu.memory_space<vmem>>) target(%dma_start3A_121 : memref<16x2048xf32, #tpu.memory_space<hbm>>) target_semaphore(%arg15 : memref<!tpu.dma_semaphore, #tpu.memory_space<semaphore_mem>>)
      %dma_wait3A_125 = arith.constant 0 : i32
      %dma_wait3A_126 = arith.constant 0 : i32
      %dma_wait3A_127 = tpu.memref_slice %arg10[%dma_wait3A_125, %dma_wait3A_126] : memref<16x2048xf32, #tpu.memory_space<vmem>> -> memref<16x2048xf32, #tpu.memory_space<vmem>>
      %dma_wait3A_128 = arith.constant 0 : i32
      %dma_wait3A_129 = tpu.memref_slice %arg6[%add3A_114, %dma_wait3A_128] : memref<8192x2048xf32, #tpu.memory_space<hbm>> -> memref<16x2048xf32, #tpu.memory_space<hbm>>
      %dma_wait3A_130 = arith.constant 0 : i32
      %dma_wait3A_131 = tpu.memref_slice %arg6[%add3A_114, %dma_wait3A_130] : memref<8192x2048xf32, #tpu.memory_space<hbm>> -> memref<16x2048xf32, #tpu.memory_space<hbm>>
      %dma_wait3A_132 = arith.constant 0 : i32
      %dma_wait3A_133 = arith.constant 0 : i32
      %dma_wait3A_134 = tpu.memref_slice %arg10[%dma_wait3A_132, %dma_wait3A_133] : memref<16x2048xf32, #tpu.memory_space<vmem>> -> memref<16x2048xf32, #tpu.memory_space<vmem>>
      tpu.wait_dma2 semaphore(%arg15 : memref<!tpu.dma_semaphore, #tpu.memory_space<semaphore_mem>>) src(%dma_wait3A_134 : memref<16x2048xf32, #tpu.memory_space<vmem>>) dst(%dma_wait3A_131 : memref<16x2048xf32, #tpu.memory_space<hbm>>)
      %dma_start3A_135 = arith.constant 0 : i32
      %dma_start3A_136 = arith.constant 0 : i32
      %dma_start3A_137 = tpu.memref_slice %arg10[%dma_start3A_135, %dma_start3A_136] : memref<16x2048xf32, #tpu.memory_space<vmem>> -> memref<16x2048xf32, #tpu.memory_space<vmem>>
      %dma_start3A_138 = arith.constant 48 : i32
      %dma_start3A_139 = tpu.memref_slice %arg7[%dma_start3A_138] : memref<256xi32, #tpu.memory_space<vmem>> -> memref<16xi32, #tpu.memory_space<vmem>>
      %dma_start3A_140 = arith.constant 0 : i32
      %dma_start3A_141 = arith.constant 0 : i32
      %dma_start3A_142 = tpu.memref_slice %arg4[%dma_start3A_140, %dma_start3A_141] : memref<100000x2048xf32, #tpu.memory_space<hbm>> -> memref<100000x2048xf32, #tpu.memory_space<hbm>>
      tpu.enqueue_indirect_dma source(%dma_start3A_142 : memref<100000x2048xf32, #tpu.memory_space<hbm>>) target(%dma_start3A_137 : memref<16x2048xf32, #tpu.memory_space<vmem>>) offsets(%dma_start3A_139 : memref<16xi32, #tpu.memory_space<vmem>>) semaphore(%arg13 : memref<!tpu.dma_semaphore, #tpu.memory_space<semaphore_mem>>)
      %dma_wait3A_143 = arith.constant 0 : i32
      %dma_wait3A_144 = arith.constant 0 : i32
      %dma_wait3A_145 = tpu.memref_slice %arg9[%dma_wait3A_143, %dma_wait3A_144] : memref<16x2048xf32, #tpu.memory_space<vmem>> -> memref<16x2048xf32, #tpu.memory_space<vmem>>
      %dma_wait3A_146 = arith.constant 32 : i32
      %dma_wait3A_147 = tpu.memref_slice %arg7[%dma_wait3A_146] : memref<256xi32, #tpu.memory_space<vmem>> -> memref<16xi32, #tpu.memory_space<vmem>>
      %dma_wait3A_148 = arith.constant 0 : i32
      %dma_wait3A_149 = arith.constant 0 : i32
      %dma_wait3A_150 = tpu.memref_slice %arg4[%dma_wait3A_148, %dma_wait3A_149] : memref<100000x2048xf32, #tpu.memory_space<hbm>> -> memref<100000x2048xf32, #tpu.memory_space<hbm>>
      tpu.wait_indirect_dma semaphore(%arg12 : memref<!tpu.dma_semaphore, #tpu.memory_space<semaphore_mem>>) src(%dma_wait3A_150 : memref<100000x2048xf32, #tpu.memory_space<hbm>>) dst(%dma_wait3A_145 : memref<16x2048xf32, #tpu.memory_space<vmem>>)
      %add3A_151 = arith.constant 0 : i32
      %add3A_152 = arith.addi %multiple_of3A, %add3A_151 : i32
      %add3A_153 = arith.constant 32 : i32
      %add3A_154 = arith.addi %add3A_152, %add3A_153 : i32
      %dma_start3A_155 = arith.constant 0 : i32
      %dma_start3A_156 = arith.constant 0 : i32
      %dma_start3A_157 = tpu.memref_slice %arg9[%dma_start3A_155, %dma_start3A_156] : memref<16x2048xf32, #tpu.memory_space<vmem>> -> memref<16x2048xf32, #tpu.memory_space<vmem>>
      %dma_start3A_158 = arith.constant 0 : i32
      %dma_start3A_159 = tpu.memref_slice %arg6[%add3A_154, %dma_start3A_158] : memref<8192x2048xf32, #tpu.memory_space<hbm>> -> memref<16x2048xf32, #tpu.memory_space<hbm>>
      %dma_start3A_160 = arith.constant 0 : i32
      %dma_start3A_161 = tpu.memref_slice %arg6[%add3A_154, %dma_start3A_160] : memref<8192x2048xf32, #tpu.memory_space<hbm>> -> memref<16x2048xf32, #tpu.memory_space<hbm>>
      %dma_start3A_162 = arith.constant 0 : i32
      %dma_start3A_163 = arith.constant 0 : i32
      %dma_start3A_164 = tpu.memref_slice %arg9[%dma_start3A_162, %dma_start3A_163] : memref<16x2048xf32, #tpu.memory_space<vmem>> -> memref<16x2048xf32, #tpu.memory_space<vmem>>
      tpu.enqueue_dma source(%dma_start3A_164 : memref<16x2048xf32, #tpu.memory_space<vmem>>) target(%dma_start3A_161 : memref<16x2048xf32, #tpu.memory_space<hbm>>) target_semaphore(%arg14 : memref<!tpu.dma_semaphore, #tpu.memory_space<semaphore_mem>>)
      %dma_wait3A_165 = arith.constant 0 : i32
      %dma_wait3A_166 = arith.constant 0 : i32
      %dma_wait3A_167 = tpu.memref_slice %arg9[%dma_wait3A_165, %dma_wait3A_166] : memref<16x2048xf32, #tpu.memory_space<vmem>> -> memref<16x2048xf32, #tpu.memory_space<vmem>>
      %dma_wait3A_168 = arith.constant 0 : i32
      %dma_wait3A_169 = tpu.memref_slice %arg6[%add3A_154, %dma_wait3A_168] : memref<8192x2048xf32, #tpu.memory_space<hbm>> -> memref<16x2048xf32, #tpu.memory_space<hbm>>
      %dma_wait3A_170 = arith.constant 0 : i32
      %dma_wait3A_171 = tpu.memref_slice %arg6[%add3A_154, %dma_wait3A_170] : memref<8192x2048xf32, #tpu.memory_space<hbm>> -> memref<16x2048xf32, #tpu.memory_space<hbm>>
      %dma_wait3A_172 = arith.constant 0 : i32
      %dma_wait3A_173 = arith.constant 0 : i32
      %dma_wait3A_174 = tpu.memref_slice %arg9[%dma_wait3A_172, %dma_wait3A_173] : memref<16x2048xf32, #tpu.memory_space<vmem>> -> memref<16x2048xf32, #tpu.memory_space<vmem>>
      tpu.wait_dma2 semaphore(%arg14 : memref<!tpu.dma_semaphore, #tpu.memory_space<semaphore_mem>>) src(%dma_wait3A_174 : memref<16x2048xf32, #tpu.memory_space<vmem>>) dst(%dma_wait3A_171 : memref<16x2048xf32, #tpu.memory_space<hbm>>)
      %dma_start3A_175 = arith.constant 0 : i32
      %dma_start3A_176 = arith.constant 0 : i32
      %dma_start3A_177 = tpu.memref_slice %arg9[%dma_start3A_175, %dma_start3A_176] : memref<16x2048xf32, #tpu.memory_space<vmem>> -> memref<16x2048xf32, #tpu.memory_space<vmem>>
      %dma_start3A_178 = arith.constant 64 : i32
      %dma_start3A_179 = tpu.memref_slice %arg7[%dma_start3A_178] : memref<256xi32, #tpu.memory_space<vmem>> -> memref<16xi32, #tpu.memory_space<vmem>>
      %dma_start3A_180 = arith.constant 0 : i32
      %dma_start3A_181 = arith.constant 0 : i32
      %dma_start3A_182 = tpu.memref_slice %arg4[%dma_start3A_180, %dma_start3A_181] : memref<100000x2048xf32, #tpu.memory_space<hbm>> -> memref<100000x2048xf32, #tpu.memory_space<hbm>>
      tpu.enqueue_indirect_dma source(%dma_start3A_182 : memref<100000x2048xf32, #tpu.memory_space<hbm>>) target(%dma_start3A_177 : memref<16x2048xf32, #tpu.memory_space<vmem>>) offsets(%dma_start3A_179 : memref<16xi32, #tpu.memory_space<vmem>>) semaphore(%arg12 : memref<!tpu.dma_semaphore, #tpu.memory_space<semaphore_mem>>)
      %dma_wait3A_183 = arith.constant 0 : i32
      %dma_wait3A_184 = arith.constant 0 : i32
      %dma_wait3A_185 = tpu.memref_slice %arg10[%dma_wait3A_183, %dma_wait3A_184] : memref<16x2048xf32, #tpu.memory_space<vmem>> -> memref<16x2048xf32, #tpu.memory_space<vmem>>
      %dma_wait3A_186 = arith.constant 48 : i32
      %dma_wait3A_187 = tpu.memref_slice %arg7[%dma_wait3A_186] : memref<256xi32, #tpu.memory_space<vmem>> -> memref<16xi32, #tpu.memory_space<vmem>>
      %dma_wait3A_188 = arith.constant 0 : i32
      %dma_wait3A_189 = arith.constant 0 : i32
      %dma_wait3A_190 = tpu.memref_slice %arg4[%dma_wait3A_188, %dma_wait3A_189] : memref<100000x2048xf32, #tpu.memory_space<hbm>> -> memref<100000x2048xf32, #tpu.memory_space<hbm>>
      tpu.wait_indirect_dma semaphore(%arg13 : memref<!tpu.dma_semaphore, #tpu.memory_space<semaphore_mem>>) src(%dma_wait3A_190 : memref<100000x2048xf32, #tpu.memory_space<hbm>>) dst(%dma_wait3A_185 : memref<16x2048xf32, #tpu.memory_space<vmem>>)
      %add3A_191 = arith.constant 0 : i32
      %add3A_192 = arith.addi %multiple_of3A, %add3A_191 : i32
      %add3A_193 = arith.constant 48 : i32
      %add3A_194 = arith.addi %add3A_192, %add3A_193 : i32
      %dma_start3A_195 = arith.constant 0 : i32
      %dma_start3A_196 = arith.constant 0 : i32
      %dma_start3A_197 = tpu.memref_slice %arg10[%dma_start3A_195, %dma_start3A_196] : memref<16x2048xf32, #tpu.memory_space<vmem>> -> memref<16x2048xf32, #tpu.memory_space<vmem>>
      %dma_start3A_198 = arith.constant 0 : i32
      %dma_start3A_199 = tpu.memref_slice %arg6[%add3A_194, %dma_start3A_198] : memref<8192x2048xf32, #tpu.memory_space<hbm>> -> memref<16x2048xf32, #tpu.memory_space<hbm>>
      %dma_start3A_200 = arith.constant 0 : i32
      %dma_start3A_201 = tpu.memref_slice %arg6[%add3A_194, %dma_start3A_200] : memref<8192x2048xf32, #tpu.memory_space<hbm>> -> memref<16x2048xf32, #tpu.memory_space<hbm>>
      %dma_start3A_202 = arith.constant 0 : i32
      %dma_start3A_203 = arith.constant 0 : i32
      %dma_start3A_204 = tpu.memref_slice %arg10[%dma_start3A_202, %dma_start3A_203] : memref<16x2048xf32, #tpu.memory_space<vmem>> -> memref<16x2048xf32, #tpu.memory_space<vmem>>
      tpu.enqueue_dma source(%dma_start3A_204 : memref<16x2048xf32, #tpu.memory_space<vmem>>) target(%dma_start3A_201 : memref<16x2048xf32, #tpu.memory_space<hbm>>) target_semaphore(%arg15 : memref<!tpu.dma_semaphore, #tpu.memory_space<semaphore_mem>>)
      %dma_wait3A_205 = arith.constant 0 : i32
      %dma_wait3A_206 = arith.constant 0 : i32
      %dma_wait3A_207 = tpu.memref_slice %arg10[%dma_wait3A_205, %dma_wait3A_206] : memref<16x2048xf32, #tpu.memory_space<vmem>> -> memref<16x2048xf32, #tpu.memory_space<vmem>>
      %dma_wait3A_208 = arith.constant 0 : i32
      %dma_wait3A_209 = tpu.memref_slice %arg6[%add3A_194, %dma_wait3A_208] : memref<8192x2048xf32, #tpu.memory_space<hbm>> -> memref<16x2048xf32, #tpu.memory_space<hbm>>
      %dma_wait3A_210 = arith.constant 0 : i32
      %dma_wait3A_211 = tpu.memref_slice %arg6[%add3A_194, %dma_wait3A_210] : memref<8192x2048xf32, #tpu.memory_space<hbm>> -> memref<16x2048xf32, #tpu.memory_space<hbm>>
      %dma_wait3A_212 = arith.constant 0 : i32
      %dma_wait3A_213 = arith.constant 0 : i32
      %dma_wait3A_214 = tpu.memref_slice %arg10[%dma_wait3A_212, %dma_wait3A_213] : memref<16x2048xf32, #tpu.memory_space<vmem>> -> memref<16x2048xf32, #tpu.memory_space<vmem>>
      tpu.wait_dma2 semaphore(%arg15 : memref<!tpu.dma_semaphore, #tpu.memory_space<semaphore_mem>>) src(%dma_wait3A_214 : memref<16x2048xf32, #tpu.memory_space<vmem>>) dst(%dma_wait3A_211 : memref<16x2048xf32, #tpu.memory_space<hbm>>)
      %dma_start3A_215 = arith.constant 0 : i32
      %dma_start3A_216 = arith.constant 0 : i32
      %dma_start3A_217 = tpu.memref_slice %arg10[%dma_start3A_215, %dma_start3A_216] : memref<16x2048xf32, #tpu.memory_space<vmem>> -> memref<16x2048xf32, #tpu.memory_space<vmem>>
      %dma_start3A_218 = arith.constant 80 : i32
      %dma_start3A_219 = tpu.memref_slice %arg7[%dma_start3A_218] : memref<256xi32, #tpu.memory_space<vmem>> -> memref<16xi32, #tpu.memory_space<vmem>>
      %dma_start3A_220 = arith.constant 0 : i32
      %dma_start3A_221 = arith.constant 0 : i32
      %dma_start3A_222 = tpu.memref_slice %arg4[%dma_start3A_220, %dma_start3A_221] : memref<100000x2048xf32, #tpu.memory_space<hbm>> -> memref<100000x2048xf32, #tpu.memory_space<hbm>>
      tpu.enqueue_indirect_dma source(%dma_start3A_222 : memref<100000x2048xf32, #tpu.memory_space<hbm>>) target(%dma_start3A_217 : memref<16x2048xf32, #tpu.memory_space<vmem>>) offsets(%dma_start3A_219 : memref<16xi32, #tpu.memory_space<vmem>>) semaphore(%arg13 : memref<!tpu.dma_semaphore, #tpu.memory_space<semaphore_mem>>)
      %dma_wait3A_223 = arith.constant 0 : i32
      %dma_wait3A_224 = arith.constant 0 : i32
      %dma_wait3A_225 = tpu.memref_slice %arg9[%dma_wait3A_223, %dma_wait3A_224] : memref<16x2048xf32, #tpu.memory_space<vmem>> -> memref<16x2048xf32, #tpu.memory_space<vmem>>
      %dma_wait3A_226 = arith.constant 64 : i32
      %dma_wait3A_227 = tpu.memref_slice %arg7[%dma_wait3A_226] : memref<256xi32, #tpu.memory_space<vmem>> -> memref<16xi32, #tpu.memory_space<vmem>>
      %dma_wait3A_228 = arith.constant 0 : i32
      %dma_wait3A_229 = arith.constant 0 : i32
      %dma_wait3A_230 = tpu.memref_slice %arg4[%dma_wait3A_228, %dma_wait3A_229] : memref<100000x2048xf32, #tpu.memory_space<hbm>> -> memref<100000x2048xf32, #tpu.memory_space<hbm>>
      tpu.wait_indirect_dma semaphore(%arg12 : memref<!tpu.dma_semaphore, #tpu.memory_space<semaphore_mem>>) src(%dma_wait3A_230 : memref<100000x2048xf32, #tpu.memory_space<hbm>>) dst(%dma_wait3A_225 : memref<16x2048xf32, #tpu.memory_space<vmem>>)
      %add3A_231 = arith.constant 0 : i32
      %add3A_232 = arith.addi %multiple_of3A, %add3A_231 : i32
      %add3A_233 = arith.constant 64 : i32
      %add3A_234 = arith.addi %add3A_232, %add3A_233 : i32
      %dma_start3A_235 = arith.constant 0 : i32
      %dma_start3A_236 = arith.constant 0 : i32
      %dma_start3A_237 = tpu.memref_slice %arg9[%dma_start3A_235, %dma_start3A_236] : memref<16x2048xf32, #tpu.memory_space<vmem>> -> memref<16x2048xf32, #tpu.memory_space<vmem>>
      %dma_start3A_238 = arith.constant 0 : i32
      %dma_start3A_239 = tpu.memref_slice %arg6[%add3A_234, %dma_start3A_238] : memref<8192x2048xf32, #tpu.memory_space<hbm>> -> memref<16x2048xf32, #tpu.memory_space<hbm>>
      %dma_start3A_240 = arith.constant 0 : i32
      %dma_start3A_241 = tpu.memref_slice %arg6[%add3A_234, %dma_start3A_240] : memref<8192x2048xf32, #tpu.memory_space<hbm>> -> memref<16x2048xf32, #tpu.memory_space<hbm>>
      %dma_start3A_242 = arith.constant 0 : i32
      %dma_start3A_243 = arith.constant 0 : i32
      %dma_start3A_244 = tpu.memref_slice %arg9[%dma_start3A_242, %dma_start3A_243] : memref<16x2048xf32, #tpu.memory_space<vmem>> -> memref<16x2048xf32, #tpu.memory_space<vmem>>
      tpu.enqueue_dma source(%dma_start3A_244 : memref<16x2048xf32, #tpu.memory_space<vmem>>) target(%dma_start3A_241 : memref<16x2048xf32, #tpu.memory_space<hbm>>) target_semaphore(%arg14 : memref<!tpu.dma_semaphore, #tpu.memory_space<semaphore_mem>>)
      %dma_wait3A_245 = arith.constant 0 : i32
      %dma_wait3A_246 = arith.constant 0 : i32
      %dma_wait3A_247 = tpu.memref_slice %arg9[%dma_wait3A_245, %dma_wait3A_246] : memref<16x2048xf32, #tpu.memory_space<vmem>> -> memref<16x2048xf32, #tpu.memory_space<vmem>>
      %dma_wait3A_248 = arith.constant 0 : i32
      %dma_wait3A_249 = tpu.memref_slice %arg6[%add3A_234, %dma_wait3A_248] : memref<8192x2048xf32, #tpu.memory_space<hbm>> -> memref<16x2048xf32, #tpu.memory_space<hbm>>
      %dma_wait3A_250 = arith.constant 0 : i32
      %dma_wait3A_251 = tpu.memref_slice %arg6[%add3A_234, %dma_wait3A_250] : memref<8192x2048xf32, #tpu.memory_space<hbm>> -> memref<16x2048xf32, #tpu.memory_space<hbm>>
      %dma_wait3A_252 = arith.constant 0 : i32
      %dma_wait3A_253 = arith.constant 0 : i32
      %dma_wait3A_254 = tpu.memref_slice %arg9[%dma_wait3A_252, %dma_wait3A_253] : memref<16x2048xf32, #tpu.memory_space<vmem>> -> memref<16x2048xf32, #tpu.memory_space<vmem>>
      tpu.wait_dma2 semaphore(%arg14 : memref<!tpu.dma_semaphore, #tpu.memory_space<semaphore_mem>>) src(%dma_wait3A_254 : memref<16x2048xf32, #tpu.memory_space<vmem>>) dst(%dma_wait3A_251 : memref<16x2048xf32, #tpu.memory_space<hbm>>)
      %dma_start3A_255 = arith.constant 0 : i32
      %dma_start3A_256 = arith.constant 0 : i32
      %dma_start3A_257 = tpu.memref_slice %arg9[%dma_start3A_255, %dma_start3A_256] : memref<16x2048xf32, #tpu.memory_space<vmem>> -> memref<16x2048xf32, #tpu.memory_space<vmem>>
      %dma_start3A_258 = arith.constant 96 : i32
      %dma_start3A_259 = tpu.memref_slice %arg7[%dma_start3A_258] : memref<256xi32, #tpu.memory_space<vmem>> -> memref<16xi32, #tpu.memory_space<vmem>>
      %dma_start3A_260 = arith.constant 0 : i32
      %dma_start3A_261 = arith.constant 0 : i32
      %dma_start3A_262 = tpu.memref_slice %arg4[%dma_start3A_260, %dma_start3A_261] : memref<100000x2048xf32, #tpu.memory_space<hbm>> -> memref<100000x2048xf32, #tpu.memory_space<hbm>>
      tpu.enqueue_indirect_dma source(%dma_start3A_262 : memref<100000x2048xf32, #tpu.memory_space<hbm>>) target(%dma_start3A_257 : memref<16x2048xf32, #tpu.memory_space<vmem>>) offsets(%dma_start3A_259 : memref<16xi32, #tpu.memory_space<vmem>>) semaphore(%arg12 : memref<!tpu.dma_semaphore, #tpu.memory_space<semaphore_mem>>)
      %dma_wait3A_263 = arith.constant 0 : i32
      %dma_wait3A_264 = arith.constant 0 : i32
      %dma_wait3A_265 = tpu.memref_slice %arg10[%dma_wait3A_263, %dma_wait3A_264] : memref<16x2048xf32, #tpu.memory_space<vmem>> -> memref<16x2048xf32, #tpu.memory_space<vmem>>
      %dma_wait3A_266 = arith.constant 80 : i32
      %dma_wait3A_267 = tpu.memref_slice %arg7[%dma_wait3A_266] : memref<256xi32, #tpu.memory_space<vmem>> -> memref<16xi32, #tpu.memory_space<vmem>>
      %dma_wait3A_268 = arith.constant 0 : i32
      %dma_wait3A_269 = arith.constant 0 : i32
      %dma_wait3A_270 = tpu.memref_slice %arg4[%dma_wait3A_268, %dma_wait3A_269] : memref<100000x2048xf32, #tpu.memory_space<hbm>> -> memref<100000x2048xf32, #tpu.memory_space<hbm>>
      tpu.wait_indirect_dma semaphore(%arg13 : memref<!tpu.dma_semaphore, #tpu.memory_space<semaphore_mem>>) src(%dma_wait3A_270 : memref<100000x2048xf32, #tpu.memory_space<hbm>>) dst(%dma_wait3A_265 : memref<16x2048xf32, #tpu.memory_space<vmem>>)
      %add3A_271 = arith.constant 0 : i32
      %add3A_272 = arith.addi %multiple_of3A, %add3A_271 : i32
      %add3A_273 = arith.constant 80 : i32
      %add3A_274 = arith.addi %add3A_272, %add3A_273 : i32
      %dma_start3A_275 = arith.constant 0 : i32
      %dma_start3A_276 = arith.constant 0 : i32
      %dma_start3A_277 = tpu.memref_slice %arg10[%dma_start3A_275, %dma_start3A_276] : memref<16x2048xf32, #tpu.memory_space<vmem>> -> memref<16x2048xf32, #tpu.memory_space<vmem>>
      %dma_start3A_278 = arith.constant 0 : i32
      %dma_start3A_279 = tpu.memref_slice %arg6[%add3A_274, %dma_start3A_278] : memref<8192x2048xf32, #tpu.memory_space<hbm>> -> memref<16x2048xf32, #tpu.memory_space<hbm>>
      %dma_start3A_280 = arith.constant 0 : i32
      %dma_start3A_281 = tpu.memref_slice %arg6[%add3A_274, %dma_start3A_280] : memref<8192x2048xf32, #tpu.memory_space<hbm>> -> memref<16x2048xf32, #tpu.memory_space<hbm>>
      %dma_start3A_282 = arith.constant 0 : i32
      %dma_start3A_283 = arith.constant 0 : i32
      %dma_start3A_284 = tpu.memref_slice %arg10[%dma_start3A_282, %dma_start3A_283] : memref<16x2048xf32, #tpu.memory_space<vmem>> -> memref<16x2048xf32, #tpu.memory_space<vmem>>
      tpu.enqueue_dma source(%dma_start3A_284 : memref<16x2048xf32, #tpu.memory_space<vmem>>) target(%dma_start3A_281 : memref<16x2048xf32, #tpu.memory_space<hbm>>) target_semaphore(%arg15 : memref<!tpu.dma_semaphore, #tpu.memory_space<semaphore_mem>>)
      %dma_wait3A_285 = arith.constant 0 : i32
      %dma_wait3A_286 = arith.constant 0 : i32
      %dma_wait3A_287 = tpu.memref_slice %arg10[%dma_wait3A_285, %dma_wait3A_286] : memref<16x2048xf32, #tpu.memory_space<vmem>> -> memref<16x2048xf32, #tpu.memory_space<vmem>>
      %dma_wait3A_288 = arith.constant 0 : i32
      %dma_wait3A_289 = tpu.memref_slice %arg6[%add3A_274, %dma_wait3A_288] : memref<8192x2048xf32, #tpu.memory_space<hbm>> -> memref<16x2048xf32, #tpu.memory_space<hbm>>
      %dma_wait3A_290 = arith.constant 0 : i32
      %dma_wait3A_291 = tpu.memref_slice %arg6[%add3A_274, %dma_wait3A_290] : memref<8192x2048xf32, #tpu.memory_space<hbm>> -> memref<16x2048xf32, #tpu.memory_space<hbm>>
      %dma_wait3A_292 = arith.constant 0 : i32
      %dma_wait3A_293 = arith.constant 0 : i32
      %dma_wait3A_294 = tpu.memref_slice %arg10[%dma_wait3A_292, %dma_wait3A_293] : memref<16x2048xf32, #tpu.memory_space<vmem>> -> memref<16x2048xf32, #tpu.memory_space<vmem>>
      tpu.wait_dma2 semaphore(%arg15 : memref<!tpu.dma_semaphore, #tpu.memory_space<semaphore_mem>>) src(%dma_wait3A_294 : memref<16x2048xf32, #tpu.memory_space<vmem>>) dst(%dma_wait3A_291 : memref<16x2048xf32, #tpu.memory_space<hbm>>)
      %dma_start3A_295 = arith.constant 0 : i32
      %dma_start3A_296 = arith.constant 0 : i32
      %dma_start3A_297 = tpu.memref_slice %arg10[%dma_start3A_295, %dma_start3A_296] : memref<16x2048xf32, #tpu.memory_space<vmem>> -> memref<16x2048xf32, #tpu.memory_space<vmem>>
      %dma_start3A_298 = arith.constant 112 : i32
      %dma_start3A_299 = tpu.memref_slice %arg7[%dma_start3A_298] : memref<256xi32, #tpu.memory_space<vmem>> -> memref<16xi32, #tpu.memory_space<vmem>>
      %dma_start3A_300 = arith.constant 0 : i32
      %dma_start3A_301 = arith.constant 0 : i32
      %dma_start3A_302 = tpu.memref_slice %arg4[%dma_start3A_300, %dma_start3A_301] : memref<100000x2048xf32, #tpu.memory_space<hbm>> -> memref<100000x2048xf32, #tpu.memory_space<hbm>>
      tpu.enqueue_indirect_dma source(%dma_start3A_302 : memref<100000x2048xf32, #tpu.memory_space<hbm>>) target(%dma_start3A_297 : memref<16x2048xf32, #tpu.memory_space<vmem>>) offsets(%dma_start3A_299 : memref<16xi32, #tpu.memory_space<vmem>>) semaphore(%arg13 : memref<!tpu.dma_semaphore, #tpu.memory_space<semaphore_mem>>)
      %dma_wait3A_303 = arith.constant 0 : i32
      %dma_wait3A_304 = arith.constant 0 : i32
      %dma_wait3A_305 = tpu.memref_slice %arg9[%dma_wait3A_303, %dma_wait3A_304] : memref<16x2048xf32, #tpu.memory_space<vmem>> -> memref<16x2048xf32, #tpu.memory_space<vmem>>
      %dma_wait3A_306 = arith.constant 96 : i32
      %dma_wait3A_307 = tpu.memref_slice %arg7[%dma_wait3A_306] : memref<256xi32, #tpu.memory_space<vmem>> -> memref<16xi32, #tpu.memory_space<vmem>>
      %dma_wait3A_308 = arith.constant 0 : i32
      %dma_wait3A_309 = arith.constant 0 : i32
      %dma_wait3A_310 = tpu.memref_slice %arg4[%dma_wait3A_308, %dma_wait3A_309] : memref<100000x2048xf32, #tpu.memory_space<hbm>> -> memref<100000x2048xf32, #tpu.memory_space<hbm>>
      tpu.wait_indirect_dma semaphore(%arg12 : memref<!tpu.dma_semaphore, #tpu.memory_space<semaphore_mem>>) src(%dma_wait3A_310 : memref<100000x2048xf32, #tpu.memory_space<hbm>>) dst(%dma_wait3A_305 : memref<16x2048xf32, #tpu.memory_space<vmem>>)
      %add3A_311 = arith.constant 0 : i32
      %add3A_312 = arith.addi %multiple_of3A, %add3A_311 : i32
      %add3A_313 = arith.constant 96 : i32
      %add3A_314 = arith.addi %add3A_312, %add3A_313 : i32
      %dma_start3A_315 = arith.constant 0 : i32
      %dma_start3A_316 = arith.constant 0 : i32
      %dma_start3A_317 = tpu.memref_slice %arg9[%dma_start3A_315, %dma_start3A_316] : memref<16x2048xf32, #tpu.memory_space<vmem>> -> memref<16x2048xf32, #tpu.memory_space<vmem>>
      %dma_start3A_318 = arith.constant 0 : i32
      %dma_start3A_319 = tpu.memref_slice %arg6[%add3A_314, %dma_start3A_318] : memref<8192x2048xf32, #tpu.memory_space<hbm>> -> memref<16x2048xf32, #tpu.memory_space<hbm>>
      %dma_start3A_320 = arith.constant 0 : i32
      %dma_start3A_321 = tpu.memref_slice %arg6[%add3A_314, %dma_start3A_320] : memref<8192x2048xf32, #tpu.memory_space<hbm>> -> memref<16x2048xf32, #tpu.memory_space<hbm>>
      %dma_start3A_322 = arith.constant 0 : i32
      %dma_start3A_323 = arith.constant 0 : i32
      %dma_start3A_324 = tpu.memref_slice %arg9[%dma_start3A_322, %dma_start3A_323] : memref<16x2048xf32, #tpu.memory_space<vmem>> -> memref<16x2048xf32, #tpu.memory_space<vmem>>
      tpu.enqueue_dma source(%dma_start3A_324 : memref<16x2048xf32, #tpu.memory_space<vmem>>) target(%dma_start3A_321 : memref<16x2048xf32, #tpu.memory_space<hbm>>) target_semaphore(%arg14 : memref<!tpu.dma_semaphore, #tpu.memory_space<semaphore_mem>>)
      %dma_wait3A_325 = arith.constant 0 : i32
      %dma_wait3A_326 = arith.constant 0 : i32
      %dma_wait3A_327 = tpu.memref_slice %arg9[%dma_wait3A_325, %dma_wait3A_326] : memref<16x2048xf32, #tpu.memory_space<vmem>> -> memref<16x2048xf32, #tpu.memory_space<vmem>>
      %dma_wait3A_328 = arith.constant 0 : i32
      %dma_wait3A_329 = tpu.memref_slice %arg6[%add3A_314, %dma_wait3A_328] : memref<8192x2048xf32, #tpu.memory_space<hbm>> -> memref<16x2048xf32, #tpu.memory_space<hbm>>
      %dma_wait3A_330 = arith.constant 0 : i32
      %dma_wait3A_331 = tpu.memref_slice %arg6[%add3A_314, %dma_wait3A_330] : memref<8192x2048xf32, #tpu.memory_space<hbm>> -> memref<16x2048xf32, #tpu.memory_space<hbm>>
      %dma_wait3A_332 = arith.constant 0 : i32
      %dma_wait3A_333 = arith.constant 0 : i32
      %dma_wait3A_334 = tpu.memref_slice %arg9[%dma_wait3A_332, %dma_wait3A_333] : memref<16x2048xf32, #tpu.memory_space<vmem>> -> memref<16x2048xf32, #tpu.memory_space<vmem>>
      tpu.wait_dma2 semaphore(%arg14 : memref<!tpu.dma_semaphore, #tpu.memory_space<semaphore_mem>>) src(%dma_wait3A_334 : memref<16x2048xf32, #tpu.memory_space<vmem>>) dst(%dma_wait3A_331 : memref<16x2048xf32, #tpu.memory_space<hbm>>)
      %dma_start3A_335 = arith.constant 0 : i32
      %dma_start3A_336 = arith.constant 0 : i32
      %dma_start3A_337 = tpu.memref_slice %arg9[%dma_start3A_335, %dma_start3A_336] : memref<16x2048xf32, #tpu.memory_space<vmem>> -> memref<16x2048xf32, #tpu.memory_space<vmem>>
      %dma_start3A_338 = arith.constant 128 : i32
      %dma_start3A_339 = tpu.memref_slice %arg7[%dma_start3A_338] : memref<256xi32, #tpu.memory_space<vmem>> -> memref<16xi32, #tpu.memory_space<vmem>>
      %dma_start3A_340 = arith.constant 0 : i32
      %dma_start3A_341 = arith.constant 0 : i32
      %dma_start3A_342 = tpu.memref_slice %arg4[%dma_start3A_340, %dma_start3A_341] : memref<100000x2048xf32, #tpu.memory_space<hbm>> -> memref<100000x2048xf32, #tpu.memory_space<hbm>>
      tpu.enqueue_indirect_dma source(%dma_start3A_342 : memref<100000x2048xf32, #tpu.memory_space<hbm>>) target(%dma_start3A_337 : memref<16x2048xf32, #tpu.memory_space<vmem>>) offsets(%dma_start3A_339 : memref<16xi32, #tpu.memory_space<vmem>>) semaphore(%arg12 : memref<!tpu.dma_semaphore, #tpu.memory_space<semaphore_mem>>)
      %dma_wait3A_343 = arith.constant 0 : i32
      %dma_wait3A_344 = arith.constant 0 : i32
      %dma_wait3A_345 = tpu.memref_slice %arg10[%dma_wait3A_343, %dma_wait3A_344] : memref<16x2048xf32, #tpu.memory_space<vmem>> -> memref<16x2048xf32, #tpu.memory_space<vmem>>
      %dma_wait3A_346 = arith.constant 112 : i32
      %dma_wait3A_347 = tpu.memref_slice %arg7[%dma_wait3A_346] : memref<256xi32, #tpu.memory_space<vmem>> -> memref<16xi32, #tpu.memory_space<vmem>>
      %dma_wait3A_348 = arith.constant 0 : i32
      %dma_wait3A_349 = arith.constant 0 : i32
      %dma_wait3A_350 = tpu.memref_slice %arg4[%dma_wait3A_348, %dma_wait3A_349] : memref<100000x2048xf32, #tpu.memory_space<hbm>> -> memref<100000x2048xf32, #tpu.memory_space<hbm>>
      tpu.wait_indirect_dma semaphore(%arg13 : memref<!tpu.dma_semaphore, #tpu.memory_space<semaphore_mem>>) src(%dma_wait3A_350 : memref<100000x2048xf32, #tpu.memory_space<hbm>>) dst(%dma_wait3A_345 : memref<16x2048xf32, #tpu.memory_space<vmem>>)
      %add3A_351 = arith.constant 0 : i32
      %add3A_352 = arith.addi %multiple_of3A, %add3A_351 : i32
      %add3A_353 = arith.constant 112 : i32
      %add3A_354 = arith.addi %add3A_352, %add3A_353 : i32
      %dma_start3A_355 = arith.constant 0 : i32
      %dma_start3A_356 = arith.constant 0 : i32
      %dma_start3A_357 = tpu.memref_slice %arg10[%dma_start3A_355, %dma_start3A_356] : memref<16x2048xf32, #tpu.memory_space<vmem>> -> memref<16x2048xf32, #tpu.memory_space<vmem>>
      %dma_start3A_358 = arith.constant 0 : i32
      %dma_start3A_359 = tpu.memref_slice %arg6[%add3A_354, %dma_start3A_358] : memref<8192x2048xf32, #tpu.memory_space<hbm>> -> memref<16x2048xf32, #tpu.memory_space<hbm>>
      %dma_start3A_360 = arith.constant 0 : i32
      %dma_start3A_361 = tpu.memref_slice %arg6[%add3A_354, %dma_start3A_360] : memref<8192x2048xf32, #tpu.memory_space<hbm>> -> memref<16x2048xf32, #tpu.memory_space<hbm>>
      %dma_start3A_362 = arith.constant 0 : i32
      %dma_start3A_363 = arith.constant 0 : i32
      %dma_start3A_364 = tpu.memref_slice %arg10[%dma_start3A_362, %dma_start3A_363] : memref<16x2048xf32, #tpu.memory_space<vmem>> -> memref<16x2048xf32, #tpu.memory_space<vmem>>
      tpu.enqueue_dma source(%dma_start3A_364 : memref<16x2048xf32, #tpu.memory_space<vmem>>) target(%dma_start3A_361 : memref<16x2048xf32, #tpu.memory_space<hbm>>) target_semaphore(%arg15 : memref<!tpu.dma_semaphore, #tpu.memory_space<semaphore_mem>>)
      %dma_wait3A_365 = arith.constant 0 : i32
      %dma_wait3A_366 = arith.constant 0 : i32
      %dma_wait3A_367 = tpu.memref_slice %arg10[%dma_wait3A_365, %dma_wait3A_366] : memref<16x2048xf32, #tpu.memory_space<vmem>> -> memref<16x2048xf32, #tpu.memory_space<vmem>>
      %dma_wait3A_368 = arith.constant 0 : i32
      %dma_wait3A_369 = tpu.memref_slice %arg6[%add3A_354, %dma_wait3A_368] : memref<8192x2048xf32, #tpu.memory_space<hbm>> -> memref<16x2048xf32, #tpu.memory_space<hbm>>
      %dma_wait3A_370 = arith.constant 0 : i32
      %dma_wait3A_371 = tpu.memref_slice %arg6[%add3A_354, %dma_wait3A_370] : memref<8192x2048xf32, #tpu.memory_space<hbm>> -> memref<16x2048xf32, #tpu.memory_space<hbm>>
      %dma_wait3A_372 = arith.constant 0 : i32
      %dma_wait3A_373 = arith.constant 0 : i32
      %dma_wait3A_374 = tpu.memref_slice %arg10[%dma_wait3A_372, %dma_wait3A_373] : memref<16x2048xf32, #tpu.memory_space<vmem>> -> memref<16x2048xf32, #tpu.memory_space<vmem>>
      tpu.wait_dma2 semaphore(%arg15 : memref<!tpu.dma_semaphore, #tpu.memory_space<semaphore_mem>>) src(%dma_wait3A_374 : memref<16x2048xf32, #tpu.memory_space<vmem>>) dst(%dma_wait3A_371 : memref<16x2048xf32, #tpu.memory_space<hbm>>)
      %dma_start3A_375 = arith.constant 0 : i32
      %dma_start3A_376 = arith.constant 0 : i32
      %dma_start3A_377 = tpu.memref_slice %arg10[%dma_start3A_375, %dma_start3A_376] : memref<16x2048xf32, #tpu.memory_space<vmem>> -> memref<16x2048xf32, #tpu.memory_space<vmem>>
      %dma_start3A_378 = arith.constant 144 : i32
      %dma_start3A_379 = tpu.memref_slice %arg7[%dma_start3A_378] : memref<256xi32, #tpu.memory_space<vmem>> -> memref<16xi32, #tpu.memory_space<vmem>>
      %dma_start3A_380 = arith.constant 0 : i32
      %dma_start3A_381 = arith.constant 0 : i32
      %dma_start3A_382 = tpu.memref_slice %arg4[%dma_start3A_380, %dma_start3A_381] : memref<100000x2048xf32, #tpu.memory_space<hbm>> -> memref<100000x2048xf32, #tpu.memory_space<hbm>>
      tpu.enqueue_indirect_dma source(%dma_start3A_382 : memref<100000x2048xf32, #tpu.memory_space<hbm>>) target(%dma_start3A_377 : memref<16x2048xf32, #tpu.memory_space<vmem>>) offsets(%dma_start3A_379 : memref<16xi32, #tpu.memory_space<vmem>>) semaphore(%arg13 : memref<!tpu.dma_semaphore, #tpu.memory_space<semaphore_mem>>)
      %dma_wait3A_383 = arith.constant 0 : i32
      %dma_wait3A_384 = arith.constant 0 : i32
      %dma_wait3A_385 = tpu.memref_slice %arg9[%dma_wait3A_383, %dma_wait3A_384] : memref<16x2048xf32, #tpu.memory_space<vmem>> -> memref<16x2048xf32, #tpu.memory_space<vmem>>
      %dma_wait3A_386 = arith.constant 128 : i32
      %dma_wait3A_387 = tpu.memref_slice %arg7[%dma_wait3A_386] : memref<256xi32, #tpu.memory_space<vmem>> -> memref<16xi32, #tpu.memory_space<vmem>>
      %dma_wait3A_388 = arith.constant 0 : i32
      %dma_wait3A_389 = arith.constant 0 : i32
      %dma_wait3A_390 = tpu.memref_slice %arg4[%dma_wait3A_388, %dma_wait3A_389] : memref<100000x2048xf32, #tpu.memory_space<hbm>> -> memref<100000x2048xf32, #tpu.memory_space<hbm>>
      tpu.wait_indirect_dma semaphore(%arg12 : memref<!tpu.dma_semaphore, #tpu.memory_space<semaphore_mem>>) src(%dma_wait3A_390 : memref<100000x2048xf32, #tpu.memory_space<hbm>>) dst(%dma_wait3A_385 : memref<16x2048xf32, #tpu.memory_space<vmem>>)
      %add3A_391 = arith.constant 0 : i32
      %add3A_392 = arith.addi %multiple_of3A, %add3A_391 : i32
      %add3A_393 = arith.constant 128 : i32
      %add3A_394 = arith.addi %add3A_392, %add3A_393 : i32
      %dma_start3A_395 = arith.constant 0 : i32
      %dma_start3A_396 = arith.constant 0 : i32
      %dma_start3A_397 = tpu.memref_slice %arg9[%dma_start3A_395, %dma_start3A_396] : memref<16x2048xf32, #tpu.memory_space<vmem>> -> memref<16x2048xf32, #tpu.memory_space<vmem>>
      %dma_start3A_398 = arith.constant 0 : i32
      %dma_start3A_399 = tpu.memref_slice %arg6[%add3A_394, %dma_start3A_398] : memref<8192x2048xf32, #tpu.memory_space<hbm>> -> memref<16x2048xf32, #tpu.memory_space<hbm>>
      %dma_start3A_400 = arith.constant 0 : i32
      %dma_start3A_401 = tpu.memref_slice %arg6[%add3A_394, %dma_start3A_400] : memref<8192x2048xf32, #tpu.memory_space<hbm>> -> memref<16x2048xf32, #tpu.memory_space<hbm>>
      %dma_start3A_402 = arith.constant 0 : i32
      %dma_start3A_403 = arith.constant 0 : i32
      %dma_start3A_404 = tpu.memref_slice %arg9[%dma_start3A_402, %dma_start3A_403] : memref<16x2048xf32, #tpu.memory_space<vmem>> -> memref<16x2048xf32, #tpu.memory_space<vmem>>
      tpu.enqueue_dma source(%dma_start3A_404 : memref<16x2048xf32, #tpu.memory_space<vmem>>) target(%dma_start3A_401 : memref<16x2048xf32, #tpu.memory_space<hbm>>) target_semaphore(%arg14 : memref<!tpu.dma_semaphore, #tpu.memory_space<semaphore_mem>>)
      %dma_wait3A_405 = arith.constant 0 : i32
      %dma_wait3A_406 = arith.constant 0 : i32
      %dma_wait3A_407 = tpu.memref_slice %arg9[%dma_wait3A_405, %dma_wait3A_406] : memref<16x2048xf32, #tpu.memory_space<vmem>> -> memref<16x2048xf32, #tpu.memory_space<vmem>>
      %dma_wait3A_408 = arith.constant 0 : i32
      %dma_wait3A_409 = tpu.memref_slice %arg6[%add3A_394, %dma_wait3A_408] : memref<8192x2048xf32, #tpu.memory_space<hbm>> -> memref<16x2048xf32, #tpu.memory_space<hbm>>
      %dma_wait3A_410 = arith.constant 0 : i32
      %dma_wait3A_411 = tpu.memref_slice %arg6[%add3A_394, %dma_wait3A_410] : memref<8192x2048xf32, #tpu.memory_space<hbm>> -> memref<16x2048xf32, #tpu.memory_space<hbm>>
      %dma_wait3A_412 = arith.constant 0 : i32
      %dma_wait3A_413 = arith.constant 0 : i32
      %dma_wait3A_414 = tpu.memref_slice %arg9[%dma_wait3A_412, %dma_wait3A_413] : memref<16x2048xf32, #tpu.memory_space<vmem>> -> memref<16x2048xf32, #tpu.memory_space<vmem>>
      tpu.wait_dma2 semaphore(%arg14 : memref<!tpu.dma_semaphore, #tpu.memory_space<semaphore_mem>>) src(%dma_wait3A_414 : memref<16x2048xf32, #tpu.memory_space<vmem>>) dst(%dma_wait3A_411 : memref<16x2048xf32, #tpu.memory_space<hbm>>)
      %dma_start3A_415 = arith.constant 0 : i32
      %dma_start3A_416 = arith.constant 0 : i32
      %dma_start3A_417 = tpu.memref_slice %arg9[%dma_start3A_415, %dma_start3A_416] : memref<16x2048xf32, #tpu.memory_space<vmem>> -> memref<16x2048xf32, #tpu.memory_space<vmem>>
      %dma_start3A_418 = arith.constant 160 : i32
      %dma_start3A_419 = tpu.memref_slice %arg7[%dma_start3A_418] : memref<256xi32, #tpu.memory_space<vmem>> -> memref<16xi32, #tpu.memory_space<vmem>>
      %dma_start3A_420 = arith.constant 0 : i32
      %dma_start3A_421 = arith.constant 0 : i32
      %dma_start3A_422 = tpu.memref_slice %arg4[%dma_start3A_420, %dma_start3A_421] : memref<100000x2048xf32, #tpu.memory_space<hbm>> -> memref<100000x2048xf32, #tpu.memory_space<hbm>>
      tpu.enqueue_indirect_dma source(%dma_start3A_422 : memref<100000x2048xf32, #tpu.memory_space<hbm>>) target(%dma_start3A_417 : memref<16x2048xf32, #tpu.memory_space<vmem>>) offsets(%dma_start3A_419 : memref<16xi32, #tpu.memory_space<vmem>>) semaphore(%arg12 : memref<!tpu.dma_semaphore, #tpu.memory_space<semaphore_mem>>)
      %dma_wait3A_423 = arith.constant 0 : i32
      %dma_wait3A_424 = arith.constant 0 : i32
      %dma_wait3A_425 = tpu.memref_slice %arg10[%dma_wait3A_423, %dma_wait3A_424] : memref<16x2048xf32, #tpu.memory_space<vmem>> -> memref<16x2048xf32, #tpu.memory_space<vmem>>
      %dma_wait3A_426 = arith.constant 144 : i32
      %dma_wait3A_427 = tpu.memref_slice %arg7[%dma_wait3A_426] : memref<256xi32, #tpu.memory_space<vmem>> -> memref<16xi32, #tpu.memory_space<vmem>>
      %dma_wait3A_428 = arith.constant 0 : i32
      %dma_wait3A_429 = arith.constant 0 : i32
      %dma_wait3A_430 = tpu.memref_slice %arg4[%dma_wait3A_428, %dma_wait3A_429] : memref<100000x2048xf32, #tpu.memory_space<hbm>> -> memref<100000x2048xf32, #tpu.memory_space<hbm>>
      tpu.wait_indirect_dma semaphore(%arg13 : memref<!tpu.dma_semaphore, #tpu.memory_space<semaphore_mem>>) src(%dma_wait3A_430 : memref<100000x2048xf32, #tpu.memory_space<hbm>>) dst(%dma_wait3A_425 : memref<16x2048xf32, #tpu.memory_space<vmem>>)
      %add3A_431 = arith.constant 0 : i32
      %add3A_432 = arith.addi %multiple_of3A, %add3A_431 : i32
      %add3A_433 = arith.constant 144 : i32
      %add3A_434 = arith.addi %add3A_432, %add3A_433 : i32
      %dma_start3A_435 = arith.constant 0 : i32
      %dma_start3A_436 = arith.constant 0 : i32
      %dma_start3A_437 = tpu.memref_slice %arg10[%dma_start3A_435, %dma_start3A_436] : memref<16x2048xf32, #tpu.memory_space<vmem>> -> memref<16x2048xf32, #tpu.memory_space<vmem>>
      %dma_start3A_438 = arith.constant 0 : i32
      %dma_start3A_439 = tpu.memref_slice %arg6[%add3A_434, %dma_start3A_438] : memref<8192x2048xf32, #tpu.memory_space<hbm>> -> memref<16x2048xf32, #tpu.memory_space<hbm>>
      %dma_start3A_440 = arith.constant 0 : i32
      %dma_start3A_441 = tpu.memref_slice %arg6[%add3A_434, %dma_start3A_440] : memref<8192x2048xf32, #tpu.memory_space<hbm>> -> memref<16x2048xf32, #tpu.memory_space<hbm>>
      %dma_start3A_442 = arith.constant 0 : i32
      %dma_start3A_443 = arith.constant 0 : i32
      %dma_start3A_444 = tpu.memref_slice %arg10[%dma_start3A_442, %dma_start3A_443] : memref<16x2048xf32, #tpu.memory_space<vmem>> -> memref<16x2048xf32, #tpu.memory_space<vmem>>
      tpu.enqueue_dma source(%dma_start3A_444 : memref<16x2048xf32, #tpu.memory_space<vmem>>) target(%dma_start3A_441 : memref<16x2048xf32, #tpu.memory_space<hbm>>) target_semaphore(%arg15 : memref<!tpu.dma_semaphore, #tpu.memory_space<semaphore_mem>>)
      %dma_wait3A_445 = arith.constant 0 : i32
      %dma_wait3A_446 = arith.constant 0 : i32
      %dma_wait3A_447 = tpu.memref_slice %arg10[%dma_wait3A_445, %dma_wait3A_446] : memref<16x2048xf32, #tpu.memory_space<vmem>> -> memref<16x2048xf32, #tpu.memory_space<vmem>>
      %dma_wait3A_448 = arith.constant 0 : i32
      %dma_wait3A_449 = tpu.memref_slice %arg6[%add3A_434, %dma_wait3A_448] : memref<8192x2048xf32, #tpu.memory_space<hbm>> -> memref<16x2048xf32, #tpu.memory_space<hbm>>
      %dma_wait3A_450 = arith.constant 0 : i32
      %dma_wait3A_451 = tpu.memref_slice %arg6[%add3A_434, %dma_wait3A_450] : memref<8192x2048xf32, #tpu.memory_space<hbm>> -> memref<16x2048xf32, #tpu.memory_space<hbm>>
      %dma_wait3A_452 = arith.constant 0 : i32
      %dma_wait3A_453 = arith.constant 0 : i32
      %dma_wait3A_454 = tpu.memref_slice %arg10[%dma_wait3A_452, %dma_wait3A_453] : memref<16x2048xf32, #tpu.memory_space<vmem>> -> memref<16x2048xf32, #tpu.memory_space<vmem>>
      tpu.wait_dma2 semaphore(%arg15 : memref<!tpu.dma_semaphore, #tpu.memory_space<semaphore_mem>>) src(%dma_wait3A_454 : memref<16x2048xf32, #tpu.memory_space<vmem>>) dst(%dma_wait3A_451 : memref<16x2048xf32, #tpu.memory_space<hbm>>)
      %dma_start3A_455 = arith.constant 0 : i32
      %dma_start3A_456 = arith.constant 0 : i32
      %dma_start3A_457 = tpu.memref_slice %arg10[%dma_start3A_455, %dma_start3A_456] : memref<16x2048xf32, #tpu.memory_space<vmem>> -> memref<16x2048xf32, #tpu.memory_space<vmem>>
      %dma_start3A_458 = arith.constant 176 : i32
      %dma_start3A_459 = tpu.memref_slice %arg7[%dma_start3A_458] : memref<256xi32, #tpu.memory_space<vmem>> -> memref<16xi32, #tpu.memory_space<vmem>>
      %dma_start3A_460 = arith.constant 0 : i32
      %dma_start3A_461 = arith.constant 0 : i32
      %dma_start3A_462 = tpu.memref_slice %arg4[%dma_start3A_460, %dma_start3A_461] : memref<100000x2048xf32, #tpu.memory_space<hbm>> -> memref<100000x2048xf32, #tpu.memory_space<hbm>>
      tpu.enqueue_indirect_dma source(%dma_start3A_462 : memref<100000x2048xf32, #tpu.memory_space<hbm>>) target(%dma_start3A_457 : memref<16x2048xf32, #tpu.memory_space<vmem>>) offsets(%dma_start3A_459 : memref<16xi32, #tpu.memory_space<vmem>>) semaphore(%arg13 : memref<!tpu.dma_semaphore, #tpu.memory_space<semaphore_mem>>)
      %dma_wait3A_463 = arith.constant 0 : i32
      %dma_wait3A_464 = arith.constant 0 : i32
      %dma_wait3A_465 = tpu.memref_slice %arg9[%dma_wait3A_463, %dma_wait3A_464] : memref<16x2048xf32, #tpu.memory_space<vmem>> -> memref<16x2048xf32, #tpu.memory_space<vmem>>
      %dma_wait3A_466 = arith.constant 160 : i32
      %dma_wait3A_467 = tpu.memref_slice %arg7[%dma_wait3A_466] : memref<256xi32, #tpu.memory_space<vmem>> -> memref<16xi32, #tpu.memory_space<vmem>>
      %dma_wait3A_468 = arith.constant 0 : i32
      %dma_wait3A_469 = arith.constant 0 : i32
      %dma_wait3A_470 = tpu.memref_slice %arg4[%dma_wait3A_468, %dma_wait3A_469] : memref<100000x2048xf32, #tpu.memory_space<hbm>> -> memref<100000x2048xf32, #tpu.memory_space<hbm>>
      tpu.wait_indirect_dma semaphore(%arg12 : memref<!tpu.dma_semaphore, #tpu.memory_space<semaphore_mem>>) src(%dma_wait3A_470 : memref<100000x2048xf32, #tpu.memory_space<hbm>>) dst(%dma_wait3A_465 : memref<16x2048xf32, #tpu.memory_space<vmem>>)
      %add3A_471 = arith.constant 0 : i32
      %add3A_472 = arith.addi %multiple_of3A, %add3A_471 : i32
      %add3A_473 = arith.constant 160 : i32
      %add3A_474 = arith.addi %add3A_472, %add3A_473 : i32
      %dma_start3A_475 = arith.constant 0 : i32
      %dma_start3A_476 = arith.constant 0 : i32
      %dma_start3A_477 = tpu.memref_slice %arg9[%dma_start3A_475, %dma_start3A_476] : memref<16x2048xf32, #tpu.memory_space<vmem>> -> memref<16x2048xf32, #tpu.memory_space<vmem>>
      %dma_start3A_478 = arith.constant 0 : i32
      %dma_start3A_479 = tpu.memref_slice %arg6[%add3A_474, %dma_start3A_478] : memref<8192x2048xf32, #tpu.memory_space<hbm>> -> memref<16x2048xf32, #tpu.memory_space<hbm>>
      %dma_start3A_480 = arith.constant 0 : i32
      %dma_start3A_481 = tpu.memref_slice %arg6[%add3A_474, %dma_start3A_480] : memref<8192x2048xf32, #tpu.memory_space<hbm>> -> memref<16x2048xf32, #tpu.memory_space<hbm>>
      %dma_start3A_482 = arith.constant 0 : i32
      %dma_start3A_483 = arith.constant 0 : i32
      %dma_start3A_484 = tpu.memref_slice %arg9[%dma_start3A_482, %dma_start3A_483] : memref<16x2048xf32, #tpu.memory_space<vmem>> -> memref<16x2048xf32, #tpu.memory_space<vmem>>
      tpu.enqueue_dma source(%dma_start3A_484 : memref<16x2048xf32, #tpu.memory_space<vmem>>) target(%dma_start3A_481 : memref<16x2048xf32, #tpu.memory_space<hbm>>) target_semaphore(%arg14 : memref<!tpu.dma_semaphore, #tpu.memory_space<semaphore_mem>>)
      %dma_wait3A_485 = arith.constant 0 : i32
      %dma_wait3A_486 = arith.constant 0 : i32
      %dma_wait3A_487 = tpu.memref_slice %arg9[%dma_wait3A_485, %dma_wait3A_486] : memref<16x2048xf32, #tpu.memory_space<vmem>> -> memref<16x2048xf32, #tpu.memory_space<vmem>>
      %dma_wait3A_488 = arith.constant 0 : i32
      %dma_wait3A_489 = tpu.memref_slice %arg6[%add3A_474, %dma_wait3A_488] : memref<8192x2048xf32, #tpu.memory_space<hbm>> -> memref<16x2048xf32, #tpu.memory_space<hbm>>
      %dma_wait3A_490 = arith.constant 0 : i32
      %dma_wait3A_491 = tpu.memref_slice %arg6[%add3A_474, %dma_wait3A_490] : memref<8192x2048xf32, #tpu.memory_space<hbm>> -> memref<16x2048xf32, #tpu.memory_space<hbm>>
      %dma_wait3A_492 = arith.constant 0 : i32
      %dma_wait3A_493 = arith.constant 0 : i32
      %dma_wait3A_494 = tpu.memref_slice %arg9[%dma_wait3A_492, %dma_wait3A_493] : memref<16x2048xf32, #tpu.memory_space<vmem>> -> memref<16x2048xf32, #tpu.memory_space<vmem>>
      tpu.wait_dma2 semaphore(%arg14 : memref<!tpu.dma_semaphore, #tpu.memory_space<semaphore_mem>>) src(%dma_wait3A_494 : memref<16x2048xf32, #tpu.memory_space<vmem>>) dst(%dma_wait3A_491 : memref<16x2048xf32, #tpu.memory_space<hbm>>)
      %dma_start3A_495 = arith.constant 0 : i32
      %dma_start3A_496 = arith.constant 0 : i32
      %dma_start3A_497 = tpu.memref_slice %arg9[%dma_start3A_495, %dma_start3A_496] : memref<16x2048xf32, #tpu.memory_space<vmem>> -> memref<16x2048xf32, #tpu.memory_space<vmem>>
      %dma_start3A_498 = arith.constant 192 : i32
      %dma_start3A_499 = tpu.memref_slice %arg7[%dma_start3A_498] : memref<256xi32, #tpu.memory_space<vmem>> -> memref<16xi32, #tpu.memory_space<vmem>>
      %dma_start3A_500 = arith.constant 0 : i32
      %dma_start3A_501 = arith.constant 0 : i32
      %dma_start3A_502 = tpu.memref_slice %arg4[%dma_start3A_500, %dma_start3A_501] : memref<100000x2048xf32, #tpu.memory_space<hbm>> -> memref<100000x2048xf32, #tpu.memory_space<hbm>>
      tpu.enqueue_indirect_dma source(%dma_start3A_502 : memref<100000x2048xf32, #tpu.memory_space<hbm>>) target(%dma_start3A_497 : memref<16x2048xf32, #tpu.memory_space<vmem>>) offsets(%dma_start3A_499 : memref<16xi32, #tpu.memory_space<vmem>>) semaphore(%arg12 : memref<!tpu.dma_semaphore, #tpu.memory_space<semaphore_mem>>)
      %dma_wait3A_503 = arith.constant 0 : i32
      %dma_wait3A_504 = arith.constant 0 : i32
      %dma_wait3A_505 = tpu.memref_slice %arg10[%dma_wait3A_503, %dma_wait3A_504] : memref<16x2048xf32, #tpu.memory_space<vmem>> -> memref<16x2048xf32, #tpu.memory_space<vmem>>
      %dma_wait3A_506 = arith.constant 176 : i32
      %dma_wait3A_507 = tpu.memref_slice %arg7[%dma_wait3A_506] : memref<256xi32, #tpu.memory_space<vmem>> -> memref<16xi32, #tpu.memory_space<vmem>>
      %dma_wait3A_508 = arith.constant 0 : i32
      %dma_wait3A_509 = arith.constant 0 : i32
      %dma_wait3A_510 = tpu.memref_slice %arg4[%dma_wait3A_508, %dma_wait3A_509] : memref<100000x2048xf32, #tpu.memory_space<hbm>> -> memref<100000x2048xf32, #tpu.memory_space<hbm>>
      tpu.wait_indirect_dma semaphore(%arg13 : memref<!tpu.dma_semaphore, #tpu.memory_space<semaphore_mem>>) src(%dma_wait3A_510 : memref<100000x2048xf32, #tpu.memory_space<hbm>>) dst(%dma_wait3A_505 : memref<16x2048xf32, #tpu.memory_space<vmem>>)
      %add3A_511 = arith.constant 0 : i32
      %add3A_512 = arith.addi %multiple_of3A, %add3A_511 : i32
      %add3A_513 = arith.constant 176 : i32
      %add3A_514 = arith.addi %add3A_512, %add3A_513 : i32
      %dma_start3A_515 = arith.constant 0 : i32
      %dma_start3A_516 = arith.constant 0 : i32
      %dma_start3A_517 = tpu.memref_slice %arg10[%dma_start3A_515, %dma_start3A_516] : memref<16x2048xf32, #tpu.memory_space<vmem>> -> memref<16x2048xf32, #tpu.memory_space<vmem>>
      %dma_start3A_518 = arith.constant 0 : i32
      %dma_start3A_519 = tpu.memref_slice %arg6[%add3A_514, %dma_start3A_518] : memref<8192x2048xf32, #tpu.memory_space<hbm>> -> memref<16x2048xf32, #tpu.memory_space<hbm>>
      %dma_start3A_520 = arith.constant 0 : i32
      %dma_start3A_521 = tpu.memref_slice %arg6[%add3A_514, %dma_start3A_520] : memref<8192x2048xf32, #tpu.memory_space<hbm>> -> memref<16x2048xf32, #tpu.memory_space<hbm>>
      %dma_start3A_522 = arith.constant 0 : i32
      %dma_start3A_523 = arith.constant 0 : i32
      %dma_start3A_524 = tpu.memref_slice %arg10[%dma_start3A_522, %dma_start3A_523] : memref<16x2048xf32, #tpu.memory_space<vmem>> -> memref<16x2048xf32, #tpu.memory_space<vmem>>
      tpu.enqueue_dma source(%dma_start3A_524 : memref<16x2048xf32, #tpu.memory_space<vmem>>) target(%dma_start3A_521 : memref<16x2048xf32, #tpu.memory_space<hbm>>) target_semaphore(%arg15 : memref<!tpu.dma_semaphore, #tpu.memory_space<semaphore_mem>>)
      %dma_wait3A_525 = arith.constant 0 : i32
      %dma_wait3A_526 = arith.constant 0 : i32
      %dma_wait3A_527 = tpu.memref_slice %arg10[%dma_wait3A_525, %dma_wait3A_526] : memref<16x2048xf32, #tpu.memory_space<vmem>> -> memref<16x2048xf32, #tpu.memory_space<vmem>>
      %dma_wait3A_528 = arith.constant 0 : i32
      %dma_wait3A_529 = tpu.memref_slice %arg6[%add3A_514, %dma_wait3A_528] : memref<8192x2048xf32, #tpu.memory_space<hbm>> -> memref<16x2048xf32, #tpu.memory_space<hbm>>
      %dma_wait3A_530 = arith.constant 0 : i32
      %dma_wait3A_531 = tpu.memref_slice %arg6[%add3A_514, %dma_wait3A_530] : memref<8192x2048xf32, #tpu.memory_space<hbm>> -> memref<16x2048xf32, #tpu.memory_space<hbm>>
      %dma_wait3A_532 = arith.constant 0 : i32
      %dma_wait3A_533 = arith.constant 0 : i32
      %dma_wait3A_534 = tpu.memref_slice %arg10[%dma_wait3A_532, %dma_wait3A_533] : memref<16x2048xf32, #tpu.memory_space<vmem>> -> memref<16x2048xf32, #tpu.memory_space<vmem>>
      tpu.wait_dma2 semaphore(%arg15 : memref<!tpu.dma_semaphore, #tpu.memory_space<semaphore_mem>>) src(%dma_wait3A_534 : memref<16x2048xf32, #tpu.memory_space<vmem>>) dst(%dma_wait3A_531 : memref<16x2048xf32, #tpu.memory_space<hbm>>)
      %dma_start3A_535 = arith.constant 0 : i32
      %dma_start3A_536 = arith.constant 0 : i32
      %dma_start3A_537 = tpu.memref_slice %arg10[%dma_start3A_535, %dma_start3A_536] : memref<16x2048xf32, #tpu.memory_space<vmem>> -> memref<16x2048xf32, #tpu.memory_space<vmem>>
      %dma_start3A_538 = arith.constant 208 : i32
      %dma_start3A_539 = tpu.memref_slice %arg7[%dma_start3A_538] : memref<256xi32, #tpu.memory_space<vmem>> -> memref<16xi32, #tpu.memory_space<vmem>>
      %dma_start3A_540 = arith.constant 0 : i32
      %dma_start3A_541 = arith.constant 0 : i32
      %dma_start3A_542 = tpu.memref_slice %arg4[%dma_start3A_540, %dma_start3A_541] : memref<100000x2048xf32, #tpu.memory_space<hbm>> -> memref<100000x2048xf32, #tpu.memory_space<hbm>>
      tpu.enqueue_indirect_dma source(%dma_start3A_542 : memref<100000x2048xf32, #tpu.memory_space<hbm>>) target(%dma_start3A_537 : memref<16x2048xf32, #tpu.memory_space<vmem>>) offsets(%dma_start3A_539 : memref<16xi32, #tpu.memory_space<vmem>>) semaphore(%arg13 : memref<!tpu.dma_semaphore, #tpu.memory_space<semaphore_mem>>)
      %dma_wait3A_543 = arith.constant 0 : i32
      %dma_wait3A_544 = arith.constant 0 : i32
      %dma_wait3A_545 = tpu.memref_slice %arg9[%dma_wait3A_543, %dma_wait3A_544] : memref<16x2048xf32, #tpu.memory_space<vmem>> -> memref<16x2048xf32, #tpu.memory_space<vmem>>
      %dma_wait3A_546 = arith.constant 192 : i32
      %dma_wait3A_547 = tpu.memref_slice %arg7[%dma_wait3A_546] : memref<256xi32, #tpu.memory_space<vmem>> -> memref<16xi32, #tpu.memory_space<vmem>>
      %dma_wait3A_548 = arith.constant 0 : i32
      %dma_wait3A_549 = arith.constant 0 : i32
      %dma_wait3A_550 = tpu.memref_slice %arg4[%dma_wait3A_548, %dma_wait3A_549] : memref<100000x2048xf32, #tpu.memory_space<hbm>> -> memref<100000x2048xf32, #tpu.memory_space<hbm>>
      tpu.wait_indirect_dma semaphore(%arg12 : memref<!tpu.dma_semaphore, #tpu.memory_space<semaphore_mem>>) src(%dma_wait3A_550 : memref<100000x2048xf32, #tpu.memory_space<hbm>>) dst(%dma_wait3A_545 : memref<16x2048xf32, #tpu.memory_space<vmem>>)
      %add3A_551 = arith.constant 0 : i32
      %add3A_552 = arith.addi %multiple_of3A, %add3A_551 : i32
      %add3A_553 = arith.constant 192 : i32
      %add3A_554 = arith.addi %add3A_552, %add3A_553 : i32
      %dma_start3A_555 = arith.constant 0 : i32
      %dma_start3A_556 = arith.constant 0 : i32
      %dma_start3A_557 = tpu.memref_slice %arg9[%dma_start3A_555, %dma_start3A_556] : memref<16x2048xf32, #tpu.memory_space<vmem>> -> memref<16x2048xf32, #tpu.memory_space<vmem>>
      %dma_start3A_558 = arith.constant 0 : i32
      %dma_start3A_559 = tpu.memref_slice %arg6[%add3A_554, %dma_start3A_558] : memref<8192x2048xf32, #tpu.memory_space<hbm>> -> memref<16x2048xf32, #tpu.memory_space<hbm>>
      %dma_start3A_560 = arith.constant 0 : i32
      %dma_start3A_561 = tpu.memref_slice %arg6[%add3A_554, %dma_start3A_560] : memref<8192x2048xf32, #tpu.memory_space<hbm>> -> memref<16x2048xf32, #tpu.memory_space<hbm>>
      %dma_start3A_562 = arith.constant 0 : i32
      %dma_start3A_563 = arith.constant 0 : i32
      %dma_start3A_564 = tpu.memref_slice %arg9[%dma_start3A_562, %dma_start3A_563] : memref<16x2048xf32, #tpu.memory_space<vmem>> -> memref<16x2048xf32, #tpu.memory_space<vmem>>
      tpu.enqueue_dma source(%dma_start3A_564 : memref<16x2048xf32, #tpu.memory_space<vmem>>) target(%dma_start3A_561 : memref<16x2048xf32, #tpu.memory_space<hbm>>) target_semaphore(%arg14 : memref<!tpu.dma_semaphore, #tpu.memory_space<semaphore_mem>>)
      %dma_wait3A_565 = arith.constant 0 : i32
      %dma_wait3A_566 = arith.constant 0 : i32
      %dma_wait3A_567 = tpu.memref_slice %arg9[%dma_wait3A_565, %dma_wait3A_566] : memref<16x2048xf32, #tpu.memory_space<vmem>> -> memref<16x2048xf32, #tpu.memory_space<vmem>>
      %dma_wait3A_568 = arith.constant 0 : i32
      %dma_wait3A_569 = tpu.memref_slice %arg6[%add3A_554, %dma_wait3A_568] : memref<8192x2048xf32, #tpu.memory_space<hbm>> -> memref<16x2048xf32, #tpu.memory_space<hbm>>
      %dma_wait3A_570 = arith.constant 0 : i32
      %dma_wait3A_571 = tpu.memref_slice %arg6[%add3A_554, %dma_wait3A_570] : memref<8192x2048xf32, #tpu.memory_space<hbm>> -> memref<16x2048xf32, #tpu.memory_space<hbm>>
      %dma_wait3A_572 = arith.constant 0 : i32
      %dma_wait3A_573 = arith.constant 0 : i32
      %dma_wait3A_574 = tpu.memref_slice %arg9[%dma_wait3A_572, %dma_wait3A_573] : memref<16x2048xf32, #tpu.memory_space<vmem>> -> memref<16x2048xf32, #tpu.memory_space<vmem>>
      tpu.wait_dma2 semaphore(%arg14 : memref<!tpu.dma_semaphore, #tpu.memory_space<semaphore_mem>>) src(%dma_wait3A_574 : memref<16x2048xf32, #tpu.memory_space<vmem>>) dst(%dma_wait3A_571 : memref<16x2048xf32, #tpu.memory_space<hbm>>)
      %dma_start3A_575 = arith.constant 0 : i32
      %dma_start3A_576 = arith.constant 0 : i32
      %dma_start3A_577 = tpu.memref_slice %arg9[%dma_start3A_575, %dma_start3A_576] : memref<16x2048xf32, #tpu.memory_space<vmem>> -> memref<16x2048xf32, #tpu.memory_space<vmem>>
      %dma_start3A_578 = arith.constant 224 : i32
      %dma_start3A_579 = tpu.memref_slice %arg7[%dma_start3A_578] : memref<256xi32, #tpu.memory_space<vmem>> -> memref<16xi32, #tpu.memory_space<vmem>>
      %dma_start3A_580 = arith.constant 0 : i32
      %dma_start3A_581 = arith.constant 0 : i32
      %dma_start3A_582 = tpu.memref_slice %arg4[%dma_start3A_580, %dma_start3A_581] : memref<100000x2048xf32, #tpu.memory_space<hbm>> -> memref<100000x2048xf32, #tpu.memory_space<hbm>>
      tpu.enqueue_indirect_dma source(%dma_start3A_582 : memref<100000x2048xf32, #tpu.memory_space<hbm>>) target(%dma_start3A_577 : memref<16x2048xf32, #tpu.memory_space<vmem>>) offsets(%dma_start3A_579 : memref<16xi32, #tpu.memory_space<vmem>>) semaphore(%arg12 : memref<!tpu.dma_semaphore, #tpu.memory_space<semaphore_mem>>)
      %dma_wait3A_583 = arith.constant 0 : i32
      %dma_wait3A_584 = arith.constant 0 : i32
      %dma_wait3A_585 = tpu.memref_slice %arg10[%dma_wait3A_583, %dma_wait3A_584] : memref<16x2048xf32, #tpu.memory_space<vmem>> -> memref<16x2048xf32, #tpu.memory_space<vmem>>
      %dma_wait3A_586 = arith.constant 208 : i32
      %dma_wait3A_587 = tpu.memref_slice %arg7[%dma_wait3A_586] : memref<256xi32, #tpu.memory_space<vmem>> -> memref<16xi32, #tpu.memory_space<vmem>>
      %dma_wait3A_588 = arith.constant 0 : i32
      %dma_wait3A_589 = arith.constant 0 : i32
      %dma_wait3A_590 = tpu.memref_slice %arg4[%dma_wait3A_588, %dma_wait3A_589] : memref<100000x2048xf32, #tpu.memory_space<hbm>> -> memref<100000x2048xf32, #tpu.memory_space<hbm>>
      tpu.wait_indirect_dma semaphore(%arg13 : memref<!tpu.dma_semaphore, #tpu.memory_space<semaphore_mem>>) src(%dma_wait3A_590 : memref<100000x2048xf32, #tpu.memory_space<hbm>>) dst(%dma_wait3A_585 : memref<16x2048xf32, #tpu.memory_space<vmem>>)
      %add3A_591 = arith.constant 0 : i32
      %add3A_592 = arith.addi %multiple_of3A, %add3A_591 : i32
      %add3A_593 = arith.constant 208 : i32
      %add3A_594 = arith.addi %add3A_592, %add3A_593 : i32
      %dma_start3A_595 = arith.constant 0 : i32
      %dma_start3A_596 = arith.constant 0 : i32
      %dma_start3A_597 = tpu.memref_slice %arg10[%dma_start3A_595, %dma_start3A_596] : memref<16x2048xf32, #tpu.memory_space<vmem>> -> memref<16x2048xf32, #tpu.memory_space<vmem>>
      %dma_start3A_598 = arith.constant 0 : i32
      %dma_start3A_599 = tpu.memref_slice %arg6[%add3A_594, %dma_start3A_598] : memref<8192x2048xf32, #tpu.memory_space<hbm>> -> memref<16x2048xf32, #tpu.memory_space<hbm>>
      %dma_start3A_600 = arith.constant 0 : i32
      %dma_start3A_601 = tpu.memref_slice %arg6[%add3A_594, %dma_start3A_600] : memref<8192x2048xf32, #tpu.memory_space<hbm>> -> memref<16x2048xf32, #tpu.memory_space<hbm>>
      %dma_start3A_602 = arith.constant 0 : i32
      %dma_start3A_603 = arith.constant 0 : i32
      %dma_start3A_604 = tpu.memref_slice %arg10[%dma_start3A_602, %dma_start3A_603] : memref<16x2048xf32, #tpu.memory_space<vmem>> -> memref<16x2048xf32, #tpu.memory_space<vmem>>
      tpu.enqueue_dma source(%dma_start3A_604 : memref<16x2048xf32, #tpu.memory_space<vmem>>) target(%dma_start3A_601 : memref<16x2048xf32, #tpu.memory_space<hbm>>) target_semaphore(%arg15 : memref<!tpu.dma_semaphore, #tpu.memory_space<semaphore_mem>>)
      %dma_wait3A_605 = arith.constant 0 : i32
      %dma_wait3A_606 = arith.constant 0 : i32
      %dma_wait3A_607 = tpu.memref_slice %arg10[%dma_wait3A_605, %dma_wait3A_606] : memref<16x2048xf32, #tpu.memory_space<vmem>> -> memref<16x2048xf32, #tpu.memory_space<vmem>>
      %dma_wait3A_608 = arith.constant 0 : i32
      %dma_wait3A_609 = tpu.memref_slice %arg6[%add3A_594, %dma_wait3A_608] : memref<8192x2048xf32, #tpu.memory_space<hbm>> -> memref<16x2048xf32, #tpu.memory_space<hbm>>
      %dma_wait3A_610 = arith.constant 0 : i32
      %dma_wait3A_611 = tpu.memref_slice %arg6[%add3A_594, %dma_wait3A_610] : memref<8192x2048xf32, #tpu.memory_space<hbm>> -> memref<16x2048xf32, #tpu.memory_space<hbm>>
      %dma_wait3A_612 = arith.constant 0 : i32
      %dma_wait3A_613 = arith.constant 0 : i32
      %dma_wait3A_614 = tpu.memref_slice %arg10[%dma_wait3A_612, %dma_wait3A_613] : memref<16x2048xf32, #tpu.memory_space<vmem>> -> memref<16x2048xf32, #tpu.memory_space<vmem>>
      tpu.wait_dma2 semaphore(%arg15 : memref<!tpu.dma_semaphore, #tpu.memory_space<semaphore_mem>>) src(%dma_wait3A_614 : memref<16x2048xf32, #tpu.memory_space<vmem>>) dst(%dma_wait3A_611 : memref<16x2048xf32, #tpu.memory_space<hbm>>)
      %dma_start3A_615 = arith.constant 0 : i32
      %dma_start3A_616 = arith.constant 0 : i32
      %dma_start3A_617 = tpu.memref_slice %arg10[%dma_start3A_615, %dma_start3A_616] : memref<16x2048xf32, #tpu.memory_space<vmem>> -> memref<16x2048xf32, #tpu.memory_space<vmem>>
      %dma_start3A_618 = arith.constant 240 : i32
      %dma_start3A_619 = tpu.memref_slice %arg7[%dma_start3A_618] : memref<256xi32, #tpu.memory_space<vmem>> -> memref<16xi32, #tpu.memory_space<vmem>>
      %dma_start3A_620 = arith.constant 0 : i32
      %dma_start3A_621 = arith.constant 0 : i32
      %dma_start3A_622 = tpu.memref_slice %arg4[%dma_start3A_620, %dma_start3A_621] : memref<100000x2048xf32, #tpu.memory_space<hbm>> -> memref<100000x2048xf32, #tpu.memory_space<hbm>>
      tpu.enqueue_indirect_dma source(%dma_start3A_622 : memref<100000x2048xf32, #tpu.memory_space<hbm>>) target(%dma_start3A_617 : memref<16x2048xf32, #tpu.memory_space<vmem>>) offsets(%dma_start3A_619 : memref<16xi32, #tpu.memory_space<vmem>>) semaphore(%arg13 : memref<!tpu.dma_semaphore, #tpu.memory_space<semaphore_mem>>)
      %dma_wait3A_623 = arith.constant 0 : i32
      %dma_wait3A_624 = arith.constant 0 : i32
      %dma_wait3A_625 = tpu.memref_slice %arg9[%dma_wait3A_623, %dma_wait3A_624] : memref<16x2048xf32, #tpu.memory_space<vmem>> -> memref<16x2048xf32, #tpu.memory_space<vmem>>
      %dma_wait3A_626 = arith.constant 224 : i32
      %dma_wait3A_627 = tpu.memref_slice %arg7[%dma_wait3A_626] : memref<256xi32, #tpu.memory_space<vmem>> -> memref<16xi32, #tpu.memory_space<vmem>>
      %dma_wait3A_628 = arith.constant 0 : i32
      %dma_wait3A_629 = arith.constant 0 : i32
      %dma_wait3A_630 = tpu.memref_slice %arg4[%dma_wait3A_628, %dma_wait3A_629] : memref<100000x2048xf32, #tpu.memory_space<hbm>> -> memref<100000x2048xf32, #tpu.memory_space<hbm>>
      tpu.wait_indirect_dma semaphore(%arg12 : memref<!tpu.dma_semaphore, #tpu.memory_space<semaphore_mem>>) src(%dma_wait3A_630 : memref<100000x2048xf32, #tpu.memory_space<hbm>>) dst(%dma_wait3A_625 : memref<16x2048xf32, #tpu.memory_space<vmem>>)
      %add3A_631 = arith.constant 0 : i32
      %add3A_632 = arith.addi %multiple_of3A, %add3A_631 : i32
      %add3A_633 = arith.constant 224 : i32
      %add3A_634 = arith.addi %add3A_632, %add3A_633 : i32
      %dma_start3A_635 = arith.constant 0 : i32
      %dma_start3A_636 = arith.constant 0 : i32
      %dma_start3A_637 = tpu.memref_slice %arg9[%dma_start3A_635, %dma_start3A_636] : memref<16x2048xf32, #tpu.memory_space<vmem>> -> memref<16x2048xf32, #tpu.memory_space<vmem>>
      %dma_start3A_638 = arith.constant 0 : i32
      %dma_start3A_639 = tpu.memref_slice %arg6[%add3A_634, %dma_start3A_638] : memref<8192x2048xf32, #tpu.memory_space<hbm>> -> memref<16x2048xf32, #tpu.memory_space<hbm>>
      %dma_start3A_640 = arith.constant 0 : i32
      %dma_start3A_641 = tpu.memref_slice %arg6[%add3A_634, %dma_start3A_640] : memref<8192x2048xf32, #tpu.memory_space<hbm>> -> memref<16x2048xf32, #tpu.memory_space<hbm>>
      %dma_start3A_642 = arith.constant 0 : i32
      %dma_start3A_643 = arith.constant 0 : i32
      %dma_start3A_644 = tpu.memref_slice %arg9[%dma_start3A_642, %dma_start3A_643] : memref<16x2048xf32, #tpu.memory_space<vmem>> -> memref<16x2048xf32, #tpu.memory_space<vmem>>
      tpu.enqueue_dma source(%dma_start3A_644 : memref<16x2048xf32, #tpu.memory_space<vmem>>) target(%dma_start3A_641 : memref<16x2048xf32, #tpu.memory_space<hbm>>) target_semaphore(%arg14 : memref<!tpu.dma_semaphore, #tpu.memory_space<semaphore_mem>>)
      %dma_wait3A_645 = arith.constant 0 : i32
      %dma_wait3A_646 = arith.constant 0 : i32
      %dma_wait3A_647 = tpu.memref_slice %arg10[%dma_wait3A_645, %dma_wait3A_646] : memref<16x2048xf32, #tpu.memory_space<vmem>> -> memref<16x2048xf32, #tpu.memory_space<vmem>>
      %dma_wait3A_648 = arith.constant 240 : i32
      %dma_wait3A_649 = tpu.memref_slice %arg7[%dma_wait3A_648] : memref<256xi32, #tpu.memory_space<vmem>> -> memref<16xi32, #tpu.memory_space<vmem>>
      %dma_wait3A_650 = arith.constant 0 : i32
      %dma_wait3A_651 = arith.constant 0 : i32
      %dma_wait3A_652 = tpu.memref_slice %arg4[%dma_wait3A_650, %dma_wait3A_651] : memref<100000x2048xf32, #tpu.memory_space<hbm>> -> memref<100000x2048xf32, #tpu.memory_space<hbm>>
      tpu.wait_indirect_dma semaphore(%arg13 : memref<!tpu.dma_semaphore, #tpu.memory_space<semaphore_mem>>) src(%dma_wait3A_652 : memref<100000x2048xf32, #tpu.memory_space<hbm>>) dst(%dma_wait3A_647 : memref<16x2048xf32, #tpu.memory_space<vmem>>)
      %add3A_653 = arith.constant 0 : i32
      %add3A_654 = arith.addi %multiple_of3A, %add3A_653 : i32
      %add3A_655 = arith.constant 240 : i32
      %add3A_656 = arith.addi %add3A_654, %add3A_655 : i32
      %dma_start3A_657 = arith.constant 0 : i32
      %dma_start3A_658 = arith.constant 0 : i32
      %dma_start3A_659 = tpu.memref_slice %arg10[%dma_start3A_657, %dma_start3A_658] : memref<16x2048xf32, #tpu.memory_space<vmem>> -> memref<16x2048xf32, #tpu.memory_space<vmem>>
      %dma_start3A_660 = arith.constant 0 : i32
      %dma_start3A_661 = tpu.memref_slice %arg6[%add3A_656, %dma_start3A_660] : memref<8192x2048xf32, #tpu.memory_space<hbm>> -> memref<16x2048xf32, #tpu.memory_space<hbm>>
      %dma_start3A_662 = arith.constant 0 : i32
      %dma_start3A_663 = tpu.memref_slice %arg6[%add3A_656, %dma_start3A_662] : memref<8192x2048xf32, #tpu.memory_space<hbm>> -> memref<16x2048xf32, #tpu.memory_space<hbm>>
      %dma_start3A_664 = arith.constant 0 : i32
      %dma_start3A_665 = arith.constant 0 : i32
      %dma_start3A_666 = tpu.memref_slice %arg10[%dma_start3A_664, %dma_start3A_665] : memref<16x2048xf32, #tpu.memory_space<vmem>> -> memref<16x2048xf32, #tpu.memory_space<vmem>>
      tpu.enqueue_dma source(%dma_start3A_666 : memref<16x2048xf32, #tpu.memory_space<vmem>>) target(%dma_start3A_663 : memref<16x2048xf32, #tpu.memory_space<hbm>>) target_semaphore(%arg15 : memref<!tpu.dma_semaphore, #tpu.memory_space<semaphore_mem>>)
      %dma_wait3A_667 = arith.constant 0 : i32
      %dma_wait3A_668 = arith.constant 0 : i32
      %dma_wait3A_669 = tpu.memref_slice %arg9[%dma_wait3A_667, %dma_wait3A_668] : memref<16x2048xf32, #tpu.memory_space<vmem>> -> memref<16x2048xf32, #tpu.memory_space<vmem>>
      %dma_wait3A_670 = arith.constant 0 : i32
      %dma_wait3A_671 = tpu.memref_slice %arg6[%add3A_634, %dma_wait3A_670] : memref<8192x2048xf32, #tpu.memory_space<hbm>> -> memref<16x2048xf32, #tpu.memory_space<hbm>>
      %dma_wait3A_672 = arith.constant 0 : i32
      %dma_wait3A_673 = tpu.memref_slice %arg6[%add3A_634, %dma_wait3A_672] : memref<8192x2048xf32, #tpu.memory_space<hbm>> -> memref<16x2048xf32, #tpu.memory_space<hbm>>
      %dma_wait3A_674 = arith.constant 0 : i32
      %dma_wait3A_675 = arith.constant 0 : i32
      %dma_wait3A_676 = tpu.memref_slice %arg9[%dma_wait3A_674, %dma_wait3A_675] : memref<16x2048xf32, #tpu.memory_space<vmem>> -> memref<16x2048xf32, #tpu.memory_space<vmem>>
      tpu.wait_dma2 semaphore(%arg14 : memref<!tpu.dma_semaphore, #tpu.memory_space<semaphore_mem>>) src(%dma_wait3A_676 : memref<16x2048xf32, #tpu.memory_space<vmem>>) dst(%dma_wait3A_673 : memref<16x2048xf32, #tpu.memory_space<hbm>>)
      %dma_wait3A_677 = arith.constant 0 : i32
      %dma_wait3A_678 = arith.constant 0 : i32
      %dma_wait3A_679 = tpu.memref_slice %arg10[%dma_wait3A_677, %dma_wait3A_678] : memref<16x2048xf32, #tpu.memory_space<vmem>> -> memref<16x2048xf32, #tpu.memory_space<vmem>>
      %dma_wait3A_680 = arith.constant 0 : i32
      %dma_wait3A_681 = tpu.memref_slice %arg6[%add3A_656, %dma_wait3A_680] : memref<8192x2048xf32, #tpu.memory_space<hbm>> -> memref<16x2048xf32, #tpu.memory_space<hbm>>
      %dma_wait3A_682 = arith.constant 0 : i32
      %dma_wait3A_683 = tpu.memref_slice %arg6[%add3A_656, %dma_wait3A_682] : memref<8192x2048xf32, #tpu.memory_space<hbm>> -> memref<16x2048xf32, #tpu.memory_space<hbm>>
      %dma_wait3A_684 = arith.constant 0 : i32
      %dma_wait3A_685 = arith.constant 0 : i32
      %dma_wait3A_686 = tpu.memref_slice %arg10[%dma_wait3A_684, %dma_wait3A_685] : memref<16x2048xf32, #tpu.memory_space<vmem>> -> memref<16x2048xf32, #tpu.memory_space<vmem>>
      tpu.wait_dma2 semaphore(%arg15 : memref<!tpu.dma_semaphore, #tpu.memory_space<semaphore_mem>>) src(%dma_wait3A_686 : memref<16x2048xf32, #tpu.memory_space<vmem>>) dst(%dma_wait3A_683 : memref<16x2048xf32, #tpu.memory_space<hbm>>)
      %dma_wait3A_687 = arith.constant 0 : i32
      %dma_wait3A_688 = tpu.memref_slice %arg11[%add3A_10, %dma_wait3A_687] : memref<384x2048xf32, #tpu.memory_space<vmem_shared>> -> memref<8x2048xf32, #tpu.memory_space<vmem_shared>>
      %dma_wait3A_689 = arith.constant 0 : i32
      %dma_wait3A_690 = tpu.memref_slice %arg5[%add3A_6, %dma_wait3A_689] : memref<2048x2048xf32, #tpu.memory_space<hbm>> -> memref<8x2048xf32, #tpu.memory_space<hbm>>
      tpu.wait_dma2 semaphore(%arg16 : memref<!tpu.dma_semaphore, #tpu.memory_space<semaphore_mem>>) src(%dma_wait3A_690 : memref<8x2048xf32, #tpu.memory_space<hbm>>) dst(%dma_wait3A_688 : memref<8x2048xf32, #tpu.memory_space<vmem_shared>>)
      %dma_wait3A_691 = arith.constant 0 : i32
      %dma_wait3A_692 = tpu.memref_slice %arg11[%add3A_21, %dma_wait3A_691] : memref<384x2048xf32, #tpu.memory_space<vmem_shared>> -> memref<8x2048xf32, #tpu.memory_space<vmem_shared>>
      %dma_wait3A_693 = arith.constant 0 : i32
      %dma_wait3A_694 = tpu.memref_slice %arg5[%add3A_17, %dma_wait3A_693] : memref<2048x2048xf32, #tpu.memory_space<hbm>> -> memref<8x2048xf32, #tpu.memory_space<hbm>>
      tpu.wait_dma2 semaphore(%arg17 : memref<!tpu.dma_semaphore, #tpu.memory_space<semaphore_mem>>) src(%dma_wait3A_694 : memref<8x2048xf32, #tpu.memory_space<hbm>>) dst(%dma_wait3A_692 : memref<8x2048xf32, #tpu.memory_space<vmem_shared>>)
      %dma_wait3A_695 = arith.constant 0 : i32
      %dma_wait3A_696 = tpu.memref_slice %arg11[%add3A_33, %dma_wait3A_695] : memref<384x2048xf32, #tpu.memory_space<vmem_shared>> -> memref<8x2048xf32, #tpu.memory_space<vmem_shared>>
      %dma_wait3A_697 = arith.constant 0 : i32
      %dma_wait3A_698 = tpu.memref_slice %arg5[%add3A_29, %dma_wait3A_697] : memref<2048x2048xf32, #tpu.memory_space<hbm>> -> memref<8x2048xf32, #tpu.memory_space<hbm>>
      tpu.wait_dma2 semaphore(%arg18 : memref<!tpu.dma_semaphore, #tpu.memory_space<semaphore_mem>>) src(%dma_wait3A_698 : memref<8x2048xf32, #tpu.memory_space<hbm>>) dst(%dma_wait3A_696 : memref<8x2048xf32, #tpu.memory_space<vmem_shared>>)
      %mul3A_699 = arith.constant 24 : i32
      %mul3A_700 = arith.muli %arg1, %mul3A_699 : i32
      %add3A_701 = arith.constant 0 : i32
      %add3A_702 = arith.addi %mul3A_700, %add3A_701 : i32
      %add3A_703 = arith.constant 0 : i32
      %add3A_704 = arith.addi %multiple_of3A_42, %add3A_703 : i32
      %dma_start3A_705 = arith.constant 0 : i32
      %dma_start3A_706 = tpu.memref_slice %arg6[%add3A_704, %dma_start3A_705] : memref<8192x2048xf32, #tpu.memory_space<hbm>> -> memref<8x2048xf32, #tpu.memory_space<hbm>>
      %dma_start3A_707 = arith.constant 0 : i32
      %dma_start3A_708 = tpu.memref_slice %arg11[%add3A_702, %dma_start3A_707] : memref<384x2048xf32, #tpu.memory_space<vmem_shared>> -> memref<8x2048xf32, #tpu.memory_space<vmem_shared>>
      tpu.enqueue_dma source(%dma_start3A_708 : memref<8x2048xf32, #tpu.memory_space<vmem_shared>>) target(%dma_start3A_706 : memref<8x2048xf32, #tpu.memory_space<hbm>>) target_semaphore(%arg19 : memref<!tpu.dma_semaphore, #tpu.memory_space<semaphore_mem>>)
      %mul3A_709 = arith.constant 24 : i32
      %mul3A_710 = arith.muli %arg1, %mul3A_709 : i32
      %add3A_711 = arith.constant 8 : i32
      %add3A_712 = arith.addi %mul3A_710, %add3A_711 : i32
      %add3A_713 = arith.constant 8 : i32
      %add3A_714 = arith.addi %multiple_of3A_42, %add3A_713 : i32
      %dma_start3A_715 = arith.constant 0 : i32
      %dma_start3A_716 = tpu.memref_slice %arg6[%add3A_714, %dma_start3A_715] : memref<8192x2048xf32, #tpu.memory_space<hbm>> -> memref<8x2048xf32, #tpu.memory_space<hbm>>
      %dma_start3A_717 = arith.constant 0 : i32
      %dma_start3A_718 = tpu.memref_slice %arg11[%add3A_712, %dma_start3A_717] : memref<384x2048xf32, #tpu.memory_space<vmem_shared>> -> memref<8x2048xf32, #tpu.memory_space<vmem_shared>>
      tpu.enqueue_dma source(%dma_start3A_718 : memref<8x2048xf32, #tpu.memory_space<vmem_shared>>) target(%dma_start3A_716 : memref<8x2048xf32, #tpu.memory_space<hbm>>) target_semaphore(%arg20 : memref<!tpu.dma_semaphore, #tpu.memory_space<semaphore_mem>>)
      %dma_wait3A_719 = arith.constant 0 : i32
      %dma_wait3A_720 = tpu.memref_slice %arg6[%add3A_704, %dma_wait3A_719] : memref<8192x2048xf32, #tpu.memory_space<hbm>> -> memref<8x2048xf32, #tpu.memory_space<hbm>>
      %dma_wait3A_721 = arith.constant 0 : i32
      %dma_wait3A_722 = tpu.memref_slice %arg11[%add3A_702, %dma_wait3A_721] : memref<384x2048xf32, #tpu.memory_space<vmem_shared>> -> memref<8x2048xf32, #tpu.memory_space<vmem_shared>>
      tpu.wait_dma2 semaphore(%arg19 : memref<!tpu.dma_semaphore, #tpu.memory_space<semaphore_mem>>) src(%dma_wait3A_722 : memref<8x2048xf32, #tpu.memory_space<vmem_shared>>) dst(%dma_wait3A_720 : memref<8x2048xf32, #tpu.memory_space<hbm>>)
      %mul3A_723 = arith.constant 24 : i32
      %mul3A_724 = arith.muli %arg1, %mul3A_723 : i32
      %add3A_725 = arith.constant 16 : i32
      %add3A_726 = arith.addi %mul3A_724, %add3A_725 : i32
      %add3A_727 = arith.constant 16 : i32
      %add3A_728 = arith.addi %multiple_of3A_42, %add3A_727 : i32
      %dma_start3A_729 = arith.constant 0 : i32
      %dma_start3A_730 = tpu.memref_slice %arg6[%add3A_728, %dma_start3A_729] : memref<8192x2048xf32, #tpu.memory_space<hbm>> -> memref<8x2048xf32, #tpu.memory_space<hbm>>
      %dma_start3A_731 = arith.constant 0 : i32
      %dma_start3A_732 = tpu.memref_slice %arg11[%add3A_726, %dma_start3A_731] : memref<384x2048xf32, #tpu.memory_space<vmem_shared>> -> memref<8x2048xf32, #tpu.memory_space<vmem_shared>>
      tpu.enqueue_dma source(%dma_start3A_732 : memref<8x2048xf32, #tpu.memory_space<vmem_shared>>) target(%dma_start3A_730 : memref<8x2048xf32, #tpu.memory_space<hbm>>) target_semaphore(%arg21 : memref<!tpu.dma_semaphore, #tpu.memory_space<semaphore_mem>>)
      %dma_wait3A_733 = arith.constant 0 : i32
      %dma_wait3A_734 = tpu.memref_slice %arg6[%add3A_714, %dma_wait3A_733] : memref<8192x2048xf32, #tpu.memory_space<hbm>> -> memref<8x2048xf32, #tpu.memory_space<hbm>>
      %dma_wait3A_735 = arith.constant 0 : i32
      %dma_wait3A_736 = tpu.memref_slice %arg11[%add3A_712, %dma_wait3A_735] : memref<384x2048xf32, #tpu.memory_space<vmem_shared>> -> memref<8x2048xf32, #tpu.memory_space<vmem_shared>>
      tpu.wait_dma2 semaphore(%arg20 : memref<!tpu.dma_semaphore, #tpu.memory_space<semaphore_mem>>) src(%dma_wait3A_736 : memref<8x2048xf32, #tpu.memory_space<vmem_shared>>) dst(%dma_wait3A_734 : memref<8x2048xf32, #tpu.memory_space<hbm>>)
      %mul3A_737 = arith.constant 64 : i32
      %mul3A_738 = arith.muli %add3A, %mul3A_737 : i32
      %add3A_739 = arith.constant 24 : i32
      %add3A_740 = arith.addi %mul3A_738, %add3A_739 : i32
      %mul3A_741 = arith.constant 24 : i32
      %mul3A_742 = arith.muli %arg1, %mul3A_741 : i32
      %add3A_743 = arith.constant 0 : i32
      %add3A_744 = arith.addi %mul3A_742, %add3A_743 : i32
      %dma_start3A_745 = arith.constant 0 : i32
      %dma_start3A_746 = tpu.memref_slice %arg11[%add3A_744, %dma_start3A_745] : memref<384x2048xf32, #tpu.memory_space<vmem_shared>> -> memref<8x2048xf32, #tpu.memory_space<vmem_shared>>
      %dma_start3A_747 = arith.constant 0 : i32
      %dma_start3A_748 = tpu.memref_slice %arg5[%add3A_740, %dma_start3A_747] : memref<2048x2048xf32, #tpu.memory_space<hbm>> -> memref<8x2048xf32, #tpu.memory_space<hbm>>
      tpu.enqueue_dma source(%dma_start3A_748 : memref<8x2048xf32, #tpu.memory_space<hbm>>) target(%dma_start3A_746 : memref<8x2048xf32, #tpu.memory_space<vmem_shared>>) target_semaphore(%arg16 : memref<!tpu.dma_semaphore, #tpu.memory_space<semaphore_mem>>)
      %dma_wait3A_749 = arith.constant 0 : i32
      %dma_wait3A_750 = tpu.memref_slice %arg11[%add3A_744, %dma_wait3A_749] : memref<384x2048xf32, #tpu.memory_space<vmem_shared>> -> memref<8x2048xf32, #tpu.memory_space<vmem_shared>>
      %dma_wait3A_751 = arith.constant 0 : i32
      %dma_wait3A_752 = tpu.memref_slice %arg5[%add3A_740, %dma_wait3A_751] : memref<2048x2048xf32, #tpu.memory_space<hbm>> -> memref<8x2048xf32, #tpu.memory_space<hbm>>
      tpu.wait_dma2 semaphore(%arg16 : memref<!tpu.dma_semaphore, #tpu.memory_space<semaphore_mem>>) src(%dma_wait3A_752 : memref<8x2048xf32, #tpu.memory_space<hbm>>) dst(%dma_wait3A_750 : memref<8x2048xf32, #tpu.memory_space<vmem_shared>>)
      %mul3A_753 = arith.constant 24 : i32
      %mul3A_754 = arith.muli %arg1, %mul3A_753 : i32
      %add3A_755 = arith.constant 0 : i32
      %add3A_756 = arith.addi %mul3A_754, %add3A_755 : i32
      %add3A_757 = arith.constant 24 : i32
      %add3A_758 = arith.addi %multiple_of3A_42, %add3A_757 : i32
      %dma_start3A_759 = arith.constant 0 : i32
      %dma_start3A_760 = tpu.memref_slice %arg6[%add3A_758, %dma_start3A_759] : memref<8192x2048xf32, #tpu.memory_space<hbm>> -> memref<8x2048xf32, #tpu.memory_space<hbm>>
      %dma_start3A_761 = arith.constant 0 : i32
      %dma_start3A_762 = tpu.memref_slice %arg11[%add3A_756, %dma_start3A_761] : memref<384x2048xf32, #tpu.memory_space<vmem_shared>> -> memref<8x2048xf32, #tpu.memory_space<vmem_shared>>
      tpu.enqueue_dma source(%dma_start3A_762 : memref<8x2048xf32, #tpu.memory_space<vmem_shared>>) target(%dma_start3A_760 : memref<8x2048xf32, #tpu.memory_space<hbm>>) target_semaphore(%arg19 : memref<!tpu.dma_semaphore, #tpu.memory_space<semaphore_mem>>)
      %dma_wait3A_763 = arith.constant 0 : i32
      %dma_wait3A_764 = tpu.memref_slice %arg6[%add3A_728, %dma_wait3A_763] : memref<8192x2048xf32, #tpu.memory_space<hbm>> -> memref<8x2048xf32, #tpu.memory_space<hbm>>
      %dma_wait3A_765 = arith.constant 0 : i32
      %dma_wait3A_766 = tpu.memref_slice %arg11[%add3A_726, %dma_wait3A_765] : memref<384x2048xf32, #tpu.memory_space<vmem_shared>> -> memref<8x2048xf32, #tpu.memory_space<vmem_shared>>
      tpu.wait_dma2 semaphore(%arg21 : memref<!tpu.dma_semaphore, #tpu.memory_space<semaphore_mem>>) src(%dma_wait3A_766 : memref<8x2048xf32, #tpu.memory_space<vmem_shared>>) dst(%dma_wait3A_764 : memref<8x2048xf32, #tpu.memory_space<hbm>>)
      %mul3A_767 = arith.constant 64 : i32
      %mul3A_768 = arith.muli %add3A, %mul3A_767 : i32
      %add3A_769 = arith.constant 32 : i32
      %add3A_770 = arith.addi %mul3A_768, %add3A_769 : i32
      %mul3A_771 = arith.constant 24 : i32
      %mul3A_772 = arith.muli %arg1, %mul3A_771 : i32
      %add3A_773 = arith.constant 8 : i32
      %add3A_774 = arith.addi %mul3A_772, %add3A_773 : i32
      %dma_start3A_775 = arith.constant 0 : i32
      %dma_start3A_776 = tpu.memref_slice %arg11[%add3A_774, %dma_start3A_775] : memref<384x2048xf32, #tpu.memory_space<vmem_shared>> -> memref<8x2048xf32, #tpu.memory_space<vmem_shared>>
      %dma_start3A_777 = arith.constant 0 : i32
      %dma_start3A_778 = tpu.memref_slice %arg5[%add3A_770, %dma_start3A_777] : memref<2048x2048xf32, #tpu.memory_space<hbm>> -> memref<8x2048xf32, #tpu.memory_space<hbm>>
      tpu.enqueue_dma source(%dma_start3A_778 : memref<8x2048xf32, #tpu.memory_space<hbm>>) target(%dma_start3A_776 : memref<8x2048xf32, #tpu.memory_space<vmem_shared>>) target_semaphore(%arg17 : memref<!tpu.dma_semaphore, #tpu.memory_space<semaphore_mem>>)
      %dma_wait3A_779 = arith.constant 0 : i32
      %dma_wait3A_780 = tpu.memref_slice %arg11[%add3A_774, %dma_wait3A_779] : memref<384x2048xf32, #tpu.memory_space<vmem_shared>> -> memref<8x2048xf32, #tpu.memory_space<vmem_shared>>
      %dma_wait3A_781 = arith.constant 0 : i32
      %dma_wait3A_782 = tpu.memref_slice %arg5[%add3A_770, %dma_wait3A_781] : memref<2048x2048xf32, #tpu.memory_space<hbm>> -> memref<8x2048xf32, #tpu.memory_space<hbm>>
      tpu.wait_dma2 semaphore(%arg17 : memref<!tpu.dma_semaphore, #tpu.memory_space<semaphore_mem>>) src(%dma_wait3A_782 : memref<8x2048xf32, #tpu.memory_space<hbm>>) dst(%dma_wait3A_780 : memref<8x2048xf32, #tpu.memory_space<vmem_shared>>)
      %mul3A_783 = arith.constant 24 : i32
      %mul3A_784 = arith.muli %arg1, %mul3A_783 : i32
      %add3A_785 = arith.constant 8 : i32
      %add3A_786 = arith.addi %mul3A_784, %add3A_785 : i32
      %add3A_787 = arith.constant 32 : i32
      %add3A_788 = arith.addi %multiple_of3A_42, %add3A_787 : i32
      %dma_start3A_789 = arith.constant 0 : i32
      %dma_start3A_790 = tpu.memref_slice %arg6[%add3A_788, %dma_start3A_789] : memref<8192x2048xf32, #tpu.memory_space<hbm>> -> memref<8x2048xf32, #tpu.memory_space<hbm>>
      %dma_start3A_791 = arith.constant 0 : i32
      %dma_start3A_792 = tpu.memref_slice %arg11[%add3A_786, %dma_start3A_791] : memref<384x2048xf32, #tpu.memory_space<vmem_shared>> -> memref<8x2048xf32, #tpu.memory_space<vmem_shared>>
      tpu.enqueue_dma source(%dma_start3A_792 : memref<8x2048xf32, #tpu.memory_space<vmem_shared>>) target(%dma_start3A_790 : memref<8x2048xf32, #tpu.memory_space<hbm>>) target_semaphore(%arg20 : memref<!tpu.dma_semaphore, #tpu.memory_space<semaphore_mem>>)
      %dma_wait3A_793 = arith.constant 0 : i32
      %dma_wait3A_794 = tpu.memref_slice %arg6[%add3A_758, %dma_wait3A_793] : memref<8192x2048xf32, #tpu.memory_space<hbm>> -> memref<8x2048xf32, #tpu.memory_space<hbm>>
      %dma_wait3A_795 = arith.constant 0 : i32
      %dma_wait3A_796 = tpu.memref_slice %arg11[%add3A_756, %dma_wait3A_795] : memref<384x2048xf32, #tpu.memory_space<vmem_shared>> -> memref<8x2048xf32, #tpu.memory_space<vmem_shared>>
      tpu.wait_dma2 semaphore(%arg19 : memref<!tpu.dma_semaphore, #tpu.memory_space<semaphore_mem>>) src(%dma_wait3A_796 : memref<8x2048xf32, #tpu.memory_space<vmem_shared>>) dst(%dma_wait3A_794 : memref<8x2048xf32, #tpu.memory_space<hbm>>)
      %mul3A_797 = arith.constant 64 : i32
      %mul3A_798 = arith.muli %add3A, %mul3A_797 : i32
      %add3A_799 = arith.constant 40 : i32
      %add3A_800 = arith.addi %mul3A_798, %add3A_799 : i32
      %mul3A_801 = arith.constant 24 : i32
      %mul3A_802 = arith.muli %arg1, %mul3A_801 : i32
      %add3A_803 = arith.constant 16 : i32
      %add3A_804 = arith.addi %mul3A_802, %add3A_803 : i32
      %dma_start3A_805 = arith.constant 0 : i32
      %dma_start3A_806 = tpu.memref_slice %arg11[%add3A_804, %dma_start3A_805] : memref<384x2048xf32, #tpu.memory_space<vmem_shared>> -> memref<8x2048xf32, #tpu.memory_space<vmem_shared>>
      %dma_start3A_807 = arith.constant 0 : i32
      %dma_start3A_808 = tpu.memref_slice %arg5[%add3A_800, %dma_start3A_807] : memref<2048x2048xf32, #tpu.memory_space<hbm>> -> memref<8x2048xf32, #tpu.memory_space<hbm>>
      tpu.enqueue_dma source(%dma_start3A_808 : memref<8x2048xf32, #tpu.memory_space<hbm>>) target(%dma_start3A_806 : memref<8x2048xf32, #tpu.memory_space<vmem_shared>>) target_semaphore(%arg18 : memref<!tpu.dma_semaphore, #tpu.memory_space<semaphore_mem>>)
      %dma_wait3A_809 = arith.constant 0 : i32
      %dma_wait3A_810 = tpu.memref_slice %arg11[%add3A_804, %dma_wait3A_809] : memref<384x2048xf32, #tpu.memory_space<vmem_shared>> -> memref<8x2048xf32, #tpu.memory_space<vmem_shared>>
      %dma_wait3A_811 = arith.constant 0 : i32
      %dma_wait3A_812 = tpu.memref_slice %arg5[%add3A_800, %dma_wait3A_811] : memref<2048x2048xf32, #tpu.memory_space<hbm>> -> memref<8x2048xf32, #tpu.memory_space<hbm>>
      tpu.wait_dma2 semaphore(%arg18 : memref<!tpu.dma_semaphore, #tpu.memory_space<semaphore_mem>>) src(%dma_wait3A_812 : memref<8x2048xf32, #tpu.memory_space<hbm>>) dst(%dma_wait3A_810 : memref<8x2048xf32, #tpu.memory_space<vmem_shared>>)
      %mul3A_813 = arith.constant 24 : i32
      %mul3A_814 = arith.muli %arg1, %mul3A_813 : i32
      %add3A_815 = arith.constant 16 : i32
      %add3A_816 = arith.addi %mul3A_814, %add3A_815 : i32
      %add3A_817 = arith.constant 40 : i32
      %add3A_818 = arith.addi %multiple_of3A_42, %add3A_817 : i32
      %dma_start3A_819 = arith.constant 0 : i32
      %dma_start3A_820 = tpu.memref_slice %arg6[%add3A_818, %dma_start3A_819] : memref<8192x2048xf32, #tpu.memory_space<hbm>> -> memref<8x2048xf32, #tpu.memory_space<hbm>>
      %dma_start3A_821 = arith.constant 0 : i32
      %dma_start3A_822 = tpu.memref_slice %arg11[%add3A_816, %dma_start3A_821] : memref<384x2048xf32, #tpu.memory_space<vmem_shared>> -> memref<8x2048xf32, #tpu.memory_space<vmem_shared>>
      tpu.enqueue_dma source(%dma_start3A_822 : memref<8x2048xf32, #tpu.memory_space<vmem_shared>>) target(%dma_start3A_820 : memref<8x2048xf32, #tpu.memory_space<hbm>>) target_semaphore(%arg21 : memref<!tpu.dma_semaphore, #tpu.memory_space<semaphore_mem>>)
      %dma_wait3A_823 = arith.constant 0 : i32
      %dma_wait3A_824 = tpu.memref_slice %arg6[%add3A_788, %dma_wait3A_823] : memref<8192x2048xf32, #tpu.memory_space<hbm>> -> memref<8x2048xf32, #tpu.memory_space<hbm>>
      %dma_wait3A_825 = arith.constant 0 : i32
      %dma_wait3A_826 = tpu.memref_slice %arg11[%add3A_786, %dma_wait3A_825] : memref<384x2048xf32, #tpu.memory_space<vmem_shared>> -> memref<8x2048xf32, #tpu.memory_space<vmem_shared>>
      tpu.wait_dma2 semaphore(%arg20 : memref<!tpu.dma_semaphore, #tpu.memory_space<semaphore_mem>>) src(%dma_wait3A_826 : memref<8x2048xf32, #tpu.memory_space<vmem_shared>>) dst(%dma_wait3A_824 : memref<8x2048xf32, #tpu.memory_space<hbm>>)
      %mul3A_827 = arith.constant 64 : i32
      %mul3A_828 = arith.muli %add3A, %mul3A_827 : i32
      %add3A_829 = arith.constant 48 : i32
      %add3A_830 = arith.addi %mul3A_828, %add3A_829 : i32
      %mul3A_831 = arith.constant 24 : i32
      %mul3A_832 = arith.muli %arg1, %mul3A_831 : i32
      %add3A_833 = arith.constant 0 : i32
      %add3A_834 = arith.addi %mul3A_832, %add3A_833 : i32
      %dma_start3A_835 = arith.constant 0 : i32
      %dma_start3A_836 = tpu.memref_slice %arg11[%add3A_834, %dma_start3A_835] : memref<384x2048xf32, #tpu.memory_space<vmem_shared>> -> memref<8x2048xf32, #tpu.memory_space<vmem_shared>>
      %dma_start3A_837 = arith.constant 0 : i32
      %dma_start3A_838 = tpu.memref_slice %arg5[%add3A_830, %dma_start3A_837] : memref<2048x2048xf32, #tpu.memory_space<hbm>> -> memref<8x2048xf32, #tpu.memory_space<hbm>>
      tpu.enqueue_dma source(%dma_start3A_838 : memref<8x2048xf32, #tpu.memory_space<hbm>>) target(%dma_start3A_836 : memref<8x2048xf32, #tpu.memory_space<vmem_shared>>) target_semaphore(%arg16 : memref<!tpu.dma_semaphore, #tpu.memory_space<semaphore_mem>>)
      %dma_wait3A_839 = arith.constant 0 : i32
      %dma_wait3A_840 = tpu.memref_slice %arg11[%add3A_834, %dma_wait3A_839] : memref<384x2048xf32, #tpu.memory_space<vmem_shared>> -> memref<8x2048xf32, #tpu.memory_space<vmem_shared>>
      %dma_wait3A_841 = arith.constant 0 : i32
      %dma_wait3A_842 = tpu.memref_slice %arg5[%add3A_830, %dma_wait3A_841] : memref<2048x2048xf32, #tpu.memory_space<hbm>> -> memref<8x2048xf32, #tpu.memory_space<hbm>>
      tpu.wait_dma2 semaphore(%arg16 : memref<!tpu.dma_semaphore, #tpu.memory_space<semaphore_mem>>) src(%dma_wait3A_842 : memref<8x2048xf32, #tpu.memory_space<hbm>>) dst(%dma_wait3A_840 : memref<8x2048xf32, #tpu.memory_space<vmem_shared>>)
      %mul3A_843 = arith.constant 24 : i32
      %mul3A_844 = arith.muli %arg1, %mul3A_843 : i32
      %add3A_845 = arith.constant 0 : i32
      %add3A_846 = arith.addi %mul3A_844, %add3A_845 : i32
      %add3A_847 = arith.constant 48 : i32
      %add3A_848 = arith.addi %multiple_of3A_42, %add3A_847 : i32
      %dma_start3A_849 = arith.constant 0 : i32
      %dma_start3A_850 = tpu.memref_slice %arg6[%add3A_848, %dma_start3A_849] : memref<8192x2048xf32, #tpu.memory_space<hbm>> -> memref<8x2048xf32, #tpu.memory_space<hbm>>
      %dma_start3A_851 = arith.constant 0 : i32
      %dma_start3A_852 = tpu.memref_slice %arg11[%add3A_846, %dma_start3A_851] : memref<384x2048xf32, #tpu.memory_space<vmem_shared>> -> memref<8x2048xf32, #tpu.memory_space<vmem_shared>>
      tpu.enqueue_dma source(%dma_start3A_852 : memref<8x2048xf32, #tpu.memory_space<vmem_shared>>) target(%dma_start3A_850 : memref<8x2048xf32, #tpu.memory_space<hbm>>) target_semaphore(%arg19 : memref<!tpu.dma_semaphore, #tpu.memory_space<semaphore_mem>>)
      %dma_wait3A_853 = arith.constant 0 : i32
      %dma_wait3A_854 = tpu.memref_slice %arg6[%add3A_818, %dma_wait3A_853] : memref<8192x2048xf32, #tpu.memory_space<hbm>> -> memref<8x2048xf32, #tpu.memory_space<hbm>>
      %dma_wait3A_855 = arith.constant 0 : i32
      %dma_wait3A_856 = tpu.memref_slice %arg11[%add3A_816, %dma_wait3A_855] : memref<384x2048xf32, #tpu.memory_space<vmem_shared>> -> memref<8x2048xf32, #tpu.memory_space<vmem_shared>>
      tpu.wait_dma2 semaphore(%arg21 : memref<!tpu.dma_semaphore, #tpu.memory_space<semaphore_mem>>) src(%dma_wait3A_856 : memref<8x2048xf32, #tpu.memory_space<vmem_shared>>) dst(%dma_wait3A_854 : memref<8x2048xf32, #tpu.memory_space<hbm>>)
      %mul3A_857 = arith.constant 64 : i32
      %mul3A_858 = arith.muli %add3A, %mul3A_857 : i32
      %add3A_859 = arith.constant 56 : i32
      %add3A_860 = arith.addi %mul3A_858, %add3A_859 : i32
      %mul3A_861 = arith.constant 24 : i32
      %mul3A_862 = arith.muli %arg1, %mul3A_861 : i32
      %add3A_863 = arith.constant 8 : i32
      %add3A_864 = arith.addi %mul3A_862, %add3A_863 : i32
      %dma_start3A_865 = arith.constant 0 : i32
      %dma_start3A_866 = tpu.memref_slice %arg11[%add3A_864, %dma_start3A_865] : memref<384x2048xf32, #tpu.memory_space<vmem_shared>> -> memref<8x2048xf32, #tpu.memory_space<vmem_shared>>
      %dma_start3A_867 = arith.constant 0 : i32
      %dma_start3A_868 = tpu.memref_slice %arg5[%add3A_860, %dma_start3A_867] : memref<2048x2048xf32, #tpu.memory_space<hbm>> -> memref<8x2048xf32, #tpu.memory_space<hbm>>
      tpu.enqueue_dma source(%dma_start3A_868 : memref<8x2048xf32, #tpu.memory_space<hbm>>) target(%dma_start3A_866 : memref<8x2048xf32, #tpu.memory_space<vmem_shared>>) target_semaphore(%arg17 : memref<!tpu.dma_semaphore, #tpu.memory_space<semaphore_mem>>)
      %dma_wait3A_869 = arith.constant 0 : i32
      %dma_wait3A_870 = tpu.memref_slice %arg11[%add3A_864, %dma_wait3A_869] : memref<384x2048xf32, #tpu.memory_space<vmem_shared>> -> memref<8x2048xf32, #tpu.memory_space<vmem_shared>>
      %dma_wait3A_871 = arith.constant 0 : i32
      %dma_wait3A_872 = tpu.memref_slice %arg5[%add3A_860, %dma_wait3A_871] : memref<2048x2048xf32, #tpu.memory_space<hbm>> -> memref<8x2048xf32, #tpu.memory_space<hbm>>
      tpu.wait_dma2 semaphore(%arg17 : memref<!tpu.dma_semaphore, #tpu.memory_space<semaphore_mem>>) src(%dma_wait3A_872 : memref<8x2048xf32, #tpu.memory_space<hbm>>) dst(%dma_wait3A_870 : memref<8x2048xf32, #tpu.memory_space<vmem_shared>>)
      %mul3A_873 = arith.constant 24 : i32
      %mul3A_874 = arith.muli %arg1, %mul3A_873 : i32
      %add3A_875 = arith.constant 8 : i32
      %add3A_876 = arith.addi %mul3A_874, %add3A_875 : i32
      %add3A_877 = arith.constant 56 : i32
      %add3A_878 = arith.addi %multiple_of3A_42, %add3A_877 : i32
      %dma_start3A_879 = arith.constant 0 : i32
      %dma_start3A_880 = tpu.memref_slice %arg6[%add3A_878, %dma_start3A_879] : memref<8192x2048xf32, #tpu.memory_space<hbm>> -> memref<8x2048xf32, #tpu.memory_space<hbm>>
      %dma_start3A_881 = arith.constant 0 : i32
      %dma_start3A_882 = tpu.memref_slice %arg11[%add3A_876, %dma_start3A_881] : memref<384x2048xf32, #tpu.memory_space<vmem_shared>> -> memref<8x2048xf32, #tpu.memory_space<vmem_shared>>
      tpu.enqueue_dma source(%dma_start3A_882 : memref<8x2048xf32, #tpu.memory_space<vmem_shared>>) target(%dma_start3A_880 : memref<8x2048xf32, #tpu.memory_space<hbm>>) target_semaphore(%arg20 : memref<!tpu.dma_semaphore, #tpu.memory_space<semaphore_mem>>)
      %dma_wait3A_883 = arith.constant 0 : i32
      %dma_wait3A_884 = tpu.memref_slice %arg6[%add3A_848, %dma_wait3A_883] : memref<8192x2048xf32, #tpu.memory_space<hbm>> -> memref<8x2048xf32, #tpu.memory_space<hbm>>
      %dma_wait3A_885 = arith.constant 0 : i32
      %dma_wait3A_886 = tpu.memref_slice %arg11[%add3A_846, %dma_wait3A_885] : memref<384x2048xf32, #tpu.memory_space<vmem_shared>> -> memref<8x2048xf32, #tpu.memory_space<vmem_shared>>
      tpu.wait_dma2 semaphore(%arg19 : memref<!tpu.dma_semaphore, #tpu.memory_space<semaphore_mem>>) src(%dma_wait3A_886 : memref<8x2048xf32, #tpu.memory_space<vmem_shared>>) dst(%dma_wait3A_884 : memref<8x2048xf32, #tpu.memory_space<hbm>>)
      %dma_wait3A_887 = arith.constant 0 : i32
      %dma_wait3A_888 = tpu.memref_slice %arg6[%add3A_878, %dma_wait3A_887] : memref<8192x2048xf32, #tpu.memory_space<hbm>> -> memref<8x2048xf32, #tpu.memory_space<hbm>>
      %dma_wait3A_889 = arith.constant 0 : i32
      %dma_wait3A_890 = tpu.memref_slice %arg11[%add3A_876, %dma_wait3A_889] : memref<384x2048xf32, #tpu.memory_space<vmem_shared>> -> memref<8x2048xf32, #tpu.memory_space<vmem_shared>>
      tpu.wait_dma2 semaphore(%arg20 : memref<!tpu.dma_semaphore, #tpu.memory_space<semaphore_mem>>) src(%dma_wait3A_890 : memref<8x2048xf32, #tpu.memory_space<vmem_shared>>) dst(%dma_wait3A_888 : memref<8x2048xf32, #tpu.memory_space<hbm>>)
    } else {
    }
    return
  }
}

</mosaic_0001>

<sc_bundles>
// kernel: _run.3.cloned.1.call-start
scs
__scs_entry_jumppad:
0x0: {  	(pc) =	sbr.rel $0x88, $3  }
0x1: {  	(tag) =	ssettag $0x0;
	lr =	simm.s32 $0x1  }
0x2: {  	[smem:$0x3F9D] =	sst lr;
	_ =	strace $0xD0000000  }
0x3: {  	_ = 	snop  }
0x4: {  	_ = 	snop  }
0x5: {  	_ = 	snop  }
0x6: {  	_ = 	snop  }
0x7: {  	_ = 	snop  }
__scs_overlays_trampoline_lowered:
0x8: {  	[smem:$0x3FAC] =	sst s0  }
0x9: {  	[smem:$0x3FAD] =	sst s1  }
0xa: {  	[smem:$0x3FAE] =	sst s2  }
0xb: {  	[smem:$0x3FAF] =	sst s3  }
0xc: {  	[smem:$0x3FB0] =	sst s4  }
0xd: {  	[smem:$0x3FB1] =	sst s5  }
0xe: {  	[smem:$0x3FB2] =	sst s6  }
0xf: {  	[smem:$0x3FB3] =	sst s7  }
0x10: {  	[smem:$0x3FB4] =	sst s8  }
0x11: {  	[smem:$0x3FB5] =	sst s9;
	s0 =	simm.s32 @!p0 $0x0  }
0x12: {  	s1 =	sld [smem:$0x3F9B];
	s0 =	simm.s32 @p0 $0x1  }
0x13: {  	[smem:$0x3FB6] =	sst s0;
	s0 =	simm.s32 @!p1 $0x0  }
0x14: {  	s2 =	sld [smem:$0x3F9A];
	s0 =	simm.s32 @p1 $0x1  }
0x15: {  	[smem:$0x3FB7] =	sst s0;
	s0 =	simm.s32 @!p2 $0x0  }
0x16: {  	s3 =	sld [smem:$0x3FDB];
	s0 =	simm.s32 @p2 $0x1  }
0x17: {  	s4 =	simm.s32 $0x1BF5;
	[smem:$0x3FB9] =	sst s0  }
0x18: {  	s0 =	sld [smem:$0x3F9C];
	_ =	swait.ge [sflag:s4], $0x0  }
0x19: {  	s7 =	sld [smem:$0x3F9D]  }
0x1a: {  	s8 =	sadd.s32 $0xFFFFE003, lr  }
0x1b: {  	s9 =	sadd.s32 $0xFFFFFEF7, lr;
	s5 =	simm.s32 $0xFFFFFFFF;
	p2 =	slt.u32 s8, $0xFFFFF086  }
0x1c: {  	p1 =	slt.u32 s9, $0xF7A;
	s5 =	simm.s32 @!p2 $0x0  }
0x1d: {  	s5 =	simm.s32 @p1 $0x1;
	p0 =	seq.s32 s7, s2  }
0x1e: {  	s7 =	smul.u32 @!p0 $0xF7A, s2;
	p2 =	seq.s32 @!p0 s5, $0x0  }
0x1f: {  	s9 =	smul.u32 $0xF7A, s1;
	s8 =	simm.s32 @!p0 $0x1BF5;
	p2 =	por !p2, p0  }
0x20: {  	[sflag:s8] =	ssyncset.s32 @!p0 $0xFFFFF086;
	s6 =	sadd.s32 @!p0 s3, s7;
	s7 =	simm.s32 @!p0 $0x108  }
0x21: {  	s3 =	sadd.s32 s3, s9;
	s6 =	sadd.s32 @!p0 $0x88, s6;
	s7 =	simm.s32 @p2 $0x1082  }
0x22: {  	[simem:s7], [sflag:s8] =	dma.local @!p0 [hbm:s6], $0xF7A  }
0x23: {  	s9 =	sor.u32 $0xD0000000, s2;
	s6 =	simm.s32 $0x108;
	_ =	swait.ge @!p0 [sflag:s8], $0x0  }
0x24: {  	s3 =	sadd.s32 $0x88, s3;
	s6 =	simm.s32 @!p1 $0x1082;
	[sflag:s4] =	ssyncset.s32 $0xFFFFF086  }
0x25: {  	[simem:s6], [sflag:s4] =	dma.local [hbm:s3], $0xF7A  }
0x26: {  	[smem:$0x3F9D] =	sst s1;
	(tag) =	ssettag s2;
	_ =	strace s9  }
0x27: {  	s1 =	sld [smem:$0x3FAD]  }
0x28: {  	s2 =	sld [smem:$0x3FAE]  }
0x29: {  	s4 =	sld [smem:$0x3FB0]  }
0x2a: {  	p0 =	seq.s32 s5, $0x0;
	s5 =	sld [smem:$0x3FB1]  }
0x2b: {  	s6 =	sld [smem:$0x3FB2]  }
0x2c: {  	s7 =	sld [smem:$0x3FB3]  }
0x2d: {  	s3 =	simm.s32 $0x108;
	s8 =	sld [smem:$0x3FB4]  }
0x2e: {  	s3 =	simm.s32 @!p0 $0x1082;
	s9 =	sld [smem:$0x3FB5]  }
0x2f: {  	lr =	sadd.s32 s0, s3;
	s0 =	sld [smem:$0x3FAC]  }
0x30: {  	s3 =	sld [smem:$0x3FAF]  }
0x31: {  	[smem:$0x3FB8] =	sst s10  }
0x32: {  	s10 =	sld [smem:$0x3FB6];
	_ =	sdelay $0x3  }
0x33: {  	p0 =	seq.s32 s10, $0x1;
	s10 =	sld [smem:$0x3FB8];
	_ =	sdelay $0x3  }
0x34: {  	[smem:$0x3FB8] =	sst s10  }
0x35: {  	s10 =	sld [smem:$0x3FB7];
	_ =	sdelay $0x3  }
0x36: {  	p1 =	seq.s32 s10, $0x1;
	s10 =	sld [smem:$0x3FB8];
	_ =	sdelay $0x3  }
0x37: {  	[smem:$0x3FB8] =	sst s10  }
0x38: {  	s10 =	sld [smem:$0x3FB9]  }
0x39: {  	_ = 	snop;
	(pc) =	sbr.ind lr, $3  }
0x3a: {  	_ = 	snop  }
0x3b: {  	_ = 	snop  }
0x3c: {  	p2 =	seq.s32 s10, $0x1;
	s10 =	sld [smem:$0x3FB8]  }
0x3d: {  	_ =	shalt  }
0x3e: {  	_ =	shalt  }
0x3f: {  	_ =	shalt  }
0x40: {  	_ =	shalt  }
0x41: {  	_ =	shalt  }
0x42: {  	_ =	shalt  }
0x43: {  	_ =	shalt  }
0x44: {  	_ =	shalt  }
0x45: {  	_ =	shalt  }
0x46: {  	_ =	shalt  }
0x47: {  	_ =	shalt  }
0x48: {  	_ =	shalt  }
0x49: {  	_ =	shalt  }
0x4a: {  	_ =	shalt  }
0x4b: {  	_ =	shalt  }
0x4c: {  	_ =	shalt  }
0x4d: {  	_ =	shalt  }
0x4e: {  	_ =	shalt  }
0x4f: {  	_ =	shalt  }
0x50: {  	_ =	shalt  }
0x51: {  	_ =	shalt  }
0x52: {  	_ =	shalt  }
0x53: {  	_ =	shalt  }
0x54: {  	_ =	shalt  }
0x55: {  	_ =	shalt  }
0x56: {  	_ =	shalt  }
0x57: {  	_ =	shalt  }
0x58: {  	_ =	shalt  }
0x59: {  	_ =	shalt  }
0x5a: {  	_ =	shalt  }
0x5b: {  	_ =	shalt  }
0x5c: {  	_ =	shalt  }
0x5d: {  	_ =	shalt  }
0x5e: {  	_ =	shalt  }
0x5f: {  	_ =	shalt  }
0x60: {  	_ =	shalt  }
0x61: {  	_ =	shalt  }
0x62: {  	_ =	shalt  }
0x63: {  	_ =	shalt  }
0x64: {  	_ =	shalt  }
0x65: {  	_ =	shalt  }
0x66: {  	_ =	shalt  }
0x67: {  	_ =	shalt  }
0x68: {  	_ =	shalt  }
0x69: {  	_ =	shalt  }
0x6a: {  	_ =	shalt  }
0x6b: {  	_ =	shalt  }
0x6c: {  	_ =	shalt  }
0x6d: {  	_ =	shalt  }
0x6e: {  	_ =	shalt  }
0x6f: {  	_ =	shalt  }
0x70: {  	_ =	shalt  }
0x71: {  	_ =	shalt  }
0x72: {  	_ =	shalt  }
0x73: {  	_ =	shalt  }
0x74: {  	_ =	shalt  }
0x75: {  	_ =	shalt  }
0x76: {  	_ =	shalt  }
0x77: {  	_ =	shalt  }
0x78: {  	_ =	shalt  }
0x79: {  	_ =	shalt  }
0x7a: {  	_ =	shalt  }
0x7b: {  	_ =	shalt  }
0x7c: {  	_ =	shalt  }
0x7d: {  	_ =	shalt  }
0x7e: {  	_ =	shalt  }
0x7f: {  	_ =	shalt  }
0x80: {  	_ =	shalt  }
0x81: {  	_ =	shalt  }
0x82: {  	_ =	shalt  }
0x83: {  	_ =	shalt  }
0x84: {  	_ =	shalt  }
0x85: {  	_ =	shalt  }
0x86: {  	_ =	shalt  }
0x87: {  	_ =	shalt  }
.Lfunc_end0:
.L_simem_size_0:
called_computation_lowered:
.L_overlay_start_0:
0x88: {  	s2 =	sld [smem:$0x3FD9]  }
0x89: {  	s3 =	sld [smem:$0x3FFE];
	_ =	sdelay $0x1  }
0x8a: {  	s1 =	srdreg.scid  }
0x8b: {  	s0 =	sand.u32 $0x1, s1  }
0x8c: {  	s18 =	sshll.u32 s0, $0xA;
	s2 =	sadd.s32 s3, s2  }
0x8d: {  	s2 =	sadd.s32 s2, s18  }
0x8e: {  	[smem:$0x3FC4] =	sst s2  }
0x8f: {  	_ = 	snop  }
0x90: {  	s2 =	sld [smem:$0x3FC9]  }
0x91: {  	s19 =	sld [smem:$0x3FC8]  }
0x92: {  	s4 =	sld [smem:$0x3FC7]  }
0x93: {  	s5 =	sld [smem:$0x3FC6]  }
0x94: {  	s6 =	sld [smem:$0x3FD0];
	(tm) =	ssettm $0x1  }
0x95: {  	s7 =	sld [smem:$0x3FFB];
	_ =	sdelay $0x3  }
0x96: {  	_ =	strace s7  }
0x97: {  	s7 =	sld [smem:$0x3FFC];
	_ =	sdelay $0x3  }
0x98: {  	_ =	strace s7  }
0x99: {  	s7 =	sld [smem:$0x3FFD];
	_ =	sdelay $0x3  }
0x9a: {  	_ =	strace s7  }
0x9b: {  	_ =	strace $0x8FFFFFFF  }
0x9c: {  	s20 =	sld [smem:$0x3FDB];
	_ =	sdelay $0x1  }
0x9d: {  	s8 =	simm.s32 $_scs_section_size  }
0x9e: {  	s9 =	simm.s32 $_size__tile_overlayer_lowered;
	s10 =	simm.s32 $_tile_overlayer_lowered  }
0x9f: {  	s23 =	simm.s32 $0x1BFF;
	s22 =	sshll.u32 s10, $0x1;
	s7 =	sadd.s32 s8, s20  }
0xa0: {  	s11 =	simm.s32 $0x0;
	s21 =	sshll.u32 s9, $0x1;
	s9 =	sadd.s32 s22, s7  }
0xa1: {  	[timem:s11], [sflag:s23] =	dma.local [hbm:s9], s21  }
0xa2: {  	_ =	swait.ge [sflag:s23], s21  }
0xa3: {  	s8 =	ssub.s32 $0x0, s21;
	[sflag:s23] =	ssyncset.done $0x0  }
0xa4: {  	[sflag:s23] =	ssyncadd.s32 s8;
	_ =	sdelay $0x1  }
0xa5: {  	s24 =	simm.s32 $0x1B8B  }
0xa6: {  	_ =	swait.ge [sflag:s24], $0x1  }
0xa7: {  	[sflag:s24] =	ssyncset.done $0x0  }
0xa8: {  	s25 =	simm.s32 $0x1B8E;
	[sflag:s24] =	ssyncadd.s32 $0xFFFFFFFF  }
0xa9: {  	s26 =	simm.s32 $execute0_lowered;
	[smem:$0x3FD2] =	sst s25  }
0xaa: {  	s8 =	sshll.u32 s26, $0x1;
	_ =	strace $0x80000046;
	[dreg:$0x1] =	wrdreg $0xFFFFFFFF  }
0xab: {  	s28 =	simm.s32 $_size_execute0_lowered;
	s7 =	sadd.s32 s7, s8;
	[dreg:$0x0] =	wrdreg $0x0  }
0xac: {  	s8 =	sshll.u32 s28, $0x1;
	[dreg:$0x2] =	wrdreg s7  }
0xad: {  	[dreg:$0x3] =	wrdreg s8  }
0xae: {  	[dreg:$0x4] =	wrdreg $0xC0  }
0xaf: {  	_ =	task [dreg:s11], $0x5FFFF  }
0xb0: {  	[dreg:$0x1] =	wrdreg $0xFFFFFFFF  }
0xb1: {  	[dreg:$0x0] =	wrdreg $0x60  }
0xb2: {  	[dreg:$0x2] =	wrdreg s2  }
0xb3: {  	[dreg:$0x3] =	wrdreg s19  }
0xb4: {  	[dreg:$0x4] =	wrdreg s4  }
0xb5: {  	[dreg:$0x5] =	wrdreg s5  }
0xb6: {  	[dreg:$0x6] =	wrdreg s6  }
0xb7: {  	[dreg:$0x7] =	wrdreg $0x101800  }
0xb8: {  	[dreg:$0x8] =	wrdreg $0x9  }
0xb9: {  	_ =	task.clear_ibuf [dreg:s11], $0x9FFFF;
	_ =	strace $0x90000046  }
0xba: {  	s29 =	simm.s32 $0x9;
	_ =	strace $0x80000048  }
0xbb: {  	_ =	swait.ge [sflag:s29], $0x1  }
0xbc: {  	[sflag:s29] =	ssyncadd.s32 $0xFFFFFFFF  }
0xbd: {  	_ =	strace $0x90000048  }
0xbe: {  	_ =	sfence  }
0xbf: {  	s30 =	sld [smem:$0x0];
	_ =	sdelay $0x2  }
0xc0: {  	s31 =	sshll.u32 s1, $0xD;
	s1 =	sshrl.u32 s1, $0x2  }
0xc1: {  	s3 =	sand.u32 $0x4000, s31;
	s1 =	sadd.s32 s1, s30  }
0xc2: {  	s0 =	sor.u32 s3, s0;
	s1 =	sshll.u32 s1, $0x11  }
0xc3: {  	s0 =	sor.u32 s1, s0  }
0xc4: {  	s0 =	sadd.s32 $0x8F2B, s0  }
0xc5: {  	[sflag:s0] =	ssyncadd.remote.s32 $0x1  }
0xc6: {  	_ =	sfence.sel $0xFFFF  }
0xc7: {  	[dreg:$0x0] =	wrdreg $0xFFFFFFFF;
	(pc) =	sbr.abs _section_cstart, $3  }
0xc8: {  	[dreg:$0x1] =	wrdreg $0xFFFFFFFF  }
0xc9: {  	_ =	task.clear_ibuf [dreg:s11], $0x2FFFF;
	_ =	strace $0x9FFFFFFF  }
0xca: {  	(tm) =	ssettm $0x7FFFFFFF  }
0xcb: {  	_ =	shalt  }
tec
execute0_lowered:
.L_overlay_start_1:
0x0: {  	(tag) =	ssettag $0x1  }
0x1: {  	s0 =	rddreg [dreg:$0x0]  }
0x2: {  	s10 =	rddreg [dreg:$0x2]  }
0x3: {  	s1 =	rddreg [dreg:$0x3]  }
0x4: {  	s12 =	rddreg [dreg:$0x4]  }
0x5: {  	s3 =	rddreg [dreg:$0x5]  }
0x6: {  	s4 =	srdreg.scid;
	s5 =	simm.s32 $0x0;
	s11 =	stileid.u32  }
0x7: {  	s4 =	sand.u32 $0x1, s4;
	[smem:$0x7FF] =	sst s5;
	s8 =	sshll.u32 s11, $0x1  }
0x8: {  	s9 =	smul.u32 $0x30000, s11;
	s18 =	sshll.u32 s11, $0x6;
	s6 =	ssub.s32 $0x2, s4  }
0x9: {  	_ =	strace $0x80000047;
	s4 =	sor.u32 s4, s8;
	[smem:$0x7F2] =	sst s18  }
0xa: {  	s2 =	sshll.u32 s4, $0x8;
	s15 =	sshll.u32 s4, $0xE;
	s16 =	sshrl.u32 s9, $0x2  }
0xb: {  	[dreg:$0xf] =	wrdreg s2;
	s13 =	sadd.s32 s1, s15;
	s1 =	sor.u32 $0x1C05, s18  }
0xc: {  	s23 =	sshll.u32 s4, $0x5;
	s17 =	sadd.s32 s16, s3;
	[smem:$0x7F3] =	sst s1  }
0xd: {  	s0 =	sadd.s32 s0, s23;
	[smem:$0x7F4] =	sst s17  }
0xe: {  	[dreg:$0xb] =	wrdreg s0  }
0xf: {  	s19 =	sadd.s32 $0x800, s13;
	[smem:$0x7FC] =	sst s13  }
0x10: {  	s20 =	sadd.s32 $0x4000, s17;
	[dreg:$0x7] =	wrdreg s19  }
0x11: {  	s7 =	sshrl.u32 s6, $0x1;
	s21 =	sadd.s32 $0x1000, s13;
	[dreg:$0x8] =	wrdreg s20  }
0x12: {  	s6 =	ssub.s32 s6, s7;
	s22 =	sadd.s32 $0x8000, s17;
	[dreg:$0x9] =	wrdreg s21  }
0x13: {  	s24 =	sshll.u32 s4, $0x3;
	s26 =	smax.u32 s6, $0x1;
	[dreg:$0xa] =	wrdreg s22  }
0x14: {  	s0 =	sshrl.u32 s24, $0x2;
	[smem:$0x7F5] =	sst s26  }
0x15: {  	s15 =	sadd.s32 $0x1800, s13;
	[dreg:$0x1f] =	wrdreg s0  }
0x16: {  	s23 =	sadd.s32 $0x2000, s13;
	[dreg:$0x16] =	wrdreg s15  }
0x17: {  	s25 =	sshll.u32 s4, $0x10;
	s24 =	sadd.s32 $0x2800, s13;
	[dreg:$0x17] =	wrdreg s23  }
0x18: {  	s1 =	sadd.s32 s12, s25;
	s25 =	sadd.s32 $0x3000, s13;
	[dreg:$0x18] =	wrdreg s24  }
0x19: {  	[dreg:$0x19] =	wrdreg s25  }
0x1a: {  	s28 =	sadd.s32 $0x1000, s1;
	[smem:$0x7FD] =	sst s1  }
0x1b: {  	s29 =	sadd.s32 $0x2000, s1;
	[smem:$0x7F6] =	sst s28  }
0x1c: {  	s30 =	sadd.s32 $0x3000, s1;
	[smem:$0x7F7] =	sst s29  }
0x1d: {  	s31 =	sadd.s32 $0x4000, s1;
	[smem:$0x7F8] =	sst s30  }
0x1e: {  	s2 =	sadd.s32 $0x5000, s1;
	[smem:$0x7F9] =	sst s31  }
0x1f: {  	s16 =	sadd.s32 $0x100, s10;
	s3 =	sadd.s32 $0x6000, s1;
	[smem:$0x7FA] =	sst s2  }
0x20: {  	s18 =	sadd.s32 $0x300, s10;
	s4 =	sadd.s32 $0x7000, s1;
	[dreg:$0xe] =	wrdreg s3  }
0x21: {  	s17 =	sadd.s32 $0x200, s10;
	s6 =	sadd.s32 $0x8000, s1;
	[dreg:$0xd] =	wrdreg s4  }
0x22: {  	s19 =	sadd.s32 $0x400, s10;
	s7 =	sadd.s32 $0x9000, s1;
	[dreg:$0xc] =	wrdreg s6  }
0x23: {  	s20 =	sadd.s32 $0x500, s10;
	s8 =	sadd.s32 $0xA000, s1;
	[dreg:$0x10] =	wrdreg s7  }
0x24: {  	s21 =	sadd.s32 $0x600, s10;
	s9 =	sadd.s32 $0xB000, s1;
	[dreg:$0x11] =	wrdreg s8  }
0x25: {  	s22 =	sadd.s32 $0x700, s10;
	s10 =	sadd.s32 $0xC000, s1;
	[dreg:$0x12] =	wrdreg s9  }
0x26: {  	s11 =	sadd.s32 $0xD000, s1;
	[dreg:$0x13] =	wrdreg s10  }
0x27: {  	s12 =	sadd.s32 $0xE000, s1;
	[dreg:$0x14] =	wrdreg s11  }
0x28: {  	s14 =	sadd.s32 $0xF000, s1;
	[dreg:$0x15] =	wrdreg s12  }
0x29: {  	s26 =	sadd.s32 $0x3800, s13;
	[smem:$0x7FB] =	sst s14  }
.Ltmp0:
0x2a: {  	[dreg:$0x1a] =	wrdreg s26;
	s28 =	sadd.s32 $0x800, s1;
	(pc) =	sbr.rel .LBB2_1-.Ltmp0, $4  }
0x2b: {  	s29 =	sadd.s32 $0x1800, s1;
	[dreg:$0x1b] =	wrdreg s28  }
0x2c: {  	v2 =	vlaneseq.u32;
	s30 =	sadd.s32 $0x2800, s1;
	[dreg:$0x1c] =	wrdreg s29  }
0x2d: {  	vm0 =	vmmov $0xffff;
	v1 =	vshrl.u32 v2, $0x3;
	s31 =	sadd.s32 $0x3800, s1;
	[dreg:$0x1d] =	wrdreg s30  }
0x2e: {  	v0 =	vand.u32 $0x7, v2;
	v2 =	vor.u32 $0x8, v2;
	v1 =	vmul.u32 $0x8, v1;
	s25 =	simm.s32 $0xB;
	s11 =	simm.s32 $0x8;
	[dreg:$0x1e] =	wrdreg s31  }
.LBB2_3:
0x2f: {  	v3 =	vld [tilespmem:$0x0];
	_ =	sdelay $0x4  }
0x30: {  	v4 =	vshll.u32 v3, $0x4  }
0x31: {  	v3 =	vand.u32 $0x7, v3;
	v4 =	vand.u32 $0xFFFFFF80, v4  }
0x32: {  	v3 =	vor.u32 v3, v4  }
0x33: {  	v4 =	vperm.xlane v3, v0;
	_ =	sdelay $0x1  }
0x34: {  	v4 =	vadd.s32 v1, v4;
	_ =	sdelay $0x3  }
0x35: {  	s0 =	simm.s32 $0x180;
	s31 =	rddreg [dreg:$0x2]  }
0x36: {  	[tilespmem:s0], [sflag:$0x1] =	stream.indirect_vreg.gather [hbm4b:s31+s5], $0x80, v4, vm0, $0xb8;
	[tilespmem:$0x1C180] =	vst v63  }
0x37: {  	s4 =	simm.s32 $0x980  }
0x38: {  	[tilespmem:s4], [sflag:$0x1] =	stream.indirect_vreg.gather [hbm4b:s16+s5], $0x80, v4, vm0, $0xb8;
	[tilespmem:$0x1C180] =	vst v63  }
0x39: {  	s6 =	simm.s32 $0x1180  }
0x3a: {  	[tilespmem:s6], [sflag:$0x1] =	stream.indirect_vreg.gather [hbm4b:s17+s5], $0x80, v4, vm0, $0xb8;
	[tilespmem:$0x1C180] =	vst v63  }
0x3b: {  	s7 =	simm.s32 $0x1980  }
0x3c: {  	[tilespmem:s7], [sflag:$0x1] =	stream.indirect_vreg.gather [hbm4b:s18+s5], $0x80, v4, vm0, $0xb8;
	[tilespmem:$0x1C180] =	vst v63  }
0x3d: {  	s8 =	simm.s32 $0x2180  }
0x3e: {  	[tilespmem:s8], [sflag:$0x1] =	stream.indirect_vreg.gather [hbm4b:s19+s5], $0x80, v4, vm0, $0xb8;
	[tilespmem:$0x1C180] =	vst v63  }
0x3f: {  	s10 =	simm.s32 $0x2980;
	v3 =	vperm.xlane v3, v2  }
0x40: {  	[tilespmem:s10], [sflag:$0x1] =	stream.indirect_vreg.gather [hbm4b:s20+s5], $0x80, v4, vm0, $0xb8;
	[tilespmem:$0x1C180] =	vst v63  }
0x41: {  	s13 =	simm.s32 $0x3180;
	v3 =	vadd.s32 v1, v3  }
0x42: {  	[tilespmem:s13], [sflag:$0x1] =	stream.indirect_vreg.gather [hbm4b:s21+s5], $0x80, v4, vm0, $0xb8;
	[tilespmem:$0x1C180] =	vst v63  }
0x43: {  	s15 =	simm.s32 $0x3980  }
0x44: {  	[tilespmem:s15], [sflag:$0x1] =	stream.indirect_vreg.gather [hbm4b:s22+s5], $0x80, v4, vm0, $0xb8;
	[tilespmem:$0x1C180] =	vst v63  }
0x45: {  	s25 =	simm.s32 $0x4180  }
0x46: {  	[tilespmem:s25], [sflag:$0x1] =	stream.indirect_vreg.gather [hbm4b:s31+s5], $0x80, v3, vm0, $0xb8;
	[tilespmem:$0x1C180] =	vst v63  }
0x47: {  	s26 =	simm.s32 $0x4980  }
0x48: {  	[tilespmem:s26], [sflag:$0x1] =	stream.indirect_vreg.gather [hbm4b:s16+s5], $0x80, v3, vm0, $0xb8;
	[tilespmem:$0x1C180] =	vst v63  }
0x49: {  	s28 =	simm.s32 $0x5180  }
0x4a: {  	[tilespmem:s28], [sflag:$0x1] =	stream.indirect_vreg.gather [hbm4b:s17+s5], $0x80, v3, vm0, $0xb8;
	[tilespmem:$0x1C180] =	vst v63  }
0x4b: {  	s29 =	simm.s32 $0x5980  }
0x4c: {  	[tilespmem:s29], [sflag:$0x1] =	stream.indirect_vreg.gather [hbm4b:s18+s5], $0x80, v3, vm0, $0xb8;
	[tilespmem:$0x1C180] =	vst v63  }
0x4d: {  	s30 =	simm.s32 $0x6180  }
0x4e: {  	[tilespmem:s30], [sflag:$0x1] =	stream.indirect_vreg.gather [hbm4b:s19+s5], $0x80, v3, vm0, $0xb8;
	[tilespmem:$0x1C180] =	vst v63  }
0x4f: {  	s3 =	simm.s32 $0x6980  }
0x50: {  	[tilespmem:s3], [sflag:$0x1] =	stream.indirect_vreg.gather [hbm4b:s20+s5], $0x80, v3, vm0, $0xb8;
	[tilespmem:$0x1C180] =	vst v63  }
0x51: {  	s6 =	simm.s32 $0x7180  }
0x52: {  	[tilespmem:s6], [sflag:$0x1] =	stream.indirect_vreg.gather [hbm4b:s21+s5], $0x80, v3, vm0, $0xb8;
	[tilespmem:$0x1C180] =	vst v63  }
0x53: {  	s7 =	simm.s32 $0x7980  }
0x54: {  	[tilespmem:s7], [sflag:$0x1] =	stream.indirect_vreg.gather [hbm4b:s22+s5], $0x80, v3, vm0, $0xb8;
	[tilespmem:$0x1C180] =	vst v63  }
0x55: {  	v3 =	vld [tilespmem:$0x10];
	_ =	sdelay $0x4  }
0x56: {  	v49 =	vshll.u32 v3, $0x4  }
0x57: {  	v3 =	vand.u32 $0x7, v3;
	v4 =	vand.u32 $0xFFFFFF80, v49  }
0x58: {  	v3 =	vor.u32 v3, v4  }
0x59: {  	v4 =	vperm.xlane v3, v0;
	_ =	sdelay $0x1  }
0x5a: {  	v4 =	vadd.s32 v1, v4;
	_ =	sdelay $0x3  }
0x5b: {  	s6 =	simm.s32 $0x8180  }
0x5c: {  	[tilespmem:s6], [sflag:$0x2] =	stream.indirect_vreg.gather [hbm4b:s31+s5], $0x80, v4, vm0, $0xb8;
	[tilespmem:$0x1C180] =	vst v63  }
0x5d: {  	s8 =	simm.s32 $0x8980  }
0x5e: {  	[tilespmem:s8], [sflag:$0x2] =	stream.indirect_vreg.gather [hbm4b:s16+s5], $0x80, v4, vm0, $0xb8;
	[tilespmem:$0x1C180] =	vst v63  }
0x5f: {  	s3 =	simm.s32 $0x9180  }
0x60: {  	[tilespmem:s3], [sflag:$0x2] =	stream.indirect_vreg.gather [hbm4b:s17+s5], $0x80, v4, vm0, $0xb8;
	[tilespmem:$0x1C180] =	vst v63  }
0x61: {  	s8 =	simm.s32 $0x9980  }
0x62: {  	[tilespmem:s8], [sflag:$0x2] =	stream.indirect_vreg.gather [hbm4b:s18+s5], $0x80, v4, vm0, $0xb8;
	[tilespmem:$0x1C180] =	vst v63  }
0x63: {  	s3 =	simm.s32 $0xA180  }
0x64: {  	[tilespmem:s3], [sflag:$0x2] =	stream.indirect_vreg.gather [hbm4b:s19+s5], $0x80, v4, vm0, $0xb8;
	[tilespmem:$0x1C180] =	vst v63  }
0x65: {  	v3 =	vperm.xlane v3, v2;
	s8 =	simm.s32 $0xA980  }
0x66: {  	[tilespmem:s8], [sflag:$0x2] =	stream.indirect_vreg.gather [hbm4b:s20+s5], $0x80, v4, vm0, $0xb8;
	[tilespmem:$0x1C180] =	vst v63  }
0x67: {  	v3 =	vadd.s32 v1, v3;
	s3 =	simm.s32 $0xB180  }
0x68: {  	[tilespmem:s3], [sflag:$0x2] =	stream.indirect_vreg.gather [hbm4b:s21+s5], $0x80, v4, vm0, $0xb8;
	[tilespmem:$0x1C180] =	vst v63  }
0x69: {  	s8 =	simm.s32 $0xB980  }
0x6a: {  	[tilespmem:s8], [sflag:$0x2] =	stream.indirect_vreg.gather [hbm4b:s22+s5], $0x80, v4, vm0, $0xb8;
	[tilespmem:$0x1C180] =	vst v63  }
0x6b: {  	s3 =	simm.s32 $0xC180  }
0x6c: {  	[tilespmem:s3], [sflag:$0x2] =	stream.indirect_vreg.gather [hbm4b:s31+s5], $0x80, v3, vm0, $0xb8;
	[tilespmem:$0x1C180] =	vst v63  }
0x6d: {  	s8 =	simm.s32 $0xC980  }
0x6e: {  	[tilespmem:s8], [sflag:$0x2] =	stream.indirect_vreg.gather [hbm4b:s16+s5], $0x80, v3, vm0, $0xb8;
	[tilespmem:$0x1C180] =	vst v63  }
0x6f: {  	s3 =	simm.s32 $0xD180  }
0x70: {  	[tilespmem:s3], [sflag:$0x2] =	stream.indirect_vreg.gather [hbm4b:s17+s5], $0x80, v3, vm0, $0xb8;
	[tilespmem:$0x1C180] =	vst v63  }
0x71: {  	s8 =	simm.s32 $0xD980  }
0x72: {  	[tilespmem:s8], [sflag:$0x2] =	stream.indirect_vreg.gather [hbm4b:s18+s5], $0x80, v3, vm0, $0xb8;
	[tilespmem:$0x1C180] =	vst v63  }
0x73: {  	s3 =	simm.s32 $0xE180  }
0x74: {  	[tilespmem:s3], [sflag:$0x2] =	stream.indirect_vreg.gather [hbm4b:s19+s5], $0x80, v3, vm0, $0xb8;
	[tilespmem:$0x1C180] =	vst v63  }
0x75: {  	s8 =	simm.s32 $0xE980  }
0x76: {  	[tilespmem:s8], [sflag:$0x2] =	stream.indirect_vreg.gather [hbm4b:s20+s5], $0x80, v3, vm0, $0xb8;
	[tilespmem:$0x1C180] =	vst v63  }
0x77: {  	s3 =	simm.s32 $0xF180  }
0x78: {  	[tilespmem:s3], [sflag:$0x2] =	stream.indirect_vreg.gather [hbm4b:s21+s5], $0x80, v3, vm0, $0xb8;
	[tilespmem:$0x1C180] =	vst v63  }
0x79: {  	s8 =	simm.s32 $0xF980;
	s3 =	simm.s32 $0x1  }
0x7a: {  	[tilespmem:s8], [sflag:$0x2] =	stream.indirect_vreg.gather [hbm4b:s22+s5], $0x80, v3, vm0, $0xb8;
	[tilespmem:$0x1C180] =	vst v63  }
0x7b: {  	_ =	swait.ge [sflag:s3], $0x8000  }
0x7c: {  	s8 =	sld [smem:$0x7FD]  }
0x7d: {  	[sflag:s3] =	ssyncset.done $0x0  }
0x7e: {  	s0 =	simm.s32 $0x180;
	[sflag:s3] =	ssyncadd.s32 $0xFFFF8000  }
0x7f: {  	[hbm4b:s8+s5] =	stream.linear.scatter [tilespmem:s0], [sflag:$0x3], $0x8000, $0x38;
	[tilespmem:$0x1C180] =	vst v63  }
0x80: {  	s8 =	simm.s32 $0x3  }
0x81: {  	_ =	swait.ge [sflag:s8], $0x8000  }
0x82: {  	[sflag:s8] =	ssyncset.done $0x0  }
0x83: {  	[sflag:s8] =	ssyncadd.s32 $0xFFFF8000  }
0x84: {  	v3 =	vld [tilespmem:$0x20];
	_ =	sdelay $0x4  }
0x85: {  	v50 =	vshll.u32 v3, $0x4  }
0x86: {  	v3 =	vand.u32 $0x7, v3;
	v4 =	vand.u32 $0xFFFFFF80, v50  }
0x87: {  	v3 =	vor.u32 v3, v4  }
0x88: {  	v4 =	vperm.xlane v3, v0;
	_ =	sdelay $0x1  }
0x89: {  	v4 =	vadd.s32 v1, v4;
	_ =	sdelay $0x4  }
0x8a: {  	[tilespmem:s0], [sflag:$0x1] =	stream.indirect_vreg.gather [hbm4b:s31+s5], $0x80, v4, vm0, $0xb8;
	[tilespmem:$0x1C180] =	vst v63  }
0x8b: {  	s24 =	simm.s32 $0x980  }
0x8c: {  	[tilespmem:s24], [sflag:$0x1] =	stream.indirect_vreg.gather [hbm4b:s16+s5], $0x80, v4, vm0, $0xb8;
	[tilespmem:$0x1C180] =	vst v63  }
0x8d: {  	s12 =	simm.s32 $0x1180  }
0x8e: {  	[tilespmem:s12], [sflag:$0x1] =	stream.indirect_vreg.gather [hbm4b:s17+s5], $0x80, v4, vm0, $0xb8;
	[tilespmem:$0x1C180] =	vst v63  }
0x8f: {  	s14 =	simm.s32 $0x1980  }
0x90: {  	[tilespmem:s14], [sflag:$0x1] =	stream.indirect_vreg.gather [hbm4b:s18+s5], $0x80, v4, vm0, $0xb8;
	[tilespmem:$0x1C180] =	vst v63  }
0x91: {  	s4 =	simm.s32 $0x2180  }
0x92: {  	[tilespmem:s4], [sflag:$0x1] =	stream.indirect_vreg.gather [hbm4b:s19+s5], $0x80, v4, vm0, $0xb8;
	[tilespmem:$0x1C180] =	vst v63  }
0x93: {  	s1 =	simm.s32 $0x2980;
	v3 =	vperm.xlane v3, v2  }
0x94: {  	[tilespmem:s1], [sflag:$0x1] =	stream.indirect_vreg.gather [hbm4b:s20+s5], $0x80, v4, vm0, $0xb8;
	[tilespmem:$0x1C180] =	vst v63  }
0x95: {  	s23 =	simm.s32 $0x3180;
	v3 =	vadd.s32 v1, v3  }
0x96: {  	[tilespmem:s23], [sflag:$0x1] =	stream.indirect_vreg.gather [hbm4b:s21+s5], $0x80, v4, vm0, $0xb8;
	[tilespmem:$0x1C180] =	vst v63  }
0x97: {  	s10 =	simm.s32 $0x3980  }
0x98: {  	[tilespmem:s10], [sflag:$0x1] =	stream.indirect_vreg.gather [hbm4b:s22+s5], $0x80, v4, vm0, $0xb8;
	[tilespmem:$0x1C180] =	vst v63  }
0x99: {  	s25 =	simm.s32 $0x4180  }
0x9a: {  	[tilespmem:s25], [sflag:$0x1] =	stream.indirect_vreg.gather [hbm4b:s31+s5], $0x80, v3, vm0, $0xb8;
	[tilespmem:$0x1C180] =	vst v63  }
0x9b: {  	s26 =	simm.s32 $0x4980  }
0x9c: {  	[tilespmem:s26], [sflag:$0x1] =	stream.indirect_vreg.gather [hbm4b:s16+s5], $0x80, v3, vm0, $0xb8;
	[tilespmem:$0x1C180] =	vst v63  }
0x9d: {  	s28 =	simm.s32 $0x5180  }
0x9e: {  	[tilespmem:s28], [sflag:$0x1] =	stream.indirect_vreg.gather [hbm4b:s17+s5], $0x80, v3, vm0, $0xb8;
	[tilespmem:$0x1C180] =	vst v63  }
0x9f: {  	s29 =	simm.s32 $0x5980  }
0xa0: {  	[tilespmem:s29], [sflag:$0x1] =	stream.indirect_vreg.gather [hbm4b:s18+s5], $0x80, v3, vm0, $0xb8;
	[tilespmem:$0x1C180] =	vst v63  }
0xa1: {  	s30 =	simm.s32 $0x6180  }
0xa2: {  	[tilespmem:s30], [sflag:$0x1] =	stream.indirect_vreg.gather [hbm4b:s19+s5], $0x80, v3, vm0, $0xb8;
	[tilespmem:$0x1C180] =	vst v63  }
0xa3: {  	s13 =	simm.s32 $0x6980  }
0xa4: {  	[tilespmem:s13], [sflag:$0x1] =	stream.indirect_vreg.gather [hbm4b:s20+s5], $0x80, v3, vm0, $0xb8;
	[tilespmem:$0x1C180] =	vst v63  }
0xa5: {  	s15 =	simm.s32 $0x7180  }
0xa6: {  	[tilespmem:s15], [sflag:$0x1] =	stream.indirect_vreg.gather [hbm4b:s21+s5], $0x80, v3, vm0, $0xb8;
	[tilespmem:$0x1C180] =	vst v63  }
0xa7: {  	s7 =	simm.s32 $0x7980;
	[smem:$0x7EA] =	sst s9;
	s9 =	simm.s32 $0x2  }
0xa8: {  	[tilespmem:s7], [sflag:$0x1] =	stream.indirect_vreg.gather [hbm4b:s22+s5], $0x80, v3, vm0, $0xb8;
	[tilespmem:$0x1C180] =	vst v63  }
0xa9: {  	_ =	swait.ge [sflag:s9], $0x8000  }
0xaa: {  	s26 =	sld [smem:$0x7F6]  }
0xab: {  	[sflag:s9] =	ssyncset.done $0x0  }
0xac: {  	s23 =	simm.s32 $0x4;
	[sflag:s9] =	ssyncadd.s32 $0xFFFF8000  }
0xad: {  	[hbm4b:s26+s5] =	stream.linear.scatter [tilespmem:s6], [sflag:$0x4], $0x8000, $0x38;
	[tilespmem:$0x1C180] =	vst v63  }
0xae: {  	_ =	swait.ge [sflag:s23], $0x8000  }
0xaf: {  	[sflag:s23] =	ssyncset.done $0x0  }
0xb0: {  	[sflag:s23] =	ssyncadd.s32 $0xFFFF8000  }
0xb1: {  	v3 =	vld [tilespmem:$0x30];
	_ =	sdelay $0x4  }
0xb2: {  	v51 =	vshll.u32 v3, $0x4  }
0xb3: {  	v3 =	vand.u32 $0x7, v3;
	v4 =	vand.u32 $0xFFFFFF80, v51  }
0xb4: {  	v3 =	vor.u32 v3, v4  }
0xb5: {  	v4 =	vperm.xlane v3, v0;
	_ =	sdelay $0x1  }
0xb6: {  	v4 =	vadd.s32 v1, v4;
	_ =	sdelay $0x4  }
0xb7: {  	[tilespmem:s6], [sflag:$0x2] =	stream.indirect_vreg.gather [hbm4b:s31+s5], $0x80, v4, vm0, $0xb8;
	[tilespmem:$0x1C180] =	vst v63  }
0xb8: {  	s24 =	simm.s32 $0x8980  }
0xb9: {  	[tilespmem:s24], [sflag:$0x2] =	stream.indirect_vreg.gather [hbm4b:s16+s5], $0x80, v4, vm0, $0xb8;
	[tilespmem:$0x1C180] =	vst v63  }
0xba: {  	s12 =	simm.s32 $0x9180  }
0xbb: {  	[tilespmem:s12], [sflag:$0x2] =	stream.indirect_vreg.gather [hbm4b:s17+s5], $0x80, v4, vm0, $0xb8;
	[tilespmem:$0x1C180] =	vst v63  }
0xbc: {  	s14 =	simm.s32 $0x9980  }
0xbd: {  	[tilespmem:s14], [sflag:$0x2] =	stream.indirect_vreg.gather [hbm4b:s18+s5], $0x80, v4, vm0, $0xb8;
	[tilespmem:$0x1C180] =	vst v63  }
0xbe: {  	s28 =	simm.s32 $0xA180  }
0xbf: {  	[tilespmem:s28], [sflag:$0x2] =	stream.indirect_vreg.gather [hbm4b:s19+s5], $0x80, v4, vm0, $0xb8;
	[tilespmem:$0x1C180] =	vst v63  }
0xc0: {  	s29 =	simm.s32 $0xA980;
	v3 =	vperm.xlane v3, v2  }
0xc1: {  	[tilespmem:s29], [sflag:$0x2] =	stream.indirect_vreg.gather [hbm4b:s20+s5], $0x80, v4, vm0, $0xb8;
	[tilespmem:$0x1C180] =	vst v63  }
0xc2: {  	s30 =	simm.s32 $0xB180;
	v3 =	vadd.s32 v1, v3  }
0xc3: {  	[tilespmem:s30], [sflag:$0x2] =	stream.indirect_vreg.gather [hbm4b:s21+s5], $0x80, v4, vm0, $0xb8;
	[tilespmem:$0x1C180] =	vst v63  }
0xc4: {  	s25 =	simm.s32 $0xB980  }
0xc5: {  	[tilespmem:s25], [sflag:$0x2] =	stream.indirect_vreg.gather [hbm4b:s22+s5], $0x80, v4, vm0, $0xb8;
	[tilespmem:$0x1C180] =	vst v63  }
0xc6: {  	[smem:$0x7E9] =	sst s2;
	s2 =	simm.s32 $0xC180  }
0xc7: {  	[tilespmem:s2], [sflag:$0x2] =	stream.indirect_vreg.gather [hbm4b:s31+s5], $0x80, v3, vm0, $0xb8;
	[tilespmem:$0x1C180] =	vst v63  }
0xc8: {  	s15 =	simm.s32 $0xC980  }
0xc9: {  	[tilespmem:s15], [sflag:$0x2] =	stream.indirect_vreg.gather [hbm4b:s16+s5], $0x80, v3, vm0, $0xb8;
	[tilespmem:$0x1C180] =	vst v63  }
0xca: {  	s29 =	simm.s32 $0xD180  }
0xcb: {  	[tilespmem:s29], [sflag:$0x2] =	stream.indirect_vreg.gather [hbm4b:s17+s5], $0x80, v3, vm0, $0xb8;
	[tilespmem:$0x1C180] =	vst v63  }
0xcc: {  	s30 =	simm.s32 $0xD980  }
0xcd: {  	[tilespmem:s30], [sflag:$0x2] =	stream.indirect_vreg.gather [hbm4b:s18+s5], $0x80, v3, vm0, $0xb8;
	[tilespmem:$0x1C180] =	vst v63  }
0xce: {  	s10 =	simm.s32 $0xE180  }
0xcf: {  	[tilespmem:s10], [sflag:$0x2] =	stream.indirect_vreg.gather [hbm4b:s19+s5], $0x80, v3, vm0, $0xb8;
	[tilespmem:$0x1C180] =	vst v63  }
0xd0: {  	s7 =	simm.s32 $0xE980  }
0xd1: {  	[tilespmem:s7], [sflag:$0x2] =	stream.indirect_vreg.gather [hbm4b:s20+s5], $0x80, v3, vm0, $0xb8;
	[tilespmem:$0x1C180] =	vst v63  }
0xd2: {  	s28 =	simm.s32 $0xF180  }
0xd3: {  	[tilespmem:s28], [sflag:$0x2] =	stream.indirect_vreg.gather [hbm4b:s21+s5], $0x80, v3, vm0, $0xb8;
	[tilespmem:$0x1C180] =	vst v63  }
0xd4: {  	s26 =	simm.s32 $0xF980  }
0xd5: {  	[tilespmem:s26], [sflag:$0x2] =	stream.indirect_vreg.gather [hbm4b:s22+s5], $0x80, v3, vm0, $0xb8;
	[tilespmem:$0x1C180] =	vst v63  }
0xd6: {  	_ =	swait.ge [sflag:s3], $0x8000  }
0xd7: {  	s1 =	sld [smem:$0x7F7]  }
0xd8: {  	[sflag:s3] =	ssyncset.done $0x0  }
0xd9: {  	s4 =	simm.s32 $0x180;
	[sflag:s3] =	ssyncadd.s32 $0xFFFF8000  }
0xda: {  	[hbm4b:s1+s5] =	stream.linear.scatter [tilespmem:s4], [sflag:$0x3], $0x8000, $0x38;
	[tilespmem:$0x1C180] =	vst v63  }
0xdb: {  	_ =	swait.ge [sflag:s8], $0x8000  }
0xdc: {  	[sflag:s8] =	ssyncset.done $0x0  }
0xdd: {  	[sflag:s8] =	ssyncadd.s32 $0xFFFF8000  }
0xde: {  	v3 =	vld [tilespmem:$0x40];
	_ =	sdelay $0x4  }
0xdf: {  	v52 =	vshll.u32 v3, $0x4  }
0xe0: {  	v3 =	vand.u32 $0x7, v3;
	v4 =	vand.u32 $0xFFFFFF80, v52  }
0xe1: {  	v3 =	vor.u32 v3, v4  }
0xe2: {  	v4 =	vperm.xlane v3, v0;
	_ =	sdelay $0x1  }
0xe3: {  	v4 =	vadd.s32 v1, v4;
	_ =	sdelay $0x4  }
0xe4: {  	[tilespmem:s4], [sflag:$0x1] =	stream.indirect_vreg.gather [hbm4b:s31+s5], $0x80, v4, vm0, $0xb8;
	[tilespmem:$0x1C180] =	vst v63  }
0xe5: {  	s0 =	simm.s32 $0x980  }
0xe6: {  	[tilespmem:s0], [sflag:$0x1] =	stream.indirect_vreg.gather [hbm4b:s16+s5], $0x80, v4, vm0, $0xb8;
	[tilespmem:$0x1C180] =	vst v63  }
0xe7: {  	s13 =	simm.s32 $0x1180  }
0xe8: {  	[tilespmem:s13], [sflag:$0x1] =	stream.indirect_vreg.gather [hbm4b:s17+s5], $0x80, v4, vm0, $0xb8;
	[tilespmem:$0x1C180] =	vst v63  }
0xe9: {  	s4 =	simm.s32 $0x1980  }
0xea: {  	[tilespmem:s4], [sflag:$0x1] =	stream.indirect_vreg.gather [hbm4b:s18+s5], $0x80, v4, vm0, $0xb8;
	[tilespmem:$0x1C180] =	vst v63  }
0xeb: {  	s4 =	simm.s32 $0x2180  }
0xec: {  	[tilespmem:s4], [sflag:$0x1] =	stream.indirect_vreg.gather [hbm4b:s19+s5], $0x80, v4, vm0, $0xb8;
	[tilespmem:$0x1C180] =	vst v63  }
0xed: {  	v3 =	vperm.xlane v3, v2;
	s13 =	simm.s32 $0x2980  }
0xee: {  	[tilespmem:s13], [sflag:$0x1] =	stream.indirect_vreg.gather [hbm4b:s20+s5], $0x80, v4, vm0, $0xb8;
	[tilespmem:$0x1C180] =	vst v63  }
0xef: {  	v3 =	vadd.s32 v1, v3;
	s13 =	simm.s32 $0x3180  }
0xf0: {  	[tilespmem:s13], [sflag:$0x1] =	stream.indirect_vreg.gather [hbm4b:s21+s5], $0x80, v4, vm0, $0xb8;
	[tilespmem:$0x1C180] =	vst v63  }
0xf1: {  	s13 =	simm.s32 $0x3980  }
0xf2: {  	[tilespmem:s13], [sflag:$0x1] =	stream.indirect_vreg.gather [hbm4b:s22+s5], $0x80, v4, vm0, $0xb8;
	[tilespmem:$0x1C180] =	vst v63  }
0xf3: {  	s13 =	simm.s32 $0x4180  }
0xf4: {  	[tilespmem:s13], [sflag:$0x1] =	stream.indirect_vreg.gather [hbm4b:s31+s5], $0x80, v3, vm0, $0xb8;
	[tilespmem:$0x1C180] =	vst v63  }
0xf5: {  	s13 =	simm.s32 $0x4980  }
0xf6: {  	[tilespmem:s13], [sflag:$0x1] =	stream.indirect_vreg.gather [hbm4b:s16+s5], $0x80, v3, vm0, $0xb8;
	[tilespmem:$0x1C180] =	vst v63  }
0xf7: {  	s13 =	simm.s32 $0x5180  }
0xf8: {  	[tilespmem:s13], [sflag:$0x1] =	stream.indirect_vreg.gather [hbm4b:s17+s5], $0x80, v3, vm0, $0xb8;
	[tilespmem:$0x1C180] =	vst v63  }
0xf9: {  	s13 =	simm.s32 $0x5980  }
0xfa: {  	[tilespmem:s13], [sflag:$0x1] =	stream.indirect_vreg.gather [hbm4b:s18+s5], $0x80, v3, vm0, $0xb8;
	[tilespmem:$0x1C180] =	vst v63  }
0xfb: {  	s13 =	simm.s32 $0x6180  }
0xfc: {  	[tilespmem:s13], [sflag:$0x1] =	stream.indirect_vreg.gather [hbm4b:s19+s5], $0x80, v3, vm0, $0xb8;
	[tilespmem:$0x1C180] =	vst v63  }
0xfd: {  	s13 =	simm.s32 $0x6980  }
0xfe: {  	[tilespmem:s13], [sflag:$0x1] =	stream.indirect_vreg.gather [hbm4b:s20+s5], $0x80, v3, vm0, $0xb8;
	[tilespmem:$0x1C180] =	vst v63  }
0xff: {  	s1 =	simm.s32 $0x7180  }
0x100: {  	[tilespmem:s1], [sflag:$0x1] =	stream.indirect_vreg.gather [hbm4b:s21+s5], $0x80, v3, vm0, $0xb8;
	[tilespmem:$0x1C180] =	vst v63  }
0x101: {  	s1 =	simm.s32 $0x7980  }
0x102: {  	[tilespmem:s1], [sflag:$0x1] =	stream.indirect_vreg.gather [hbm4b:s22+s5], $0x80, v3, vm0, $0xb8;
	[tilespmem:$0x1C180] =	vst v63  }
0x103: {  	_ =	swait.ge [sflag:s9], $0x8000  }
0x104: {  	s1 =	sld [smem:$0x7F8]  }
0x105: {  	[sflag:s9] =	ssyncset.done $0x0  }
0x106: {  	[sflag:s9] =	ssyncadd.s32 $0xFFFF8000  }
0x107: {  	[hbm4b:s1+s5] =	stream.linear.scatter [tilespmem:s6], [sflag:$0x4], $0x8000, $0x38;
	[tilespmem:$0x1C180] =	vst v63  }
0x108: {  	_ =	swait.ge [sflag:s23], $0x8000  }
0x109: {  	[sflag:s23] =	ssyncset.done $0x0  }
0x10a: {  	[sflag:s23] =	ssyncadd.s32 $0xFFFF8000  }
0x10b: {  	v3 =	vld [tilespmem:$0x50];
	_ =	sdelay $0x4  }
0x10c: {  	v53 =	vshll.u32 v3, $0x4  }
0x10d: {  	v3 =	vand.u32 $0x7, v3;
	v4 =	vand.u32 $0xFFFFFF80, v53  }
0x10e: {  	v3 =	vor.u32 v3, v4  }
0x10f: {  	v4 =	vperm.xlane v3, v0;
	_ =	sdelay $0x1  }
0x110: {  	v4 =	vadd.s32 v1, v4;
	_ =	sdelay $0x4  }
0x111: {  	[tilespmem:s6], [sflag:$0x2] =	stream.indirect_vreg.gather [hbm4b:s31+s5], $0x80, v4, vm0, $0xb8;
	[tilespmem:$0x1C180] =	vst v63  }
0x112: {  	_ = 	snop  }
0x113: {  	[tilespmem:s24], [sflag:$0x2] =	stream.indirect_vreg.gather [hbm4b:s16+s5], $0x80, v4, vm0, $0xb8;
	[tilespmem:$0x1C180] =	vst v63  }
0x114: {  	_ = 	snop  }
0x115: {  	[tilespmem:s12], [sflag:$0x2] =	stream.indirect_vreg.gather [hbm4b:s17+s5], $0x80, v4, vm0, $0xb8;
	[tilespmem:$0x1C180] =	vst v63  }
0x116: {  	_ = 	snop  }
0x117: {  	[tilespmem:s14], [sflag:$0x2] =	stream.indirect_vreg.gather [hbm4b:s18+s5], $0x80, v4, vm0, $0xb8;
	[tilespmem:$0x1C180] =	vst v63  }
0x118: {  	s24 =	simm.s32 $0xA180  }
0x119: {  	[tilespmem:s24], [sflag:$0x2] =	stream.indirect_vreg.gather [hbm4b:s19+s5], $0x80, v4, vm0, $0xb8;
	[tilespmem:$0x1C180] =	vst v63  }
0x11a: {  	v3 =	vperm.xlane v3, v2;
	s12 =	simm.s32 $0xA980  }
0x11b: {  	[tilespmem:s12], [sflag:$0x2] =	stream.indirect_vreg.gather [hbm4b:s20+s5], $0x80, v4, vm0, $0xb8;
	[tilespmem:$0x1C180] =	vst v63  }
0x11c: {  	v3 =	vadd.s32 v1, v3;
	s14 =	simm.s32 $0xB180  }
0x11d: {  	[tilespmem:s14], [sflag:$0x2] =	stream.indirect_vreg.gather [hbm4b:s21+s5], $0x80, v4, vm0, $0xb8;
	[tilespmem:$0x1C180] =	vst v63  }
0x11e: {  	_ = 	snop  }
0x11f: {  	[tilespmem:s25], [sflag:$0x2] =	stream.indirect_vreg.gather [hbm4b:s22+s5], $0x80, v4, vm0, $0xb8;
	[tilespmem:$0x1C180] =	vst v63  }
0x120: {  	_ = 	snop  }
0x121: {  	[tilespmem:s2], [sflag:$0x2] =	stream.indirect_vreg.gather [hbm4b:s31+s5], $0x80, v3, vm0, $0xb8;
	[tilespmem:$0x1C180] =	vst v63  }
0x122: {  	_ = 	snop  }
0x123: {  	[tilespmem:s15], [sflag:$0x2] =	stream.indirect_vreg.gather [hbm4b:s16+s5], $0x80, v3, vm0, $0xb8;
	[tilespmem:$0x1C180] =	vst v63  }
0x124: {  	_ = 	snop  }
0x125: {  	[tilespmem:s29], [sflag:$0x2] =	stream.indirect_vreg.gather [hbm4b:s17+s5], $0x80, v3, vm0, $0xb8;
	[tilespmem:$0x1C180] =	vst v63  }
0x126: {  	_ = 	snop  }
0x127: {  	[tilespmem:s30], [sflag:$0x2] =	stream.indirect_vreg.gather [hbm4b:s18+s5], $0x80, v3, vm0, $0xb8;
	[tilespmem:$0x1C180] =	vst v63  }
0x128: {  	_ = 	snop  }
0x129: {  	[tilespmem:s10], [sflag:$0x2] =	stream.indirect_vreg.gather [hbm4b:s19+s5], $0x80, v3, vm0, $0xb8;
	[tilespmem:$0x1C180] =	vst v63  }
0x12a: {  	_ = 	snop  }
0x12b: {  	[tilespmem:s7], [sflag:$0x2] =	stream.indirect_vreg.gather [hbm4b:s20+s5], $0x80, v3, vm0, $0xb8;
	[tilespmem:$0x1C180] =	vst v63  }
0x12c: {  	_ = 	snop  }
0x12d: {  	[tilespmem:s28], [sflag:$0x2] =	stream.indirect_vreg.gather [hbm4b:s21+s5], $0x80, v3, vm0, $0xb8;
	[tilespmem:$0x1C180] =	vst v63  }
0x12e: {  	_ = 	snop  }
0x12f: {  	[tilespmem:s26], [sflag:$0x2] =	stream.indirect_vreg.gather [hbm4b:s22+s5], $0x80, v3, vm0, $0xb8;
	[tilespmem:$0x1C180] =	vst v63  }
0x130: {  	_ =	swait.ge [sflag:s3], $0x8000  }
0x131: {  	s26 =	sld [smem:$0x7F9]  }
0x132: {  	[sflag:s3] =	ssyncset.done $0x0  }
0x133: {  	s28 =	simm.s32 $0x180;
	[sflag:s3] =	ssyncadd.s32 $0xFFFF8000  }
0x134: {  	[hbm4b:s26+s5] =	stream.linear.scatter [tilespmem:s28], [sflag:$0x3], $0x8000, $0x38;
	[tilespmem:$0x1C180] =	vst v63  }
0x135: {  	_ =	swait.ge [sflag:s8], $0x8000  }
0x136: {  	[sflag:s8] =	ssyncset.done $0x0  }
0x137: {  	[sflag:s8] =	ssyncadd.s32 $0xFFFF8000  }
0x138: {  	v3 =	vld [tilespmem:$0x60];
	_ =	sdelay $0x4  }
0x139: {  	v54 =	vshll.u32 v3, $0x4  }
0x13a: {  	v3 =	vand.u32 $0x7, v3;
	v4 =	vand.u32 $0xFFFFFF80, v54  }
0x13b: {  	v3 =	vor.u32 v3, v4  }
0x13c: {  	v4 =	vperm.xlane v3, v0;
	_ =	sdelay $0x1  }
0x13d: {  	v4 =	vadd.s32 v1, v4;
	_ =	sdelay $0x4  }
0x13e: {  	[tilespmem:s28], [sflag:$0x1] =	stream.indirect_vreg.gather [hbm4b:s31+s5], $0x80, v4, vm0, $0xb8;
	[tilespmem:$0x1C180] =	vst v63  }
0x13f: {  	_ = 	snop  }
0x140: {  	[tilespmem:s0], [sflag:$0x1] =	stream.indirect_vreg.gather [hbm4b:s16+s5], $0x80, v4, vm0, $0xb8;
	[tilespmem:$0x1C180] =	vst v63  }
0x141: {  	s30 =	simm.s32 $0x1180  }
0x142: {  	[tilespmem:s30], [sflag:$0x1] =	stream.indirect_vreg.gather [hbm4b:s17+s5], $0x80, v4, vm0, $0xb8;
	[tilespmem:$0x1C180] =	vst v63  }
0x143: {  	s2 =	simm.s32 $0x1980  }
0x144: {  	[tilespmem:s2], [sflag:$0x1] =	stream.indirect_vreg.gather [hbm4b:s18+s5], $0x80, v4, vm0, $0xb8;
	[tilespmem:$0x1C180] =	vst v63  }
0x145: {  	_ = 	snop  }
0x146: {  	[tilespmem:s4], [sflag:$0x1] =	stream.indirect_vreg.gather [hbm4b:s19+s5], $0x80, v4, vm0, $0xb8;
	[tilespmem:$0x1C180] =	vst v63  }
0x147: {  	v3 =	vperm.xlane v3, v2;
	s4 =	simm.s32 $0x2980  }
0x148: {  	[tilespmem:s4], [sflag:$0x1] =	stream.indirect_vreg.gather [hbm4b:s20+s5], $0x80, v4, vm0, $0xb8;
	[tilespmem:$0x1C180] =	vst v63  }
0x149: {  	s7 =	simm.s32 $0x3180;
	v3 =	vadd.s32 v1, v3  }
0x14a: {  	[tilespmem:s7], [sflag:$0x1] =	stream.indirect_vreg.gather [hbm4b:s21+s5], $0x80, v4, vm0, $0xb8;
	[tilespmem:$0x1C180] =	vst v63  }
0x14b: {  	s10 =	simm.s32 $0x3980  }
0x14c: {  	[tilespmem:s10], [sflag:$0x1] =	stream.indirect_vreg.gather [hbm4b:s22+s5], $0x80, v4, vm0, $0xb8;
	[tilespmem:$0x1C180] =	vst v63  }
0x14d: {  	s25 =	simm.s32 $0x4180  }
0x14e: {  	[tilespmem:s25], [sflag:$0x1] =	stream.indirect_vreg.gather [hbm4b:s31+s5], $0x80, v3, vm0, $0xb8;
	[tilespmem:$0x1C180] =	vst v63  }
0x14f: {  	s26 =	simm.s32 $0x4980  }
0x150: {  	[tilespmem:s26], [sflag:$0x1] =	stream.indirect_vreg.gather [hbm4b:s16+s5], $0x80, v3, vm0, $0xb8;
	[tilespmem:$0x1C180] =	vst v63  }
0x151: {  	s28 =	simm.s32 $0x5180  }
0x152: {  	[tilespmem:s28], [sflag:$0x1] =	stream.indirect_vreg.gather [hbm4b:s17+s5], $0x80, v3, vm0, $0xb8;
	[tilespmem:$0x1C180] =	vst v63  }
0x153: {  	s30 =	simm.s32 $0x5980  }
0x154: {  	[tilespmem:s30], [sflag:$0x1] =	stream.indirect_vreg.gather [hbm4b:s18+s5], $0x80, v3, vm0, $0xb8;
	[tilespmem:$0x1C180] =	vst v63  }
0x155: {  	s2 =	simm.s32 $0x6180  }
0x156: {  	[tilespmem:s2], [sflag:$0x1] =	stream.indirect_vreg.gather [hbm4b:s19+s5], $0x80, v3, vm0, $0xb8;
	[tilespmem:$0x1C180] =	vst v63  }
0x157: {  	_ = 	snop  }
0x158: {  	[tilespmem:s13], [sflag:$0x1] =	stream.indirect_vreg.gather [hbm4b:s20+s5], $0x80, v3, vm0, $0xb8;
	[tilespmem:$0x1C180] =	vst v63  }
0x159: {  	s4 =	simm.s32 $0x7180  }
0x15a: {  	[tilespmem:s4], [sflag:$0x1] =	stream.indirect_vreg.gather [hbm4b:s21+s5], $0x80, v3, vm0, $0xb8;
	[tilespmem:$0x1C180] =	vst v63  }
0x15b: {  	s7 =	simm.s32 $0x7980  }
0x15c: {  	[tilespmem:s7], [sflag:$0x1] =	stream.indirect_vreg.gather [hbm4b:s22+s5], $0x80, v3, vm0, $0xb8;
	[tilespmem:$0x1C180] =	vst v63  }
0x15d: {  	_ =	swait.ge [sflag:s9], $0x8000  }
0x15e: {  	s10 =	sld [smem:$0x7FA]  }
0x15f: {  	[sflag:s9] =	ssyncset.done $0x0  }
0x160: {  	[sflag:s9] =	ssyncadd.s32 $0xFFFF8000  }
0x161: {  	[hbm4b:s10+s5] =	stream.linear.scatter [tilespmem:s6], [sflag:$0x4], $0x8000, $0x38;
	[tilespmem:$0x1C180] =	vst v63  }
0x162: {  	_ =	swait.ge [sflag:s23], $0x8000  }
0x163: {  	[sflag:s23] =	ssyncset.done $0x0  }
0x164: {  	[sflag:s23] =	ssyncadd.s32 $0xFFFF8000  }
0x165: {  	v3 =	vld [tilespmem:$0x70];
	_ =	sdelay $0x4  }
0x166: {  	v55 =	vshll.u32 v3, $0x4  }
0x167: {  	v3 =	vand.u32 $0x7, v3;
	v4 =	vand.u32 $0xFFFFFF80, v55  }
0x168: {  	v3 =	vor.u32 v3, v4  }
0x169: {  	v4 =	vperm.xlane v3, v0;
	_ =	sdelay $0x1  }
0x16a: {  	v4 =	vadd.s32 v1, v4;
	_ =	sdelay $0x4  }
0x16b: {  	[tilespmem:s6], [sflag:$0x2] =	stream.indirect_vreg.gather [hbm4b:s31+s5], $0x80, v4, vm0, $0xb8;
	[tilespmem:$0x1C180] =	vst v63  }
0x16c: {  	s2 =	simm.s32 $0x8980  }
0x16d: {  	[tilespmem:s2], [sflag:$0x2] =	stream.indirect_vreg.gather [hbm4b:s16+s5], $0x80, v4, vm0, $0xb8;
	[tilespmem:$0x1C180] =	vst v63  }
0x16e: {  	s4 =	simm.s32 $0x9180  }
0x16f: {  	[tilespmem:s4], [sflag:$0x2] =	stream.indirect_vreg.gather [hbm4b:s17+s5], $0x80, v4, vm0, $0xb8;
	[tilespmem:$0x1C180] =	vst v63  }
0x170: {  	s7 =	simm.s32 $0x9980  }
0x171: {  	[tilespmem:s7], [sflag:$0x2] =	stream.indirect_vreg.gather [hbm4b:s18+s5], $0x80, v4, vm0, $0xb8;
	[tilespmem:$0x1C180] =	vst v63  }
0x172: {  	_ = 	snop  }
0x173: {  	[tilespmem:s24], [sflag:$0x2] =	stream.indirect_vreg.gather [hbm4b:s19+s5], $0x80, v4, vm0, $0xb8;
	[tilespmem:$0x1C180] =	vst v63  }
0x174: {  	v3 =	vperm.xlane v3, v2  }
0x175: {  	[tilespmem:s12], [sflag:$0x2] =	stream.indirect_vreg.gather [hbm4b:s20+s5], $0x80, v4, vm0, $0xb8;
	[tilespmem:$0x1C180] =	vst v63  }
0x176: {  	s1 =	simm.s32 $0xB180;
	v3 =	vadd.s32 v1, v3  }
0x177: {  	[tilespmem:s1], [sflag:$0x2] =	stream.indirect_vreg.gather [hbm4b:s21+s5], $0x80, v4, vm0, $0xb8;
	[tilespmem:$0x1C180] =	vst v63  }
0x178: {  	s24 =	simm.s32 $0xB980  }
0x179: {  	[tilespmem:s24], [sflag:$0x2] =	stream.indirect_vreg.gather [hbm4b:s22+s5], $0x80, v4, vm0, $0xb8;
	[tilespmem:$0x1C180] =	vst v63  }
0x17a: {  	s25 =	simm.s32 $0xC180  }
0x17b: {  	[tilespmem:s25], [sflag:$0x2] =	stream.indirect_vreg.gather [hbm4b:s31+s5], $0x80, v3, vm0, $0xb8;
	[tilespmem:$0x1C180] =	vst v63  }
0x17c: {  	s14 =	simm.s32 $0xC980  }
0x17d: {  	[tilespmem:s14], [sflag:$0x2] =	stream.indirect_vreg.gather [hbm4b:s16+s5], $0x80, v3, vm0, $0xb8;
	[tilespmem:$0x1C180] =	vst v63  }
0x17e: {  	s26 =	simm.s32 $0xD180  }
0x17f: {  	[tilespmem:s26], [sflag:$0x2] =	stream.indirect_vreg.gather [hbm4b:s17+s5], $0x80, v3, vm0, $0xb8;
	[tilespmem:$0x1C180] =	vst v63  }
0x180: {  	s28 =	simm.s32 $0xD980  }
0x181: {  	[tilespmem:s28], [sflag:$0x2] =	stream.indirect_vreg.gather [hbm4b:s18+s5], $0x80, v3, vm0, $0xb8;
	[tilespmem:$0x1C180] =	vst v63  }
0x182: {  	s29 =	simm.s32 $0xE180  }
0x183: {  	[tilespmem:s29], [sflag:$0x2] =	stream.indirect_vreg.gather [hbm4b:s19+s5], $0x80, v3, vm0, $0xb8;
	[tilespmem:$0x1C180] =	vst v63  }
0x184: {  	s29 =	simm.s32 $0xE980  }
0x185: {  	[tilespmem:s29], [sflag:$0x2] =	stream.indirect_vreg.gather [hbm4b:s20+s5], $0x80, v3, vm0, $0xb8;
	[tilespmem:$0x1C180] =	vst v63  }
0x186: {  	s30 =	simm.s32 $0xF180  }
0x187: {  	[tilespmem:s30], [sflag:$0x2] =	stream.indirect_vreg.gather [hbm4b:s21+s5], $0x80, v3, vm0, $0xb8;
	[tilespmem:$0x1C180] =	vst v63  }
0x188: {  	s1 =	simm.s32 $0xF980  }
0x189: {  	[tilespmem:s1], [sflag:$0x2] =	stream.indirect_vreg.gather [hbm4b:s22+s5], $0x80, v3, vm0, $0xb8;
	[tilespmem:$0x1C180] =	vst v63  }
0x18a: {  	_ =	swait.ge [sflag:s3], $0x8000  }
0x18b: {  	[sflag:s3] =	ssyncset.done $0x0  }
0x18c: {  	s15 =	simm.s32 $0x180;
	s0 =	rddreg [dreg:$0xe];
	[sflag:s3] =	ssyncadd.s32 $0xFFFF8000  }
0x18d: {  	[hbm4b:s0+s5] =	stream.linear.scatter [tilespmem:s15], [sflag:$0x3], $0x8000, $0x38;
	[tilespmem:$0x1C180] =	vst v63  }
0x18e: {  	_ =	swait.ge [sflag:s8], $0x8000  }
0x18f: {  	[sflag:s8] =	ssyncset.done $0x0  }
0x190: {  	[sflag:s8] =	ssyncadd.s32 $0xFFFF8000  }
0x191: {  	v3 =	vld [tilespmem:$0x80];
	_ =	sdelay $0x4  }
0x192: {  	v56 =	vshll.u32 v3, $0x4  }
0x193: {  	v3 =	vand.u32 $0x7, v3;
	v4 =	vand.u32 $0xFFFFFF80, v56  }
0x194: {  	v3 =	vor.u32 v3, v4  }
0x195: {  	v4 =	vperm.xlane v3, v0;
	_ =	sdelay $0x1  }
0x196: {  	v4 =	vadd.s32 v1, v4;
	_ =	sdelay $0x4  }
0x197: {  	[tilespmem:s15], [sflag:$0x1] =	stream.indirect_vreg.gather [hbm4b:s31+s5], $0x80, v4, vm0, $0xb8;
	[tilespmem:$0x1C180] =	vst v63  }
0x198: {  	s15 =	simm.s32 $0x980  }
0x199: {  	[tilespmem:s15], [sflag:$0x1] =	stream.indirect_vreg.gather [hbm4b:s16+s5], $0x80, v4, vm0, $0xb8;
	[tilespmem:$0x1C180] =	vst v63  }
0x19a: {  	s15 =	simm.s32 $0x1180  }
0x19b: {  	[tilespmem:s15], [sflag:$0x1] =	stream.indirect_vreg.gather [hbm4b:s17+s5], $0x80, v4, vm0, $0xb8;
	[tilespmem:$0x1C180] =	vst v63  }
0x19c: {  	s15 =	simm.s32 $0x1980  }
0x19d: {  	[tilespmem:s15], [sflag:$0x1] =	stream.indirect_vreg.gather [hbm4b:s18+s5], $0x80, v4, vm0, $0xb8;
	[tilespmem:$0x1C180] =	vst v63  }
0x19e: {  	s15 =	simm.s32 $0x2180  }
0x19f: {  	[tilespmem:s15], [sflag:$0x1] =	stream.indirect_vreg.gather [hbm4b:s19+s5], $0x80, v4, vm0, $0xb8;
	[tilespmem:$0x1C180] =	vst v63  }
0x1a0: {  	v3 =	vperm.xlane v3, v2;
	s15 =	simm.s32 $0x2980  }
0x1a1: {  	[tilespmem:s15], [sflag:$0x1] =	stream.indirect_vreg.gather [hbm4b:s20+s5], $0x80, v4, vm0, $0xb8;
	[tilespmem:$0x1C180] =	vst v63  }
0x1a2: {  	v3 =	vadd.s32 v1, v3;
	s15 =	simm.s32 $0x3180  }
0x1a3: {  	[tilespmem:s15], [sflag:$0x1] =	stream.indirect_vreg.gather [hbm4b:s21+s5], $0x80, v4, vm0, $0xb8;
	[tilespmem:$0x1C180] =	vst v63  }
0x1a4: {  	s15 =	simm.s32 $0x3980  }
0x1a5: {  	[tilespmem:s15], [sflag:$0x1] =	stream.indirect_vreg.gather [hbm4b:s22+s5], $0x80, v4, vm0, $0xb8;
	[tilespmem:$0x1C180] =	vst v63  }
0x1a6: {  	s15 =	simm.s32 $0x4180  }
0x1a7: {  	[tilespmem:s15], [sflag:$0x1] =	stream.indirect_vreg.gather [hbm4b:s31+s5], $0x80, v3, vm0, $0xb8;
	[tilespmem:$0x1C180] =	vst v63  }
0x1a8: {  	s15 =	simm.s32 $0x4980  }
0x1a9: {  	[tilespmem:s15], [sflag:$0x1] =	stream.indirect_vreg.gather [hbm4b:s16+s5], $0x80, v3, vm0, $0xb8;
	[tilespmem:$0x1C180] =	vst v63  }
0x1aa: {  	s15 =	simm.s32 $0x5180  }
0x1ab: {  	[tilespmem:s15], [sflag:$0x1] =	stream.indirect_vreg.gather [hbm4b:s17+s5], $0x80, v3, vm0, $0xb8;
	[tilespmem:$0x1C180] =	vst v63  }
0x1ac: {  	s15 =	simm.s32 $0x5980  }
0x1ad: {  	[tilespmem:s15], [sflag:$0x1] =	stream.indirect_vreg.gather [hbm4b:s18+s5], $0x80, v3, vm0, $0xb8;
	[tilespmem:$0x1C180] =	vst v63  }
0x1ae: {  	s15 =	simm.s32 $0x6180  }
0x1af: {  	[tilespmem:s15], [sflag:$0x1] =	stream.indirect_vreg.gather [hbm4b:s19+s5], $0x80, v3, vm0, $0xb8;
	[tilespmem:$0x1C180] =	vst v63  }
0x1b0: {  	s13 =	simm.s32 $0x6980  }
0x1b1: {  	[tilespmem:s13], [sflag:$0x1] =	stream.indirect_vreg.gather [hbm4b:s20+s5], $0x80, v3, vm0, $0xb8;
	[tilespmem:$0x1C180] =	vst v63  }
0x1b2: {  	s15 =	simm.s32 $0x7180  }
0x1b3: {  	[tilespmem:s15], [sflag:$0x1] =	stream.indirect_vreg.gather [hbm4b:s21+s5], $0x80, v3, vm0, $0xb8;
	[tilespmem:$0x1C180] =	vst v63  }
0x1b4: {  	s13 =	simm.s32 $0x7980  }
0x1b5: {  	[tilespmem:s13], [sflag:$0x1] =	stream.indirect_vreg.gather [hbm4b:s22+s5], $0x80, v3, vm0, $0xb8;
	[tilespmem:$0x1C180] =	vst v63  }
0x1b6: {  	_ =	swait.ge [sflag:s9], $0x8000  }
0x1b7: {  	[sflag:s9] =	ssyncset.done $0x0  }
0x1b8: {  	s15 =	rddreg [dreg:$0xd];
	[sflag:s9] =	ssyncadd.s32 $0xFFFF8000  }
0x1b9: {  	[hbm4b:s15+s5] =	stream.linear.scatter [tilespmem:s6], [sflag:$0x4], $0x8000, $0x38;
	[tilespmem:$0x1C180] =	vst v63  }
0x1ba: {  	_ =	swait.ge [sflag:s23], $0x8000  }
0x1bb: {  	[sflag:s23] =	ssyncset.done $0x0  }
0x1bc: {  	[sflag:s23] =	ssyncadd.s32 $0xFFFF8000  }
0x1bd: {  	v3 =	vld [tilespmem:$0x90];
	_ =	sdelay $0x4  }
0x1be: {  	v57 =	vshll.u32 v3, $0x4  }
0x1bf: {  	v3 =	vand.u32 $0x7, v3;
	v4 =	vand.u32 $0xFFFFFF80, v57  }
0x1c0: {  	v3 =	vor.u32 v3, v4  }
0x1c1: {  	v4 =	vperm.xlane v3, v0;
	_ =	sdelay $0x1  }
0x1c2: {  	v4 =	vadd.s32 v1, v4;
	_ =	sdelay $0x4  }
0x1c3: {  	[tilespmem:s6], [sflag:$0x2] =	stream.indirect_vreg.gather [hbm4b:s31+s5], $0x80, v4, vm0, $0xb8;
	[tilespmem:$0x1C180] =	vst v63  }
0x1c4: {  	_ = 	snop  }
0x1c5: {  	[tilespmem:s2], [sflag:$0x2] =	stream.indirect_vreg.gather [hbm4b:s16+s5], $0x80, v4, vm0, $0xb8;
	[tilespmem:$0x1C180] =	vst v63  }
0x1c6: {  	_ = 	snop  }
0x1c7: {  	[tilespmem:s4], [sflag:$0x2] =	stream.indirect_vreg.gather [hbm4b:s17+s5], $0x80, v4, vm0, $0xb8;
	[tilespmem:$0x1C180] =	vst v63  }
0x1c8: {  	_ = 	snop  }
0x1c9: {  	[tilespmem:s7], [sflag:$0x2] =	stream.indirect_vreg.gather [hbm4b:s18+s5], $0x80, v4, vm0, $0xb8;
	[tilespmem:$0x1C180] =	vst v63  }
0x1ca: {  	s13 =	simm.s32 $0xA180  }
0x1cb: {  	[tilespmem:s13], [sflag:$0x2] =	stream.indirect_vreg.gather [hbm4b:s19+s5], $0x80, v4, vm0, $0xb8;
	[tilespmem:$0x1C180] =	vst v63  }
0x1cc: {  	s15 =	simm.s32 $0xA980;
	v3 =	vperm.xlane v3, v2  }
0x1cd: {  	[tilespmem:s15], [sflag:$0x2] =	stream.indirect_vreg.gather [hbm4b:s20+s5], $0x80, v4, vm0, $0xb8;
	[tilespmem:$0x1C180] =	vst v63  }
0x1ce: {  	s10 =	simm.s32 $0xB180;
	v3 =	vadd.s32 v1, v3  }
0x1cf: {  	[tilespmem:s10], [sflag:$0x2] =	stream.indirect_vreg.gather [hbm4b:s21+s5], $0x80, v4, vm0, $0xb8;
	[tilespmem:$0x1C180] =	vst v63  }
0x1d0: {  	_ = 	snop  }
0x1d1: {  	[tilespmem:s24], [sflag:$0x2] =	stream.indirect_vreg.gather [hbm4b:s22+s5], $0x80, v4, vm0, $0xb8;
	[tilespmem:$0x1C180] =	vst v63  }
0x1d2: {  	_ = 	snop  }
0x1d3: {  	[tilespmem:s25], [sflag:$0x2] =	stream.indirect_vreg.gather [hbm4b:s31+s5], $0x80, v3, vm0, $0xb8;
	[tilespmem:$0x1C180] =	vst v63  }
0x1d4: {  	s12 =	simm.s32 $0xC980  }
0x1d5: {  	[tilespmem:s12], [sflag:$0x2] =	stream.indirect_vreg.gather [hbm4b:s16+s5], $0x80, v3, vm0, $0xb8;
	[tilespmem:$0x1C180] =	vst v63  }
0x1d6: {  	_ = 	snop  }
0x1d7: {  	[tilespmem:s26], [sflag:$0x2] =	stream.indirect_vreg.gather [hbm4b:s17+s5], $0x80, v3, vm0, $0xb8;
	[tilespmem:$0x1C180] =	vst v63  }
0x1d8: {  	_ = 	snop  }
0x1d9: {  	[tilespmem:s28], [sflag:$0x2] =	stream.indirect_vreg.gather [hbm4b:s18+s5], $0x80, v3, vm0, $0xb8;
	[tilespmem:$0x1C180] =	vst v63  }
0x1da: {  	s14 =	simm.s32 $0xE180  }
0x1db: {  	[tilespmem:s14], [sflag:$0x2] =	stream.indirect_vreg.gather [hbm4b:s19+s5], $0x80, v3, vm0, $0xb8;
	[tilespmem:$0x1C180] =	vst v63  }
0x1dc: {  	_ = 	snop  }
0x1dd: {  	[tilespmem:s29], [sflag:$0x2] =	stream.indirect_vreg.gather [hbm4b:s20+s5], $0x80, v3, vm0, $0xb8;
	[tilespmem:$0x1C180] =	vst v63  }
0x1de: {  	_ = 	snop  }
0x1df: {  	[tilespmem:s30], [sflag:$0x2] =	stream.indirect_vreg.gather [hbm4b:s21+s5], $0x80, v3, vm0, $0xb8;
	[tilespmem:$0x1C180] =	vst v63  }
0x1e0: {  	_ = 	snop  }
0x1e1: {  	[tilespmem:s1], [sflag:$0x2] =	stream.indirect_vreg.gather [hbm4b:s22+s5], $0x80, v3, vm0, $0xb8;
	[tilespmem:$0x1C180] =	vst v63  }
0x1e2: {  	_ =	swait.ge [sflag:s3], $0x8000  }
0x1e3: {  	[sflag:s3] =	ssyncset.done $0x0  }
0x1e4: {  	s29 =	simm.s32 $0x180;
	s28 =	rddreg [dreg:$0xc];
	[sflag:s3] =	ssyncadd.s32 $0xFFFF8000  }
0x1e5: {  	[hbm4b:s28+s5] =	stream.linear.scatter [tilespmem:s29], [sflag:$0x3], $0x8000, $0x38;
	[tilespmem:$0x1C180] =	vst v63  }
0x1e6: {  	s10 =	sld [smem:$0x7F0];
	_ =	swait.ge [sflag:s8], $0x8000  }
0x1e7: {  	[sflag:s8] =	ssyncset.done $0x0  }
0x1e8: {  	[sflag:s8] =	ssyncadd.s32 $0xFFFF8000  }
0x1e9: {  	v3 =	vld [tilespmem:$0xA0];
	_ =	sdelay $0x4  }
0x1ea: {  	v58 =	vshll.u32 v3, $0x4  }
0x1eb: {  	v3 =	vand.u32 $0x7, v3;
	v4 =	vand.u32 $0xFFFFFF80, v58  }
0x1ec: {  	v3 =	vor.u32 v3, v4  }
0x1ed: {  	v4 =	vperm.xlane v3, v0;
	_ =	sdelay $0x1  }
0x1ee: {  	v4 =	vadd.s32 v1, v4;
	_ =	sdelay $0x4  }
0x1ef: {  	[tilespmem:s29], [sflag:$0x1] =	stream.indirect_vreg.gather [hbm4b:s31+s5], $0x80, v4, vm0, $0xb8;
	[tilespmem:$0x1C180] =	vst v63  }
0x1f0: {  	s24 =	simm.s32 $0x980  }
0x1f1: {  	[tilespmem:s24], [sflag:$0x1] =	stream.indirect_vreg.gather [hbm4b:s16+s5], $0x80, v4, vm0, $0xb8;
	[tilespmem:$0x1C180] =	vst v63  }
0x1f2: {  	s12 =	simm.s32 $0x1180  }
0x1f3: {  	[tilespmem:s12], [sflag:$0x1] =	stream.indirect_vreg.gather [hbm4b:s17+s5], $0x80, v4, vm0, $0xb8;
	[tilespmem:$0x1C180] =	vst v63  }
0x1f4: {  	s13 =	simm.s32 $0x1980  }
0x1f5: {  	[tilespmem:s13], [sflag:$0x1] =	stream.indirect_vreg.gather [hbm4b:s18+s5], $0x80, v4, vm0, $0xb8;
	[tilespmem:$0x1C180] =	vst v63  }
0x1f6: {  	s30 =	simm.s32 $0x2180  }
0x1f7: {  	[tilespmem:s30], [sflag:$0x1] =	stream.indirect_vreg.gather [hbm4b:s19+s5], $0x80, v4, vm0, $0xb8;
	[tilespmem:$0x1C180] =	vst v63  }
0x1f8: {  	s1 =	simm.s32 $0x2980;
	v3 =	vperm.xlane v3, v2  }
0x1f9: {  	[tilespmem:s1], [sflag:$0x1] =	stream.indirect_vreg.gather [hbm4b:s20+s5], $0x80, v4, vm0, $0xb8;
	[tilespmem:$0x1C180] =	vst v63  }
0x1fa: {  	s14 =	simm.s32 $0x3180;
	v3 =	vadd.s32 v1, v3  }
0x1fb: {  	[tilespmem:s14], [sflag:$0x1] =	stream.indirect_vreg.gather [hbm4b:s21+s5], $0x80, v4, vm0, $0xb8;
	[tilespmem:$0x1C180] =	vst v63  }
0x1fc: {  	s15 =	simm.s32 $0x3980  }
0x1fd: {  	[tilespmem:s15], [sflag:$0x1] =	stream.indirect_vreg.gather [hbm4b:s22+s5], $0x80, v4, vm0, $0xb8;
	[tilespmem:$0x1C180] =	vst v63  }
0x1fe: {  	s25 =	simm.s32 $0x4180  }
0x1ff: {  	[tilespmem:s25], [sflag:$0x1] =	stream.indirect_vreg.gather [hbm4b:s31+s5], $0x80, v3, vm0, $0xb8;
	[tilespmem:$0x1C180] =	vst v63  }
0x200: {  	s26 =	simm.s32 $0x4980  }
0x201: {  	[tilespmem:s26], [sflag:$0x1] =	stream.indirect_vreg.gather [hbm4b:s16+s5], $0x80, v3, vm0, $0xb8;
	[tilespmem:$0x1C180] =	vst v63  }
0x202: {  	s28 =	simm.s32 $0x5180  }
0x203: {  	[tilespmem:s28], [sflag:$0x1] =	stream.indirect_vreg.gather [hbm4b:s17+s5], $0x80, v3, vm0, $0xb8;
	[tilespmem:$0x1C180] =	vst v63  }
0x204: {  	s29 =	simm.s32 $0x5980  }
0x205: {  	[tilespmem:s29], [sflag:$0x1] =	stream.indirect_vreg.gather [hbm4b:s18+s5], $0x80, v3, vm0, $0xb8;
	[tilespmem:$0x1C180] =	vst v63  }
0x206: {  	s30 =	simm.s32 $0x6180  }
0x207: {  	[tilespmem:s30], [sflag:$0x1] =	stream.indirect_vreg.gather [hbm4b:s19+s5], $0x80, v3, vm0, $0xb8;
	[tilespmem:$0x1C180] =	vst v63  }
0x208: {  	s4 =	simm.s32 $0x6980  }
0x209: {  	[tilespmem:s4], [sflag:$0x1] =	stream.indirect_vreg.gather [hbm4b:s20+s5], $0x80, v3, vm0, $0xb8;
	[tilespmem:$0x1C180] =	vst v63  }
0x20a: {  	s7 =	simm.s32 $0x7180  }
0x20b: {  	[tilespmem:s7], [sflag:$0x1] =	stream.indirect_vreg.gather [hbm4b:s21+s5], $0x80, v3, vm0, $0xb8;
	[tilespmem:$0x1C180] =	vst v63  }
0x20c: {  	s7 =	simm.s32 $0x7980  }
0x20d: {  	[tilespmem:s7], [sflag:$0x1] =	stream.indirect_vreg.gather [hbm4b:s22+s5], $0x80, v3, vm0, $0xb8;
	[tilespmem:$0x1C180] =	vst v63  }
0x20e: {  	_ =	swait.ge [sflag:s9], $0x8000  }
0x20f: {  	[sflag:s9] =	ssyncset.done $0x0  }
0x210: {  	s1 =	rddreg [dreg:$0x10];
	[sflag:s9] =	ssyncadd.s32 $0xFFFF8000  }
0x211: {  	[hbm4b:s1+s5] =	stream.linear.scatter [tilespmem:s6], [sflag:$0x4], $0x8000, $0x38;
	[tilespmem:$0x1C180] =	vst v63  }
0x212: {  	_ =	swait.ge [sflag:s23], $0x8000  }
0x213: {  	[sflag:s23] =	ssyncset.done $0x0  }
0x214: {  	[sflag:s23] =	ssyncadd.s32 $0xFFFF8000  }
0x215: {  	v3 =	vld [tilespmem:$0xB0];
	_ =	sdelay $0x4  }
0x216: {  	v59 =	vshll.u32 v3, $0x4  }
0x217: {  	v3 =	vand.u32 $0x7, v3;
	v4 =	vand.u32 $0xFFFFFF80, v59  }
0x218: {  	v3 =	vor.u32 v3, v4  }
0x219: {  	v4 =	vperm.xlane v3, v0;
	_ =	sdelay $0x1  }
0x21a: {  	v4 =	vadd.s32 v1, v4;
	_ =	sdelay $0x4  }
0x21b: {  	[tilespmem:s6], [sflag:$0x2] =	stream.indirect_vreg.gather [hbm4b:s31+s5], $0x80, v4, vm0, $0xb8;
	[tilespmem:$0x1C180] =	vst v63  }
0x21c: {  	s4 =	simm.s32 $0x8980  }
0x21d: {  	[tilespmem:s4], [sflag:$0x2] =	stream.indirect_vreg.gather [hbm4b:s16+s5], $0x80, v4, vm0, $0xb8;
	[tilespmem:$0x1C180] =	vst v63  }
0x21e: {  	s1 =	simm.s32 $0x9180  }
0x21f: {  	[tilespmem:s1], [sflag:$0x2] =	stream.indirect_vreg.gather [hbm4b:s17+s5], $0x80, v4, vm0, $0xb8;
	[tilespmem:$0x1C180] =	vst v63  }
0x220: {  	s2 =	simm.s32 $0x9980  }
0x221: {  	[tilespmem:s2], [sflag:$0x2] =	stream.indirect_vreg.gather [hbm4b:s18+s5], $0x80, v4, vm0, $0xb8;
	[tilespmem:$0x1C180] =	vst v63  }
0x222: {  	s2 =	simm.s32 $0xA180  }
0x223: {  	[tilespmem:s2], [sflag:$0x2] =	stream.indirect_vreg.gather [hbm4b:s19+s5], $0x80, v4, vm0, $0xb8;
	[tilespmem:$0x1C180] =	vst v63  }
0x224: {  	v3 =	vperm.xlane v3, v2;
	s4 =	simm.s32 $0xA980  }
0x225: {  	[tilespmem:s4], [sflag:$0x2] =	stream.indirect_vreg.gather [hbm4b:s20+s5], $0x80, v4, vm0, $0xb8;
	[tilespmem:$0x1C180] =	vst v63  }
0x226: {  	v3 =	vadd.s32 v1, v3;
	s1 =	simm.s32 $0xB180  }
0x227: {  	[tilespmem:s1], [sflag:$0x2] =	stream.indirect_vreg.gather [hbm4b:s21+s5], $0x80, v4, vm0, $0xb8;
	[tilespmem:$0x1C180] =	vst v63  }
0x228: {  	s2 =	simm.s32 $0xB980  }
0x229: {  	[tilespmem:s2], [sflag:$0x2] =	stream.indirect_vreg.gather [hbm4b:s22+s5], $0x80, v4, vm0, $0xb8;
	[tilespmem:$0x1C180] =	vst v63  }
0x22a: {  	s4 =	simm.s32 $0xC180  }
0x22b: {  	[tilespmem:s4], [sflag:$0x2] =	stream.indirect_vreg.gather [hbm4b:s31+s5], $0x80, v3, vm0, $0xb8;
	[tilespmem:$0x1C180] =	vst v63  }
0x22c: {  	s4 =	simm.s32 $0xC980  }
0x22d: {  	[tilespmem:s4], [sflag:$0x2] =	stream.indirect_vreg.gather [hbm4b:s16+s5], $0x80, v3, vm0, $0xb8;
	[tilespmem:$0x1C180] =	vst v63  }
0x22e: {  	s1 =	simm.s32 $0xD180  }
0x22f: {  	[tilespmem:s1], [sflag:$0x2] =	stream.indirect_vreg.gather [hbm4b:s17+s5], $0x80, v3, vm0, $0xb8;
	[tilespmem:$0x1C180] =	vst v63  }
0x230: {  	s2 =	simm.s32 $0xD980  }
0x231: {  	[tilespmem:s2], [sflag:$0x2] =	stream.indirect_vreg.gather [hbm4b:s18+s5], $0x80, v3, vm0, $0xb8;
	[tilespmem:$0x1C180] =	vst v63  }
0x232: {  	s2 =	simm.s32 $0xE180  }
0x233: {  	[tilespmem:s2], [sflag:$0x2] =	stream.indirect_vreg.gather [hbm4b:s19+s5], $0x80, v3, vm0, $0xb8;
	[tilespmem:$0x1C180] =	vst v63  }
0x234: {  	s1 =	simm.s32 $0xE980  }
0x235: {  	[tilespmem:s1], [sflag:$0x2] =	stream.indirect_vreg.gather [hbm4b:s20+s5], $0x80, v3, vm0, $0xb8;
	[tilespmem:$0x1C180] =	vst v63  }
0x236: {  	s1 =	simm.s32 $0xF180  }
0x237: {  	[tilespmem:s1], [sflag:$0x2] =	stream.indirect_vreg.gather [hbm4b:s21+s5], $0x80, v3, vm0, $0xb8;
	[tilespmem:$0x1C180] =	vst v63  }
0x238: {  	s1 =	simm.s32 $0xF980  }
0x239: {  	[tilespmem:s1], [sflag:$0x2] =	stream.indirect_vreg.gather [hbm4b:s22+s5], $0x80, v3, vm0, $0xb8;
	[tilespmem:$0x1C180] =	vst v63  }
0x23a: {  	_ =	swait.ge [sflag:s3], $0x8000  }
0x23b: {  	[sflag:s3] =	ssyncset.done $0x0  }
0x23c: {  	s1 =	simm.s32 $0x180;
	s0 =	rddreg [dreg:$0x11];
	[sflag:s3] =	ssyncadd.s32 $0xFFFF8000  }
0x23d: {  	[hbm4b:s0+s5] =	stream.linear.scatter [tilespmem:s1], [sflag:$0x3], $0x8000, $0x38;
	[tilespmem:$0x1C180] =	vst v63  }
0x23e: {  	_ =	swait.ge [sflag:s8], $0x8000  }
0x23f: {  	[sflag:s8] =	ssyncset.done $0x0  }
0x240: {  	[sflag:s8] =	ssyncadd.s32 $0xFFFF8000  }
0x241: {  	v3 =	vld [tilespmem:$0xC0];
	_ =	sdelay $0x4  }
0x242: {  	v60 =	vshll.u32 v3, $0x4  }
0x243: {  	v3 =	vand.u32 $0x7, v3;
	v4 =	vand.u32 $0xFFFFFF80, v60  }
0x244: {  	v3 =	vor.u32 v3, v4  }
0x245: {  	v4 =	vperm.xlane v3, v0;
	_ =	sdelay $0x1  }
0x246: {  	v4 =	vadd.s32 v1, v4;
	_ =	sdelay $0x4  }
0x247: {  	[tilespmem:s1], [sflag:$0x1] =	stream.indirect_vreg.gather [hbm4b:s31+s5], $0x80, v4, vm0, $0xb8;
	[tilespmem:$0x1C180] =	vst v63  }
0x248: {  	_ = 	snop  }
0x249: {  	[tilespmem:s24], [sflag:$0x1] =	stream.indirect_vreg.gather [hbm4b:s16+s5], $0x80, v4, vm0, $0xb8;
	[tilespmem:$0x1C180] =	vst v63  }
0x24a: {  	_ = 	snop  }
0x24b: {  	[tilespmem:s12], [sflag:$0x1] =	stream.indirect_vreg.gather [hbm4b:s17+s5], $0x80, v4, vm0, $0xb8;
	[tilespmem:$0x1C180] =	vst v63  }
0x24c: {  	_ = 	snop  }
0x24d: {  	[tilespmem:s13], [sflag:$0x1] =	stream.indirect_vreg.gather [hbm4b:s18+s5], $0x80, v4, vm0, $0xb8;
	[tilespmem:$0x1C180] =	vst v63  }
0x24e: {  	s1 =	simm.s32 $0x2180  }
0x24f: {  	[tilespmem:s1], [sflag:$0x1] =	stream.indirect_vreg.gather [hbm4b:s19+s5], $0x80, v4, vm0, $0xb8;
	[tilespmem:$0x1C180] =	vst v63  }
0x250: {  	v3 =	vperm.xlane v3, v2;
	s24 =	simm.s32 $0x2980  }
0x251: {  	[tilespmem:s24], [sflag:$0x1] =	stream.indirect_vreg.gather [hbm4b:s20+s5], $0x80, v4, vm0, $0xb8;
	[tilespmem:$0x1C180] =	vst v63  }
0x252: {  	v3 =	vadd.s32 v1, v3  }
0x253: {  	[tilespmem:s14], [sflag:$0x1] =	stream.indirect_vreg.gather [hbm4b:s21+s5], $0x80, v4, vm0, $0xb8;
	[tilespmem:$0x1C180] =	vst v63  }
0x254: {  	_ = 	snop  }
0x255: {  	[tilespmem:s15], [sflag:$0x1] =	stream.indirect_vreg.gather [hbm4b:s22+s5], $0x80, v4, vm0, $0xb8;
	[tilespmem:$0x1C180] =	vst v63  }
0x256: {  	_ = 	snop  }
0x257: {  	[tilespmem:s25], [sflag:$0x1] =	stream.indirect_vreg.gather [hbm4b:s31+s5], $0x80, v3, vm0, $0xb8;
	[tilespmem:$0x1C180] =	vst v63  }
0x258: {  	_ = 	snop  }
0x259: {  	[tilespmem:s26], [sflag:$0x1] =	stream.indirect_vreg.gather [hbm4b:s16+s5], $0x80, v3, vm0, $0xb8;
	[tilespmem:$0x1C180] =	vst v63  }
0x25a: {  	_ = 	snop  }
0x25b: {  	[tilespmem:s28], [sflag:$0x1] =	stream.indirect_vreg.gather [hbm4b:s17+s5], $0x80, v3, vm0, $0xb8;
	[tilespmem:$0x1C180] =	vst v63  }
0x25c: {  	_ = 	snop  }
0x25d: {  	[tilespmem:s29], [sflag:$0x1] =	stream.indirect_vreg.gather [hbm4b:s18+s5], $0x80, v3, vm0, $0xb8;
	[tilespmem:$0x1C180] =	vst v63  }
0x25e: {  	_ = 	snop  }
0x25f: {  	[tilespmem:s30], [sflag:$0x1] =	stream.indirect_vreg.gather [hbm4b:s19+s5], $0x80, v3, vm0, $0xb8;
	[tilespmem:$0x1C180] =	vst v63  }
0x260: {  	s1 =	simm.s32 $0x6980  }
0x261: {  	[tilespmem:s1], [sflag:$0x1] =	stream.indirect_vreg.gather [hbm4b:s20+s5], $0x80, v3, vm0, $0xb8;
	[tilespmem:$0x1C180] =	vst v63  }
0x262: {  	s24 =	simm.s32 $0x7180  }
0x263: {  	[tilespmem:s24], [sflag:$0x1] =	stream.indirect_vreg.gather [hbm4b:s21+s5], $0x80, v3, vm0, $0xb8;
	[tilespmem:$0x1C180] =	vst v63  }
0x264: {  	_ = 	snop  }
0x265: {  	[tilespmem:s7], [sflag:$0x1] =	stream.indirect_vreg.gather [hbm4b:s22+s5], $0x80, v3, vm0, $0xb8;
	[tilespmem:$0x1C180] =	vst v63  }
0x266: {  	_ =	swait.ge [sflag:s9], $0x8000  }
0x267: {  	[sflag:s9] =	ssyncset.done $0x0  }
0x268: {  	s1 =	rddreg [dreg:$0x12];
	[sflag:s9] =	ssyncadd.s32 $0xFFFF8000  }
0x269: {  	[hbm4b:s1+s5] =	stream.linear.scatter [tilespmem:s6], [sflag:$0x4], $0x8000, $0x38;
	[tilespmem:$0x1C180] =	vst v63  }
0x26a: {  	_ =	swait.ge [sflag:s23], $0x8000  }
0x26b: {  	[sflag:s23] =	ssyncset.done $0x0  }
0x26c: {  	[sflag:s23] =	ssyncadd.s32 $0xFFFF8000  }
0x26d: {  	v3 =	vld [tilespmem:$0xD0];
	_ =	sdelay $0x4  }
0x26e: {  	v61 =	vshll.u32 v3, $0x4  }
0x26f: {  	v3 =	vand.u32 $0x7, v3;
	v4 =	vand.u32 $0xFFFFFF80, v61  }
0x270: {  	v3 =	vor.u32 v3, v4  }
0x271: {  	v4 =	vperm.xlane v3, v0;
	_ =	sdelay $0x1  }
0x272: {  	v4 =	vadd.s32 v1, v4;
	_ =	sdelay $0x4  }
0x273: {  	[tilespmem:s6], [sflag:$0x2] =	stream.indirect_vreg.gather [hbm4b:s31+s5], $0x80, v4, vm0, $0xb8;
	[tilespmem:$0x1C180] =	vst v63  }
0x274: {  	s24 =	simm.s32 $0x8980  }
0x275: {  	[tilespmem:s24], [sflag:$0x2] =	stream.indirect_vreg.gather [hbm4b:s16+s5], $0x80, v4, vm0, $0xb8;
	[tilespmem:$0x1C180] =	vst v63  }
0x276: {  	s1 =	simm.s32 $0x9180  }
0x277: {  	[tilespmem:s1], [sflag:$0x2] =	stream.indirect_vreg.gather [hbm4b:s17+s5], $0x80, v4, vm0, $0xb8;
	[tilespmem:$0x1C180] =	vst v63  }
0x278: {  	s24 =	simm.s32 $0x9980  }
0x279: {  	[tilespmem:s24], [sflag:$0x2] =	stream.indirect_vreg.gather [hbm4b:s18+s5], $0x80, v4, vm0, $0xb8;
	[tilespmem:$0x1C180] =	vst v63  }
0x27a: {  	s1 =	simm.s32 $0xA180  }
0x27b: {  	[tilespmem:s1], [sflag:$0x2] =	stream.indirect_vreg.gather [hbm4b:s19+s5], $0x80, v4, vm0, $0xb8;
	[tilespmem:$0x1C180] =	vst v63  }
0x27c: {  	v3 =	vperm.xlane v3, v2;
	s24 =	simm.s32 $0xA980  }
0x27d: {  	[tilespmem:s24], [sflag:$0x2] =	stream.indirect_vreg.gather [hbm4b:s20+s5], $0x80, v4, vm0, $0xb8;
	[tilespmem:$0x1C180] =	vst v63  }
0x27e: {  	v3 =	vadd.s32 v1, v3;
	s1 =	simm.s32 $0xB180  }
0x27f: {  	[tilespmem:s1], [sflag:$0x2] =	stream.indirect_vreg.gather [hbm4b:s21+s5], $0x80, v4, vm0, $0xb8;
	[tilespmem:$0x1C180] =	vst v63  }
0x280: {  	s24 =	simm.s32 $0xB980  }
0x281: {  	[tilespmem:s24], [sflag:$0x2] =	stream.indirect_vreg.gather [hbm4b:s22+s5], $0x80, v4, vm0, $0xb8;
	[tilespmem:$0x1C180] =	vst v63  }
0x282: {  	s1 =	simm.s32 $0xC180  }
0x283: {  	[tilespmem:s1], [sflag:$0x2] =	stream.indirect_vreg.gather [hbm4b:s31+s5], $0x80, v3, vm0, $0xb8;
	[tilespmem:$0x1C180] =	vst v63  }
0x284: {  	_ = 	snop  }
0x285: {  	[tilespmem:s4], [sflag:$0x2] =	stream.indirect_vreg.gather [hbm4b:s16+s5], $0x80, v3, vm0, $0xb8;
	[tilespmem:$0x1C180] =	vst v63  }
0x286: {  	s4 =	simm.s32 $0xD180  }
0x287: {  	[tilespmem:s4], [sflag:$0x2] =	stream.indirect_vreg.gather [hbm4b:s17+s5], $0x80, v3, vm0, $0xb8;
	[tilespmem:$0x1C180] =	vst v63  }
0x288: {  	s24 =	simm.s32 $0xD980  }
0x289: {  	[tilespmem:s24], [sflag:$0x2] =	stream.indirect_vreg.gather [hbm4b:s18+s5], $0x80, v3, vm0, $0xb8;
	[tilespmem:$0x1C180] =	vst v63  }
0x28a: {  	_ = 	snop  }
0x28b: {  	[tilespmem:s2], [sflag:$0x2] =	stream.indirect_vreg.gather [hbm4b:s19+s5], $0x80, v3, vm0, $0xb8;
	[tilespmem:$0x1C180] =	vst v63  }
0x28c: {  	s4 =	simm.s32 $0xE980  }
0x28d: {  	[tilespmem:s4], [sflag:$0x2] =	stream.indirect_vreg.gather [hbm4b:s20+s5], $0x80, v3, vm0, $0xb8;
	[tilespmem:$0x1C180] =	vst v63  }
0x28e: {  	s24 =	simm.s32 $0xF180  }
0x28f: {  	[tilespmem:s24], [sflag:$0x2] =	stream.indirect_vreg.gather [hbm4b:s21+s5], $0x80, v3, vm0, $0xb8;
	[tilespmem:$0x1C180] =	vst v63  }
0x290: {  	s4 =	simm.s32 $0xF980  }
0x291: {  	[tilespmem:s4], [sflag:$0x2] =	stream.indirect_vreg.gather [hbm4b:s22+s5], $0x80, v3, vm0, $0xb8;
	[tilespmem:$0x1C180] =	vst v63  }
0x292: {  	_ =	swait.ge [sflag:s3], $0x8000  }
0x293: {  	[sflag:s3] =	ssyncset.done $0x0  }
0x294: {  	s4 =	simm.s32 $0x180;
	s24 =	rddreg [dreg:$0x13];
	[sflag:s3] =	ssyncadd.s32 $0xFFFF8000  }
0x295: {  	[hbm4b:s24+s5] =	stream.linear.scatter [tilespmem:s4], [sflag:$0x3], $0x8000, $0x38;
	[tilespmem:$0x1C180] =	vst v63  }
0x296: {  	_ =	swait.ge [sflag:s8], $0x8000  }
0x297: {  	[sflag:s8] =	ssyncset.done $0x0  }
0x298: {  	[sflag:s8] =	ssyncadd.s32 $0xFFFF8000  }
0x299: {  	v3 =	vld [tilespmem:$0xE0];
	_ =	sdelay $0x4  }
0x29a: {  	v62 =	vshll.u32 v3, $0x4  }
0x29b: {  	v3 =	vand.u32 $0x7, v3;
	v4 =	vand.u32 $0xFFFFFF80, v62  }
0x29c: {  	v3 =	vor.u32 v3, v4  }
0x29d: {  	v4 =	vperm.xlane v3, v0;
	_ =	sdelay $0x1  }
0x29e: {  	v4 =	vadd.s32 v1, v4;
	_ =	sdelay $0x4  }
0x29f: {  	[tilespmem:s4], [sflag:$0x1] =	stream.indirect_vreg.gather [hbm4b:s31+s5], $0x80, v4, vm0, $0xb8;
	[tilespmem:$0x1C180] =	vst v63  }
0x2a0: {  	s4 =	simm.s32 $0x980  }
0x2a1: {  	[tilespmem:s4], [sflag:$0x1] =	stream.indirect_vreg.gather [hbm4b:s16+s5], $0x80, v4, vm0, $0xb8;
	[tilespmem:$0x1C180] =	vst v63  }
0x2a2: {  	s12 =	simm.s32 $0x1180  }
0x2a3: {  	[tilespmem:s12], [sflag:$0x1] =	stream.indirect_vreg.gather [hbm4b:s17+s5], $0x80, v4, vm0, $0xb8;
	[tilespmem:$0x1C180] =	vst v63  }
0x2a4: {  	s13 =	simm.s32 $0x1980  }
0x2a5: {  	[tilespmem:s13], [sflag:$0x1] =	stream.indirect_vreg.gather [hbm4b:s18+s5], $0x80, v4, vm0, $0xb8;
	[tilespmem:$0x1C180] =	vst v63  }
0x2a6: {  	s12 =	simm.s32 $0x2180  }
0x2a7: {  	[tilespmem:s12], [sflag:$0x1] =	stream.indirect_vreg.gather [hbm4b:s19+s5], $0x80, v4, vm0, $0xb8;
	[tilespmem:$0x1C180] =	vst v63  }
0x2a8: {  	v3 =	vperm.xlane v3, v2;
	s13 =	simm.s32 $0x2980  }
0x2a9: {  	[tilespmem:s13], [sflag:$0x1] =	stream.indirect_vreg.gather [hbm4b:s20+s5], $0x80, v4, vm0, $0xb8;
	[tilespmem:$0x1C180] =	vst v63  }
0x2aa: {  	s14 =	simm.s32 $0x3180;
	v3 =	vadd.s32 v1, v3  }
0x2ab: {  	[tilespmem:s14], [sflag:$0x1] =	stream.indirect_vreg.gather [hbm4b:s21+s5], $0x80, v4, vm0, $0xb8;
	[tilespmem:$0x1C180] =	vst v63  }
0x2ac: {  	s15 =	simm.s32 $0x3980  }
0x2ad: {  	[tilespmem:s15], [sflag:$0x1] =	stream.indirect_vreg.gather [hbm4b:s22+s5], $0x80, v4, vm0, $0xb8;
	[tilespmem:$0x1C180] =	vst v63  }
0x2ae: {  	s25 =	simm.s32 $0x4180  }
0x2af: {  	[tilespmem:s25], [sflag:$0x1] =	stream.indirect_vreg.gather [hbm4b:s31+s5], $0x80, v3, vm0, $0xb8;
	[tilespmem:$0x1C180] =	vst v63  }
0x2b0: {  	s26 =	simm.s32 $0x4980  }
0x2b1: {  	[tilespmem:s26], [sflag:$0x1] =	stream.indirect_vreg.gather [hbm4b:s16+s5], $0x80, v3, vm0, $0xb8;
	[tilespmem:$0x1C180] =	vst v63  }
0x2b2: {  	s28 =	simm.s32 $0x5180  }
0x2b3: {  	[tilespmem:s28], [sflag:$0x1] =	stream.indirect_vreg.gather [hbm4b:s17+s5], $0x80, v3, vm0, $0xb8;
	[tilespmem:$0x1C180] =	vst v63  }
0x2b4: {  	s28 =	simm.s32 $0x5980  }
0x2b5: {  	[tilespmem:s28], [sflag:$0x1] =	stream.indirect_vreg.gather [hbm4b:s18+s5], $0x80, v3, vm0, $0xb8;
	[tilespmem:$0x1C180] =	vst v63  }
0x2b6: {  	s30 =	simm.s32 $0x6180  }
0x2b7: {  	[tilespmem:s30], [sflag:$0x1] =	stream.indirect_vreg.gather [hbm4b:s19+s5], $0x80, v3, vm0, $0xb8;
	[tilespmem:$0x1C180] =	vst v63  }
0x2b8: {  	s29 =	simm.s32 $0x6980  }
0x2b9: {  	[tilespmem:s29], [sflag:$0x1] =	stream.indirect_vreg.gather [hbm4b:s20+s5], $0x80, v3, vm0, $0xb8;
	[tilespmem:$0x1C180] =	vst v63  }
0x2ba: {  	s4 =	simm.s32 $0x7180  }
0x2bb: {  	[tilespmem:s4], [sflag:$0x1] =	stream.indirect_vreg.gather [hbm4b:s21+s5], $0x80, v3, vm0, $0xb8;
	[tilespmem:$0x1C180] =	vst v63  }
0x2bc: {  	s7 =	simm.s32 $0x7980  }
0x2bd: {  	[tilespmem:s7], [sflag:$0x1] =	stream.indirect_vreg.gather [hbm4b:s22+s5], $0x80, v3, vm0, $0xb8;
	[tilespmem:$0x1C180] =	vst v63  }
0x2be: {  	_ =	swait.ge [sflag:s9], $0x8000  }
0x2bf: {  	[sflag:s9] =	ssyncset.done $0x0  }
0x2c0: {  	s7 =	rddreg [dreg:$0x14];
	[sflag:s9] =	ssyncadd.s32 $0xFFFF8000  }
0x2c1: {  	[hbm4b:s7+s5] =	stream.linear.scatter [tilespmem:s6], [sflag:$0x4], $0x8000, $0x38;
	[tilespmem:$0x1C180] =	vst v63  }
0x2c2: {  	_ =	swait.ge [sflag:s23], $0x8000  }
0x2c3: {  	[sflag:s23] =	ssyncset.done $0x0  }
0x2c4: {  	[sflag:s23] =	ssyncadd.s32 $0xFFFF8000  }
0x2c5: {  	v3 =	vld [tilespmem:$0xF0];
	_ =	sdelay $0x4  }
0x2c6: {  	v63 =	vshll.u32 v3, $0x4  }
0x2c7: {  	v3 =	vand.u32 $0x7, v3;
	v4 =	vand.u32 $0xFFFFFF80, v63  }
0x2c8: {  	v3 =	vor.u32 v3, v4  }
0x2c9: {  	v4 =	vperm.xlane v3, v0;
	_ =	sdelay $0x1  }
0x2ca: {  	v4 =	vadd.s32 v1, v4;
	_ =	sdelay $0x4  }
0x2cb: {  	[tilespmem:s6], [sflag:$0x2] =	stream.indirect_vreg.gather [hbm4b:s31+s5], $0x80, v4, vm0, $0xb8;
	[tilespmem:$0x1C180] =	vst v63  }
0x2cc: {  	s12 =	simm.s32 $0x8980  }
0x2cd: {  	[tilespmem:s12], [sflag:$0x2] =	stream.indirect_vreg.gather [hbm4b:s16+s5], $0x80, v4, vm0, $0xb8;
	[tilespmem:$0x1C180] =	vst v63  }
0x2ce: {  	s13 =	simm.s32 $0x9180  }
0x2cf: {  	[tilespmem:s13], [sflag:$0x2] =	stream.indirect_vreg.gather [hbm4b:s17+s5], $0x80, v4, vm0, $0xb8;
	[tilespmem:$0x1C180] =	vst v63  }
0x2d0: {  	s14 =	simm.s32 $0x9980  }
0x2d1: {  	[tilespmem:s14], [sflag:$0x2] =	stream.indirect_vreg.gather [hbm4b:s18+s5], $0x80, v4, vm0, $0xb8;
	[tilespmem:$0x1C180] =	vst v63  }
0x2d2: {  	s15 =	simm.s32 $0xA180  }
0x2d3: {  	[tilespmem:s15], [sflag:$0x2] =	stream.indirect_vreg.gather [hbm4b:s19+s5], $0x80, v4, vm0, $0xb8;
	[tilespmem:$0x1C180] =	vst v63  }
0x2d4: {  	s25 =	simm.s32 $0xA980;
	v3 =	vperm.xlane v3, v2  }
0x2d5: {  	[tilespmem:s25], [sflag:$0x2] =	stream.indirect_vreg.gather [hbm4b:s20+s5], $0x80, v4, vm0, $0xb8;
	[tilespmem:$0x1C180] =	vst v63  }
0x2d6: {  	s26 =	simm.s32 $0xB180;
	v3 =	vadd.s32 v1, v3  }
0x2d7: {  	[tilespmem:s26], [sflag:$0x2] =	stream.indirect_vreg.gather [hbm4b:s21+s5], $0x80, v4, vm0, $0xb8;
	[tilespmem:$0x1C180] =	vst v63  }
0x2d8: {  	s28 =	simm.s32 $0xB980  }
0x2d9: {  	[tilespmem:s28], [sflag:$0x2] =	stream.indirect_vreg.gather [hbm4b:s22+s5], $0x80, v4, vm0, $0xb8;
	[tilespmem:$0x1C180] =	vst v63  }
0x2da: {  	s29 =	simm.s32 $0xC180  }
0x2db: {  	[tilespmem:s29], [sflag:$0x2] =	stream.indirect_vreg.gather [hbm4b:s31+s5], $0x80, v3, vm0, $0xb8;
	[tilespmem:$0x1C180] =	vst v63  }
0x2dc: {  	s1 =	simm.s32 $0xC980  }
0x2dd: {  	[tilespmem:s1], [sflag:$0x2] =	stream.indirect_vreg.gather [hbm4b:s16+s5], $0x80, v3, vm0, $0xb8;
	[tilespmem:$0x1C180] =	vst v63  }
0x2de: {  	s30 =	simm.s32 $0xD180  }
0x2df: {  	[tilespmem:s30], [sflag:$0x2] =	stream.indirect_vreg.gather [hbm4b:s17+s5], $0x80, v3, vm0, $0xb8;
	[tilespmem:$0x1C180] =	vst v63  }
0x2e0: {  	s31 =	simm.s32 $0xD980  }
0x2e1: {  	[tilespmem:s31], [sflag:$0x2] =	stream.indirect_vreg.gather [hbm4b:s18+s5], $0x80, v3, vm0, $0xb8;
	[tilespmem:$0x1C180] =	vst v63  }
0x2e2: {  	s2 =	simm.s32 $0xE180  }
0x2e3: {  	[tilespmem:s2], [sflag:$0x2] =	stream.indirect_vreg.gather [hbm4b:s19+s5], $0x80, v3, vm0, $0xb8;
	[tilespmem:$0x1C180] =	vst v63  }
0x2e4: {  	s1 =	simm.s32 $0xE980  }
0x2e5: {  	[tilespmem:s1], [sflag:$0x2] =	stream.indirect_vreg.gather [hbm4b:s20+s5], $0x80, v3, vm0, $0xb8;
	[tilespmem:$0x1C180] =	vst v63  }
0x2e6: {  	s2 =	simm.s32 $0xF180  }
0x2e7: {  	[tilespmem:s2], [sflag:$0x2] =	stream.indirect_vreg.gather [hbm4b:s21+s5], $0x80, v3, vm0, $0xb8;
	[tilespmem:$0x1C180] =	vst v63  }
0x2e8: {  	s4 =	simm.s32 $0xF980  }
0x2e9: {  	[tilespmem:s4], [sflag:$0x2] =	stream.indirect_vreg.gather [hbm4b:s22+s5], $0x80, v3, vm0, $0xb8;
	[tilespmem:$0x1C180] =	vst v63  }
0x2ea: {  	_ =	swait.ge [sflag:s3], $0x8000  }
0x2eb: {  	[sflag:s3] =	ssyncset.done $0x0  }
0x2ec: {  	s24 =	simm.s32 $0x180;
	s7 =	rddreg [dreg:$0x15];
	[sflag:s3] =	ssyncadd.s32 $0xFFFF8000  }
0x2ed: {  	[hbm4b:s7+s5] =	stream.linear.scatter [tilespmem:s24], [sflag:$0x3], $0x8000, $0x38;
	[tilespmem:$0x1C180] =	vst v63  }
0x2ee: {  	_ =	swait.ge [sflag:s9], $0x8000  }
0x2ef: {  	[sflag:s9] =	ssyncset.done $0x0  }
0x2f0: {  	[sflag:s9] =	ssyncadd.s32 $0xFFFF8000;
	s9 =	sld [smem:$0x7FB];
	_ =	sdelay $0x2  }
0x2f1: {  	[hbm4b:s9+s5] =	stream.linear.scatter [tilespmem:s6], [sflag:$0x4], $0x8000, $0x38;
	[tilespmem:$0x1C180] =	vst v63  }
0x2f2: {  	_ =	swait.ge [sflag:s8], $0x8000  }
0x2f3: {  	[sflag:s8] =	ssyncset.done $0x0  }
0x2f4: {  	[sflag:s8] =	ssyncadd.s32 $0xFFFF8000  }
0x2f5: {  	_ =	swait.ge [sflag:s23], $0x8000  }
0x2f6: {  	[sflag:s23] =	ssyncset.done $0x0  }
0x2f7: {  	s3 =	simm.s32 $0x5;
	[sflag:s23] =	ssyncadd.s32 $0xFFFF8000  }
0x2f8: {  	_ =	swait.ge [sflag:s3], $0x800  }
0x2f9: {  	[sflag:s3] =	ssyncset.done $0x0  }
0x2fa: {  	s8 =	simm.s32 $0x6;
	[sflag:s3] =	ssyncadd.s32 $0xFFFFF800  }
0x2fb: {  	_ =	swait.ge [sflag:s8], $0x800  }
0x2fc: {  	[sflag:s8] =	ssyncset.done $0x0  }
0x2fd: {  	s1 =	simm.s32 $0x7;
	[sflag:s8] =	ssyncadd.s32 $0xFFFFF800  }
0x2fe: {  	_ =	swait.ge [sflag:s1], $0x800  }
0x2ff: {  	s12 =	sld [smem:$0x7E9]  }
0x300: {  	[sflag:s1] =	ssyncset.done $0x0;
	s23 =	sld [smem:$0x7F2]  }
0x301: {  	s24 =	sld [smem:$0x7EE];
	[sflag:s1] =	ssyncadd.s32 $0xFFFFF800  }
0x302: {  	s13 =	rddreg [dreg:$0x4]  }
0x303: {  	s14 =	sshll.u32 s12, $0x8;
	s29 =	sshll.u32 s12, $0xB;
	s30 =	sshll.u32 s12, $0x7  }
0x304: {  	s26 =	sand.u32 $0xFFFF800, s14;
	s28 =	sand.u32 $0xFFFFC000, s29;
	s25 =	sand.u32 $0x380, s30  }
0x305: {  	s15 =	sadd.s32 s13, s26;
	s26 =	sor.u32 $0x1C08, s23;
	s28 =	sor.u32 s25, s28  }
0x306: {  	[hbm:s15], [sflag:s26] =	dma.local [spmem:s24], $0x800  }
0x307: {  	s25 =	sadd.s32 $0x4000, s28  }
0x308: {  	s25 =	sshrl.u32 s25, $0x3  }
0x309: {  	s31 =	sadd.s32 s13, s25;
	s25 =	sor.u32 $0x1C09, s23  }
0x30a: {  	[hbm:s31], [sflag:s25] =	dma.local [spmem:s10], $0x800  }
0x30b: {  	_ =	swait.ge [sflag:s11], $0x800  }
0x30c: {  	s7 =	simm.s32 $0x9;
	s2 =	sadd.s32 $0x8000, s28;
	s14 =	sld [smem:$0x7EA]  }
0x30d: {  	s30 =	sor.u32 $0x1C0A, s23;
	s29 =	sshrl.u32 s2, $0x3;
	[sflag:s11] =	ssyncset.done $0x0  }
0x30e: {  	s29 =	sadd.s32 s13, s29;
	s6 =	sld [smem:$0x7F3];
	[sflag:s11] =	ssyncadd.s32 $0xFFFFF800  }
0x30f: {  	[hbm:s29], [sflag:s30] =	dma.local [spmem:s14], $0x800  }
0x310: {  	_ =	swait.ge [sflag:s7], $0x800  }
0x311: {  	[sflag:s7] =	ssyncset.done $0x0  }
0x312: {  	s4 =	rddreg [dreg:$0x16];
	[sflag:s7] =	ssyncadd.s32 $0xFFFFF800  }
0x313: {  	[spmem:s24], [sflag:s6] =	dma.local [hbm:s4], $0x800  }
0x314: {  	s12 =	sadd.s32 $0xC000, s28;
	_ =	swait.ge [sflag:s3], $0x800  }
0x315: {  	s29 =	sshrl.u32 s12, $0x3;
	[sflag:s3] =	ssyncset.done $0x0  }
0x316: {  	s9 =	simm.s32 $0xA;
	s29 =	sadd.s32 s13, s29;
	[sflag:s3] =	ssyncadd.s32 $0xFFFFF800  }
0x317: {  	[hbm:s29], [sflag:s26] =	dma.local [spmem:s24], $0x800  }
0x318: {  	_ =	swait.ge [sflag:s9], $0x800  }
0x319: {  	s23 =	sld [smem:$0x7EF]  }
0x31a: {  	[sflag:s9] =	ssyncset.done $0x0  }
0x31b: {  	s15 =	rddreg [dreg:$0x17];
	[sflag:s9] =	ssyncadd.s32 $0xFFFFF800  }
0x31c: {  	[spmem:s10], [sflag:s23] =	dma.local [hbm:s15], $0x800  }
0x31d: {  	s4 =	smov.u32 s24;
	s24 =	sadd.s32 $0x10000, s28;
	_ =	swait.ge [sflag:s8], $0x800  }
0x31e: {  	s29 =	sshrl.u32 s24, $0x3;
	[sflag:s8] =	ssyncset.done $0x0  }
0x31f: {  	s29 =	sadd.s32 s13, s29;
	[sflag:s8] =	ssyncadd.s32 $0xFFFFF800  }
0x320: {  	[hbm:s29], [sflag:s25] =	dma.local [spmem:s10], $0x800  }
0x321: {  	_ =	swait.ge [sflag:s11], $0x800  }
0x322: {  	s31 =	sld [smem:$0x7F1]  }
0x323: {  	[sflag:s11] =	ssyncset.done $0x0  }
0x324: {  	s29 =	rddreg [dreg:$0x18];
	[sflag:s11] =	ssyncadd.s32 $0xFFFFF800  }
0x325: {  	[spmem:s14], [sflag:s31] =	dma.local [hbm:s29], $0x800  }
0x326: {  	s12 =	sadd.s32 $0x14000, s28;
	_ =	swait.ge [sflag:s1], $0x800  }
0x327: {  	s15 =	sshrl.u32 s12, $0x3;
	[sflag:s1] =	ssyncset.done $0x0  }
0x328: {  	s15 =	sadd.s32 s13, s15;
	[sflag:s1] =	ssyncadd.s32 $0xFFFFF800  }
0x329: {  	[hbm:s15], [sflag:s30] =	dma.local [spmem:s14], $0x800  }
0x32a: {  	_ =	swait.ge [sflag:s7], $0x800  }
0x32b: {  	[sflag:s7] =	ssyncset.done $0x0  }
0x32c: {  	s24 =	rddreg [dreg:$0x19];
	[sflag:s7] =	ssyncadd.s32 $0xFFFFF800  }
0x32d: {  	[spmem:s4], [sflag:s6] =	dma.local [hbm:s24], $0x800  }
0x32e: {  	s29 =	sadd.s32 $0x18000, s28;
	_ =	swait.ge [sflag:s3], $0x800  }
0x32f: {  	s14 =	sshrl.u32 s29, $0x3;
	[sflag:s3] =	ssyncset.done $0x0  }
0x330: {  	s14 =	sadd.s32 s13, s14;
	[sflag:s3] =	ssyncadd.s32 $0xFFFFF800  }
0x331: {  	[hbm:s14], [sflag:s26] =	dma.local [spmem:s4], $0x800  }
0x332: {  	_ =	swait.ge [sflag:s9], $0x800  }
0x333: {  	[sflag:s9] =	ssyncset.done $0x0  }
0x334: {  	s30 =	rddreg [dreg:$0x1a];
	[sflag:s9] =	ssyncadd.s32 $0xFFFFF800  }
0x335: {  	[spmem:s10], [sflag:s23] =	dma.local [hbm:s30], $0x800  }
0x336: {  	s31 =	sadd.s32 $0x1C000, s28;
	_ =	swait.ge [sflag:s8], $0x800  }
0x337: {  	s12 =	sshrl.u32 s31, $0x3;
	[sflag:s8] =	ssyncset.done $0x0  }
0x338: {  	s12 =	sadd.s32 s13, s12;
	[sflag:s8] =	ssyncadd.s32 $0xFFFFF800  }
0x339: {  	[hbm:s12], [sflag:s25] =	dma.local [spmem:s10], $0x800  }
0x33a: {  	s25 =	simm.s32 $0xB  }
.LBB2_4:
0x33b: {  	_ =	swait.ge [sflag:s11], $0x800  }
0x33c: {  	[sflag:s11] =	ssyncset.done $0x0  }
0x33d: {  	[sflag:s11] =	ssyncadd.s32 $0xFFFFF800  }
0x33e: {  	_ =	swait.ge [sflag:s7], $0x800  }
0x33f: {  	s0 =	sld [smem:$0x7F5];
	_ =	sdelay $0x2  }
0x340: {  	s0 =	sadd.s32 $0xFFFFFFFF, s0  }
0x341: {  	p0 =	sne.s32 s0, $0x0  }
.Ltmp1:
0x342: {  	_ = 	snop;
	(pc) =	sbr.rel @!p0 .LBB2_5-.Ltmp1, $3  }
0x343: {  	_ =	sdelay $0x1  }
0x344: {  	[sflag:s7] =	ssyncset.done $0x0  }
0x345: {  	[sflag:s7] =	ssyncadd.s32 $0xFFFFF800;
	[smem:$0x7F5] =	sst s0  }
.LBB2_1:
0x346: {  	s0 =	sld [smem:$0x7F4]  }
0x347: {  	s15 =	sld [smem:$0x7FC]  }
0x348: {  	s2 =	sld [smem:$0x7F3]  }
0x349: {  	s3 =	sshrl.u32 s0, $0x3  }
0x34a: {  	[smem:$0x7EE] =	sst s3  }
0x34b: {  	[spmem:s3], [sflag:s2] =	dma.local [hbm:s15], $0x800  }
0x34c: {  	s2 =	sld [smem:$0x7F2]  }
0x34d: {  	s0 =	rddreg [dreg:$0x8]  }
0x34e: {  	s24 =	rddreg [dreg:$0x7];
	s4 =	sshrl.u32 s0, $0x3  }
0x34f: {  	[smem:$0x7F0] =	sst s4;
	s23 =	sor.u32 $0x1C06, s2  }
0x350: {  	s2 =	sor.u32 $0x1C07, s2;
	[smem:$0x7EF] =	sst s23  }
0x351: {  	[spmem:s4], [sflag:s23] =	dma.local [hbm:s24], $0x800  }
0x352: {  	[smem:$0x7F1] =	sst s2  }
0x353: {  	s0 =	rddreg [dreg:$0xa]  }
0x354: {  	s26 =	rddreg [dreg:$0x9];
	s9 =	sshrl.u32 s0, $0x3  }
0x355: {  	[spmem:s9], [sflag:s2] =	dma.local [hbm:s26], $0x800  }
0x356: {  	s0 =	rddreg [dreg:$0xb]  }
0x357: {  	[tilespmem:s5], [sflag:$0xB] =	stream.linear.gather [hbm4b:s0+s5], $0x100, $0x38;
	[tilespmem:$0x1C180] =	vst v63  }
0x358: {  	_ =	swait.ge [sflag:s25], $0x100  }
0x359: {  	[sflag:s25] =	ssyncset.done $0x0  }
0x35a: {  	[sflag:s25] =	ssyncadd.s32 $0xFFFFFF00  }
0x35b: {  	s29 =	simm.s32 $0x100;
	s28 =	rddreg [dreg:$0x1]  }
0x35c: {  	[tilespmem:s29], [sflag:$0xB] =	stream.linear.gather [hbm4b:s28+s5], $0x40, $0x38;
	[tilespmem:$0x1C180] =	vst v63  }
0x35d: {  	_ =	swait.ge [sflag:s25], $0x40  }
0x35e: {  	[sflag:s25] =	ssyncset.done $0x0  }
0x35f: {  	s30 =	rddreg [dreg:$0x1f];
	[sflag:s25] =	ssyncadd.s32 $0xFFFFFFC0  }
0x360: {  	v3 =	vld [tilespmem:s30+$0x100];
	_ =	sdelay $0x4  }
0x361: {  	(v2sf) =	vpush v3, $0x0;
	_ =	sdelay $0xe  }
0x362: {  	s31 =	rddreg [dreg:$0xf];
	s2 =	spop (v2sf)  }
0x363: {  	p0 =	sne.s32 s2, s31  }
.Ltmp2:
0x364: {  	_ = 	snop;
	(pc) =	sbr.rel @p0 .LBB2_3-.Ltmp2, $1  }
0x365: {  	_ =	sdelay $0x3  }
0x366: {  	v3 =	vld [tilespmem:$0x40];
	_ =	sdelay $0x4  }
0x367: {  	v4 =	vshll.u32 v3, $0x4  }
0x368: {  	v3 =	vand.u32 $0x7, v3;
	v4 =	vand.u32 $0xFFFFFF80, v4  }
0x369: {  	v3 =	vor.u32 v3, v4  }
0x36a: {  	v4 =	vperm.xlane v3, v0;
	_ =	sdelay $0x1  }
0x36b: {  	v4 =	vadd.s32 v1, v4;
	_ =	sdelay $0x3  }
0x36c: {  	s0 =	simm.s32 $0x180;
	s1 =	rddreg [dreg:$0x2]  }
0x36d: {  	[tilespmem:s0], [sflag:$0x1] =	stream.indirect_vreg.gather [hbm4b:s1+s5], $0x80, v4, vm0, $0xb8;
	[tilespmem:$0x1C180] =	vst v63  }
0x36e: {  	s2 =	simm.s32 $0x980  }
0x36f: {  	[tilespmem:s2], [sflag:$0x1] =	stream.indirect_vreg.gather [hbm4b:s16+s5], $0x80, v4, vm0, $0xb8;
	[tilespmem:$0x1C180] =	vst v63  }
0x370: {  	s3 =	simm.s32 $0x1180  }
0x371: {  	[tilespmem:s3], [sflag:$0x1] =	stream.indirect_vreg.gather [hbm4b:s17+s5], $0x80, v4, vm0, $0xb8;
	[tilespmem:$0x1C180] =	vst v63  }
0x372: {  	s4 =	simm.s32 $0x1980  }
0x373: {  	[tilespmem:s4], [sflag:$0x1] =	stream.indirect_vreg.gather [hbm4b:s18+s5], $0x80, v4, vm0, $0xb8;
	[tilespmem:$0x1C180] =	vst v63  }
0x374: {  	s6 =	simm.s32 $0x2180  }
0x375: {  	[tilespmem:s6], [sflag:$0x1] =	stream.indirect_vreg.gather [hbm4b:s19+s5], $0x80, v4, vm0, $0xb8;
	[tilespmem:$0x1C180] =	vst v63  }
0x376: {  	s7 =	simm.s32 $0x2980;
	v3 =	vperm.xlane v3, v2  }
0x377: {  	[tilespmem:s7], [sflag:$0x1] =	stream.indirect_vreg.gather [hbm4b:s20+s5], $0x80, v4, vm0, $0xb8;
	[tilespmem:$0x1C180] =	vst v63  }
0x378: {  	s8 =	simm.s32 $0x3180;
	v3 =	vadd.s32 v1, v3  }
0x379: {  	[tilespmem:s8], [sflag:$0x1] =	stream.indirect_vreg.gather [hbm4b:s21+s5], $0x80, v4, vm0, $0xb8;
	[tilespmem:$0x1C180] =	vst v63  }
0x37a: {  	s10 =	simm.s32 $0x3980  }
0x37b: {  	[tilespmem:s10], [sflag:$0x1] =	stream.indirect_vreg.gather [hbm4b:s22+s5], $0x80, v4, vm0, $0xb8;
	[tilespmem:$0x1C180] =	vst v63  }
0x37c: {  	s12 =	simm.s32 $0x4180  }
0x37d: {  	[tilespmem:s12], [sflag:$0x1] =	stream.indirect_vreg.gather [hbm4b:s1+s5], $0x80, v3, vm0, $0xb8;
	[tilespmem:$0x1C180] =	vst v63  }
0x37e: {  	s13 =	simm.s32 $0x4980  }
0x37f: {  	[tilespmem:s13], [sflag:$0x1] =	stream.indirect_vreg.gather [hbm4b:s16+s5], $0x80, v3, vm0, $0xb8;
	[tilespmem:$0x1C180] =	vst v63  }
0x380: {  	s15 =	simm.s32 $0x5180  }
0x381: {  	[tilespmem:s15], [sflag:$0x1] =	stream.indirect_vreg.gather [hbm4b:s17+s5], $0x80, v3, vm0, $0xb8;
	[tilespmem:$0x1C180] =	vst v63  }
0x382: {  	s23 =	simm.s32 $0x5980  }
0x383: {  	[tilespmem:s23], [sflag:$0x1] =	stream.indirect_vreg.gather [hbm4b:s18+s5], $0x80, v3, vm0, $0xb8;
	[tilespmem:$0x1C180] =	vst v63  }
0x384: {  	s3 =	simm.s32 $0x6180  }
0x385: {  	[tilespmem:s3], [sflag:$0x1] =	stream.indirect_vreg.gather [hbm4b:s19+s5], $0x80, v3, vm0, $0xb8;
	[tilespmem:$0x1C180] =	vst v63  }
0x386: {  	s6 =	simm.s32 $0x6980  }
0x387: {  	[tilespmem:s6], [sflag:$0x1] =	stream.indirect_vreg.gather [hbm4b:s20+s5], $0x80, v3, vm0, $0xb8;
	[tilespmem:$0x1C180] =	vst v63  }
0x388: {  	s7 =	simm.s32 $0x7180  }
0x389: {  	[tilespmem:s7], [sflag:$0x1] =	stream.indirect_vreg.gather [hbm4b:s21+s5], $0x80, v3, vm0, $0xb8;
	[tilespmem:$0x1C180] =	vst v63  }
0x38a: {  	s8 =	simm.s32 $0x7980  }
0x38b: {  	[tilespmem:s8], [sflag:$0x1] =	stream.indirect_vreg.gather [hbm4b:s22+s5], $0x80, v3, vm0, $0xb8;
	[tilespmem:$0x1C180] =	vst v63  }
0x38c: {  	v3 =	vld [tilespmem:$0x50];
	_ =	sdelay $0x4  }
0x38d: {  	v53 =	vshll.u32 v3, $0x4  }
0x38e: {  	v3 =	vand.u32 $0x7, v3;
	v4 =	vand.u32 $0xFFFFFF80, v53  }
0x38f: {  	v3 =	vor.u32 v3, v4  }
0x390: {  	v4 =	vperm.xlane v3, v0;
	_ =	sdelay $0x1  }
0x391: {  	v4 =	vadd.s32 v1, v4;
	_ =	sdelay $0x3  }
0x392: {  	s6 =	simm.s32 $0x8180  }
0x393: {  	[tilespmem:s6], [sflag:$0x2] =	stream.indirect_vreg.gather [hbm4b:s1+s5], $0x80, v4, vm0, $0xb8;
	[tilespmem:$0x1C180] =	vst v63  }
0x394: {  	s3 =	simm.s32 $0x8980  }
0x395: {  	[tilespmem:s3], [sflag:$0x2] =	stream.indirect_vreg.gather [hbm4b:s16+s5], $0x80, v4, vm0, $0xb8;
	[tilespmem:$0x1C180] =	vst v63  }
0x396: {  	s8 =	simm.s32 $0x9180  }
0x397: {  	[tilespmem:s8], [sflag:$0x2] =	stream.indirect_vreg.gather [hbm4b:s17+s5], $0x80, v4, vm0, $0xb8;
	[tilespmem:$0x1C180] =	vst v63  }
0x398: {  	s3 =	simm.s32 $0x9980  }
0x399: {  	[tilespmem:s3], [sflag:$0x2] =	stream.indirect_vreg.gather [hbm4b:s18+s5], $0x80, v4, vm0, $0xb8;
	[tilespmem:$0x1C180] =	vst v63  }
0x39a: {  	s8 =	simm.s32 $0xA180  }
0x39b: {  	[tilespmem:s8], [sflag:$0x2] =	stream.indirect_vreg.gather [hbm4b:s19+s5], $0x80, v4, vm0, $0xb8;
	[tilespmem:$0x1C180] =	vst v63  }
0x39c: {  	v3 =	vperm.xlane v3, v2;
	s3 =	simm.s32 $0xA980  }
0x39d: {  	[tilespmem:s3], [sflag:$0x2] =	stream.indirect_vreg.gather [hbm4b:s20+s5], $0x80, v4, vm0, $0xb8;
	[tilespmem:$0x1C180] =	vst v63  }
0x39e: {  	v3 =	vadd.s32 v1, v3;
	s8 =	simm.s32 $0xB180  }
0x39f: {  	[tilespmem:s8], [sflag:$0x2] =	stream.indirect_vreg.gather [hbm4b:s21+s5], $0x80, v4, vm0, $0xb8;
	[tilespmem:$0x1C180] =	vst v63  }
0x3a0: {  	s3 =	simm.s32 $0xB980  }
0x3a1: {  	[tilespmem:s3], [sflag:$0x2] =	stream.indirect_vreg.gather [hbm4b:s22+s5], $0x80, v4, vm0, $0xb8;
	[tilespmem:$0x1C180] =	vst v63  }
0x3a2: {  	s8 =	simm.s32 $0xC180  }
0x3a3: {  	[tilespmem:s8], [sflag:$0x2] =	stream.indirect_vreg.gather [hbm4b:s1+s5], $0x80, v3, vm0, $0xb8;
	[tilespmem:$0x1C180] =	vst v63  }
0x3a4: {  	s3 =	simm.s32 $0xC980  }
0x3a5: {  	[tilespmem:s3], [sflag:$0x2] =	stream.indirect_vreg.gather [hbm4b:s16+s5], $0x80, v3, vm0, $0xb8;
	[tilespmem:$0x1C180] =	vst v63  }
0x3a6: {  	s8 =	simm.s32 $0xD180  }
0x3a7: {  	[tilespmem:s8], [sflag:$0x2] =	stream.indirect_vreg.gather [hbm4b:s17+s5], $0x80, v3, vm0, $0xb8;
	[tilespmem:$0x1C180] =	vst v63  }
0x3a8: {  	s3 =	simm.s32 $0xD980  }
0x3a9: {  	[tilespmem:s3], [sflag:$0x2] =	stream.indirect_vreg.gather [hbm4b:s18+s5], $0x80, v3, vm0, $0xb8;
	[tilespmem:$0x1C180] =	vst v63  }
0x3aa: {  	s8 =	simm.s32 $0xE180  }
0x3ab: {  	[tilespmem:s8], [sflag:$0x2] =	stream.indirect_vreg.gather [hbm4b:s19+s5], $0x80, v3, vm0, $0xb8;
	[tilespmem:$0x1C180] =	vst v63  }
0x3ac: {  	s3 =	simm.s32 $0xE980  }
0x3ad: {  	[tilespmem:s3], [sflag:$0x2] =	stream.indirect_vreg.gather [hbm4b:s20+s5], $0x80, v3, vm0, $0xb8;
	[tilespmem:$0x1C180] =	vst v63  }
0x3ae: {  	s8 =	simm.s32 $0xF180  }
0x3af: {  	[tilespmem:s8], [sflag:$0x2] =	stream.indirect_vreg.gather [hbm4b:s21+s5], $0x80, v3, vm0, $0xb8;
	[tilespmem:$0x1C180] =	vst v63  }
0x3b0: {  	s3 =	simm.s32 $0xF980  }
0x3b1: {  	[tilespmem:s3], [sflag:$0x2] =	stream.indirect_vreg.gather [hbm4b:s22+s5], $0x80, v3, vm0, $0xb8;
	[tilespmem:$0x1C180] =	vst v63  }
0x3b2: {  	s3 =	simm.s32 $0x1  }
0x3b3: {  	_ =	swait.ge [sflag:s3], $0x8000  }
0x3b4: {  	s8 =	sld [smem:$0x7F9]  }
0x3b5: {  	[sflag:s3] =	ssyncset.done $0x0  }
0x3b6: {  	s24 =	simm.s32 $0x180;
	[sflag:s3] =	ssyncadd.s32 $0xFFFF8000  }
0x3b7: {  	[hbm4b:s8+s5] =	stream.linear.scatter [tilespmem:s24], [sflag:$0x3], $0x8000, $0x38;
	[tilespmem:$0x1C180] =	vst v63  }
0x3b8: {  	s8 =	simm.s32 $0x3  }
0x3b9: {  	_ =	swait.ge [sflag:s8], $0x8000  }
0x3ba: {  	[sflag:s8] =	ssyncset.done $0x0  }
0x3bb: {  	[sflag:s8] =	ssyncadd.s32 $0xFFFF8000  }
0x3bc: {  	v3 =	vld [tilespmem:$0x60];
	_ =	sdelay $0x4  }
0x3bd: {  	v54 =	vshll.u32 v3, $0x4  }
0x3be: {  	v3 =	vand.u32 $0x7, v3;
	v4 =	vand.u32 $0xFFFFFF80, v54  }
0x3bf: {  	v3 =	vor.u32 v3, v4  }
0x3c0: {  	v4 =	vperm.xlane v3, v0;
	_ =	sdelay $0x1  }
0x3c1: {  	v4 =	vadd.s32 v1, v4;
	_ =	sdelay $0x4  }
0x3c2: {  	[tilespmem:s24], [sflag:$0x1] =	stream.indirect_vreg.gather [hbm4b:s1+s5], $0x80, v4, vm0, $0xb8;
	[tilespmem:$0x1C180] =	vst v63  }
0x3c3: {  	s26 =	simm.s32 $0x980  }
0x3c4: {  	[tilespmem:s26], [sflag:$0x1] =	stream.indirect_vreg.gather [hbm4b:s16+s5], $0x80, v4, vm0, $0xb8;
	[tilespmem:$0x1C180] =	vst v63  }
0x3c5: {  	s11 =	simm.s32 $0x1180  }
0x3c6: {  	[tilespmem:s11], [sflag:$0x1] =	stream.indirect_vreg.gather [hbm4b:s17+s5], $0x80, v4, vm0, $0xb8;
	[tilespmem:$0x1C180] =	vst v63  }
0x3c7: {  	s14 =	simm.s32 $0x1980  }
0x3c8: {  	[tilespmem:s14], [sflag:$0x1] =	stream.indirect_vreg.gather [hbm4b:s18+s5], $0x80, v4, vm0, $0xb8;
	[tilespmem:$0x1C180] =	vst v63  }
0x3c9: {  	s2 =	simm.s32 $0x2180  }
0x3ca: {  	[tilespmem:s2], [sflag:$0x1] =	stream.indirect_vreg.gather [hbm4b:s19+s5], $0x80, v4, vm0, $0xb8;
	[tilespmem:$0x1C180] =	vst v63  }
0x3cb: {  	s4 =	simm.s32 $0x2980;
	v3 =	vperm.xlane v3, v2  }
0x3cc: {  	[tilespmem:s4], [sflag:$0x1] =	stream.indirect_vreg.gather [hbm4b:s20+s5], $0x80, v4, vm0, $0xb8;
	[tilespmem:$0x1C180] =	vst v63  }
0x3cd: {  	s31 =	simm.s32 $0x3180;
	v3 =	vadd.s32 v1, v3  }
0x3ce: {  	[tilespmem:s31], [sflag:$0x1] =	stream.indirect_vreg.gather [hbm4b:s21+s5], $0x80, v4, vm0, $0xb8;
	[tilespmem:$0x1C180] =	vst v63  }
0x3cf: {  	s30 =	simm.s32 $0x3980  }
0x3d0: {  	[tilespmem:s30], [sflag:$0x1] =	stream.indirect_vreg.gather [hbm4b:s22+s5], $0x80, v4, vm0, $0xb8;
	[tilespmem:$0x1C180] =	vst v63  }
0x3d1: {  	s29 =	simm.s32 $0x4180  }
0x3d2: {  	[tilespmem:s29], [sflag:$0x1] =	stream.indirect_vreg.gather [hbm4b:s1+s5], $0x80, v3, vm0, $0xb8;
	[tilespmem:$0x1C180] =	vst v63  }
0x3d3: {  	s28 =	simm.s32 $0x4980  }
0x3d4: {  	[tilespmem:s28], [sflag:$0x1] =	stream.indirect_vreg.gather [hbm4b:s16+s5], $0x80, v3, vm0, $0xb8;
	[tilespmem:$0x1C180] =	vst v63  }
0x3d5: {  	s12 =	simm.s32 $0x5180  }
0x3d6: {  	[tilespmem:s12], [sflag:$0x1] =	stream.indirect_vreg.gather [hbm4b:s17+s5], $0x80, v3, vm0, $0xb8;
	[tilespmem:$0x1C180] =	vst v63  }
0x3d7: {  	s13 =	simm.s32 $0x5980  }
0x3d8: {  	[tilespmem:s13], [sflag:$0x1] =	stream.indirect_vreg.gather [hbm4b:s18+s5], $0x80, v3, vm0, $0xb8;
	[tilespmem:$0x1C180] =	vst v63  }
0x3d9: {  	s15 =	simm.s32 $0x6180  }
0x3da: {  	[tilespmem:s15], [sflag:$0x1] =	stream.indirect_vreg.gather [hbm4b:s19+s5], $0x80, v3, vm0, $0xb8;
	[tilespmem:$0x1C180] =	vst v63  }
0x3db: {  	s23 =	simm.s32 $0x6980  }
0x3dc: {  	[tilespmem:s23], [sflag:$0x1] =	stream.indirect_vreg.gather [hbm4b:s20+s5], $0x80, v3, vm0, $0xb8;
	[tilespmem:$0x1C180] =	vst v63  }
0x3dd: {  	s10 =	simm.s32 $0x7180  }
0x3de: {  	[tilespmem:s10], [sflag:$0x1] =	stream.indirect_vreg.gather [hbm4b:s21+s5], $0x80, v3, vm0, $0xb8;
	[tilespmem:$0x1C180] =	vst v63  }
0x3df: {  	s7 =	simm.s32 $0x7980;
	s11 =	simm.s32 $0x2  }
0x3e0: {  	[tilespmem:s7], [sflag:$0x1] =	stream.indirect_vreg.gather [hbm4b:s22+s5], $0x80, v3, vm0, $0xb8;
	[tilespmem:$0x1C180] =	vst v63  }
0x3e1: {  	_ =	swait.ge [sflag:s11], $0x8000  }
0x3e2: {  	s2 =	sld [smem:$0x7FA]  }
0x3e3: {  	[sflag:s11] =	ssyncset.done $0x0  }
0x3e4: {  	s4 =	simm.s32 $0x5;
	[sflag:s11] =	ssyncadd.s32 $0xFFFF8000  }
0x3e5: {  	[hbm4b:s2+s5] =	stream.linear.scatter [tilespmem:s6], [sflag:$0x4], $0x8000, $0x38;
	[tilespmem:$0x1C180] =	vst v63  }
0x3e6: {  	_ =	swait.ge [sflag:s4], $0x800  }
0x3e7: {  	s2 =	sld [smem:$0x7F2]  }
0x3e8: {  	s10 =	sld [smem:$0x7FD]  }
0x3e9: {  	s14 =	sld [smem:$0x7EE]  }
0x3ea: {  	[sflag:s4] =	ssyncset.done $0x0;
	s7 =	sor.u32 $0x1C08, s2  }
0x3eb: {  	s30 =	simm.s32 $0x4;
	[sflag:s4] =	ssyncadd.s32 $0xFFFFF800;
	[smem:$0x7EB] =	sst s7  }
0x3ec: {  	[hbm:s10], [sflag:s7] =	dma.local [spmem:s14], $0x800  }
0x3ed: {  	_ =	swait.ge [sflag:s30], $0x8000  }
0x3ee: {  	[sflag:s30] =	ssyncset.done $0x0  }
0x3ef: {  	[sflag:s30] =	ssyncadd.s32 $0xFFFF8000  }
0x3f0: {  	v3 =	vld [tilespmem:$0x70];
	_ =	sdelay $0x4  }
0x3f1: {  	v55 =	vshll.u32 v3, $0x4  }
0x3f2: {  	v3 =	vand.u32 $0x7, v3;
	v4 =	vand.u32 $0xFFFFFF80, v55  }
0x3f3: {  	v3 =	vor.u32 v3, v4  }
0x3f4: {  	v4 =	vperm.xlane v3, v0;
	_ =	sdelay $0x1  }
0x3f5: {  	v4 =	vadd.s32 v1, v4;
	_ =	sdelay $0x4  }
0x3f6: {  	[tilespmem:s6], [sflag:$0x2] =	stream.indirect_vreg.gather [hbm4b:s1+s5], $0x80, v4, vm0, $0xb8;
	[tilespmem:$0x1C180] =	vst v63  }
0x3f7: {  	s23 =	simm.s32 $0x8980  }
0x3f8: {  	[tilespmem:s23], [sflag:$0x2] =	stream.indirect_vreg.gather [hbm4b:s16+s5], $0x80, v4, vm0, $0xb8;
	[tilespmem:$0x1C180] =	vst v63  }
0x3f9: {  	s28 =	simm.s32 $0x9180  }
0x3fa: {  	[tilespmem:s28], [sflag:$0x2] =	stream.indirect_vreg.gather [hbm4b:s17+s5], $0x80, v4, vm0, $0xb8;
	[tilespmem:$0x1C180] =	vst v63  }
0x3fb: {  	s31 =	simm.s32 $0x9980  }
0x3fc: {  	[tilespmem:s31], [sflag:$0x2] =	stream.indirect_vreg.gather [hbm4b:s18+s5], $0x80, v4, vm0, $0xb8;
	[tilespmem:$0x1C180] =	vst v63  }
0x3fd: {  	s4 =	simm.s32 $0xA180  }
0x3fe: {  	[tilespmem:s4], [sflag:$0x2] =	stream.indirect_vreg.gather [hbm4b:s19+s5], $0x80, v4, vm0, $0xb8;
	[tilespmem:$0x1C180] =	vst v63  }
0x3ff: {  	s7 =	simm.s32 $0xA980;
	v3 =	vperm.xlane v3, v2  }
0x400: {  	[tilespmem:s7], [sflag:$0x2] =	stream.indirect_vreg.gather [hbm4b:s20+s5], $0x80, v4, vm0, $0xb8;
	[tilespmem:$0x1C180] =	vst v63  }
0x401: {  	s10 =	simm.s32 $0xB180;
	v3 =	vadd.s32 v1, v3  }
0x402: {  	[tilespmem:s10], [sflag:$0x2] =	stream.indirect_vreg.gather [hbm4b:s21+s5], $0x80, v4, vm0, $0xb8;
	[tilespmem:$0x1C180] =	vst v63  }
0x403: {  	s23 =	simm.s32 $0xB980  }
0x404: {  	[tilespmem:s23], [sflag:$0x2] =	stream.indirect_vreg.gather [hbm4b:s22+s5], $0x80, v4, vm0, $0xb8;
	[tilespmem:$0x1C180] =	vst v63  }
0x405: {  	s28 =	simm.s32 $0xC180  }
0x406: {  	[tilespmem:s28], [sflag:$0x2] =	stream.indirect_vreg.gather [hbm4b:s1+s5], $0x80, v3, vm0, $0xb8;
	[tilespmem:$0x1C180] =	vst v63  }
0x407: {  	s31 =	simm.s32 $0xC980  }
0x408: {  	[tilespmem:s31], [sflag:$0x2] =	stream.indirect_vreg.gather [hbm4b:s16+s5], $0x80, v3, vm0, $0xb8;
	[tilespmem:$0x1C180] =	vst v63  }
0x409: {  	s4 =	simm.s32 $0xD180  }
0x40a: {  	[tilespmem:s4], [sflag:$0x2] =	stream.indirect_vreg.gather [hbm4b:s17+s5], $0x80, v3, vm0, $0xb8;
	[tilespmem:$0x1C180] =	vst v63  }
0x40b: {  	s7 =	simm.s32 $0xD980  }
0x40c: {  	[tilespmem:s7], [sflag:$0x2] =	stream.indirect_vreg.gather [hbm4b:s18+s5], $0x80, v3, vm0, $0xb8;
	[tilespmem:$0x1C180] =	vst v63  }
0x40d: {  	s10 =	simm.s32 $0xE180  }
0x40e: {  	[tilespmem:s10], [sflag:$0x2] =	stream.indirect_vreg.gather [hbm4b:s19+s5], $0x80, v3, vm0, $0xb8;
	[tilespmem:$0x1C180] =	vst v63  }
0x40f: {  	s23 =	simm.s32 $0xE980  }
0x410: {  	[tilespmem:s23], [sflag:$0x2] =	stream.indirect_vreg.gather [hbm4b:s20+s5], $0x80, v3, vm0, $0xb8;
	[tilespmem:$0x1C180] =	vst v63  }
0x411: {  	s28 =	simm.s32 $0xF180  }
0x412: {  	[tilespmem:s28], [sflag:$0x2] =	stream.indirect_vreg.gather [hbm4b:s21+s5], $0x80, v3, vm0, $0xb8;
	[tilespmem:$0x1C180] =	vst v63  }
0x413: {  	s31 =	simm.s32 $0xF980  }
0x414: {  	[tilespmem:s31], [sflag:$0x2] =	stream.indirect_vreg.gather [hbm4b:s22+s5], $0x80, v3, vm0, $0xb8;
	[tilespmem:$0x1C180] =	vst v63  }
0x415: {  	_ =	swait.ge [sflag:s3], $0x8000  }
0x416: {  	[sflag:s3] =	ssyncset.done $0x0  }
0x417: {  	s7 =	simm.s32 $0x6;
	s4 =	rddreg [dreg:$0xe];
	[sflag:s3] =	ssyncadd.s32 $0xFFFF8000  }
0x418: {  	[hbm4b:s4+s5] =	stream.linear.scatter [tilespmem:s24], [sflag:$0x3], $0x8000, $0x38;
	[tilespmem:$0x1C180] =	vst v63  }
0x419: {  	_ =	swait.ge [sflag:s7], $0x800  }
0x41a: {  	s10 =	sor.u32 $0x1C09, s2;
	s4 =	sld [smem:$0x7F0]  }
0x41b: {  	[sflag:s7] =	ssyncset.done $0x0;
	[smem:$0x7EC] =	sst s10  }
0x41c: {  	s23 =	rddreg [dreg:$0x1b];
	[sflag:s7] =	ssyncadd.s32 $0xFFFFF800  }
0x41d: {  	[hbm:s23], [sflag:s10] =	dma.local [spmem:s4], $0x800  }
0x41e: {  	_ =	swait.ge [sflag:s8], $0x8000  }
0x41f: {  	[sflag:s8] =	ssyncset.done $0x0  }
0x420: {  	[sflag:s8] =	ssyncadd.s32 $0xFFFF8000  }
0x421: {  	v3 =	vld [tilespmem:$0x80];
	_ =	sdelay $0x4  }
0x422: {  	v56 =	vshll.u32 v3, $0x4  }
0x423: {  	v3 =	vand.u32 $0x7, v3;
	v4 =	vand.u32 $0xFFFFFF80, v56  }
0x424: {  	v3 =	vor.u32 v3, v4  }
0x425: {  	v4 =	vperm.xlane v3, v0;
	_ =	sdelay $0x1  }
0x426: {  	v4 =	vadd.s32 v1, v4;
	_ =	sdelay $0x4  }
0x427: {  	[tilespmem:s24], [sflag:$0x1] =	stream.indirect_vreg.gather [hbm4b:s1+s5], $0x80, v4, vm0, $0xb8;
	[tilespmem:$0x1C180] =	vst v63  }
0x428: {  	s28 =	simm.s32 $0x980  }
0x429: {  	[tilespmem:s28], [sflag:$0x1] =	stream.indirect_vreg.gather [hbm4b:s16+s5], $0x80, v4, vm0, $0xb8;
	[tilespmem:$0x1C180] =	vst v63  }
0x42a: {  	s7 =	simm.s32 $0x1180  }
0x42b: {  	[tilespmem:s7], [sflag:$0x1] =	stream.indirect_vreg.gather [hbm4b:s17+s5], $0x80, v4, vm0, $0xb8;
	[tilespmem:$0x1C180] =	vst v63  }
0x42c: {  	s31 =	simm.s32 $0x1980  }
0x42d: {  	[tilespmem:s31], [sflag:$0x1] =	stream.indirect_vreg.gather [hbm4b:s18+s5], $0x80, v4, vm0, $0xb8;
	[tilespmem:$0x1C180] =	vst v63  }
0x42e: {  	s24 =	simm.s32 $0x2180  }
0x42f: {  	[tilespmem:s24], [sflag:$0x1] =	stream.indirect_vreg.gather [hbm4b:s19+s5], $0x80, v4, vm0, $0xb8;
	[tilespmem:$0x1C180] =	vst v63  }
0x430: {  	s26 =	simm.s32 $0x2980;
	v3 =	vperm.xlane v3, v2  }
0x431: {  	[tilespmem:s26], [sflag:$0x1] =	stream.indirect_vreg.gather [hbm4b:s20+s5], $0x80, v4, vm0, $0xb8;
	[tilespmem:$0x1C180] =	vst v63  }
0x432: {  	v3 =	vadd.s32 v1, v3;
	s26 =	simm.s32 $0x3180  }
0x433: {  	[tilespmem:s26], [sflag:$0x1] =	stream.indirect_vreg.gather [hbm4b:s21+s5], $0x80, v4, vm0, $0xb8;
	[tilespmem:$0x1C180] =	vst v63  }
0x434: {  	s10 =	simm.s32 $0x3980  }
0x435: {  	[tilespmem:s10], [sflag:$0x1] =	stream.indirect_vreg.gather [hbm4b:s22+s5], $0x80, v4, vm0, $0xb8;
	[tilespmem:$0x1C180] =	vst v63  }
0x436: {  	s29 =	simm.s32 $0x4180  }
0x437: {  	[tilespmem:s29], [sflag:$0x1] =	stream.indirect_vreg.gather [hbm4b:s1+s5], $0x80, v3, vm0, $0xb8;
	[tilespmem:$0x1C180] =	vst v63  }
0x438: {  	s23 =	simm.s32 $0x4980  }
0x439: {  	[tilespmem:s23], [sflag:$0x1] =	stream.indirect_vreg.gather [hbm4b:s16+s5], $0x80, v3, vm0, $0xb8;
	[tilespmem:$0x1C180] =	vst v63  }
0x43a: {  	s29 =	simm.s32 $0x5180  }
0x43b: {  	[tilespmem:s29], [sflag:$0x1] =	stream.indirect_vreg.gather [hbm4b:s17+s5], $0x80, v3, vm0, $0xb8;
	[tilespmem:$0x1C180] =	vst v63  }
0x43c: {  	s13 =	simm.s32 $0x5980  }
0x43d: {  	[tilespmem:s13], [sflag:$0x1] =	stream.indirect_vreg.gather [hbm4b:s18+s5], $0x80, v3, vm0, $0xb8;
	[tilespmem:$0x1C180] =	vst v63  }
0x43e: {  	s15 =	simm.s32 $0x6180  }
0x43f: {  	[tilespmem:s15], [sflag:$0x1] =	stream.indirect_vreg.gather [hbm4b:s19+s5], $0x80, v3, vm0, $0xb8;
	[tilespmem:$0x1C180] =	vst v63  }
0x440: {  	s12 =	simm.s32 $0x6980  }
0x441: {  	[tilespmem:s12], [sflag:$0x1] =	stream.indirect_vreg.gather [hbm4b:s20+s5], $0x80, v3, vm0, $0xb8;
	[tilespmem:$0x1C180] =	vst v63  }
0x442: {  	s15 =	simm.s32 $0x7180  }
0x443: {  	[tilespmem:s15], [sflag:$0x1] =	stream.indirect_vreg.gather [hbm4b:s21+s5], $0x80, v3, vm0, $0xb8;
	[tilespmem:$0x1C180] =	vst v63  }
0x444: {  	s24 =	simm.s32 $0x7980  }
0x445: {  	[tilespmem:s24], [sflag:$0x1] =	stream.indirect_vreg.gather [hbm4b:s22+s5], $0x80, v3, vm0, $0xb8;
	[tilespmem:$0x1C180] =	vst v63  }
0x446: {  	_ =	swait.ge [sflag:s11], $0x8000  }
0x447: {  	[sflag:s11] =	ssyncset.done $0x0  }
0x448: {  	s29 =	simm.s32 $0x7;
	s26 =	rddreg [dreg:$0xd];
	[sflag:s11] =	ssyncadd.s32 $0xFFFF8000  }
0x449: {  	[hbm4b:s26+s5] =	stream.linear.scatter [tilespmem:s6], [sflag:$0x4], $0x8000, $0x38;
	[tilespmem:$0x1C180] =	vst v63  }
0x44a: {  	_ =	swait.ge [sflag:s29], $0x800  }
0x44b: {  	s13 =	sld [smem:$0x7F6]  }
0x44c: {  	s2 =	sor.u32 $0x1C0A, s2;
	[sflag:s29] =	ssyncset.done $0x0  }
0x44d: {  	[smem:$0x7ED] =	sst s2;
	[sflag:s29] =	ssyncadd.s32 $0xFFFFF800  }
0x44e: {  	[hbm:s13], [sflag:s2] =	dma.local [spmem:s9], $0x800  }
0x44f: {  	_ =	swait.ge [sflag:s30], $0x8000  }
0x450: {  	[sflag:s30] =	ssyncset.done $0x0  }
0x451: {  	[sflag:s30] =	ssyncadd.s32 $0xFFFF8000  }
0x452: {  	v3 =	vld [tilespmem:$0x90];
	_ =	sdelay $0x4  }
0x453: {  	v57 =	vshll.u32 v3, $0x4  }
0x454: {  	v3 =	vand.u32 $0x7, v3;
	v4 =	vand.u32 $0xFFFFFF80, v57  }
0x455: {  	v3 =	vor.u32 v3, v4  }
0x456: {  	v4 =	vperm.xlane v3, v0;
	_ =	sdelay $0x1  }
0x457: {  	v4 =	vadd.s32 v1, v4;
	_ =	sdelay $0x4  }
0x458: {  	[tilespmem:s6], [sflag:$0x2] =	stream.indirect_vreg.gather [hbm4b:s1+s5], $0x80, v4, vm0, $0xb8;
	[tilespmem:$0x1C180] =	vst v63  }
0x459: {  	s26 =	simm.s32 $0x8980  }
0x45a: {  	[tilespmem:s26], [sflag:$0x2] =	stream.indirect_vreg.gather [hbm4b:s16+s5], $0x80, v4, vm0, $0xb8;
	[tilespmem:$0x1C180] =	vst v63  }
0x45b: {  	s2 =	simm.s32 $0x9180  }
0x45c: {  	[tilespmem:s2], [sflag:$0x2] =	stream.indirect_vreg.gather [hbm4b:s17+s5], $0x80, v4, vm0, $0xb8;
	[tilespmem:$0x1C180] =	vst v63  }
0x45d: {  	s15 =	simm.s32 $0x9980  }
0x45e: {  	[tilespmem:s15], [sflag:$0x2] =	stream.indirect_vreg.gather [hbm4b:s18+s5], $0x80, v4, vm0, $0xb8;
	[tilespmem:$0x1C180] =	vst v63  }
0x45f: {  	s24 =	simm.s32 $0xA180  }
0x460: {  	[tilespmem:s24], [sflag:$0x2] =	stream.indirect_vreg.gather [hbm4b:s19+s5], $0x80, v4, vm0, $0xb8;
	[tilespmem:$0x1C180] =	vst v63  }
0x461: {  	v3 =	vperm.xlane v3, v2;
	s15 =	simm.s32 $0xA980  }
0x462: {  	[tilespmem:s15], [sflag:$0x2] =	stream.indirect_vreg.gather [hbm4b:s20+s5], $0x80, v4, vm0, $0xb8;
	[tilespmem:$0x1C180] =	vst v63  }
0x463: {  	s29 =	simm.s32 $0xB180;
	v3 =	vadd.s32 v1, v3  }
0x464: {  	[tilespmem:s29], [sflag:$0x2] =	stream.indirect_vreg.gather [hbm4b:s21+s5], $0x80, v4, vm0, $0xb8;
	[tilespmem:$0x1C180] =	vst v63  }
0x465: {  	s13 =	simm.s32 $0xB980  }
0x466: {  	[tilespmem:s13], [sflag:$0x2] =	stream.indirect_vreg.gather [hbm4b:s22+s5], $0x80, v4, vm0, $0xb8;
	[tilespmem:$0x1C180] =	vst v63  }
0x467: {  	s24 =	simm.s32 $0xC180  }
0x468: {  	[tilespmem:s24], [sflag:$0x2] =	stream.indirect_vreg.gather [hbm4b:s1+s5], $0x80, v3, vm0, $0xb8;
	[tilespmem:$0x1C180] =	vst v63  }
0x469: {  	s29 =	simm.s32 $0xC980  }
0x46a: {  	[tilespmem:s29], [sflag:$0x2] =	stream.indirect_vreg.gather [hbm4b:s16+s5], $0x80, v3, vm0, $0xb8;
	[tilespmem:$0x1C180] =	vst v63  }
0x46b: {  	s13 =	simm.s32 $0xD180  }
0x46c: {  	[tilespmem:s13], [sflag:$0x2] =	stream.indirect_vreg.gather [hbm4b:s17+s5], $0x80, v3, vm0, $0xb8;
	[tilespmem:$0x1C180] =	vst v63  }
0x46d: {  	s24 =	simm.s32 $0xD980  }
0x46e: {  	[tilespmem:s24], [sflag:$0x2] =	stream.indirect_vreg.gather [hbm4b:s18+s5], $0x80, v3, vm0, $0xb8;
	[tilespmem:$0x1C180] =	vst v63  }
0x46f: {  	s29 =	simm.s32 $0xE180  }
0x470: {  	[tilespmem:s29], [sflag:$0x2] =	stream.indirect_vreg.gather [hbm4b:s19+s5], $0x80, v3, vm0, $0xb8;
	[tilespmem:$0x1C180] =	vst v63  }
0x471: {  	s13 =	simm.s32 $0xE980  }
0x472: {  	[tilespmem:s13], [sflag:$0x2] =	stream.indirect_vreg.gather [hbm4b:s20+s5], $0x80, v3, vm0, $0xb8;
	[tilespmem:$0x1C180] =	vst v63  }
0x473: {  	s29 =	simm.s32 $0xF180  }
0x474: {  	[tilespmem:s29], [sflag:$0x2] =	stream.indirect_vreg.gather [hbm4b:s21+s5], $0x80, v3, vm0, $0xb8;
	[tilespmem:$0x1C180] =	vst v63  }
0x475: {  	s24 =	simm.s32 $0xF980  }
0x476: {  	[tilespmem:s24], [sflag:$0x2] =	stream.indirect_vreg.gather [hbm4b:s22+s5], $0x80, v3, vm0, $0xb8;
	[tilespmem:$0x1C180] =	vst v63  }
0x477: {  	_ =	swait.ge [sflag:s3], $0x8000  }
0x478: {  	[sflag:s3] =	ssyncset.done $0x0  }
0x479: {  	s24 =	simm.s32 $0x180;
	s13 =	rddreg [dreg:$0xc];
	[sflag:s3] =	ssyncadd.s32 $0xFFFF8000  }
0x47a: {  	[hbm4b:s13+s5] =	stream.linear.scatter [tilespmem:s24], [sflag:$0x3], $0x8000, $0x38;
	[tilespmem:$0x1C180] =	vst v63  }
0x47b: {  	s13 =	simm.s32 $0x8  }
0x47c: {  	_ =	swait.ge [sflag:s13], $0x800;
	s13 =	simm.s32 $0x8  }
0x47d: {  	[sflag:s13] =	ssyncset.done $0x0;
	s13 =	simm.s32 $0x8  }
0x47e: {  	[sflag:s13] =	ssyncadd.s32 $0xFFFFF800;
	s13 =	sld [smem:$0x7F3];
	_ =	sdelay $0x1  }
0x47f: {  	s0 =	rddreg [dreg:$0x16]  }
0x480: {  	[spmem:s14], [sflag:s13] =	dma.local [hbm:s0], $0x800  }
0x481: {  	_ =	swait.ge [sflag:s8], $0x8000  }
0x482: {  	[sflag:s8] =	ssyncset.done $0x0  }
0x483: {  	[sflag:s8] =	ssyncadd.s32 $0xFFFF8000  }
0x484: {  	v3 =	vld [tilespmem:$0xA0];
	_ =	sdelay $0x4  }
0x485: {  	v58 =	vshll.u32 v3, $0x4  }
0x486: {  	v3 =	vand.u32 $0x7, v3;
	v4 =	vand.u32 $0xFFFFFF80, v58  }
0x487: {  	v3 =	vor.u32 v3, v4  }
0x488: {  	v4 =	vperm.xlane v3, v0;
	_ =	sdelay $0x1  }
0x489: {  	v4 =	vadd.s32 v1, v4;
	_ =	sdelay $0x4  }
0x48a: {  	[tilespmem:s24], [sflag:$0x1] =	stream.indirect_vreg.gather [hbm4b:s1+s5], $0x80, v4, vm0, $0xb8;
	[tilespmem:$0x1C180] =	vst v63  }
0x48b: {  	_ = 	snop  }
0x48c: {  	[tilespmem:s28], [sflag:$0x1] =	stream.indirect_vreg.gather [hbm4b:s16+s5], $0x80, v4, vm0, $0xb8;
	[tilespmem:$0x1C180] =	vst v63  }
0x48d: {  	_ = 	snop  }
0x48e: {  	[tilespmem:s7], [sflag:$0x1] =	stream.indirect_vreg.gather [hbm4b:s17+s5], $0x80, v4, vm0, $0xb8;
	[tilespmem:$0x1C180] =	vst v63  }
0x48f: {  	_ = 	snop  }
0x490: {  	[tilespmem:s31], [sflag:$0x1] =	stream.indirect_vreg.gather [hbm4b:s18+s5], $0x80, v4, vm0, $0xb8;
	[tilespmem:$0x1C180] =	vst v63  }
0x491: {  	s7 =	simm.s32 $0x2180  }
0x492: {  	[tilespmem:s7], [sflag:$0x1] =	stream.indirect_vreg.gather [hbm4b:s19+s5], $0x80, v4, vm0, $0xb8;
	[tilespmem:$0x1C180] =	vst v63  }
0x493: {  	v3 =	vperm.xlane v3, v2;
	s28 =	simm.s32 $0x2980  }
0x494: {  	[tilespmem:s28], [sflag:$0x1] =	stream.indirect_vreg.gather [hbm4b:s20+s5], $0x80, v4, vm0, $0xb8;
	[tilespmem:$0x1C180] =	vst v63  }
0x495: {  	v3 =	vadd.s32 v1, v3;
	s31 =	simm.s32 $0x3180  }
0x496: {  	[tilespmem:s31], [sflag:$0x1] =	stream.indirect_vreg.gather [hbm4b:s21+s5], $0x80, v4, vm0, $0xb8;
	[tilespmem:$0x1C180] =	vst v63  }
0x497: {  	_ = 	snop  }
0x498: {  	[tilespmem:s10], [sflag:$0x1] =	stream.indirect_vreg.gather [hbm4b:s22+s5], $0x80, v4, vm0, $0xb8;
	[tilespmem:$0x1C180] =	vst v63  }
0x499: {  	s13 =	simm.s32 $0x4180  }
0x49a: {  	[tilespmem:s13], [sflag:$0x1] =	stream.indirect_vreg.gather [hbm4b:s1+s5], $0x80, v3, vm0, $0xb8;
	[tilespmem:$0x1C180] =	vst v63  }
0x49b: {  	_ = 	snop  }
0x49c: {  	[tilespmem:s23], [sflag:$0x1] =	stream.indirect_vreg.gather [hbm4b:s16+s5], $0x80, v3, vm0, $0xb8;
	[tilespmem:$0x1C180] =	vst v63  }
0x49d: {  	s10 =	simm.s32 $0x5180  }
0x49e: {  	[tilespmem:s10], [sflag:$0x1] =	stream.indirect_vreg.gather [hbm4b:s17+s5], $0x80, v3, vm0, $0xb8;
	[tilespmem:$0x1C180] =	vst v63  }
0x49f: {  	s10 =	simm.s32 $0x5980  }
0x4a0: {  	[tilespmem:s10], [sflag:$0x1] =	stream.indirect_vreg.gather [hbm4b:s18+s5], $0x80, v3, vm0, $0xb8;
	[tilespmem:$0x1C180] =	vst v63  }
0x4a1: {  	s24 =	simm.s32 $0x6180  }
0x4a2: {  	[tilespmem:s24], [sflag:$0x1] =	stream.indirect_vreg.gather [hbm4b:s19+s5], $0x80, v3, vm0, $0xb8;
	[tilespmem:$0x1C180] =	vst v63  }
0x4a3: {  	s28 =	simm.s32 $0x6980  }
0x4a4: {  	[tilespmem:s28], [sflag:$0x1] =	stream.indirect_vreg.gather [hbm4b:s20+s5], $0x80, v3, vm0, $0xb8;
	[tilespmem:$0x1C180] =	vst v63  }
0x4a5: {  	s31 =	simm.s32 $0x7180  }
0x4a6: {  	[tilespmem:s31], [sflag:$0x1] =	stream.indirect_vreg.gather [hbm4b:s21+s5], $0x80, v3, vm0, $0xb8;
	[tilespmem:$0x1C180] =	vst v63  }
0x4a7: {  	s12 =	simm.s32 $0x7980  }
0x4a8: {  	[tilespmem:s12], [sflag:$0x1] =	stream.indirect_vreg.gather [hbm4b:s22+s5], $0x80, v3, vm0, $0xb8;
	[tilespmem:$0x1C180] =	vst v63  }
0x4a9: {  	_ =	swait.ge [sflag:s11], $0x8000  }
0x4aa: {  	[sflag:s11] =	ssyncset.done $0x0  }
0x4ab: {  	s23 =	simm.s32 $0x9;
	s12 =	rddreg [dreg:$0x10];
	[sflag:s11] =	ssyncadd.s32 $0xFFFF8000  }
0x4ac: {  	[hbm4b:s12+s5] =	stream.linear.scatter [tilespmem:s6], [sflag:$0x4], $0x8000, $0x38;
	[tilespmem:$0x1C180] =	vst v63  }
0x4ad: {  	_ =	swait.ge [sflag:s23], $0x800  }
0x4ae: {  	[sflag:s23] =	ssyncset.done $0x0  }
0x4af: {  	[sflag:s23] =	ssyncadd.s32 $0xFFFFF800;
	s23 =	sld [smem:$0x7EF];
	_ =	sdelay $0x1  }
0x4b0: {  	s12 =	rddreg [dreg:$0x17]  }
0x4b1: {  	[spmem:s4], [sflag:s23] =	dma.local [hbm:s12], $0x800  }
0x4b2: {  	_ =	swait.ge [sflag:s30], $0x8000  }
0x4b3: {  	[sflag:s30] =	ssyncset.done $0x0  }
0x4b4: {  	[sflag:s30] =	ssyncadd.s32 $0xFFFF8000  }
0x4b5: {  	v3 =	vld [tilespmem:$0xB0];
	_ =	sdelay $0x4  }
0x4b6: {  	v59 =	vshll.u32 v3, $0x4  }
0x4b7: {  	v3 =	vand.u32 $0x7, v3;
	v4 =	vand.u32 $0xFFFFFF80, v59  }
0x4b8: {  	v3 =	vor.u32 v3, v4  }
0x4b9: {  	v4 =	vperm.xlane v3, v0;
	_ =	sdelay $0x1  }
0x4ba: {  	v4 =	vadd.s32 v1, v4;
	_ =	sdelay $0x4  }
0x4bb: {  	[tilespmem:s6], [sflag:$0x2] =	stream.indirect_vreg.gather [hbm4b:s1+s5], $0x80, v4, vm0, $0xb8;
	[tilespmem:$0x1C180] =	vst v63  }
0x4bc: {  	_ = 	snop  }
0x4bd: {  	[tilespmem:s26], [sflag:$0x2] =	stream.indirect_vreg.gather [hbm4b:s16+s5], $0x80, v4, vm0, $0xb8;
	[tilespmem:$0x1C180] =	vst v63  }
0x4be: {  	_ = 	snop  }
0x4bf: {  	[tilespmem:s2], [sflag:$0x2] =	stream.indirect_vreg.gather [hbm4b:s17+s5], $0x80, v4, vm0, $0xb8;
	[tilespmem:$0x1C180] =	vst v63  }
0x4c0: {  	s12 =	simm.s32 $0x9980  }
0x4c1: {  	[tilespmem:s12], [sflag:$0x2] =	stream.indirect_vreg.gather [hbm4b:s18+s5], $0x80, v4, vm0, $0xb8;
	[tilespmem:$0x1C180] =	vst v63  }
0x4c2: {  	s23 =	simm.s32 $0xA180  }
0x4c3: {  	[tilespmem:s23], [sflag:$0x2] =	stream.indirect_vreg.gather [hbm4b:s19+s5], $0x80, v4, vm0, $0xb8;
	[tilespmem:$0x1C180] =	vst v63  }
0x4c4: {  	v3 =	vperm.xlane v3, v2  }
0x4c5: {  	[tilespmem:s15], [sflag:$0x2] =	stream.indirect_vreg.gather [hbm4b:s20+s5], $0x80, v4, vm0, $0xb8;
	[tilespmem:$0x1C180] =	vst v63  }
0x4c6: {  	v3 =	vadd.s32 v1, v3;
	s26 =	simm.s32 $0xB180  }
0x4c7: {  	[tilespmem:s26], [sflag:$0x2] =	stream.indirect_vreg.gather [hbm4b:s21+s5], $0x80, v4, vm0, $0xb8;
	[tilespmem:$0x1C180] =	vst v63  }
0x4c8: {  	s26 =	simm.s32 $0xB980  }
0x4c9: {  	[tilespmem:s26], [sflag:$0x2] =	stream.indirect_vreg.gather [hbm4b:s22+s5], $0x80, v4, vm0, $0xb8;
	[tilespmem:$0x1C180] =	vst v63  }
0x4ca: {  	s2 =	simm.s32 $0xC180  }
0x4cb: {  	[tilespmem:s2], [sflag:$0x2] =	stream.indirect_vreg.gather [hbm4b:s1+s5], $0x80, v3, vm0, $0xb8;
	[tilespmem:$0x1C180] =	vst v63  }
0x4cc: {  	s15 =	simm.s32 $0xC980  }
0x4cd: {  	[tilespmem:s15], [sflag:$0x2] =	stream.indirect_vreg.gather [hbm4b:s16+s5], $0x80, v3, vm0, $0xb8;
	[tilespmem:$0x1C180] =	vst v63  }
0x4ce: {  	s23 =	simm.s32 $0xD180  }
0x4cf: {  	[tilespmem:s23], [sflag:$0x2] =	stream.indirect_vreg.gather [hbm4b:s17+s5], $0x80, v3, vm0, $0xb8;
	[tilespmem:$0x1C180] =	vst v63  }
0x4d0: {  	s2 =	simm.s32 $0xD980  }
0x4d1: {  	[tilespmem:s2], [sflag:$0x2] =	stream.indirect_vreg.gather [hbm4b:s18+s5], $0x80, v3, vm0, $0xb8;
	[tilespmem:$0x1C180] =	vst v63  }
0x4d2: {  	s15 =	simm.s32 $0xE180  }
0x4d3: {  	[tilespmem:s15], [sflag:$0x2] =	stream.indirect_vreg.gather [hbm4b:s19+s5], $0x80, v3, vm0, $0xb8;
	[tilespmem:$0x1C180] =	vst v63  }
0x4d4: {  	s23 =	simm.s32 $0xE980  }
0x4d5: {  	[tilespmem:s23], [sflag:$0x2] =	stream.indirect_vreg.gather [hbm4b:s20+s5], $0x80, v3, vm0, $0xb8;
	[tilespmem:$0x1C180] =	vst v63  }
0x4d6: {  	_ = 	snop  }
0x4d7: {  	[tilespmem:s29], [sflag:$0x2] =	stream.indirect_vreg.gather [hbm4b:s21+s5], $0x80, v3, vm0, $0xb8;
	[tilespmem:$0x1C180] =	vst v63  }
0x4d8: {  	s29 =	simm.s32 $0xF980  }
0x4d9: {  	[tilespmem:s29], [sflag:$0x2] =	stream.indirect_vreg.gather [hbm4b:s22+s5], $0x80, v3, vm0, $0xb8;
	[tilespmem:$0x1C180] =	vst v63  }
0x4da: {  	_ =	swait.ge [sflag:s3], $0x8000  }
0x4db: {  	[sflag:s3] =	ssyncset.done $0x0  }
0x4dc: {  	s15 =	simm.s32 $0x180;
	s2 =	rddreg [dreg:$0x11];
	[sflag:s3] =	ssyncadd.s32 $0xFFFF8000  }
0x4dd: {  	[hbm4b:s2+s5] =	stream.linear.scatter [tilespmem:s15], [sflag:$0x3], $0x8000, $0x38;
	[tilespmem:$0x1C180] =	vst v63  }
0x4de: {  	s2 =	simm.s32 $0xA  }
0x4df: {  	_ =	swait.ge [sflag:s2], $0x800  }
0x4e0: {  	s23 =	sld [smem:$0x7F1]  }
0x4e1: {  	[sflag:s2] =	ssyncset.done $0x0  }
0x4e2: {  	s0 =	rddreg [dreg:$0x18];
	[sflag:s2] =	ssyncadd.s32 $0xFFFFF800  }
0x4e3: {  	[spmem:s9], [sflag:s23] =	dma.local [hbm:s0], $0x800  }
0x4e4: {  	_ =	swait.ge [sflag:s8], $0x8000  }
0x4e5: {  	[sflag:s8] =	ssyncset.done $0x0  }
0x4e6: {  	[sflag:s8] =	ssyncadd.s32 $0xFFFF8000  }
0x4e7: {  	v3 =	vld [tilespmem:$0xC0];
	_ =	sdelay $0x4  }
0x4e8: {  	v60 =	vshll.u32 v3, $0x4  }
0x4e9: {  	v3 =	vand.u32 $0x7, v3;
	v4 =	vand.u32 $0xFFFFFF80, v60  }
0x4ea: {  	v3 =	vor.u32 v3, v4  }
0x4eb: {  	v4 =	vperm.xlane v3, v0;
	_ =	sdelay $0x1  }
0x4ec: {  	v4 =	vadd.s32 v1, v4;
	_ =	sdelay $0x4  }
0x4ed: {  	[tilespmem:s15], [sflag:$0x1] =	stream.indirect_vreg.gather [hbm4b:s1+s5], $0x80, v4, vm0, $0xb8;
	[tilespmem:$0x1C180] =	vst v63  }
0x4ee: {  	s23 =	simm.s32 $0x980  }
0x4ef: {  	[tilespmem:s23], [sflag:$0x1] =	stream.indirect_vreg.gather [hbm4b:s16+s5], $0x80, v4, vm0, $0xb8;
	[tilespmem:$0x1C180] =	vst v63  }
0x4f0: {  	s29 =	simm.s32 $0x1180  }
0x4f1: {  	[tilespmem:s29], [sflag:$0x1] =	stream.indirect_vreg.gather [hbm4b:s17+s5], $0x80, v4, vm0, $0xb8;
	[tilespmem:$0x1C180] =	vst v63  }
0x4f2: {  	s15 =	simm.s32 $0x1980  }
0x4f3: {  	[tilespmem:s15], [sflag:$0x1] =	stream.indirect_vreg.gather [hbm4b:s18+s5], $0x80, v4, vm0, $0xb8;
	[tilespmem:$0x1C180] =	vst v63  }
0x4f4: {  	_ = 	snop  }
0x4f5: {  	[tilespmem:s7], [sflag:$0x1] =	stream.indirect_vreg.gather [hbm4b:s19+s5], $0x80, v4, vm0, $0xb8;
	[tilespmem:$0x1C180] =	vst v63  }
0x4f6: {  	v3 =	vperm.xlane v3, v2;
	s29 =	simm.s32 $0x2980  }
0x4f7: {  	[tilespmem:s29], [sflag:$0x1] =	stream.indirect_vreg.gather [hbm4b:s20+s5], $0x80, v4, vm0, $0xb8;
	[tilespmem:$0x1C180] =	vst v63  }
0x4f8: {  	v3 =	vadd.s32 v1, v3;
	s7 =	simm.s32 $0x3180  }
0x4f9: {  	[tilespmem:s7], [sflag:$0x1] =	stream.indirect_vreg.gather [hbm4b:s21+s5], $0x80, v4, vm0, $0xb8;
	[tilespmem:$0x1C180] =	vst v63  }
0x4fa: {  	s7 =	simm.s32 $0x3980  }
0x4fb: {  	[tilespmem:s7], [sflag:$0x1] =	stream.indirect_vreg.gather [hbm4b:s22+s5], $0x80, v4, vm0, $0xb8;
	[tilespmem:$0x1C180] =	vst v63  }
0x4fc: {  	_ = 	snop  }
0x4fd: {  	[tilespmem:s13], [sflag:$0x1] =	stream.indirect_vreg.gather [hbm4b:s1+s5], $0x80, v3, vm0, $0xb8;
	[tilespmem:$0x1C180] =	vst v63  }
0x4fe: {  	s13 =	simm.s32 $0x4980  }
0x4ff: {  	[tilespmem:s13], [sflag:$0x1] =	stream.indirect_vreg.gather [hbm4b:s16+s5], $0x80, v3, vm0, $0xb8;
	[tilespmem:$0x1C180] =	vst v63  }
0x500: {  	s15 =	simm.s32 $0x5180  }
0x501: {  	[tilespmem:s15], [sflag:$0x1] =	stream.indirect_vreg.gather [hbm4b:s17+s5], $0x80, v3, vm0, $0xb8;
	[tilespmem:$0x1C180] =	vst v63  }
0x502: {  	_ = 	snop  }
0x503: {  	[tilespmem:s10], [sflag:$0x1] =	stream.indirect_vreg.gather [hbm4b:s18+s5], $0x80, v3, vm0, $0xb8;
	[tilespmem:$0x1C180] =	vst v63  }
0x504: {  	_ = 	snop  }
0x505: {  	[tilespmem:s24], [sflag:$0x1] =	stream.indirect_vreg.gather [hbm4b:s19+s5], $0x80, v3, vm0, $0xb8;
	[tilespmem:$0x1C180] =	vst v63  }
0x506: {  	_ = 	snop  }
0x507: {  	[tilespmem:s28], [sflag:$0x1] =	stream.indirect_vreg.gather [hbm4b:s20+s5], $0x80, v3, vm0, $0xb8;
	[tilespmem:$0x1C180] =	vst v63  }
0x508: {  	_ = 	snop  }
0x509: {  	[tilespmem:s31], [sflag:$0x1] =	stream.indirect_vreg.gather [hbm4b:s21+s5], $0x80, v3, vm0, $0xb8;
	[tilespmem:$0x1C180] =	vst v63  }
0x50a: {  	s24 =	simm.s32 $0x7980  }
0x50b: {  	[tilespmem:s24], [sflag:$0x1] =	stream.indirect_vreg.gather [hbm4b:s22+s5], $0x80, v3, vm0, $0xb8;
	[tilespmem:$0x1C180] =	vst v63  }
0x50c: {  	_ =	swait.ge [sflag:s11], $0x8000  }
0x50d: {  	[sflag:s11] =	ssyncset.done $0x0  }
0x50e: {  	s31 =	simm.s32 $0x5;
	s29 =	rddreg [dreg:$0x12];
	[sflag:s11] =	ssyncadd.s32 $0xFFFF8000  }
0x50f: {  	[hbm4b:s29+s5] =	stream.linear.scatter [tilespmem:s6], [sflag:$0x4], $0x8000, $0x38;
	[tilespmem:$0x1C180] =	vst v63  }
0x510: {  	_ =	swait.ge [sflag:s31], $0x800  }
0x511: {  	s15 =	sld [smem:$0x7EB]  }
0x512: {  	[sflag:s31] =	ssyncset.done $0x0  }
0x513: {  	s10 =	rddreg [dreg:$0x1c];
	[sflag:s31] =	ssyncadd.s32 $0xFFFFF800  }
0x514: {  	[hbm:s10], [sflag:s15] =	dma.local [spmem:s14], $0x800  }
0x515: {  	_ =	swait.ge [sflag:s30], $0x8000  }
0x516: {  	[sflag:s30] =	ssyncset.done $0x0  }
0x517: {  	[sflag:s30] =	ssyncadd.s32 $0xFFFF8000  }
0x518: {  	v3 =	vld [tilespmem:$0xD0];
	_ =	sdelay $0x4  }
0x519: {  	v61 =	vshll.u32 v3, $0x4  }
0x51a: {  	v3 =	vand.u32 $0x7, v3;
	v4 =	vand.u32 $0xFFFFFF80, v61  }
0x51b: {  	v3 =	vor.u32 v3, v4  }
0x51c: {  	v4 =	vperm.xlane v3, v0;
	_ =	sdelay $0x1  }
0x51d: {  	v4 =	vadd.s32 v1, v4;
	_ =	sdelay $0x4  }
0x51e: {  	[tilespmem:s6], [sflag:$0x2] =	stream.indirect_vreg.gather [hbm4b:s1+s5], $0x80, v4, vm0, $0xb8;
	[tilespmem:$0x1C180] =	vst v63  }
0x51f: {  	s28 =	simm.s32 $0x8980  }
0x520: {  	[tilespmem:s28], [sflag:$0x2] =	stream.indirect_vreg.gather [hbm4b:s16+s5], $0x80, v4, vm0, $0xb8;
	[tilespmem:$0x1C180] =	vst v63  }
0x521: {  	s29 =	simm.s32 $0x9180  }
0x522: {  	[tilespmem:s29], [sflag:$0x2] =	stream.indirect_vreg.gather [hbm4b:s17+s5], $0x80, v4, vm0, $0xb8;
	[tilespmem:$0x1C180] =	vst v63  }
0x523: {  	_ = 	snop  }
0x524: {  	[tilespmem:s12], [sflag:$0x2] =	stream.indirect_vreg.gather [hbm4b:s18+s5], $0x80, v4, vm0, $0xb8;
	[tilespmem:$0x1C180] =	vst v63  }
0x525: {  	s12 =	simm.s32 $0xA180  }
0x526: {  	[tilespmem:s12], [sflag:$0x2] =	stream.indirect_vreg.gather [hbm4b:s19+s5], $0x80, v4, vm0, $0xb8;
	[tilespmem:$0x1C180] =	vst v63  }
0x527: {  	s31 =	simm.s32 $0xA980;
	v3 =	vperm.xlane v3, v2  }
0x528: {  	[tilespmem:s31], [sflag:$0x2] =	stream.indirect_vreg.gather [hbm4b:s20+s5], $0x80, v4, vm0, $0xb8;
	[tilespmem:$0x1C180] =	vst v63  }
0x529: {  	s10 =	simm.s32 $0xB180;
	v3 =	vadd.s32 v1, v3  }
0x52a: {  	[tilespmem:s10], [sflag:$0x2] =	stream.indirect_vreg.gather [hbm4b:s21+s5], $0x80, v4, vm0, $0xb8;
	[tilespmem:$0x1C180] =	vst v63  }
0x52b: {  	_ = 	snop  }
0x52c: {  	[tilespmem:s26], [sflag:$0x2] =	stream.indirect_vreg.gather [hbm4b:s22+s5], $0x80, v4, vm0, $0xb8;
	[tilespmem:$0x1C180] =	vst v63  }
0x52d: {  	s26 =	simm.s32 $0xC180  }
0x52e: {  	[tilespmem:s26], [sflag:$0x2] =	stream.indirect_vreg.gather [hbm4b:s1+s5], $0x80, v3, vm0, $0xb8;
	[tilespmem:$0x1C180] =	vst v63  }
0x52f: {  	s28 =	simm.s32 $0xC980  }
0x530: {  	[tilespmem:s28], [sflag:$0x2] =	stream.indirect_vreg.gather [hbm4b:s16+s5], $0x80, v3, vm0, $0xb8;
	[tilespmem:$0x1C180] =	vst v63  }
0x531: {  	s29 =	simm.s32 $0xD180  }
0x532: {  	[tilespmem:s29], [sflag:$0x2] =	stream.indirect_vreg.gather [hbm4b:s17+s5], $0x80, v3, vm0, $0xb8;
	[tilespmem:$0x1C180] =	vst v63  }
0x533: {  	s31 =	simm.s32 $0xD980  }
0x534: {  	[tilespmem:s31], [sflag:$0x2] =	stream.indirect_vreg.gather [hbm4b:s18+s5], $0x80, v3, vm0, $0xb8;
	[tilespmem:$0x1C180] =	vst v63  }
0x535: {  	s10 =	simm.s32 $0xE180  }
0x536: {  	[tilespmem:s10], [sflag:$0x2] =	stream.indirect_vreg.gather [hbm4b:s19+s5], $0x80, v3, vm0, $0xb8;
	[tilespmem:$0x1C180] =	vst v63  }
0x537: {  	s29 =	simm.s32 $0xE980  }
0x538: {  	[tilespmem:s29], [sflag:$0x2] =	stream.indirect_vreg.gather [hbm4b:s20+s5], $0x80, v3, vm0, $0xb8;
	[tilespmem:$0x1C180] =	vst v63  }
0x539: {  	s26 =	simm.s32 $0xF180  }
0x53a: {  	[tilespmem:s26], [sflag:$0x2] =	stream.indirect_vreg.gather [hbm4b:s21+s5], $0x80, v3, vm0, $0xb8;
	[tilespmem:$0x1C180] =	vst v63  }
0x53b: {  	s26 =	simm.s32 $0xF980  }
0x53c: {  	[tilespmem:s26], [sflag:$0x2] =	stream.indirect_vreg.gather [hbm4b:s22+s5], $0x80, v3, vm0, $0xb8;
	[tilespmem:$0x1C180] =	vst v63  }
0x53d: {  	_ =	swait.ge [sflag:s3], $0x8000  }
0x53e: {  	s31 =	simm.s32 $0x180;
	[sflag:s3] =	ssyncset.done $0x0  }
0x53f: {  	s10 =	simm.s32 $0x6;
	s28 =	rddreg [dreg:$0x13];
	[sflag:s3] =	ssyncadd.s32 $0xFFFF8000  }
0x540: {  	[hbm4b:s28+s5] =	stream.linear.scatter [tilespmem:s31], [sflag:$0x3], $0x8000, $0x38;
	[tilespmem:$0x1C180] =	vst v63  }
0x541: {  	_ =	swait.ge [sflag:s10], $0x800  }
0x542: {  	[sflag:s10] =	ssyncset.done $0x0;
	s0 =	sld [smem:$0x7F7]  }
0x543: {  	[sflag:s10] =	ssyncadd.s32 $0xFFFFF800;
	s10 =	sld [smem:$0x7EC];
	_ =	sdelay $0x2  }
0x544: {  	[hbm:s0], [sflag:s10] =	dma.local [spmem:s4], $0x800  }
0x545: {  	_ =	swait.ge [sflag:s8], $0x8000  }
0x546: {  	[sflag:s8] =	ssyncset.done $0x0  }
0x547: {  	[sflag:s8] =	ssyncadd.s32 $0xFFFF8000  }
0x548: {  	v3 =	vld [tilespmem:$0xE0];
	_ =	sdelay $0x4  }
0x549: {  	v62 =	vshll.u32 v3, $0x4  }
0x54a: {  	v3 =	vand.u32 $0x7, v3;
	v4 =	vand.u32 $0xFFFFFF80, v62  }
0x54b: {  	v3 =	vor.u32 v3, v4  }
0x54c: {  	v4 =	vperm.xlane v3, v0;
	_ =	sdelay $0x1  }
0x54d: {  	v4 =	vadd.s32 v1, v4;
	_ =	sdelay $0x4  }
0x54e: {  	[tilespmem:s31], [sflag:$0x1] =	stream.indirect_vreg.gather [hbm4b:s1+s5], $0x80, v4, vm0, $0xb8;
	[tilespmem:$0x1C180] =	vst v63  }
0x54f: {  	_ = 	snop  }
0x550: {  	[tilespmem:s23], [sflag:$0x1] =	stream.indirect_vreg.gather [hbm4b:s16+s5], $0x80, v4, vm0, $0xb8;
	[tilespmem:$0x1C180] =	vst v63  }
0x551: {  	s23 =	simm.s32 $0x1180  }
0x552: {  	[tilespmem:s23], [sflag:$0x1] =	stream.indirect_vreg.gather [hbm4b:s17+s5], $0x80, v4, vm0, $0xb8;
	[tilespmem:$0x1C180] =	vst v63  }
0x553: {  	s23 =	simm.s32 $0x1980  }
0x554: {  	[tilespmem:s23], [sflag:$0x1] =	stream.indirect_vreg.gather [hbm4b:s18+s5], $0x80, v4, vm0, $0xb8;
	[tilespmem:$0x1C180] =	vst v63  }
0x555: {  	s23 =	simm.s32 $0x2180  }
0x556: {  	[tilespmem:s23], [sflag:$0x1] =	stream.indirect_vreg.gather [hbm4b:s19+s5], $0x80, v4, vm0, $0xb8;
	[tilespmem:$0x1C180] =	vst v63  }
0x557: {  	v3 =	vperm.xlane v3, v2;
	s23 =	simm.s32 $0x2980  }
0x558: {  	[tilespmem:s23], [sflag:$0x1] =	stream.indirect_vreg.gather [hbm4b:s20+s5], $0x80, v4, vm0, $0xb8;
	[tilespmem:$0x1C180] =	vst v63  }
0x559: {  	v3 =	vadd.s32 v1, v3;
	s23 =	simm.s32 $0x3180  }
0x55a: {  	[tilespmem:s23], [sflag:$0x1] =	stream.indirect_vreg.gather [hbm4b:s21+s5], $0x80, v4, vm0, $0xb8;
	[tilespmem:$0x1C180] =	vst v63  }
0x55b: {  	_ = 	snop  }
0x55c: {  	[tilespmem:s7], [sflag:$0x1] =	stream.indirect_vreg.gather [hbm4b:s22+s5], $0x80, v4, vm0, $0xb8;
	[tilespmem:$0x1C180] =	vst v63  }
0x55d: {  	s7 =	simm.s32 $0x4180  }
0x55e: {  	[tilespmem:s7], [sflag:$0x1] =	stream.indirect_vreg.gather [hbm4b:s1+s5], $0x80, v3, vm0, $0xb8;
	[tilespmem:$0x1C180] =	vst v63  }
0x55f: {  	_ = 	snop  }
0x560: {  	[tilespmem:s13], [sflag:$0x1] =	stream.indirect_vreg.gather [hbm4b:s16+s5], $0x80, v3, vm0, $0xb8;
	[tilespmem:$0x1C180] =	vst v63  }
0x561: {  	s13 =	simm.s32 $0x5180  }
0x562: {  	[tilespmem:s13], [sflag:$0x1] =	stream.indirect_vreg.gather [hbm4b:s17+s5], $0x80, v3, vm0, $0xb8;
	[tilespmem:$0x1C180] =	vst v63  }
0x563: {  	s23 =	simm.s32 $0x5980  }
0x564: {  	[tilespmem:s23], [sflag:$0x1] =	stream.indirect_vreg.gather [hbm4b:s18+s5], $0x80, v3, vm0, $0xb8;
	[tilespmem:$0x1C180] =	vst v63  }
0x565: {  	s7 =	simm.s32 $0x6180  }
0x566: {  	[tilespmem:s7], [sflag:$0x1] =	stream.indirect_vreg.gather [hbm4b:s19+s5], $0x80, v3, vm0, $0xb8;
	[tilespmem:$0x1C180] =	vst v63  }
0x567: {  	s13 =	simm.s32 $0x6980  }
0x568: {  	[tilespmem:s13], [sflag:$0x1] =	stream.indirect_vreg.gather [hbm4b:s20+s5], $0x80, v3, vm0, $0xb8;
	[tilespmem:$0x1C180] =	vst v63  }
0x569: {  	s23 =	simm.s32 $0x7180  }
0x56a: {  	[tilespmem:s23], [sflag:$0x1] =	stream.indirect_vreg.gather [hbm4b:s21+s5], $0x80, v3, vm0, $0xb8;
	[tilespmem:$0x1C180] =	vst v63  }
0x56b: {  	_ = 	snop  }
0x56c: {  	[tilespmem:s24], [sflag:$0x1] =	stream.indirect_vreg.gather [hbm4b:s22+s5], $0x80, v3, vm0, $0xb8;
	[tilespmem:$0x1C180] =	vst v63  }
0x56d: {  	_ =	swait.ge [sflag:s11], $0x8000  }
0x56e: {  	[sflag:s11] =	ssyncset.done $0x0  }
0x56f: {  	s7 =	simm.s32 $0x7;
	s24 =	rddreg [dreg:$0x14];
	[sflag:s11] =	ssyncadd.s32 $0xFFFF8000  }
0x570: {  	[hbm4b:s24+s5] =	stream.linear.scatter [tilespmem:s6], [sflag:$0x4], $0x8000, $0x38;
	[tilespmem:$0x1C180] =	vst v63  }
0x571: {  	_ =	swait.ge [sflag:s7], $0x800  }
0x572: {  	s23 =	sld [smem:$0x7ED]  }
0x573: {  	[sflag:s7] =	ssyncset.done $0x0  }
0x574: {  	s13 =	rddreg [dreg:$0x1d];
	[sflag:s7] =	ssyncadd.s32 $0xFFFFF800  }
0x575: {  	[hbm:s13], [sflag:s23] =	dma.local [spmem:s9], $0x800  }
0x576: {  	_ =	swait.ge [sflag:s30], $0x8000  }
0x577: {  	[sflag:s30] =	ssyncset.done $0x0  }
0x578: {  	[sflag:s30] =	ssyncadd.s32 $0xFFFF8000  }
0x579: {  	v3 =	vld [tilespmem:$0xF0];
	_ =	sdelay $0x4  }
0x57a: {  	v63 =	vshll.u32 v3, $0x4  }
0x57b: {  	v3 =	vand.u32 $0x7, v3;
	v4 =	vand.u32 $0xFFFFFF80, v63  }
0x57c: {  	v3 =	vor.u32 v3, v4  }
0x57d: {  	v4 =	vperm.xlane v3, v0;
	_ =	sdelay $0x1  }
0x57e: {  	v4 =	vadd.s32 v1, v4;
	_ =	sdelay $0x4  }
0x57f: {  	[tilespmem:s6], [sflag:$0x2] =	stream.indirect_vreg.gather [hbm4b:s1+s5], $0x80, v4, vm0, $0xb8;
	[tilespmem:$0x1C180] =	vst v63  }
0x580: {  	s24 =	simm.s32 $0x8980  }
0x581: {  	[tilespmem:s24], [sflag:$0x2] =	stream.indirect_vreg.gather [hbm4b:s16+s5], $0x80, v4, vm0, $0xb8;
	[tilespmem:$0x1C180] =	vst v63  }
0x582: {  	s7 =	simm.s32 $0x9180  }
0x583: {  	[tilespmem:s7], [sflag:$0x2] =	stream.indirect_vreg.gather [hbm4b:s17+s5], $0x80, v4, vm0, $0xb8;
	[tilespmem:$0x1C180] =	vst v63  }
0x584: {  	s9 =	simm.s32 $0x9980  }
0x585: {  	[tilespmem:s9], [sflag:$0x2] =	stream.indirect_vreg.gather [hbm4b:s18+s5], $0x80, v4, vm0, $0xb8;
	[tilespmem:$0x1C180] =	vst v63  }
0x586: {  	_ = 	snop  }
0x587: {  	[tilespmem:s12], [sflag:$0x2] =	stream.indirect_vreg.gather [hbm4b:s19+s5], $0x80, v4, vm0, $0xb8;
	[tilespmem:$0x1C180] =	vst v63  }
0x588: {  	s13 =	simm.s32 $0xA980;
	v3 =	vperm.xlane v3, v2  }
0x589: {  	[tilespmem:s13], [sflag:$0x2] =	stream.indirect_vreg.gather [hbm4b:s20+s5], $0x80, v4, vm0, $0xb8;
	[tilespmem:$0x1C180] =	vst v63  }
0x58a: {  	s23 =	simm.s32 $0xB180;
	v3 =	vadd.s32 v1, v3  }
0x58b: {  	[tilespmem:s23], [sflag:$0x2] =	stream.indirect_vreg.gather [hbm4b:s21+s5], $0x80, v4, vm0, $0xb8;
	[tilespmem:$0x1C180] =	vst v63  }
0x58c: {  	s24 =	simm.s32 $0xB980  }
0x58d: {  	[tilespmem:s24], [sflag:$0x2] =	stream.indirect_vreg.gather [hbm4b:s22+s5], $0x80, v4, vm0, $0xb8;
	[tilespmem:$0x1C180] =	vst v63  }
0x58e: {  	s7 =	simm.s32 $0xC180  }
0x58f: {  	[tilespmem:s7], [sflag:$0x2] =	stream.indirect_vreg.gather [hbm4b:s1+s5], $0x80, v3, vm0, $0xb8;
	[tilespmem:$0x1C180] =	vst v63  }
0x590: {  	s9 =	simm.s32 $0xC980  }
0x591: {  	[tilespmem:s9], [sflag:$0x2] =	stream.indirect_vreg.gather [hbm4b:s16+s5], $0x80, v3, vm0, $0xb8;
	[tilespmem:$0x1C180] =	vst v63  }
0x592: {  	s12 =	simm.s32 $0xD180  }
0x593: {  	[tilespmem:s12], [sflag:$0x2] =	stream.indirect_vreg.gather [hbm4b:s17+s5], $0x80, v3, vm0, $0xb8;
	[tilespmem:$0x1C180] =	vst v63  }
0x594: {  	s13 =	simm.s32 $0xD980  }
0x595: {  	[tilespmem:s13], [sflag:$0x2] =	stream.indirect_vreg.gather [hbm4b:s18+s5], $0x80, v3, vm0, $0xb8;
	[tilespmem:$0x1C180] =	vst v63  }
0x596: {  	s23 =	simm.s32 $0xE180  }
0x597: {  	[tilespmem:s23], [sflag:$0x2] =	stream.indirect_vreg.gather [hbm4b:s19+s5], $0x80, v3, vm0, $0xb8;
	[tilespmem:$0x1C180] =	vst v63  }
0x598: {  	_ = 	snop  }
0x599: {  	[tilespmem:s29], [sflag:$0x2] =	stream.indirect_vreg.gather [hbm4b:s20+s5], $0x80, v3, vm0, $0xb8;
	[tilespmem:$0x1C180] =	vst v63  }
0x59a: {  	s24 =	simm.s32 $0xF180  }
0x59b: {  	[tilespmem:s24], [sflag:$0x2] =	stream.indirect_vreg.gather [hbm4b:s21+s5], $0x80, v3, vm0, $0xb8;
	[tilespmem:$0x1C180] =	vst v63  }
0x59c: {  	_ = 	snop  }
0x59d: {  	[tilespmem:s26], [sflag:$0x2] =	stream.indirect_vreg.gather [hbm4b:s22+s5], $0x80, v3, vm0, $0xb8;
	[tilespmem:$0x1C180] =	vst v63  }
0x59e: {  	_ =	swait.ge [sflag:s3], $0x8000  }
0x59f: {  	s31 =	simm.s32 $0x180;
	[sflag:s3] =	ssyncset.done $0x0  }
0x5a0: {  	s1 =	simm.s32 $0x8;
	s29 =	rddreg [dreg:$0x15];
	[sflag:s3] =	ssyncadd.s32 $0xFFFF8000  }
0x5a1: {  	[hbm4b:s29+s5] =	stream.linear.scatter [tilespmem:s31], [sflag:$0x3], $0x8000, $0x38;
	[tilespmem:$0x1C180] =	vst v63  }
0x5a2: {  	_ =	swait.ge [sflag:s1], $0x800  }
0x5a3: {  	s3 =	simm.s32 $0x8;
	s12 =	sld [smem:$0x7F3]  }
0x5a4: {  	s7 =	simm.s32 $0x8;
	[sflag:s3] =	ssyncset.done $0x0  }
0x5a5: {  	s9 =	rddreg [dreg:$0x19];
	[sflag:s7] =	ssyncadd.s32 $0xFFFFF800;
	s7 =	simm.s32 $0x9  }
0x5a6: {  	[spmem:s14], [sflag:s12] =	dma.local [hbm:s9], $0x800  }
0x5a7: {  	_ =	swait.ge [sflag:s7], $0x800  }
0x5a8: {  	s23 =	sld [smem:$0x7EF]  }
0x5a9: {  	[sflag:s7] =	ssyncset.done $0x0  }
0x5aa: {  	s13 =	rddreg [dreg:$0x1a];
	[sflag:s7] =	ssyncadd.s32 $0xFFFFF800  }
0x5ab: {  	[spmem:s4], [sflag:s23] =	dma.local [hbm:s13], $0x800  }
0x5ac: {  	_ =	swait.ge [sflag:s11], $0x8000  }
0x5ad: {  	s24 =	sld [smem:$0x7FB]  }
0x5ae: {  	[sflag:s11] =	ssyncset.done $0x0  }
0x5af: {  	s26 =	simm.s32 $0x5;
	[sflag:s11] =	ssyncadd.s32 $0xFFFF8000  }
0x5b0: {  	[hbm4b:s24+s5] =	stream.linear.scatter [tilespmem:s6], [sflag:$0x4], $0x8000, $0x38;
	[tilespmem:$0x1C180] =	vst v63  }
0x5b1: {  	_ =	swait.ge [sflag:s26], $0x800  }
0x5b2: {  	s29 =	sld [smem:$0x7F8]  }
0x5b3: {  	[sflag:s26] =	ssyncset.done $0x0  }
0x5b4: {  	s28 =	simm.s32 $0x6;
	[sflag:s26] =	ssyncadd.s32 $0xFFFFF800  }
0x5b5: {  	[hbm:s29], [sflag:s15] =	dma.local [spmem:s14], $0x800  }
0x5b6: {  	_ =	swait.ge [sflag:s28], $0x800  }
0x5b7: {  	[sflag:s28] =	ssyncset.done $0x0  }
0x5b8: {  	s31 =	rddreg [dreg:$0x1e];
	[sflag:s28] =	ssyncadd.s32 $0xFFFFF800  }
0x5b9: {  	[hbm:s31], [sflag:s10] =	dma.local [spmem:s4], $0x800  }
0x5ba: {  	_ =	swait.ge [sflag:s8], $0x8000  }
0x5bb: {  	[sflag:s8] =	ssyncset.done $0x0  }
0x5bc: {  	[sflag:s8] =	ssyncadd.s32 $0xFFFF8000  }
0x5bd: {  	_ =	swait.ge [sflag:s30], $0x8000  }
.Ltmp3:
0x5be: {  	[sflag:s30] =	ssyncset.done $0x0;
	(pc) =	sbr.rel .LBB2_4-.Ltmp3, $4  }
0x5bf: {  	[sflag:s30] =	ssyncadd.s32 $0xFFFF8000  }
0x5c0: {  	_ =	swait.ge [sflag:s2], $0x800  }
0x5c1: {  	[sflag:s2] =	ssyncset.done $0x0  }
0x5c2: {  	s11 =	simm.s32 $0x8;
	[sflag:s2] =	ssyncadd.s32 $0xFFFFF800  }
.LBB2_5:
0x5c3: {  	_ =	sfence.sel $0x180000  }
0x5c4: {  	[bflag:$0x0] =	sbarrier.arrive $0xFFFF  }
0x5c5: {  	_ =	strace $0x90000047  }
0x5c6: {  	s0 =	stileid.u32;
	[bflag:$0x2] =	sbarrier.arrive $0xFFFF  }
0x5c7: {  	p0 =	sne.s32 s0, $0x0;
	s0 =	rddreg [dreg:$0x6]  }
0x5c8: {  	s0 =	sadd.s32 @!p0 $0x100000, s0  }
0x5c9: {  	[sflag:s0] =	ssyncadd.tile.s32 @!p0 $0x1;
	_ =	shalt  }
.Lfunc_end2:
_tile_overlayer_lowered:
.L_overlay_start_2:
0x5ca: {  	(tag) =	ssettag $0x2  }
0x5cb: {  	s0 =	rddreg [dreg:$0x0];
	s2 =	stileid.u32  }
0x5cc: {  	s1 =	rddreg [dreg:$0x1];
	p0 =	sne.s32 s2, $0x0  }
0x5cd: {  	s3 =	rddreg [dreg:$0x2];
	[bflag:$0x3] =	sbarrier.arrive $0xFFFF;
	s2 =	simm.s32 @!p0 $0x1C0B  }
0x5ce: {  	[timem:s3], [sflag:s2] =	dma.local @!p0 [hbm:s0], s1  }
0x5cf: {  	s0 =	simm.s32 @!p0 $0xB  }
0x5d0: {  	_ =	swait.ge @!p0 [sflag:s0], s1  }
0x5d1: {  	s1 =	ssub.s32 @!p0 $0x0, s1;
	[sflag:s0] =	ssyncset.done @!p0 $0x0  }
0x5d2: {  	[sflag:s0] =	ssyncadd.s32 @!p0 s1  }
0x5d3: {  	[bflag:$0x3] =	sbarrier.arrive $0xFFFF  }
0x5d4: {  	_ =	shalt  }

</sc_bundles>
